<compile_context>
chip_gen: v7x
topology: tpu7x:2x2x1
jax: 0.10.2.dev20260603
libtpu: 0.0.44.dev20260713+nightly
codegen_flags: <defaults>
</compile_context>

<pallas_src>
import functools

import jax
import jax.numpy as jnp
from jax import lax
from jax.experimental import pallas as pl
from jax.experimental.pallas import tpu as pltpu
from jax.experimental.pallas import tpu_sc as plsc

N_NODES = 10000
N_EDGES = 320000
D_IN = 128
D_OUT = 16

NC = 2
NS = 16
NW = NC * NS
CHUNK = 128
NBUF = 10
LEAD = 5
NCHUNKS = 80
ROWS_E = N_EDGES // CHUNK
CHUNKS_LAST = ROWS_E - (NW - 1) * NCHUNKS
N_PAD = 10112
ROWS_PER_SUB = N_PAD // NS

GRID = 10
ROW_BLOCK = 1024
FLAT_BLOCK = ROW_BLOCK * D_OUT // 128
N_FLAT = N_NODES * D_OUT // 128
P_FLAT = N_PAD * D_OUT // 128


def _prep_body(xf_ref, wcat_ref, bcat_ref, zs_ref, y_ref):
    xf = xf_ref[...]
    zks = [jnp.dot(xf[:, 128 * k:128 * (k + 1)], wcat_ref[...],
                   preferred_element_type=jnp.float32) + bcat_ref[...]
           for k in range(8)]
    zs_ref[...] = jnp.concatenate([zk[:, :D_OUT] for zk in zks], axis=1)
    y_ref[...] = jnp.concatenate([zk[:, D_OUT:] for zk in zks], axis=1)


def _combine_body(zs_ref, agg_ref, deg_ref, o_ref):
    agg = agg_ref[0] + agg_ref[1]
    deg = deg_ref[0] + deg_ref[1]
    o_ref[...] = jax.nn.sigmoid(zs_ref[...] + agg / jnp.maximum(deg, 1.0))


def _sc_segment_sum(y, e2):
    mesh = plsc.VectorSubcoreMesh(core_axis_name="c", subcore_axis_name="s")

    @functools.partial(
        pl.kernel,
        out_type=(
            jax.ShapeDtypeStruct((NC, N_PAD, D_OUT), jnp.float32),
            jax.ShapeDtypeStruct((NC, N_PAD, D_OUT), jnp.float32),
        ),
        mesh=mesh,
        compiler_params=pltpu.CompilerParams(use_tc_tiling_on_sc=False),
        scratch_types=[
            pltpu.VMEM((NCHUNKS, CHUNK), jnp.int32),
            pltpu.VMEM((NCHUNKS, CHUNK), jnp.int32),
            pltpu.VMEM((NBUF, CHUNK, D_OUT), jnp.float32),
            pltpu.VMEM((CHUNK, D_OUT), jnp.float32),
            pltpu.VMEM((ROWS_PER_SUB, D_OUT), jnp.float32),
            pltpu.VMEM_SHARED((N_PAD, D_OUT), jnp.float32),
            pltpu.VMEM_SHARED((N_PAD, D_OUT), jnp.float32),
            pltpu.VMEM_SHARED((N_PAD, D_OUT), jnp.float32),
            [pltpu.SemaphoreType.DMA] * NBUF,
            [pltpu.SemaphoreType.DMA] * NBUF,
            [pltpu.SemaphoreType.DMA] * NBUF,
        ],
    )
    def sc_kernel(y_hbm, e_hbm, agg_out, deg_out,
                  src_v, dst_v, rows_v, ones_v, zbuf, y_sh, agg_sh, deg_sh,
                  sem_g, sem_s, sem_d):
        cid = lax.axis_index("c")
        sid = lax.axis_index("s")
        wid = sid * NC + cid
        base = sid * ROWS_PER_SUB

        @pl.loop(0, CHUNK)
        def _(i):
            ones_v.at[i][...] = jnp.full((D_OUT,), 1.0, jnp.float32)

        @pl.loop(0, ROWS_PER_SUB)
        def _(i):
            zbuf.at[i][...] = jnp.zeros((D_OUT,), jnp.float32)

        pltpu.sync_copy(zbuf, agg_sh.at[pl.ds(base, ROWS_PER_SUB)])
        pltpu.sync_copy(zbuf, deg_sh.at[pl.ds(base, ROWS_PER_SUB)])
        pltpu.sync_copy(y_hbm.at[pl.ds(base, ROWS_PER_SUB)],
                        y_sh.at[pl.ds(base, ROWS_PER_SUB)])

        nchunks = jnp.where(wid == NW - 1, CHUNKS_LAST, NCHUNKS)
        ngroups = jnp.where(wid == NW - 1, CHUNKS_LAST // NBUF, NCHUNKS // NBUF)

        @pl.when(wid < NW - 1)
        def _():
            pltpu.sync_copy(e_hbm.at[0].at[pl.ds(wid * NCHUNKS, NCHUNKS)], src_v)
            pltpu.sync_copy(e_hbm.at[1].at[pl.ds(wid * NCHUNKS, NCHUNKS)], dst_v)

        @pl.when(wid == NW - 1)
        def _():
            pltpu.sync_copy(
                e_hbm.at[0].at[pl.ds((NW - 1) * NCHUNKS, CHUNKS_LAST)],
                src_v.at[pl.ds(0, CHUNKS_LAST)])
            pltpu.sync_copy(
                e_hbm.at[1].at[pl.ds((NW - 1) * NCHUNKS, CHUNKS_LAST)],
                dst_v.at[pl.ds(0, CHUNKS_LAST)])

        plsc.subcore_barrier()

        def slot(j, b, steady):
            pb = (b + LEAD) % NBUF
            if steady:
                pltpu.make_async_copy(
                    rows_v.at[pb], agg_sh.at[dst_v.at[0]], sem_s[pb]).wait()
                pltpu.make_async_copy(
                    ones_v, deg_sh.at[dst_v.at[0]], sem_d[pb]).wait()

            if isinstance(j, int):
                pltpu.async_copy(
                    y_sh.at[src_v.at[j + LEAD]], rows_v.at[pb], sem_g[pb])
            else:
                @pl.when(j + LEAD < nchunks)
                def _():
                    pltpu.async_copy(
                        y_sh.at[src_v.at[j + LEAD]], rows_v.at[pb], sem_g[pb])

            pltpu.make_async_copy(
                y_sh.at[src_v.at[0]], rows_v.at[b], sem_g[b]).wait()
            pltpu.async_copy(
                rows_v.at[b], agg_sh.at[dst_v.at[j]], sem_s[b], add=True)
            pltpu.async_copy(
                ones_v, deg_sh.at[dst_v.at[j]], sem_d[b], add=True)

        for b in range(LEAD):
            pltpu.async_copy(y_sh.at[src_v.at[b]], rows_v.at[b], sem_g[b])
        for j in range(NBUF):
            slot(j, j, steady=j >= LEAD)

        @pl.loop(1, ngroups)
        def _(g):
            j0 = g * NBUF
            for b in range(NBUF):
                slot(j0 + b, b, steady=True)

        for b in range(NBUF - LEAD, NBUF):
            pltpu.make_async_copy(
                rows_v.at[b], agg_sh.at[dst_v.at[0]], sem_s[b]).wait()
            pltpu.make_async_copy(
                ones_v, deg_sh.at[dst_v.at[0]], sem_d[b]).wait()

        plsc.subcore_barrier()

        pltpu.sync_copy(agg_sh.at[pl.ds(base, ROWS_PER_SUB)],
                        agg_out.at[cid].at[pl.ds(base, ROWS_PER_SUB)])
        pltpu.sync_copy(deg_sh.at[pl.ds(base, ROWS_PER_SUB)],
                        deg_out.at[cid].at[pl.ds(base, ROWS_PER_SUB)])

    return sc_kernel(y, e2)


def kernel(in_feat, edge_index, W_self, W_neigh, b):
    e2 = edge_index.astype(jnp.int32).reshape(2, ROWS_E, CHUNK)
    xf = in_feat.reshape(N_FLAT, 8 * D_IN)
    wcat = jnp.concatenate([W_self, W_neigh], axis=1)
    bcat = jnp.concatenate(
        [b, jnp.zeros((D_OUT,), jnp.float32)]).reshape(1, 2 * D_OUT)

    zs_flat, y_flat = pl.pallas_call(
        _prep_body,
        grid=(GRID,),
        in_specs=[
            pl.BlockSpec((FLAT_BLOCK, 8 * D_IN), lambda i: (i, 0)),
            pl.BlockSpec((D_IN, 2 * D_OUT), lambda i: (0, 0)),
            pl.BlockSpec((1, 2 * D_OUT), lambda i: (0, 0)),
        ],
        out_specs=[
            pl.BlockSpec((FLAT_BLOCK, 128), lambda i: (i, 0)),
            pl.BlockSpec((FLAT_BLOCK, 128), lambda i: (i, 0)),
        ],
        out_shape=[
            jax.ShapeDtypeStruct((N_FLAT, 128), jnp.float32),
            jax.ShapeDtypeStruct((P_FLAT, 128), jnp.float32),
        ],
    )(xf, wcat, bcat)

    y = y_flat.reshape(N_PAD, D_OUT)
    agg, deg = _sc_segment_sum(y, e2)
    agg_flat = agg.reshape(NC, P_FLAT, 128)
    deg_flat = deg.reshape(NC, P_FLAT, 128)

    out_flat = pl.pallas_call(
        _combine_body,
        grid=(GRID,),
        in_specs=[
            pl.BlockSpec((FLAT_BLOCK, 128), lambda i: (i, 0)),
            pl.BlockSpec((NC, FLAT_BLOCK, 128), lambda i: (0, i, 0)),
            pl.BlockSpec((NC, FLAT_BLOCK, 128), lambda i: (0, i, 0)),
        ],
        out_specs=pl.BlockSpec((FLAT_BLOCK, 128), lambda i: (i, 0)),
        out_shape=jax.ShapeDtypeStruct((N_FLAT, 128), jnp.float32),
    )(zs_flat, agg_flat, deg_flat)
    return out_flat.reshape(N_NODES, D_OUT)

# --- scband reference (transcript-rebuilt; emitter-appended) ---
"""Pipeline reference for scband-gnn-90134183674479 (READ-ONLY COPY).

The authoritative reference and input builder live on the scoring server;
editing this copy changes nothing except your own understanding.
"""

import jax, jax.numpy as jnp
import numpy as np

N_NODES = 10000
N_EDGES = 320000
D_IN = 128
D_OUT = 16

def setup_inputs(seed: int = 0) -> dict:
    key = jax.random.key(seed)
    k1, k2, k3, k4, k5 = jax.random.split(key, 5)
    in_feat = jax.random.normal(k1, (N_NODES, D_IN), dtype=jnp.float32)
    edge_index = jax.random.randint(k2, (2, N_EDGES), 0, N_NODES, dtype=jnp.int64)
    # SAGEConv ('mean') parameters: fc_self and fc_neigh, bias
    W_self = jax.random.normal(k3, (D_IN, D_OUT), dtype=jnp.float32) * (1.0 / np.sqrt(D_IN))
    W_neigh = jax.random.normal(k4, (D_IN, D_OUT), dtype=jnp.float32) * (1.0 / np.sqrt(D_IN))
    b = jnp.zeros((D_OUT,), dtype=jnp.float32)
    return {"in_feat": in_feat, "edge_index": edge_index, "W_self": W_self, "W_neigh": W_neigh, "b": b}

def reference(in_feat, edge_index, W_self, W_neigh, b):
    src = edge_index[0]
    dst = edge_index[1]
    # gather source node features along edges (message)
    msg = jnp.take(in_feat, src, axis=0)
    # scatter-add into destination nodes (mean aggregation)
    agg = jax.ops.segment_sum(msg, dst, num_segments=N_NODES)
    deg = jax.ops.segment_sum(jnp.ones((msg.shape[0],), dtype=in_feat.dtype), dst, num_segments=N_NODES)
    h_neigh = agg / jnp.maximum(deg, 1.0)[:, None]
    # SAGEConv: fc_self(h_self) + fc_neigh(h_neigh) + bias
    h = in_feat @ W_self + h_neigh @ W_neigh + b
    return jax.nn.sigmoid(h)

if __name__ == "__main__":
    import jax
    _d = setup_inputs()
    print(jax.jit(kernel)(*tuple(_d.values())))

</pallas_src>

<mosaic_0001>
#map = affine_map<(d0, d1) -> (0, 0)>
#map1 = affine_map<(d0, d1) -> (0, 0, 0)>
module attributes {stable_mosaic.version = 14 : i64} {
  func.func @sc_kernel(%arg0: i32, %arg1: i32, %arg2: memref<10112x16xf32, #tpu.memory_space<hbm>>, %arg3: memref<2x2500x128xi32, #tpu.memory_space<hbm>>, %arg4: memref<2x10112x16xf32, #tpu.memory_space<hbm>>, %arg5: memref<2x10112x16xf32, #tpu.memory_space<hbm>>, %arg6: memref<80x128xi32, #tpu.memory_space<vmem>>, %arg7: memref<80x128xi32, #tpu.memory_space<vmem>>, %arg8: memref<10x128x16xf32, #tpu.memory_space<vmem>>, %arg9: memref<128x16xf32, #tpu.memory_space<vmem>>, %arg10: memref<632x16xf32, #tpu.memory_space<vmem>>, %arg11: memref<10112x16xf32, #tpu.memory_space<vmem_shared>>, %arg12: memref<10112x16xf32, #tpu.memory_space<vmem_shared>>, %arg13: memref<10112x16xf32, #tpu.memory_space<vmem_shared>>, %arg14: memref<!tpu.dma_semaphore, #tpu.memory_space<semaphore_mem>>, %arg15: memref<!tpu.dma_semaphore, #tpu.memory_space<semaphore_mem>>, %arg16: memref<!tpu.dma_semaphore, #tpu.memory_space<semaphore_mem>>, %arg17: memref<!tpu.dma_semaphore, #tpu.memory_space<semaphore_mem>>, %arg18: memref<!tpu.dma_semaphore, #tpu.memory_space<semaphore_mem>>, %arg19: memref<!tpu.dma_semaphore, #tpu.memory_space<semaphore_mem>>, %arg20: memref<!tpu.dma_semaphore, #tpu.memory_space<semaphore_mem>>, %arg21: memref<!tpu.dma_semaphore, #tpu.memory_space<semaphore_mem>>, %arg22: memref<!tpu.dma_semaphore, #tpu.memory_space<semaphore_mem>>, %arg23: memref<!tpu.dma_semaphore, #tpu.memory_space<semaphore_mem>>, %arg24: memref<!tpu.dma_semaphore, #tpu.memory_space<semaphore_mem>>, %arg25: memref<!tpu.dma_semaphore, #tpu.memory_space<semaphore_mem>>, %arg26: memref<!tpu.dma_semaphore, #tpu.memory_space<semaphore_mem>>, %arg27: memref<!tpu.dma_semaphore, #tpu.memory_space<semaphore_mem>>, %arg28: memref<!tpu.dma_semaphore, #tpu.memory_space<semaphore_mem>>, %arg29: memref<!tpu.dma_semaphore, #tpu.memory_space<semaphore_mem>>, %arg30: memref<!tpu.dma_semaphore, #tpu.memory_space<semaphore_mem>>, %arg31: memref<!tpu.dma_semaphore, #tpu.memory_space<semaphore_mem>>, %arg32: memref<!tpu.dma_semaphore, #tpu.memory_space<semaphore_mem>>, %arg33: memref<!tpu.dma_semaphore, #tpu.memory_space<semaphore_mem>>, %arg34: memref<!tpu.dma_semaphore, #tpu.memory_space<semaphore_mem>>, %arg35: memref<!tpu.dma_semaphore, #tpu.memory_space<semaphore_mem>>, %arg36: memref<!tpu.dma_semaphore, #tpu.memory_space<semaphore_mem>>, %arg37: memref<!tpu.dma_semaphore, #tpu.memory_space<semaphore_mem>>, %arg38: memref<!tpu.dma_semaphore, #tpu.memory_space<semaphore_mem>>, %arg39: memref<!tpu.dma_semaphore, #tpu.memory_space<semaphore_mem>>, %arg40: memref<!tpu.dma_semaphore, #tpu.memory_space<semaphore_mem>>, %arg41: memref<!tpu.dma_semaphore, #tpu.memory_space<semaphore_mem>>, %arg42: memref<!tpu.dma_semaphore, #tpu.memory_space<semaphore_mem>>, %arg43: memref<!tpu.dma_semaphore, #tpu.memory_space<semaphore_mem>>) attributes {dimension_semantics = [#tpu.dimension_semantics<core_parallel>, #tpu.dimension_semantics<subcore_parallel>], iteration_bounds = array<i64: 2, 16>, scalar_prefetch = 0 : i64, scratch_operands = 38 : i64, tpu.core_type = #tpu.core_type<sc_vector_subcore>, window_params = [{transform_indices = #map}, {transform_indices = #map1}, {transform_indices = #map1}, {transform_indices = #map1}]} {
    %mul3A = arith.constant 2 : i32
    %mul3A_0 = arith.muli %arg1, %mul3A : i32
    %add3A = arith.addi %mul3A_0, %arg0 : i32
    %mul3A_1 = arith.constant 632 : i32
    %mul3A_2 = arith.muli %arg1, %mul3A_1 : i32
    %scan3A = arith.constant 0 : i32
    %scan3A_3 = arith.constant 128 : i32
    %scan3A_4 = arith.addi %scan3A, %scan3A_3 : i32
    %scan3A_5 = arith.constant 1 : i32
    scf.for %scan3A_721 = %scan3A to %scan3A_4 step %scan3A_5  : i32 {
      %mul3A_722 = arith.constant 1 : i32
      %mul3A_723 = arith.muli %scan3A_721, %mul3A_722 : i32
      %add3A_724 = arith.constant 0 : i32
      %add3A_725 = arith.addi %add3A_724, %mul3A_723 : i32
      %broadcast_in_dim3A = arith.constant 1.000000e+00 : f32
      %broadcast_in_dim3A_726 = vector.broadcast %broadcast_in_dim3A : f32 to vector<16xf32>
      %swap3A = arith.index_cast %add3A_725 : i32 to index
      %swap3A_727 = arith.constant 0 : index
      %swap3A_728 = tpu.vector_load %arg9[%swap3A, %swap3A_727] {strides = array<i32>} : memref<128x16xf32, #tpu.memory_space<vmem>>, vector<1x16xf32>,
      %swap3A_729 = vector.shape_cast %swap3A_728 : vector<1x16xf32> to vector<16xf32>
      %swap3A_730 = vector.shape_cast %broadcast_in_dim3A_726 : vector<16xf32> to vector<1x16xf32>
      tpu.vector_store %arg9[%swap3A, %swap3A_727], %swap3A_730 {strides = array<i32>} : memref<128x16xf32, #tpu.memory_space<vmem>>, vector<1x16xf32>,
    }
    %scan3A_6 = arith.constant 128 : i32
    %scan3A_7 = arith.constant 0 : i32
    %scan3A_8 = arith.constant 632 : i32
    %scan3A_9 = arith.addi %scan3A_7, %scan3A_8 : i32
    %scan3A_10 = arith.constant 1 : i32
    scf.for %scan3A_721 = %scan3A_7 to %scan3A_9 step %scan3A_10  : i32 {
      %mul3A_722 = arith.constant 1 : i32
      %mul3A_723 = arith.muli %scan3A_721, %mul3A_722 : i32
      %add3A_724 = arith.constant 0 : i32
      %add3A_725 = arith.addi %add3A_724, %mul3A_723 : i32
      %broadcast_in_dim3A = arith.constant 0.000000e+00 : f32
      %broadcast_in_dim3A_726 = vector.broadcast %broadcast_in_dim3A : f32 to vector<16xf32>
      %swap3A = arith.index_cast %add3A_725 : i32 to index
      %swap3A_727 = arith.constant 0 : index
      %swap3A_728 = tpu.vector_load %arg10[%swap3A, %swap3A_727] {strides = array<i32>} : memref<632x16xf32, #tpu.memory_space<vmem>>, vector<1x16xf32>,
      %swap3A_729 = vector.shape_cast %swap3A_728 : vector<1x16xf32> to vector<16xf32>
      %swap3A_730 = vector.shape_cast %broadcast_in_dim3A_726 : vector<16xf32> to vector<1x16xf32>
      tpu.vector_store %arg10[%swap3A, %swap3A_727], %swap3A_730 {strides = array<i32>} : memref<632x16xf32, #tpu.memory_space<vmem>>, vector<1x16xf32>,
    }
    %scan3A_11 = arith.constant 632 : i32
    "tpu.region"() ({
      %run_scoped3A = tpu.sem_alloc : memref<!tpu.dma_semaphore, #tpu.memory_space<semaphore_mem>>
      %dma_start3A_721 = arith.constant 0 : i32
      %dma_start3A_722 = tpu.memref_slice %arg12[%mul3A_2, %dma_start3A_721] : memref<10112x16xf32, #tpu.memory_space<vmem_shared>> -> memref<632x16xf32, #tpu.memory_space<vmem_shared>>
      %dma_start3A_723 = arith.constant 0 : i32
      %dma_start3A_724 = tpu.memref_slice %arg12[%mul3A_2, %dma_start3A_723] : memref<10112x16xf32, #tpu.memory_space<vmem_shared>> -> memref<632x16xf32, #tpu.memory_space<vmem_shared>>
      tpu.enqueue_dma source(%arg10 : memref<632x16xf32, #tpu.memory_space<vmem>>) target(%dma_start3A_724 : memref<632x16xf32, #tpu.memory_space<vmem_shared>>) target_semaphore(%run_scoped3A : memref<!tpu.dma_semaphore, #tpu.memory_space<semaphore_mem>>)
      %dma_wait3A_725 = arith.constant 0 : i32
      %dma_wait3A_726 = tpu.memref_slice %arg12[%mul3A_2, %dma_wait3A_725] : memref<10112x16xf32, #tpu.memory_space<vmem_shared>> -> memref<632x16xf32, #tpu.memory_space<vmem_shared>>
      %dma_wait3A_727 = arith.constant 0 : i32
      %dma_wait3A_728 = tpu.memref_slice %arg12[%mul3A_2, %dma_wait3A_727] : memref<10112x16xf32, #tpu.memory_space<vmem_shared>> -> memref<632x16xf32, #tpu.memory_space<vmem_shared>>
      tpu.wait_dma2 semaphore(%run_scoped3A : memref<!tpu.dma_semaphore, #tpu.memory_space<semaphore_mem>>) src(%arg10 : memref<632x16xf32, #tpu.memory_space<vmem>>) dst(%dma_wait3A_728 : memref<632x16xf32, #tpu.memory_space<vmem_shared>>)
      tpu.yield
    }) : () -> ()
    "tpu.region"() ({
      %run_scoped3A = tpu.sem_alloc : memref<!tpu.dma_semaphore, #tpu.memory_space<semaphore_mem>>
      %dma_start3A_721 = arith.constant 0 : i32
      %dma_start3A_722 = tpu.memref_slice %arg13[%mul3A_2, %dma_start3A_721] : memref<10112x16xf32, #tpu.memory_space<vmem_shared>> -> memref<632x16xf32, #tpu.memory_space<vmem_shared>>
      %dma_start3A_723 = arith.constant 0 : i32
      %dma_start3A_724 = tpu.memref_slice %arg13[%mul3A_2, %dma_start3A_723] : memref<10112x16xf32, #tpu.memory_space<vmem_shared>> -> memref<632x16xf32, #tpu.memory_space<vmem_shared>>
      tpu.enqueue_dma source(%arg10 : memref<632x16xf32, #tpu.memory_space<vmem>>) target(%dma_start3A_724 : memref<632x16xf32, #tpu.memory_space<vmem_shared>>) target_semaphore(%run_scoped3A : memref<!tpu.dma_semaphore, #tpu.memory_space<semaphore_mem>>)
      %dma_wait3A_725 = arith.constant 0 : i32
      %dma_wait3A_726 = tpu.memref_slice %arg13[%mul3A_2, %dma_wait3A_725] : memref<10112x16xf32, #tpu.memory_space<vmem_shared>> -> memref<632x16xf32, #tpu.memory_space<vmem_shared>>
      %dma_wait3A_727 = arith.constant 0 : i32
      %dma_wait3A_728 = tpu.memref_slice %arg13[%mul3A_2, %dma_wait3A_727] : memref<10112x16xf32, #tpu.memory_space<vmem_shared>> -> memref<632x16xf32, #tpu.memory_space<vmem_shared>>
      tpu.wait_dma2 semaphore(%run_scoped3A : memref<!tpu.dma_semaphore, #tpu.memory_space<semaphore_mem>>) src(%arg10 : memref<632x16xf32, #tpu.memory_space<vmem>>) dst(%dma_wait3A_728 : memref<632x16xf32, #tpu.memory_space<vmem_shared>>)
      tpu.yield
    }) : () -> ()
    "tpu.region"() ({
      %run_scoped3A = tpu.sem_alloc : memref<!tpu.dma_semaphore, #tpu.memory_space<semaphore_mem>>
      %dma_start3A_721 = arith.constant 0 : i32
      %dma_start3A_722 = tpu.memref_slice %arg11[%mul3A_2, %dma_start3A_721] : memref<10112x16xf32, #tpu.memory_space<vmem_shared>> -> memref<632x16xf32, #tpu.memory_space<vmem_shared>>
      %dma_start3A_723 = arith.constant 0 : i32
      %dma_start3A_724 = tpu.memref_slice %arg2[%mul3A_2, %dma_start3A_723] : memref<10112x16xf32, #tpu.memory_space<hbm>> -> memref<632x16xf32, #tpu.memory_space<hbm>>
      tpu.enqueue_dma source(%dma_start3A_724 : memref<632x16xf32, #tpu.memory_space<hbm>>) target(%dma_start3A_722 : memref<632x16xf32, #tpu.memory_space<vmem_shared>>) target_semaphore(%run_scoped3A : memref<!tpu.dma_semaphore, #tpu.memory_space<semaphore_mem>>)
      %dma_wait3A_725 = arith.constant 0 : i32
      %dma_wait3A_726 = tpu.memref_slice %arg11[%mul3A_2, %dma_wait3A_725] : memref<10112x16xf32, #tpu.memory_space<vmem_shared>> -> memref<632x16xf32, #tpu.memory_space<vmem_shared>>
      %dma_wait3A_727 = arith.constant 0 : i32
      %dma_wait3A_728 = tpu.memref_slice %arg2[%mul3A_2, %dma_wait3A_727] : memref<10112x16xf32, #tpu.memory_space<hbm>> -> memref<632x16xf32, #tpu.memory_space<hbm>>
      tpu.wait_dma2 semaphore(%run_scoped3A : memref<!tpu.dma_semaphore, #tpu.memory_space<semaphore_mem>>) src(%dma_wait3A_728 : memref<632x16xf32, #tpu.memory_space<hbm>>) dst(%dma_wait3A_726 : memref<632x16xf32, #tpu.memory_space<vmem_shared>>)
      tpu.yield
    }) : () -> ()
    %eq3A = arith.constant 31 : i32
    %eq3A_12 = arith.cmpi eq, %add3A, %eq3A : i32
    %jit3A = arith.constant 20 : i32
    %jit3A_13 = arith.constant 80 : i32
    %select_n3A = arith.select %eq3A_12, %jit3A, %jit3A_13 : i32
    %eq3A_14 = arith.constant 31 : i32
    %eq3A_15 = arith.cmpi eq, %add3A, %eq3A_14 : i32
    %jit3A_16 = arith.constant 2 : i32
    %jit3A_17 = arith.constant 8 : i32
    %select_n3A_18 = arith.select %eq3A_15, %jit3A_16, %jit3A_17 : i32
    %lt3A = arith.constant 31 : i32
    %lt3A_19 = arith.cmpi slt, %add3A, %lt3A : i32
    %convert_element_type3A = arith.extui %lt3A_19 : i1 to i32
    %cond3A = arith.constant 0 : i32
    %cond3A_20 = arith.cmpi ne, %convert_element_type3A, %cond3A : i32
    scf.if %cond3A_20 {
      %mul3A_721 = arith.constant 80 : i32
      %mul3A_722 = arith.muli %add3A, %mul3A_721 : i32
      %run_scoped3A = arith.constant 0 : i32
      "tpu.region"() ({
        %run_scoped3A_726 = tpu.sem_alloc : memref<!tpu.dma_semaphore, #tpu.memory_space<semaphore_mem>>
        %dma_start3A_727 = arith.constant 0 : i32
        %dma_start3A_728 = arith.constant 0 : i32
        %dma_start3A_729 = tpu.memref_slice %arg3[%run_scoped3A, %dma_start3A_727, %dma_start3A_728] : memref<2x2500x128xi32, #tpu.memory_space<hbm>> -> memref<1x2500x128xi32, #tpu.memory_space<hbm>>
        %dma_start3A_730 = tpu.memref_squeeze %dma_start3A_729 : memref<1x2500x128xi32, #tpu.memory_space<hbm>> -> memref<2500x128xi32, #tpu.memory_space<hbm>>
        %dma_start3A_731 = arith.constant 0 : i32
        %dma_start3A_732 = tpu.memref_slice %dma_start3A_730[%mul3A_722, %dma_start3A_731] : memref<2500x128xi32, #tpu.memory_space<hbm>> -> memref<80x128xi32, #tpu.memory_space<hbm>>
        %dma_start3A_733 = arith.constant 0 : i32
        %dma_start3A_734 = arith.constant 0 : i32
        %dma_start3A_735 = tpu.memref_slice %arg3[%run_scoped3A, %dma_start3A_733, %dma_start3A_734] : memref<2x2500x128xi32, #tpu.memory_space<hbm>> -> memref<1x2500x128xi32, #tpu.memory_space<hbm>>
        %dma_start3A_736 = tpu.memref_squeeze %dma_start3A_735 : memref<1x2500x128xi32, #tpu.memory_space<hbm>> -> memref<2500x128xi32, #tpu.memory_space<hbm>>
        %dma_start3A_737 = arith.constant 0 : i32
        %dma_start3A_738 = tpu.memref_slice %dma_start3A_736[%mul3A_722, %dma_start3A_737] : memref<2500x128xi32, #tpu.memory_space<hbm>> -> memref<80x128xi32, #tpu.memory_space<hbm>>
        tpu.enqueue_dma source(%dma_start3A_738 : memref<80x128xi32, #tpu.memory_space<hbm>>) target(%arg6 : memref<80x128xi32, #tpu.memory_space<vmem>>) target_semaphore(%run_scoped3A_726 : memref<!tpu.dma_semaphore, #tpu.memory_space<semaphore_mem>>)
        %dma_wait3A_739 = arith.constant 0 : i32
        %dma_wait3A_740 = arith.constant 0 : i32
        %dma_wait3A_741 = tpu.memref_slice %arg3[%run_scoped3A, %dma_wait3A_739, %dma_wait3A_740] : memref<2x2500x128xi32, #tpu.memory_space<hbm>> -> memref<1x2500x128xi32, #tpu.memory_space<hbm>>
        %dma_wait3A_742 = tpu.memref_squeeze %dma_wait3A_741 : memref<1x2500x128xi32, #tpu.memory_space<hbm>> -> memref<2500x128xi32, #tpu.memory_space<hbm>>
        %dma_wait3A_743 = arith.constant 0 : i32
        %dma_wait3A_744 = tpu.memref_slice %dma_wait3A_742[%mul3A_722, %dma_wait3A_743] : memref<2500x128xi32, #tpu.memory_space<hbm>> -> memref<80x128xi32, #tpu.memory_space<hbm>>
        %dma_wait3A_745 = arith.constant 0 : i32
        %dma_wait3A_746 = arith.constant 0 : i32
        %dma_wait3A_747 = tpu.memref_slice %arg3[%run_scoped3A, %dma_wait3A_745, %dma_wait3A_746] : memref<2x2500x128xi32, #tpu.memory_space<hbm>> -> memref<1x2500x128xi32, #tpu.memory_space<hbm>>
        %dma_wait3A_748 = tpu.memref_squeeze %dma_wait3A_747 : memref<1x2500x128xi32, #tpu.memory_space<hbm>> -> memref<2500x128xi32, #tpu.memory_space<hbm>>
        %dma_wait3A_749 = arith.constant 0 : i32
        %dma_wait3A_750 = tpu.memref_slice %dma_wait3A_748[%mul3A_722, %dma_wait3A_749] : memref<2500x128xi32, #tpu.memory_space<hbm>> -> memref<80x128xi32, #tpu.memory_space<hbm>>
        tpu.wait_dma2 semaphore(%run_scoped3A_726 : memref<!tpu.dma_semaphore, #tpu.memory_space<semaphore_mem>>) src(%dma_wait3A_750 : memref<80x128xi32, #tpu.memory_space<hbm>>) dst(%arg6 : memref<80x128xi32, #tpu.memory_space<vmem>>)
        tpu.yield
      }) : () -> ()
      %mul3A_723 = arith.constant 80 : i32
      %mul3A_724 = arith.muli %add3A, %mul3A_723 : i32
      %run_scoped3A_725 = arith.constant 1 : i32
      "tpu.region"() ({
        %run_scoped3A_726 = tpu.sem_alloc : memref<!tpu.dma_semaphore, #tpu.memory_space<semaphore_mem>>
        %dma_start3A_727 = arith.constant 0 : i32
        %dma_start3A_728 = arith.constant 0 : i32
        %dma_start3A_729 = tpu.memref_slice %arg3[%run_scoped3A_725, %dma_start3A_727, %dma_start3A_728] : memref<2x2500x128xi32, #tpu.memory_space<hbm>> -> memref<1x2500x128xi32, #tpu.memory_space<hbm>>
        %dma_start3A_730 = tpu.memref_squeeze %dma_start3A_729 : memref<1x2500x128xi32, #tpu.memory_space<hbm>> -> memref<2500x128xi32, #tpu.memory_space<hbm>>
        %dma_start3A_731 = arith.constant 0 : i32
        %dma_start3A_732 = tpu.memref_slice %dma_start3A_730[%mul3A_724, %dma_start3A_731] : memref<2500x128xi32, #tpu.memory_space<hbm>> -> memref<80x128xi32, #tpu.memory_space<hbm>>
        %dma_start3A_733 = arith.constant 0 : i32
        %dma_start3A_734 = arith.constant 0 : i32
        %dma_start3A_735 = tpu.memref_slice %arg3[%run_scoped3A_725, %dma_start3A_733, %dma_start3A_734] : memref<2x2500x128xi32, #tpu.memory_space<hbm>> -> memref<1x2500x128xi32, #tpu.memory_space<hbm>>
        %dma_start3A_736 = tpu.memref_squeeze %dma_start3A_735 : memref<1x2500x128xi32, #tpu.memory_space<hbm>> -> memref<2500x128xi32, #tpu.memory_space<hbm>>
        %dma_start3A_737 = arith.constant 0 : i32
        %dma_start3A_738 = tpu.memref_slice %dma_start3A_736[%mul3A_724, %dma_start3A_737] : memref<2500x128xi32, #tpu.memory_space<hbm>> -> memref<80x128xi32, #tpu.memory_space<hbm>>
        tpu.enqueue_dma source(%dma_start3A_738 : memref<80x128xi32, #tpu.memory_space<hbm>>) target(%arg7 : memref<80x128xi32, #tpu.memory_space<vmem>>) target_semaphore(%run_scoped3A_726 : memref<!tpu.dma_semaphore, #tpu.memory_space<semaphore_mem>>)
        %dma_wait3A_739 = arith.constant 0 : i32
        %dma_wait3A_740 = arith.constant 0 : i32
        %dma_wait3A_741 = tpu.memref_slice %arg3[%run_scoped3A_725, %dma_wait3A_739, %dma_wait3A_740] : memref<2x2500x128xi32, #tpu.memory_space<hbm>> -> memref<1x2500x128xi32, #tpu.memory_space<hbm>>
        %dma_wait3A_742 = tpu.memref_squeeze %dma_wait3A_741 : memref<1x2500x128xi32, #tpu.memory_space<hbm>> -> memref<2500x128xi32, #tpu.memory_space<hbm>>
        %dma_wait3A_743 = arith.constant 0 : i32
        %dma_wait3A_744 = tpu.memref_slice %dma_wait3A_742[%mul3A_724, %dma_wait3A_743] : memref<2500x128xi32, #tpu.memory_space<hbm>> -> memref<80x128xi32, #tpu.memory_space<hbm>>
        %dma_wait3A_745 = arith.constant 0 : i32
        %dma_wait3A_746 = arith.constant 0 : i32
        %dma_wait3A_747 = tpu.memref_slice %arg3[%run_scoped3A_725, %dma_wait3A_745, %dma_wait3A_746] : memref<2x2500x128xi32, #tpu.memory_space<hbm>> -> memref<1x2500x128xi32, #tpu.memory_space<hbm>>
        %dma_wait3A_748 = tpu.memref_squeeze %dma_wait3A_747 : memref<1x2500x128xi32, #tpu.memory_space<hbm>> -> memref<2500x128xi32, #tpu.memory_space<hbm>>
        %dma_wait3A_749 = arith.constant 0 : i32
        %dma_wait3A_750 = tpu.memref_slice %dma_wait3A_748[%mul3A_724, %dma_wait3A_749] : memref<2500x128xi32, #tpu.memory_space<hbm>> -> memref<80x128xi32, #tpu.memory_space<hbm>>
        tpu.wait_dma2 semaphore(%run_scoped3A_726 : memref<!tpu.dma_semaphore, #tpu.memory_space<semaphore_mem>>) src(%dma_wait3A_750 : memref<80x128xi32, #tpu.memory_space<hbm>>) dst(%arg7 : memref<80x128xi32, #tpu.memory_space<vmem>>)
        tpu.yield
      }) : () -> ()
    } else {
    }
    %eq3A_21 = arith.constant 31 : i32
    %eq3A_22 = arith.cmpi eq, %add3A, %eq3A_21 : i32
    %convert_element_type3A_23 = arith.extui %eq3A_22 : i1 to i32
    %cond3A_24 = arith.constant 0 : i32
    %cond3A_25 = arith.cmpi ne, %convert_element_type3A_23, %cond3A_24 : i32
    scf.if %cond3A_25 {
      %run_scoped3A = arith.constant 0 : i32
      "tpu.region"() ({
        %run_scoped3A_722 = tpu.sem_alloc : memref<!tpu.dma_semaphore, #tpu.memory_space<semaphore_mem>>
        %dma_start3A_723 = arith.constant 0 : i32
        %dma_start3A_724 = arith.constant 0 : i32
        %dma_start3A_725 = tpu.memref_slice %arg6[%dma_start3A_723, %dma_start3A_724] : memref<80x128xi32, #tpu.memory_space<vmem>> -> memref<20x128xi32, #tpu.memory_space<vmem>>
        %dma_start3A_726 = arith.constant 0 : i32
        %dma_start3A_727 = arith.constant 0 : i32
        %dma_start3A_728 = tpu.memref_slice %arg3[%run_scoped3A, %dma_start3A_726, %dma_start3A_727] : memref<2x2500x128xi32, #tpu.memory_space<hbm>> -> memref<1x2500x128xi32, #tpu.memory_space<hbm>>
        %dma_start3A_729 = tpu.memref_squeeze %dma_start3A_728 : memref<1x2500x128xi32, #tpu.memory_space<hbm>> -> memref<2500x128xi32, #tpu.memory_space<hbm>>
        %dma_start3A_730 = arith.constant 2480 : i32
        %dma_start3A_731 = arith.constant 0 : i32
        %dma_start3A_732 = tpu.memref_slice %dma_start3A_729[%dma_start3A_730, %dma_start3A_731] : memref<2500x128xi32, #tpu.memory_space<hbm>> -> memref<20x128xi32, #tpu.memory_space<hbm>>
        %dma_start3A_733 = arith.constant 0 : i32
        %dma_start3A_734 = arith.constant 0 : i32
        %dma_start3A_735 = tpu.memref_slice %arg6[%dma_start3A_733, %dma_start3A_734] : memref<80x128xi32, #tpu.memory_space<vmem>> -> memref<20x128xi32, #tpu.memory_space<vmem>>
        %dma_start3A_736 = arith.constant 0 : i32
        %dma_start3A_737 = arith.constant 0 : i32
        %dma_start3A_738 = tpu.memref_slice %arg3[%run_scoped3A, %dma_start3A_736, %dma_start3A_737] : memref<2x2500x128xi32, #tpu.memory_space<hbm>> -> memref<1x2500x128xi32, #tpu.memory_space<hbm>>
        %dma_start3A_739 = tpu.memref_squeeze %dma_start3A_738 : memref<1x2500x128xi32, #tpu.memory_space<hbm>> -> memref<2500x128xi32, #tpu.memory_space<hbm>>
        %dma_start3A_740 = arith.constant 2480 : i32
        %dma_start3A_741 = arith.constant 0 : i32
        %dma_start3A_742 = tpu.memref_slice %dma_start3A_739[%dma_start3A_740, %dma_start3A_741] : memref<2500x128xi32, #tpu.memory_space<hbm>> -> memref<20x128xi32, #tpu.memory_space<hbm>>
        tpu.enqueue_dma source(%dma_start3A_742 : memref<20x128xi32, #tpu.memory_space<hbm>>) target(%dma_start3A_735 : memref<20x128xi32, #tpu.memory_space<vmem>>) target_semaphore(%run_scoped3A_722 : memref<!tpu.dma_semaphore, #tpu.memory_space<semaphore_mem>>)
        %dma_wait3A_743 = arith.constant 0 : i32
        %dma_wait3A_744 = arith.constant 0 : i32
        %dma_wait3A_745 = tpu.memref_slice %arg6[%dma_wait3A_743, %dma_wait3A_744] : memref<80x128xi32, #tpu.memory_space<vmem>> -> memref<20x128xi32, #tpu.memory_space<vmem>>
        %dma_wait3A_746 = arith.constant 0 : i32
        %dma_wait3A_747 = arith.constant 0 : i32
        %dma_wait3A_748 = tpu.memref_slice %arg3[%run_scoped3A, %dma_wait3A_746, %dma_wait3A_747] : memref<2x2500x128xi32, #tpu.memory_space<hbm>> -> memref<1x2500x128xi32, #tpu.memory_space<hbm>>
        %dma_wait3A_749 = tpu.memref_squeeze %dma_wait3A_748 : memref<1x2500x128xi32, #tpu.memory_space<hbm>> -> memref<2500x128xi32, #tpu.memory_space<hbm>>
        %dma_wait3A_750 = arith.constant 2480 : i32
        %dma_wait3A_751 = arith.constant 0 : i32
        %dma_wait3A_752 = tpu.memref_slice %dma_wait3A_749[%dma_wait3A_750, %dma_wait3A_751] : memref<2500x128xi32, #tpu.memory_space<hbm>> -> memref<20x128xi32, #tpu.memory_space<hbm>>
        %dma_wait3A_753 = arith.constant 0 : i32
        %dma_wait3A_754 = arith.constant 0 : i32
        %dma_wait3A_755 = tpu.memref_slice %arg6[%dma_wait3A_753, %dma_wait3A_754] : memref<80x128xi32, #tpu.memory_space<vmem>> -> memref<20x128xi32, #tpu.memory_space<vmem>>
        %dma_wait3A_756 = arith.constant 0 : i32
        %dma_wait3A_757 = arith.constant 0 : i32
        %dma_wait3A_758 = tpu.memref_slice %arg3[%run_scoped3A, %dma_wait3A_756, %dma_wait3A_757] : memref<2x2500x128xi32, #tpu.memory_space<hbm>> -> memref<1x2500x128xi32, #tpu.memory_space<hbm>>
        %dma_wait3A_759 = tpu.memref_squeeze %dma_wait3A_758 : memref<1x2500x128xi32, #tpu.memory_space<hbm>> -> memref<2500x128xi32, #tpu.memory_space<hbm>>
        %dma_wait3A_760 = arith.constant 2480 : i32
        %dma_wait3A_761 = arith.constant 0 : i32
        %dma_wait3A_762 = tpu.memref_slice %dma_wait3A_759[%dma_wait3A_760, %dma_wait3A_761] : memref<2500x128xi32, #tpu.memory_space<hbm>> -> memref<20x128xi32, #tpu.memory_space<hbm>>
        tpu.wait_dma2 semaphore(%run_scoped3A_722 : memref<!tpu.dma_semaphore, #tpu.memory_space<semaphore_mem>>) src(%dma_wait3A_762 : memref<20x128xi32, #tpu.memory_space<hbm>>) dst(%dma_wait3A_755 : memref<20x128xi32, #tpu.memory_space<vmem>>)
        tpu.yield
      }) : () -> ()
      %run_scoped3A_721 = arith.constant 1 : i32
      "tpu.region"() ({
        %run_scoped3A_722 = tpu.sem_alloc : memref<!tpu.dma_semaphore, #tpu.memory_space<semaphore_mem>>
        %dma_start3A_723 = arith.constant 0 : i32
        %dma_start3A_724 = arith.constant 0 : i32
        %dma_start3A_725 = tpu.memref_slice %arg7[%dma_start3A_723, %dma_start3A_724] : memref<80x128xi32, #tpu.memory_space<vmem>> -> memref<20x128xi32, #tpu.memory_space<vmem>>
        %dma_start3A_726 = arith.constant 0 : i32
        %dma_start3A_727 = arith.constant 0 : i32
        %dma_start3A_728 = tpu.memref_slice %arg3[%run_scoped3A_721, %dma_start3A_726, %dma_start3A_727] : memref<2x2500x128xi32, #tpu.memory_space<hbm>> -> memref<1x2500x128xi32, #tpu.memory_space<hbm>>
        %dma_start3A_729 = tpu.memref_squeeze %dma_start3A_728 : memref<1x2500x128xi32, #tpu.memory_space<hbm>> -> memref<2500x128xi32, #tpu.memory_space<hbm>>
        %dma_start3A_730 = arith.constant 2480 : i32
        %dma_start3A_731 = arith.constant 0 : i32
        %dma_start3A_732 = tpu.memref_slice %dma_start3A_729[%dma_start3A_730, %dma_start3A_731] : memref<2500x128xi32, #tpu.memory_space<hbm>> -> memref<20x128xi32, #tpu.memory_space<hbm>>
        %dma_start3A_733 = arith.constant 0 : i32
        %dma_start3A_734 = arith.constant 0 : i32
        %dma_start3A_735 = tpu.memref_slice %arg7[%dma_start3A_733, %dma_start3A_734] : memref<80x128xi32, #tpu.memory_space<vmem>> -> memref<20x128xi32, #tpu.memory_space<vmem>>
        %dma_start3A_736 = arith.constant 0 : i32
        %dma_start3A_737 = arith.constant 0 : i32
        %dma_start3A_738 = tpu.memref_slice %arg3[%run_scoped3A_721, %dma_start3A_736, %dma_start3A_737] : memref<2x2500x128xi32, #tpu.memory_space<hbm>> -> memref<1x2500x128xi32, #tpu.memory_space<hbm>>
        %dma_start3A_739 = tpu.memref_squeeze %dma_start3A_738 : memref<1x2500x128xi32, #tpu.memory_space<hbm>> -> memref<2500x128xi32, #tpu.memory_space<hbm>>
        %dma_start3A_740 = arith.constant 2480 : i32
        %dma_start3A_741 = arith.constant 0 : i32
        %dma_start3A_742 = tpu.memref_slice %dma_start3A_739[%dma_start3A_740, %dma_start3A_741] : memref<2500x128xi32, #tpu.memory_space<hbm>> -> memref<20x128xi32, #tpu.memory_space<hbm>>
        tpu.enqueue_dma source(%dma_start3A_742 : memref<20x128xi32, #tpu.memory_space<hbm>>) target(%dma_start3A_735 : memref<20x128xi32, #tpu.memory_space<vmem>>) target_semaphore(%run_scoped3A_722 : memref<!tpu.dma_semaphore, #tpu.memory_space<semaphore_mem>>)
        %dma_wait3A_743 = arith.constant 0 : i32
        %dma_wait3A_744 = arith.constant 0 : i32
        %dma_wait3A_745 = tpu.memref_slice %arg7[%dma_wait3A_743, %dma_wait3A_744] : memref<80x128xi32, #tpu.memory_space<vmem>> -> memref<20x128xi32, #tpu.memory_space<vmem>>
        %dma_wait3A_746 = arith.constant 0 : i32
        %dma_wait3A_747 = arith.constant 0 : i32
        %dma_wait3A_748 = tpu.memref_slice %arg3[%run_scoped3A_721, %dma_wait3A_746, %dma_wait3A_747] : memref<2x2500x128xi32, #tpu.memory_space<hbm>> -> memref<1x2500x128xi32, #tpu.memory_space<hbm>>
        %dma_wait3A_749 = tpu.memref_squeeze %dma_wait3A_748 : memref<1x2500x128xi32, #tpu.memory_space<hbm>> -> memref<2500x128xi32, #tpu.memory_space<hbm>>
        %dma_wait3A_750 = arith.constant 2480 : i32
        %dma_wait3A_751 = arith.constant 0 : i32
        %dma_wait3A_752 = tpu.memref_slice %dma_wait3A_749[%dma_wait3A_750, %dma_wait3A_751] : memref<2500x128xi32, #tpu.memory_space<hbm>> -> memref<20x128xi32, #tpu.memory_space<hbm>>
        %dma_wait3A_753 = arith.constant 0 : i32
        %dma_wait3A_754 = arith.constant 0 : i32
        %dma_wait3A_755 = tpu.memref_slice %arg7[%dma_wait3A_753, %dma_wait3A_754] : memref<80x128xi32, #tpu.memory_space<vmem>> -> memref<20x128xi32, #tpu.memory_space<vmem>>
        %dma_wait3A_756 = arith.constant 0 : i32
        %dma_wait3A_757 = arith.constant 0 : i32
        %dma_wait3A_758 = tpu.memref_slice %arg3[%run_scoped3A_721, %dma_wait3A_756, %dma_wait3A_757] : memref<2x2500x128xi32, #tpu.memory_space<hbm>> -> memref<1x2500x128xi32, #tpu.memory_space<hbm>>
        %dma_wait3A_759 = tpu.memref_squeeze %dma_wait3A_758 : memref<1x2500x128xi32, #tpu.memory_space<hbm>> -> memref<2500x128xi32, #tpu.memory_space<hbm>>
        %dma_wait3A_760 = arith.constant 2480 : i32
        %dma_wait3A_761 = arith.constant 0 : i32
        %dma_wait3A_762 = tpu.memref_slice %dma_wait3A_759[%dma_wait3A_760, %dma_wait3A_761] : memref<2500x128xi32, #tpu.memory_space<hbm>> -> memref<20x128xi32, #tpu.memory_space<hbm>>
        tpu.wait_dma2 semaphore(%run_scoped3A_722 : memref<!tpu.dma_semaphore, #tpu.memory_space<semaphore_mem>>) src(%dma_wait3A_762 : memref<20x128xi32, #tpu.memory_space<hbm>>) dst(%dma_wait3A_755 : memref<20x128xi32, #tpu.memory_space<vmem>>)
        tpu.yield
      }) : () -> ()
    } else {
    }
    %barrier3A = arith.constant 0 : index
    tpu.barrier barrier_id(%barrier3A)
    %dma_start3A = arith.constant 0 : i32
    %dma_start3A_26 = arith.constant 0 : i32
    %dma_start3A_27 = arith.constant 0 : i32
    %dma_start3A_28 = arith.constant 0 : i32
    %dma_start3A_29 = tpu.memref_slice %arg8[%dma_start3A_26, %dma_start3A_27, %dma_start3A_28] : memref<10x128x16xf32, #tpu.memory_space<vmem>> -> memref<1x128x16xf32, #tpu.memory_space<vmem>>
    %dma_start3A_30 = tpu.memref_squeeze %dma_start3A_29 : memref<1x128x16xf32, #tpu.memory_space<vmem>> -> memref<128x16xf32, #tpu.memory_space<vmem>>
    %dma_start3A_31 = arith.constant 0 : i32
    %dma_start3A_32 = tpu.memref_slice %arg6[%dma_start3A, %dma_start3A_31] : memref<80x128xi32, #tpu.memory_space<vmem>> -> memref<1x128xi32, #tpu.memory_space<vmem>>
    %dma_start3A_33 = tpu.memref_squeeze %dma_start3A_32 : memref<1x128xi32, #tpu.memory_space<vmem>> -> memref<128xi32, #tpu.memory_space<vmem>>
    %dma_start3A_34 = arith.constant 0 : i32
    %dma_start3A_35 = arith.constant 0 : i32
    %dma_start3A_36 = tpu.memref_slice %arg11[%dma_start3A_34, %dma_start3A_35] : memref<10112x16xf32, #tpu.memory_space<vmem_shared>> -> memref<10112x16xf32, #tpu.memory_space<vmem_shared>>
    tpu.enqueue_indirect_dma source(%dma_start3A_36 : memref<10112x16xf32, #tpu.memory_space<vmem_shared>>) target(%dma_start3A_30 : memref<128x16xf32, #tpu.memory_space<vmem>>) offsets(%dma_start3A_33 : memref<128xi32, #tpu.memory_space<vmem>>) semaphore(%arg14 : memref<!tpu.dma_semaphore, #tpu.memory_space<semaphore_mem>>)
    %dma_start3A_37 = arith.constant 1 : i32
    %dma_start3A_38 = arith.constant 1 : i32
    %dma_start3A_39 = arith.constant 0 : i32
    %dma_start3A_40 = arith.constant 0 : i32
    %dma_start3A_41 = tpu.memref_slice %arg8[%dma_start3A_38, %dma_start3A_39, %dma_start3A_40] : memref<10x128x16xf32, #tpu.memory_space<vmem>> -> memref<1x128x16xf32, #tpu.memory_space<vmem>>
    %dma_start3A_42 = tpu.memref_squeeze %dma_start3A_41 : memref<1x128x16xf32, #tpu.memory_space<vmem>> -> memref<128x16xf32, #tpu.memory_space<vmem>>
    %dma_start3A_43 = arith.constant 0 : i32
    %dma_start3A_44 = tpu.memref_slice %arg6[%dma_start3A_37, %dma_start3A_43] : memref<80x128xi32, #tpu.memory_space<vmem>> -> memref<1x128xi32, #tpu.memory_space<vmem>>
    %dma_start3A_45 = tpu.memref_squeeze %dma_start3A_44 : memref<1x128xi32, #tpu.memory_space<vmem>> -> memref<128xi32, #tpu.memory_space<vmem>>
    %dma_start3A_46 = arith.constant 0 : i32
    %dma_start3A_47 = arith.constant 0 : i32
    %dma_start3A_48 = tpu.memref_slice %arg11[%dma_start3A_46, %dma_start3A_47] : memref<10112x16xf32, #tpu.memory_space<vmem_shared>> -> memref<10112x16xf32, #tpu.memory_space<vmem_shared>>
    tpu.enqueue_indirect_dma source(%dma_start3A_48 : memref<10112x16xf32, #tpu.memory_space<vmem_shared>>) target(%dma_start3A_42 : memref<128x16xf32, #tpu.memory_space<vmem>>) offsets(%dma_start3A_45 : memref<128xi32, #tpu.memory_space<vmem>>) semaphore(%arg15 : memref<!tpu.dma_semaphore, #tpu.memory_space<semaphore_mem>>)
    %dma_start3A_49 = arith.constant 2 : i32
    %dma_start3A_50 = arith.constant 2 : i32
    %dma_start3A_51 = arith.constant 0 : i32
    %dma_start3A_52 = arith.constant 0 : i32
    %dma_start3A_53 = tpu.memref_slice %arg8[%dma_start3A_50, %dma_start3A_51, %dma_start3A_52] : memref<10x128x16xf32, #tpu.memory_space<vmem>> -> memref<1x128x16xf32, #tpu.memory_space<vmem>>
    %dma_start3A_54 = tpu.memref_squeeze %dma_start3A_53 : memref<1x128x16xf32, #tpu.memory_space<vmem>> -> memref<128x16xf32, #tpu.memory_space<vmem>>
    %dma_start3A_55 = arith.constant 0 : i32
    %dma_start3A_56 = tpu.memref_slice %arg6[%dma_start3A_49, %dma_start3A_55] : memref<80x128xi32, #tpu.memory_space<vmem>> -> memref<1x128xi32, #tpu.memory_space<vmem>>
    %dma_start3A_57 = tpu.memref_squeeze %dma_start3A_56 : memref<1x128xi32, #tpu.memory_space<vmem>> -> memref<128xi32, #tpu.memory_space<vmem>>
    %dma_start3A_58 = arith.constant 0 : i32
    %dma_start3A_59 = arith.constant 0 : i32
    %dma_start3A_60 = tpu.memref_slice %arg11[%dma_start3A_58, %dma_start3A_59] : memref<10112x16xf32, #tpu.memory_space<vmem_shared>> -> memref<10112x16xf32, #tpu.memory_space<vmem_shared>>
    tpu.enqueue_indirect_dma source(%dma_start3A_60 : memref<10112x16xf32, #tpu.memory_space<vmem_shared>>) target(%dma_start3A_54 : memref<128x16xf32, #tpu.memory_space<vmem>>) offsets(%dma_start3A_57 : memref<128xi32, #tpu.memory_space<vmem>>) semaphore(%arg16 : memref<!tpu.dma_semaphore, #tpu.memory_space<semaphore_mem>>)
    %dma_start3A_61 = arith.constant 3 : i32
    %dma_start3A_62 = arith.constant 3 : i32
    %dma_start3A_63 = arith.constant 0 : i32
    %dma_start3A_64 = arith.constant 0 : i32
    %dma_start3A_65 = tpu.memref_slice %arg8[%dma_start3A_62, %dma_start3A_63, %dma_start3A_64] : memref<10x128x16xf32, #tpu.memory_space<vmem>> -> memref<1x128x16xf32, #tpu.memory_space<vmem>>
    %dma_start3A_66 = tpu.memref_squeeze %dma_start3A_65 : memref<1x128x16xf32, #tpu.memory_space<vmem>> -> memref<128x16xf32, #tpu.memory_space<vmem>>
    %dma_start3A_67 = arith.constant 0 : i32
    %dma_start3A_68 = tpu.memref_slice %arg6[%dma_start3A_61, %dma_start3A_67] : memref<80x128xi32, #tpu.memory_space<vmem>> -> memref<1x128xi32, #tpu.memory_space<vmem>>
    %dma_start3A_69 = tpu.memref_squeeze %dma_start3A_68 : memref<1x128xi32, #tpu.memory_space<vmem>> -> memref<128xi32, #tpu.memory_space<vmem>>
    %dma_start3A_70 = arith.constant 0 : i32
    %dma_start3A_71 = arith.constant 0 : i32
    %dma_start3A_72 = tpu.memref_slice %arg11[%dma_start3A_70, %dma_start3A_71] : memref<10112x16xf32, #tpu.memory_space<vmem_shared>> -> memref<10112x16xf32, #tpu.memory_space<vmem_shared>>
    tpu.enqueue_indirect_dma source(%dma_start3A_72 : memref<10112x16xf32, #tpu.memory_space<vmem_shared>>) target(%dma_start3A_66 : memref<128x16xf32, #tpu.memory_space<vmem>>) offsets(%dma_start3A_69 : memref<128xi32, #tpu.memory_space<vmem>>) semaphore(%arg17 : memref<!tpu.dma_semaphore, #tpu.memory_space<semaphore_mem>>)
    %dma_start3A_73 = arith.constant 4 : i32
    %dma_start3A_74 = arith.constant 4 : i32
    %dma_start3A_75 = arith.constant 0 : i32
    %dma_start3A_76 = arith.constant 0 : i32
    %dma_start3A_77 = tpu.memref_slice %arg8[%dma_start3A_74, %dma_start3A_75, %dma_start3A_76] : memref<10x128x16xf32, #tpu.memory_space<vmem>> -> memref<1x128x16xf32, #tpu.memory_space<vmem>>
    %dma_start3A_78 = tpu.memref_squeeze %dma_start3A_77 : memref<1x128x16xf32, #tpu.memory_space<vmem>> -> memref<128x16xf32, #tpu.memory_space<vmem>>
    %dma_start3A_79 = arith.constant 0 : i32
    %dma_start3A_80 = tpu.memref_slice %arg6[%dma_start3A_73, %dma_start3A_79] : memref<80x128xi32, #tpu.memory_space<vmem>> -> memref<1x128xi32, #tpu.memory_space<vmem>>
    %dma_start3A_81 = tpu.memref_squeeze %dma_start3A_80 : memref<1x128xi32, #tpu.memory_space<vmem>> -> memref<128xi32, #tpu.memory_space<vmem>>
    %dma_start3A_82 = arith.constant 0 : i32
    %dma_start3A_83 = arith.constant 0 : i32
    %dma_start3A_84 = tpu.memref_slice %arg11[%dma_start3A_82, %dma_start3A_83] : memref<10112x16xf32, #tpu.memory_space<vmem_shared>> -> memref<10112x16xf32, #tpu.memory_space<vmem_shared>>
    tpu.enqueue_indirect_dma source(%dma_start3A_84 : memref<10112x16xf32, #tpu.memory_space<vmem_shared>>) target(%dma_start3A_78 : memref<128x16xf32, #tpu.memory_space<vmem>>) offsets(%dma_start3A_81 : memref<128xi32, #tpu.memory_space<vmem>>) semaphore(%arg18 : memref<!tpu.dma_semaphore, #tpu.memory_space<semaphore_mem>>)
    %dma_start3A_85 = arith.constant 5 : i32
    %dma_start3A_86 = arith.constant 5 : i32
    %dma_start3A_87 = arith.constant 0 : i32
    %dma_start3A_88 = arith.constant 0 : i32
    %dma_start3A_89 = tpu.memref_slice %arg8[%dma_start3A_86, %dma_start3A_87, %dma_start3A_88] : memref<10x128x16xf32, #tpu.memory_space<vmem>> -> memref<1x128x16xf32, #tpu.memory_space<vmem>>
    %dma_start3A_90 = tpu.memref_squeeze %dma_start3A_89 : memref<1x128x16xf32, #tpu.memory_space<vmem>> -> memref<128x16xf32, #tpu.memory_space<vmem>>
    %dma_start3A_91 = arith.constant 0 : i32
    %dma_start3A_92 = tpu.memref_slice %arg6[%dma_start3A_85, %dma_start3A_91] : memref<80x128xi32, #tpu.memory_space<vmem>> -> memref<1x128xi32, #tpu.memory_space<vmem>>
    %dma_start3A_93 = tpu.memref_squeeze %dma_start3A_92 : memref<1x128xi32, #tpu.memory_space<vmem>> -> memref<128xi32, #tpu.memory_space<vmem>>
    %dma_start3A_94 = arith.constant 0 : i32
    %dma_start3A_95 = arith.constant 0 : i32
    %dma_start3A_96 = tpu.memref_slice %arg11[%dma_start3A_94, %dma_start3A_95] : memref<10112x16xf32, #tpu.memory_space<vmem_shared>> -> memref<10112x16xf32, #tpu.memory_space<vmem_shared>>
    tpu.enqueue_indirect_dma source(%dma_start3A_96 : memref<10112x16xf32, #tpu.memory_space<vmem_shared>>) target(%dma_start3A_90 : memref<128x16xf32, #tpu.memory_space<vmem>>) offsets(%dma_start3A_93 : memref<128xi32, #tpu.memory_space<vmem>>) semaphore(%arg19 : memref<!tpu.dma_semaphore, #tpu.memory_space<semaphore_mem>>)
    %dma_wait3A = arith.constant 0 : i32
    %dma_wait3A_97 = arith.constant 0 : i32
    %dma_wait3A_98 = arith.constant 0 : i32
    %dma_wait3A_99 = arith.constant 0 : i32
    %dma_wait3A_100 = tpu.memref_slice %arg8[%dma_wait3A_97, %dma_wait3A_98, %dma_wait3A_99] : memref<10x128x16xf32, #tpu.memory_space<vmem>> -> memref<1x128x16xf32, #tpu.memory_space<vmem>>
    %dma_wait3A_101 = tpu.memref_squeeze %dma_wait3A_100 : memref<1x128x16xf32, #tpu.memory_space<vmem>> -> memref<128x16xf32, #tpu.memory_space<vmem>>
    %dma_wait3A_102 = arith.constant 0 : i32
    %dma_wait3A_103 = tpu.memref_slice %arg6[%dma_wait3A, %dma_wait3A_102] : memref<80x128xi32, #tpu.memory_space<vmem>> -> memref<1x128xi32, #tpu.memory_space<vmem>>
    %dma_wait3A_104 = tpu.memref_squeeze %dma_wait3A_103 : memref<1x128xi32, #tpu.memory_space<vmem>> -> memref<128xi32, #tpu.memory_space<vmem>>
    %dma_wait3A_105 = arith.constant 0 : i32
    %dma_wait3A_106 = arith.constant 0 : i32
    %dma_wait3A_107 = tpu.memref_slice %arg11[%dma_wait3A_105, %dma_wait3A_106] : memref<10112x16xf32, #tpu.memory_space<vmem_shared>> -> memref<10112x16xf32, #tpu.memory_space<vmem_shared>>
    tpu.wait_indirect_dma semaphore(%arg14 : memref<!tpu.dma_semaphore, #tpu.memory_space<semaphore_mem>>) src(%dma_wait3A_107 : memref<10112x16xf32, #tpu.memory_space<vmem_shared>>) dst(%dma_wait3A_101 : memref<128x16xf32, #tpu.memory_space<vmem>>)
    %dma_start3A_108 = arith.constant 0 : i32
    %dma_start3A_109 = arith.constant 0 : i32
    %dma_start3A_110 = arith.constant 0 : i32
    %dma_start3A_111 = arith.constant 0 : i32
    %dma_start3A_112 = tpu.memref_slice %arg8[%dma_start3A_108, %dma_start3A_110, %dma_start3A_111] : memref<10x128x16xf32, #tpu.memory_space<vmem>> -> memref<1x128x16xf32, #tpu.memory_space<vmem>>
    %dma_start3A_113 = tpu.memref_squeeze %dma_start3A_112 : memref<1x128x16xf32, #tpu.memory_space<vmem>> -> memref<128x16xf32, #tpu.memory_space<vmem>>
    %dma_start3A_114 = arith.constant 0 : i32
    %dma_start3A_115 = tpu.memref_slice %arg7[%dma_start3A_109, %dma_start3A_114] : memref<80x128xi32, #tpu.memory_space<vmem>> -> memref<1x128xi32, #tpu.memory_space<vmem>>
    %dma_start3A_116 = tpu.memref_squeeze %dma_start3A_115 : memref<1x128xi32, #tpu.memory_space<vmem>> -> memref<128xi32, #tpu.memory_space<vmem>>
    %dma_start3A_117 = arith.constant 0 : i32
    %dma_start3A_118 = arith.constant 0 : i32
    %dma_start3A_119 = tpu.memref_slice %arg12[%dma_start3A_117, %dma_start3A_118] : memref<10112x16xf32, #tpu.memory_space<vmem_shared>> -> memref<10112x16xf32, #tpu.memory_space<vmem_shared>>
    tpu.enqueue_indirect_dma source(%dma_start3A_113 : memref<128x16xf32, #tpu.memory_space<vmem>>) target(%dma_start3A_119 : memref<10112x16xf32, #tpu.memory_space<vmem_shared>>) offsets(%dma_start3A_116 : memref<128xi32, #tpu.memory_space<vmem>>) semaphore(%arg24 : memref<!tpu.dma_semaphore, #tpu.memory_space<semaphore_mem>>) {add = true}
    %dma_start3A_120 = arith.constant 0 : i32
    %dma_start3A_121 = arith.constant 0 : i32
    %dma_start3A_122 = tpu.memref_slice %arg7[%dma_start3A_120, %dma_start3A_121] : memref<80x128xi32, #tpu.memory_space<vmem>> -> memref<1x128xi32, #tpu.memory_space<vmem>>
    %dma_start3A_123 = tpu.memref_squeeze %dma_start3A_122 : memref<1x128xi32, #tpu.memory_space<vmem>> -> memref<128xi32, #tpu.memory_space<vmem>>
    %dma_start3A_124 = arith.constant 0 : i32
    %dma_start3A_125 = arith.constant 0 : i32
    %dma_start3A_126 = tpu.memref_slice %arg13[%dma_start3A_124, %dma_start3A_125] : memref<10112x16xf32, #tpu.memory_space<vmem_shared>> -> memref<10112x16xf32, #tpu.memory_space<vmem_shared>>
    tpu.enqueue_indirect_dma source(%arg9 : memref<128x16xf32, #tpu.memory_space<vmem>>) target(%dma_start3A_126 : memref<10112x16xf32, #tpu.memory_space<vmem_shared>>) offsets(%dma_start3A_123 : memref<128xi32, #tpu.memory_space<vmem>>) semaphore(%arg34 : memref<!tpu.dma_semaphore, #tpu.memory_space<semaphore_mem>>) {add = true}
    %dma_start3A_127 = arith.constant 6 : i32
    %dma_start3A_128 = arith.constant 6 : i32
    %dma_start3A_129 = arith.constant 0 : i32
    %dma_start3A_130 = arith.constant 0 : i32
    %dma_start3A_131 = tpu.memref_slice %arg8[%dma_start3A_128, %dma_start3A_129, %dma_start3A_130] : memref<10x128x16xf32, #tpu.memory_space<vmem>> -> memref<1x128x16xf32, #tpu.memory_space<vmem>>
    %dma_start3A_132 = tpu.memref_squeeze %dma_start3A_131 : memref<1x128x16xf32, #tpu.memory_space<vmem>> -> memref<128x16xf32, #tpu.memory_space<vmem>>
    %dma_start3A_133 = arith.constant 0 : i32
    %dma_start3A_134 = tpu.memref_slice %arg6[%dma_start3A_127, %dma_start3A_133] : memref<80x128xi32, #tpu.memory_space<vmem>> -> memref<1x128xi32, #tpu.memory_space<vmem>>
    %dma_start3A_135 = tpu.memref_squeeze %dma_start3A_134 : memref<1x128xi32, #tpu.memory_space<vmem>> -> memref<128xi32, #tpu.memory_space<vmem>>
    %dma_start3A_136 = arith.constant 0 : i32
    %dma_start3A_137 = arith.constant 0 : i32
    %dma_start3A_138 = tpu.memref_slice %arg11[%dma_start3A_136, %dma_start3A_137] : memref<10112x16xf32, #tpu.memory_space<vmem_shared>> -> memref<10112x16xf32, #tpu.memory_space<vmem_shared>>
    tpu.enqueue_indirect_dma source(%dma_start3A_138 : memref<10112x16xf32, #tpu.memory_space<vmem_shared>>) target(%dma_start3A_132 : memref<128x16xf32, #tpu.memory_space<vmem>>) offsets(%dma_start3A_135 : memref<128xi32, #tpu.memory_space<vmem>>) semaphore(%arg20 : memref<!tpu.dma_semaphore, #tpu.memory_space<semaphore_mem>>)
    %dma_wait3A_139 = arith.constant 0 : i32
    %dma_wait3A_140 = arith.constant 1 : i32
    %dma_wait3A_141 = arith.constant 0 : i32
    %dma_wait3A_142 = arith.constant 0 : i32
    %dma_wait3A_143 = tpu.memref_slice %arg8[%dma_wait3A_140, %dma_wait3A_141, %dma_wait3A_142] : memref<10x128x16xf32, #tpu.memory_space<vmem>> -> memref<1x128x16xf32, #tpu.memory_space<vmem>>
    %dma_wait3A_144 = tpu.memref_squeeze %dma_wait3A_143 : memref<1x128x16xf32, #tpu.memory_space<vmem>> -> memref<128x16xf32, #tpu.memory_space<vmem>>
    %dma_wait3A_145 = arith.constant 0 : i32
    %dma_wait3A_146 = tpu.memref_slice %arg6[%dma_wait3A_139, %dma_wait3A_145] : memref<80x128xi32, #tpu.memory_space<vmem>> -> memref<1x128xi32, #tpu.memory_space<vmem>>
    %dma_wait3A_147 = tpu.memref_squeeze %dma_wait3A_146 : memref<1x128xi32, #tpu.memory_space<vmem>> -> memref<128xi32, #tpu.memory_space<vmem>>
    %dma_wait3A_148 = arith.constant 0 : i32
    %dma_wait3A_149 = arith.constant 0 : i32
    %dma_wait3A_150 = tpu.memref_slice %arg11[%dma_wait3A_148, %dma_wait3A_149] : memref<10112x16xf32, #tpu.memory_space<vmem_shared>> -> memref<10112x16xf32, #tpu.memory_space<vmem_shared>>
    tpu.wait_indirect_dma semaphore(%arg15 : memref<!tpu.dma_semaphore, #tpu.memory_space<semaphore_mem>>) src(%dma_wait3A_150 : memref<10112x16xf32, #tpu.memory_space<vmem_shared>>) dst(%dma_wait3A_144 : memref<128x16xf32, #tpu.memory_space<vmem>>)
    %dma_start3A_151 = arith.constant 1 : i32
    %dma_start3A_152 = arith.constant 1 : i32
    %dma_start3A_153 = arith.constant 0 : i32
    %dma_start3A_154 = arith.constant 0 : i32
    %dma_start3A_155 = tpu.memref_slice %arg8[%dma_start3A_151, %dma_start3A_153, %dma_start3A_154] : memref<10x128x16xf32, #tpu.memory_space<vmem>> -> memref<1x128x16xf32, #tpu.memory_space<vmem>>
    %dma_start3A_156 = tpu.memref_squeeze %dma_start3A_155 : memref<1x128x16xf32, #tpu.memory_space<vmem>> -> memref<128x16xf32, #tpu.memory_space<vmem>>
    %dma_start3A_157 = arith.constant 0 : i32
    %dma_start3A_158 = tpu.memref_slice %arg7[%dma_start3A_152, %dma_start3A_157] : memref<80x128xi32, #tpu.memory_space<vmem>> -> memref<1x128xi32, #tpu.memory_space<vmem>>
    %dma_start3A_159 = tpu.memref_squeeze %dma_start3A_158 : memref<1x128xi32, #tpu.memory_space<vmem>> -> memref<128xi32, #tpu.memory_space<vmem>>
    %dma_start3A_160 = arith.constant 0 : i32
    %dma_start3A_161 = arith.constant 0 : i32
    %dma_start3A_162 = tpu.memref_slice %arg12[%dma_start3A_160, %dma_start3A_161] : memref<10112x16xf32, #tpu.memory_space<vmem_shared>> -> memref<10112x16xf32, #tpu.memory_space<vmem_shared>>
    tpu.enqueue_indirect_dma source(%dma_start3A_156 : memref<128x16xf32, #tpu.memory_space<vmem>>) target(%dma_start3A_162 : memref<10112x16xf32, #tpu.memory_space<vmem_shared>>) offsets(%dma_start3A_159 : memref<128xi32, #tpu.memory_space<vmem>>) semaphore(%arg25 : memref<!tpu.dma_semaphore, #tpu.memory_space<semaphore_mem>>) {add = true}
    %dma_start3A_163 = arith.constant 1 : i32
    %dma_start3A_164 = arith.constant 0 : i32
    %dma_start3A_165 = tpu.memref_slice %arg7[%dma_start3A_163, %dma_start3A_164] : memref<80x128xi32, #tpu.memory_space<vmem>> -> memref<1x128xi32, #tpu.memory_space<vmem>>
    %dma_start3A_166 = tpu.memref_squeeze %dma_start3A_165 : memref<1x128xi32, #tpu.memory_space<vmem>> -> memref<128xi32, #tpu.memory_space<vmem>>
    %dma_start3A_167 = arith.constant 0 : i32
    %dma_start3A_168 = arith.constant 0 : i32
    %dma_start3A_169 = tpu.memref_slice %arg13[%dma_start3A_167, %dma_start3A_168] : memref<10112x16xf32, #tpu.memory_space<vmem_shared>> -> memref<10112x16xf32, #tpu.memory_space<vmem_shared>>
    tpu.enqueue_indirect_dma source(%arg9 : memref<128x16xf32, #tpu.memory_space<vmem>>) target(%dma_start3A_169 : memref<10112x16xf32, #tpu.memory_space<vmem_shared>>) offsets(%dma_start3A_166 : memref<128xi32, #tpu.memory_space<vmem>>) semaphore(%arg35 : memref<!tpu.dma_semaphore, #tpu.memory_space<semaphore_mem>>) {add = true}
    %dma_start3A_170 = arith.constant 7 : i32
    %dma_start3A_171 = arith.constant 7 : i32
    %dma_start3A_172 = arith.constant 0 : i32
    %dma_start3A_173 = arith.constant 0 : i32
    %dma_start3A_174 = tpu.memref_slice %arg8[%dma_start3A_171, %dma_start3A_172, %dma_start3A_173] : memref<10x128x16xf32, #tpu.memory_space<vmem>> -> memref<1x128x16xf32, #tpu.memory_space<vmem>>
    %dma_start3A_175 = tpu.memref_squeeze %dma_start3A_174 : memref<1x128x16xf32, #tpu.memory_space<vmem>> -> memref<128x16xf32, #tpu.memory_space<vmem>>
    %dma_start3A_176 = arith.constant 0 : i32
    %dma_start3A_177 = tpu.memref_slice %arg6[%dma_start3A_170, %dma_start3A_176] : memref<80x128xi32, #tpu.memory_space<vmem>> -> memref<1x128xi32, #tpu.memory_space<vmem>>
    %dma_start3A_178 = tpu.memref_squeeze %dma_start3A_177 : memref<1x128xi32, #tpu.memory_space<vmem>> -> memref<128xi32, #tpu.memory_space<vmem>>
    %dma_start3A_179 = arith.constant 0 : i32
    %dma_start3A_180 = arith.constant 0 : i32
    %dma_start3A_181 = tpu.memref_slice %arg11[%dma_start3A_179, %dma_start3A_180] : memref<10112x16xf32, #tpu.memory_space<vmem_shared>> -> memref<10112x16xf32, #tpu.memory_space<vmem_shared>>
    tpu.enqueue_indirect_dma source(%dma_start3A_181 : memref<10112x16xf32, #tpu.memory_space<vmem_shared>>) target(%dma_start3A_175 : memref<128x16xf32, #tpu.memory_space<vmem>>) offsets(%dma_start3A_178 : memref<128xi32, #tpu.memory_space<vmem>>) semaphore(%arg21 : memref<!tpu.dma_semaphore, #tpu.memory_space<semaphore_mem>>)
    %dma_wait3A_182 = arith.constant 0 : i32
    %dma_wait3A_183 = arith.constant 2 : i32
    %dma_wait3A_184 = arith.constant 0 : i32
    %dma_wait3A_185 = arith.constant 0 : i32
    %dma_wait3A_186 = tpu.memref_slice %arg8[%dma_wait3A_183, %dma_wait3A_184, %dma_wait3A_185] : memref<10x128x16xf32, #tpu.memory_space<vmem>> -> memref<1x128x16xf32, #tpu.memory_space<vmem>>
    %dma_wait3A_187 = tpu.memref_squeeze %dma_wait3A_186 : memref<1x128x16xf32, #tpu.memory_space<vmem>> -> memref<128x16xf32, #tpu.memory_space<vmem>>
    %dma_wait3A_188 = arith.constant 0 : i32
    %dma_wait3A_189 = tpu.memref_slice %arg6[%dma_wait3A_182, %dma_wait3A_188] : memref<80x128xi32, #tpu.memory_space<vmem>> -> memref<1x128xi32, #tpu.memory_space<vmem>>
    %dma_wait3A_190 = tpu.memref_squeeze %dma_wait3A_189 : memref<1x128xi32, #tpu.memory_space<vmem>> -> memref<128xi32, #tpu.memory_space<vmem>>
    %dma_wait3A_191 = arith.constant 0 : i32
    %dma_wait3A_192 = arith.constant 0 : i32
    %dma_wait3A_193 = tpu.memref_slice %arg11[%dma_wait3A_191, %dma_wait3A_192] : memref<10112x16xf32, #tpu.memory_space<vmem_shared>> -> memref<10112x16xf32, #tpu.memory_space<vmem_shared>>
    tpu.wait_indirect_dma semaphore(%arg16 : memref<!tpu.dma_semaphore, #tpu.memory_space<semaphore_mem>>) src(%dma_wait3A_193 : memref<10112x16xf32, #tpu.memory_space<vmem_shared>>) dst(%dma_wait3A_187 : memref<128x16xf32, #tpu.memory_space<vmem>>)
    %dma_start3A_194 = arith.constant 2 : i32
    %dma_start3A_195 = arith.constant 2 : i32
    %dma_start3A_196 = arith.constant 0 : i32
    %dma_start3A_197 = arith.constant 0 : i32
    %dma_start3A_198 = tpu.memref_slice %arg8[%dma_start3A_194, %dma_start3A_196, %dma_start3A_197] : memref<10x128x16xf32, #tpu.memory_space<vmem>> -> memref<1x128x16xf32, #tpu.memory_space<vmem>>
    %dma_start3A_199 = tpu.memref_squeeze %dma_start3A_198 : memref<1x128x16xf32, #tpu.memory_space<vmem>> -> memref<128x16xf32, #tpu.memory_space<vmem>>
    %dma_start3A_200 = arith.constant 0 : i32
    %dma_start3A_201 = tpu.memref_slice %arg7[%dma_start3A_195, %dma_start3A_200] : memref<80x128xi32, #tpu.memory_space<vmem>> -> memref<1x128xi32, #tpu.memory_space<vmem>>
    %dma_start3A_202 = tpu.memref_squeeze %dma_start3A_201 : memref<1x128xi32, #tpu.memory_space<vmem>> -> memref<128xi32, #tpu.memory_space<vmem>>
    %dma_start3A_203 = arith.constant 0 : i32
    %dma_start3A_204 = arith.constant 0 : i32
    %dma_start3A_205 = tpu.memref_slice %arg12[%dma_start3A_203, %dma_start3A_204] : memref<10112x16xf32, #tpu.memory_space<vmem_shared>> -> memref<10112x16xf32, #tpu.memory_space<vmem_shared>>
    tpu.enqueue_indirect_dma source(%dma_start3A_199 : memref<128x16xf32, #tpu.memory_space<vmem>>) target(%dma_start3A_205 : memref<10112x16xf32, #tpu.memory_space<vmem_shared>>) offsets(%dma_start3A_202 : memref<128xi32, #tpu.memory_space<vmem>>) semaphore(%arg26 : memref<!tpu.dma_semaphore, #tpu.memory_space<semaphore_mem>>) {add = true}
    %dma_start3A_206 = arith.constant 2 : i32
    %dma_start3A_207 = arith.constant 0 : i32
    %dma_start3A_208 = tpu.memref_slice %arg7[%dma_start3A_206, %dma_start3A_207] : memref<80x128xi32, #tpu.memory_space<vmem>> -> memref<1x128xi32, #tpu.memory_space<vmem>>
    %dma_start3A_209 = tpu.memref_squeeze %dma_start3A_208 : memref<1x128xi32, #tpu.memory_space<vmem>> -> memref<128xi32, #tpu.memory_space<vmem>>
    %dma_start3A_210 = arith.constant 0 : i32
    %dma_start3A_211 = arith.constant 0 : i32
    %dma_start3A_212 = tpu.memref_slice %arg13[%dma_start3A_210, %dma_start3A_211] : memref<10112x16xf32, #tpu.memory_space<vmem_shared>> -> memref<10112x16xf32, #tpu.memory_space<vmem_shared>>
    tpu.enqueue_indirect_dma source(%arg9 : memref<128x16xf32, #tpu.memory_space<vmem>>) target(%dma_start3A_212 : memref<10112x16xf32, #tpu.memory_space<vmem_shared>>) offsets(%dma_start3A_209 : memref<128xi32, #tpu.memory_space<vmem>>) semaphore(%arg36 : memref<!tpu.dma_semaphore, #tpu.memory_space<semaphore_mem>>) {add = true}
    %dma_start3A_213 = arith.constant 8 : i32
    %dma_start3A_214 = arith.constant 8 : i32
    %dma_start3A_215 = arith.constant 0 : i32
    %dma_start3A_216 = arith.constant 0 : i32
    %dma_start3A_217 = tpu.memref_slice %arg8[%dma_start3A_214, %dma_start3A_215, %dma_start3A_216] : memref<10x128x16xf32, #tpu.memory_space<vmem>> -> memref<1x128x16xf32, #tpu.memory_space<vmem>>
    %dma_start3A_218 = tpu.memref_squeeze %dma_start3A_217 : memref<1x128x16xf32, #tpu.memory_space<vmem>> -> memref<128x16xf32, #tpu.memory_space<vmem>>
    %dma_start3A_219 = arith.constant 0 : i32
    %dma_start3A_220 = tpu.memref_slice %arg6[%dma_start3A_213, %dma_start3A_219] : memref<80x128xi32, #tpu.memory_space<vmem>> -> memref<1x128xi32, #tpu.memory_space<vmem>>
    %dma_start3A_221 = tpu.memref_squeeze %dma_start3A_220 : memref<1x128xi32, #tpu.memory_space<vmem>> -> memref<128xi32, #tpu.memory_space<vmem>>
    %dma_start3A_222 = arith.constant 0 : i32
    %dma_start3A_223 = arith.constant 0 : i32
    %dma_start3A_224 = tpu.memref_slice %arg11[%dma_start3A_222, %dma_start3A_223] : memref<10112x16xf32, #tpu.memory_space<vmem_shared>> -> memref<10112x16xf32, #tpu.memory_space<vmem_shared>>
    tpu.enqueue_indirect_dma source(%dma_start3A_224 : memref<10112x16xf32, #tpu.memory_space<vmem_shared>>) target(%dma_start3A_218 : memref<128x16xf32, #tpu.memory_space<vmem>>) offsets(%dma_start3A_221 : memref<128xi32, #tpu.memory_space<vmem>>) semaphore(%arg22 : memref<!tpu.dma_semaphore, #tpu.memory_space<semaphore_mem>>)
    %dma_wait3A_225 = arith.constant 0 : i32
    %dma_wait3A_226 = arith.constant 3 : i32
    %dma_wait3A_227 = arith.constant 0 : i32
    %dma_wait3A_228 = arith.constant 0 : i32
    %dma_wait3A_229 = tpu.memref_slice %arg8[%dma_wait3A_226, %dma_wait3A_227, %dma_wait3A_228] : memref<10x128x16xf32, #tpu.memory_space<vmem>> -> memref<1x128x16xf32, #tpu.memory_space<vmem>>
    %dma_wait3A_230 = tpu.memref_squeeze %dma_wait3A_229 : memref<1x128x16xf32, #tpu.memory_space<vmem>> -> memref<128x16xf32, #tpu.memory_space<vmem>>
    %dma_wait3A_231 = arith.constant 0 : i32
    %dma_wait3A_232 = tpu.memref_slice %arg6[%dma_wait3A_225, %dma_wait3A_231] : memref<80x128xi32, #tpu.memory_space<vmem>> -> memref<1x128xi32, #tpu.memory_space<vmem>>
    %dma_wait3A_233 = tpu.memref_squeeze %dma_wait3A_232 : memref<1x128xi32, #tpu.memory_space<vmem>> -> memref<128xi32, #tpu.memory_space<vmem>>
    %dma_wait3A_234 = arith.constant 0 : i32
    %dma_wait3A_235 = arith.constant 0 : i32
    %dma_wait3A_236 = tpu.memref_slice %arg11[%dma_wait3A_234, %dma_wait3A_235] : memref<10112x16xf32, #tpu.memory_space<vmem_shared>> -> memref<10112x16xf32, #tpu.memory_space<vmem_shared>>
    tpu.wait_indirect_dma semaphore(%arg17 : memref<!tpu.dma_semaphore, #tpu.memory_space<semaphore_mem>>) src(%dma_wait3A_236 : memref<10112x16xf32, #tpu.memory_space<vmem_shared>>) dst(%dma_wait3A_230 : memref<128x16xf32, #tpu.memory_space<vmem>>)
    %dma_start3A_237 = arith.constant 3 : i32
    %dma_start3A_238 = arith.constant 3 : i32
    %dma_start3A_239 = arith.constant 0 : i32
    %dma_start3A_240 = arith.constant 0 : i32
    %dma_start3A_241 = tpu.memref_slice %arg8[%dma_start3A_237, %dma_start3A_239, %dma_start3A_240] : memref<10x128x16xf32, #tpu.memory_space<vmem>> -> memref<1x128x16xf32, #tpu.memory_space<vmem>>
    %dma_start3A_242 = tpu.memref_squeeze %dma_start3A_241 : memref<1x128x16xf32, #tpu.memory_space<vmem>> -> memref<128x16xf32, #tpu.memory_space<vmem>>
    %dma_start3A_243 = arith.constant 0 : i32
    %dma_start3A_244 = tpu.memref_slice %arg7[%dma_start3A_238, %dma_start3A_243] : memref<80x128xi32, #tpu.memory_space<vmem>> -> memref<1x128xi32, #tpu.memory_space<vmem>>
    %dma_start3A_245 = tpu.memref_squeeze %dma_start3A_244 : memref<1x128xi32, #tpu.memory_space<vmem>> -> memref<128xi32, #tpu.memory_space<vmem>>
    %dma_start3A_246 = arith.constant 0 : i32
    %dma_start3A_247 = arith.constant 0 : i32
    %dma_start3A_248 = tpu.memref_slice %arg12[%dma_start3A_246, %dma_start3A_247] : memref<10112x16xf32, #tpu.memory_space<vmem_shared>> -> memref<10112x16xf32, #tpu.memory_space<vmem_shared>>
    tpu.enqueue_indirect_dma source(%dma_start3A_242 : memref<128x16xf32, #tpu.memory_space<vmem>>) target(%dma_start3A_248 : memref<10112x16xf32, #tpu.memory_space<vmem_shared>>) offsets(%dma_start3A_245 : memref<128xi32, #tpu.memory_space<vmem>>) semaphore(%arg27 : memref<!tpu.dma_semaphore, #tpu.memory_space<semaphore_mem>>) {add = true}
    %dma_start3A_249 = arith.constant 3 : i32
    %dma_start3A_250 = arith.constant 0 : i32
    %dma_start3A_251 = tpu.memref_slice %arg7[%dma_start3A_249, %dma_start3A_250] : memref<80x128xi32, #tpu.memory_space<vmem>> -> memref<1x128xi32, #tpu.memory_space<vmem>>
    %dma_start3A_252 = tpu.memref_squeeze %dma_start3A_251 : memref<1x128xi32, #tpu.memory_space<vmem>> -> memref<128xi32, #tpu.memory_space<vmem>>
    %dma_start3A_253 = arith.constant 0 : i32
    %dma_start3A_254 = arith.constant 0 : i32
    %dma_start3A_255 = tpu.memref_slice %arg13[%dma_start3A_253, %dma_start3A_254] : memref<10112x16xf32, #tpu.memory_space<vmem_shared>> -> memref<10112x16xf32, #tpu.memory_space<vmem_shared>>
    tpu.enqueue_indirect_dma source(%arg9 : memref<128x16xf32, #tpu.memory_space<vmem>>) target(%dma_start3A_255 : memref<10112x16xf32, #tpu.memory_space<vmem_shared>>) offsets(%dma_start3A_252 : memref<128xi32, #tpu.memory_space<vmem>>) semaphore(%arg37 : memref<!tpu.dma_semaphore, #tpu.memory_space<semaphore_mem>>) {add = true}
    %dma_start3A_256 = arith.constant 9 : i32
    %dma_start3A_257 = arith.constant 9 : i32
    %dma_start3A_258 = arith.constant 0 : i32
    %dma_start3A_259 = arith.constant 0 : i32
    %dma_start3A_260 = tpu.memref_slice %arg8[%dma_start3A_257, %dma_start3A_258, %dma_start3A_259] : memref<10x128x16xf32, #tpu.memory_space<vmem>> -> memref<1x128x16xf32, #tpu.memory_space<vmem>>
    %dma_start3A_261 = tpu.memref_squeeze %dma_start3A_260 : memref<1x128x16xf32, #tpu.memory_space<vmem>> -> memref<128x16xf32, #tpu.memory_space<vmem>>
    %dma_start3A_262 = arith.constant 0 : i32
    %dma_start3A_263 = tpu.memref_slice %arg6[%dma_start3A_256, %dma_start3A_262] : memref<80x128xi32, #tpu.memory_space<vmem>> -> memref<1x128xi32, #tpu.memory_space<vmem>>
    %dma_start3A_264 = tpu.memref_squeeze %dma_start3A_263 : memref<1x128xi32, #tpu.memory_space<vmem>> -> memref<128xi32, #tpu.memory_space<vmem>>
    %dma_start3A_265 = arith.constant 0 : i32
    %dma_start3A_266 = arith.constant 0 : i32
    %dma_start3A_267 = tpu.memref_slice %arg11[%dma_start3A_265, %dma_start3A_266] : memref<10112x16xf32, #tpu.memory_space<vmem_shared>> -> memref<10112x16xf32, #tpu.memory_space<vmem_shared>>
    tpu.enqueue_indirect_dma source(%dma_start3A_267 : memref<10112x16xf32, #tpu.memory_space<vmem_shared>>) target(%dma_start3A_261 : memref<128x16xf32, #tpu.memory_space<vmem>>) offsets(%dma_start3A_264 : memref<128xi32, #tpu.memory_space<vmem>>) semaphore(%arg23 : memref<!tpu.dma_semaphore, #tpu.memory_space<semaphore_mem>>)
    %dma_wait3A_268 = arith.constant 0 : i32
    %dma_wait3A_269 = arith.constant 4 : i32
    %dma_wait3A_270 = arith.constant 0 : i32
    %dma_wait3A_271 = arith.constant 0 : i32
    %dma_wait3A_272 = tpu.memref_slice %arg8[%dma_wait3A_269, %dma_wait3A_270, %dma_wait3A_271] : memref<10x128x16xf32, #tpu.memory_space<vmem>> -> memref<1x128x16xf32, #tpu.memory_space<vmem>>
    %dma_wait3A_273 = tpu.memref_squeeze %dma_wait3A_272 : memref<1x128x16xf32, #tpu.memory_space<vmem>> -> memref<128x16xf32, #tpu.memory_space<vmem>>
    %dma_wait3A_274 = arith.constant 0 : i32
    %dma_wait3A_275 = tpu.memref_slice %arg6[%dma_wait3A_268, %dma_wait3A_274] : memref<80x128xi32, #tpu.memory_space<vmem>> -> memref<1x128xi32, #tpu.memory_space<vmem>>
    %dma_wait3A_276 = tpu.memref_squeeze %dma_wait3A_275 : memref<1x128xi32, #tpu.memory_space<vmem>> -> memref<128xi32, #tpu.memory_space<vmem>>
    %dma_wait3A_277 = arith.constant 0 : i32
    %dma_wait3A_278 = arith.constant 0 : i32
    %dma_wait3A_279 = tpu.memref_slice %arg11[%dma_wait3A_277, %dma_wait3A_278] : memref<10112x16xf32, #tpu.memory_space<vmem_shared>> -> memref<10112x16xf32, #tpu.memory_space<vmem_shared>>
    tpu.wait_indirect_dma semaphore(%arg18 : memref<!tpu.dma_semaphore, #tpu.memory_space<semaphore_mem>>) src(%dma_wait3A_279 : memref<10112x16xf32, #tpu.memory_space<vmem_shared>>) dst(%dma_wait3A_273 : memref<128x16xf32, #tpu.memory_space<vmem>>)
    %dma_start3A_280 = arith.constant 4 : i32
    %dma_start3A_281 = arith.constant 4 : i32
    %dma_start3A_282 = arith.constant 0 : i32
    %dma_start3A_283 = arith.constant 0 : i32
    %dma_start3A_284 = tpu.memref_slice %arg8[%dma_start3A_280, %dma_start3A_282, %dma_start3A_283] : memref<10x128x16xf32, #tpu.memory_space<vmem>> -> memref<1x128x16xf32, #tpu.memory_space<vmem>>
    %dma_start3A_285 = tpu.memref_squeeze %dma_start3A_284 : memref<1x128x16xf32, #tpu.memory_space<vmem>> -> memref<128x16xf32, #tpu.memory_space<vmem>>
    %dma_start3A_286 = arith.constant 0 : i32
    %dma_start3A_287 = tpu.memref_slice %arg7[%dma_start3A_281, %dma_start3A_286] : memref<80x128xi32, #tpu.memory_space<vmem>> -> memref<1x128xi32, #tpu.memory_space<vmem>>
    %dma_start3A_288 = tpu.memref_squeeze %dma_start3A_287 : memref<1x128xi32, #tpu.memory_space<vmem>> -> memref<128xi32, #tpu.memory_space<vmem>>
    %dma_start3A_289 = arith.constant 0 : i32
    %dma_start3A_290 = arith.constant 0 : i32
    %dma_start3A_291 = tpu.memref_slice %arg12[%dma_start3A_289, %dma_start3A_290] : memref<10112x16xf32, #tpu.memory_space<vmem_shared>> -> memref<10112x16xf32, #tpu.memory_space<vmem_shared>>
    tpu.enqueue_indirect_dma source(%dma_start3A_285 : memref<128x16xf32, #tpu.memory_space<vmem>>) target(%dma_start3A_291 : memref<10112x16xf32, #tpu.memory_space<vmem_shared>>) offsets(%dma_start3A_288 : memref<128xi32, #tpu.memory_space<vmem>>) semaphore(%arg28 : memref<!tpu.dma_semaphore, #tpu.memory_space<semaphore_mem>>) {add = true}
    %dma_start3A_292 = arith.constant 4 : i32
    %dma_start3A_293 = arith.constant 0 : i32
    %dma_start3A_294 = tpu.memref_slice %arg7[%dma_start3A_292, %dma_start3A_293] : memref<80x128xi32, #tpu.memory_space<vmem>> -> memref<1x128xi32, #tpu.memory_space<vmem>>
    %dma_start3A_295 = tpu.memref_squeeze %dma_start3A_294 : memref<1x128xi32, #tpu.memory_space<vmem>> -> memref<128xi32, #tpu.memory_space<vmem>>
    %dma_start3A_296 = arith.constant 0 : i32
    %dma_start3A_297 = arith.constant 0 : i32
    %dma_start3A_298 = tpu.memref_slice %arg13[%dma_start3A_296, %dma_start3A_297] : memref<10112x16xf32, #tpu.memory_space<vmem_shared>> -> memref<10112x16xf32, #tpu.memory_space<vmem_shared>>
    tpu.enqueue_indirect_dma source(%arg9 : memref<128x16xf32, #tpu.memory_space<vmem>>) target(%dma_start3A_298 : memref<10112x16xf32, #tpu.memory_space<vmem_shared>>) offsets(%dma_start3A_295 : memref<128xi32, #tpu.memory_space<vmem>>) semaphore(%arg38 : memref<!tpu.dma_semaphore, #tpu.memory_space<semaphore_mem>>) {add = true}
    %dma_wait3A_299 = arith.constant 0 : i32
    %dma_wait3A_300 = arith.constant 0 : i32
    %dma_wait3A_301 = arith.constant 0 : i32
    %dma_wait3A_302 = arith.constant 0 : i32
    %dma_wait3A_303 = tpu.memref_slice %arg8[%dma_wait3A_299, %dma_wait3A_301, %dma_wait3A_302] : memref<10x128x16xf32, #tpu.memory_space<vmem>> -> memref<1x128x16xf32, #tpu.memory_space<vmem>>
    %dma_wait3A_304 = tpu.memref_squeeze %dma_wait3A_303 : memref<1x128x16xf32, #tpu.memory_space<vmem>> -> memref<128x16xf32, #tpu.memory_space<vmem>>
    %dma_wait3A_305 = arith.constant 0 : i32
    %dma_wait3A_306 = tpu.memref_slice %arg7[%dma_wait3A_300, %dma_wait3A_305] : memref<80x128xi32, #tpu.memory_space<vmem>> -> memref<1x128xi32, #tpu.memory_space<vmem>>
    %dma_wait3A_307 = tpu.memref_squeeze %dma_wait3A_306 : memref<1x128xi32, #tpu.memory_space<vmem>> -> memref<128xi32, #tpu.memory_space<vmem>>
    %dma_wait3A_308 = arith.constant 0 : i32
    %dma_wait3A_309 = arith.constant 0 : i32
    %dma_wait3A_310 = tpu.memref_slice %arg12[%dma_wait3A_308, %dma_wait3A_309] : memref<10112x16xf32, #tpu.memory_space<vmem_shared>> -> memref<10112x16xf32, #tpu.memory_space<vmem_shared>>
    tpu.wait_indirect_dma semaphore(%arg24 : memref<!tpu.dma_semaphore, #tpu.memory_space<semaphore_mem>>) src(%dma_wait3A_304 : memref<128x16xf32, #tpu.memory_space<vmem>>) dst(%dma_wait3A_310 : memref<10112x16xf32, #tpu.memory_space<vmem_shared>>)
    %dma_wait3A_311 = arith.constant 0 : i32
    %dma_wait3A_312 = arith.constant 0 : i32
    %dma_wait3A_313 = tpu.memref_slice %arg7[%dma_wait3A_311, %dma_wait3A_312] : memref<80x128xi32, #tpu.memory_space<vmem>> -> memref<1x128xi32, #tpu.memory_space<vmem>>
    %dma_wait3A_314 = tpu.memref_squeeze %dma_wait3A_313 : memref<1x128xi32, #tpu.memory_space<vmem>> -> memref<128xi32, #tpu.memory_space<vmem>>
    %dma_wait3A_315 = arith.constant 0 : i32
    %dma_wait3A_316 = arith.constant 0 : i32
    %dma_wait3A_317 = tpu.memref_slice %arg13[%dma_wait3A_315, %dma_wait3A_316] : memref<10112x16xf32, #tpu.memory_space<vmem_shared>> -> memref<10112x16xf32, #tpu.memory_space<vmem_shared>>
    tpu.wait_indirect_dma semaphore(%arg34 : memref<!tpu.dma_semaphore, #tpu.memory_space<semaphore_mem>>) src(%arg9 : memref<128x16xf32, #tpu.memory_space<vmem>>) dst(%dma_wait3A_317 : memref<10112x16xf32, #tpu.memory_space<vmem_shared>>)
    %dma_start3A_318 = arith.constant 10 : i32
    %dma_start3A_319 = arith.constant 0 : i32
    %dma_start3A_320 = arith.constant 0 : i32
    %dma_start3A_321 = arith.constant 0 : i32
    %dma_start3A_322 = tpu.memref_slice %arg8[%dma_start3A_319, %dma_start3A_320, %dma_start3A_321] : memref<10x128x16xf32, #tpu.memory_space<vmem>> -> memref<1x128x16xf32, #tpu.memory_space<vmem>>
    %dma_start3A_323 = tpu.memref_squeeze %dma_start3A_322 : memref<1x128x16xf32, #tpu.memory_space<vmem>> -> memref<128x16xf32, #tpu.memory_space<vmem>>
    %dma_start3A_324 = arith.constant 0 : i32
    %dma_start3A_325 = tpu.memref_slice %arg6[%dma_start3A_318, %dma_start3A_324] : memref<80x128xi32, #tpu.memory_space<vmem>> -> memref<1x128xi32, #tpu.memory_space<vmem>>
    %dma_start3A_326 = tpu.memref_squeeze %dma_start3A_325 : memref<1x128xi32, #tpu.memory_space<vmem>> -> memref<128xi32, #tpu.memory_space<vmem>>
    %dma_start3A_327 = arith.constant 0 : i32
    %dma_start3A_328 = arith.constant 0 : i32
    %dma_start3A_329 = tpu.memref_slice %arg11[%dma_start3A_327, %dma_start3A_328] : memref<10112x16xf32, #tpu.memory_space<vmem_shared>> -> memref<10112x16xf32, #tpu.memory_space<vmem_shared>>
    tpu.enqueue_indirect_dma source(%dma_start3A_329 : memref<10112x16xf32, #tpu.memory_space<vmem_shared>>) target(%dma_start3A_323 : memref<128x16xf32, #tpu.memory_space<vmem>>) offsets(%dma_start3A_326 : memref<128xi32, #tpu.memory_space<vmem>>) semaphore(%arg14 : memref<!tpu.dma_semaphore, #tpu.memory_space<semaphore_mem>>)
    %dma_wait3A_330 = arith.constant 0 : i32
    %dma_wait3A_331 = arith.constant 5 : i32
    %dma_wait3A_332 = arith.constant 0 : i32
    %dma_wait3A_333 = arith.constant 0 : i32
    %dma_wait3A_334 = tpu.memref_slice %arg8[%dma_wait3A_331, %dma_wait3A_332, %dma_wait3A_333] : memref<10x128x16xf32, #tpu.memory_space<vmem>> -> memref<1x128x16xf32, #tpu.memory_space<vmem>>
    %dma_wait3A_335 = tpu.memref_squeeze %dma_wait3A_334 : memref<1x128x16xf32, #tpu.memory_space<vmem>> -> memref<128x16xf32, #tpu.memory_space<vmem>>
    %dma_wait3A_336 = arith.constant 0 : i32
    %dma_wait3A_337 = tpu.memref_slice %arg6[%dma_wait3A_330, %dma_wait3A_336] : memref<80x128xi32, #tpu.memory_space<vmem>> -> memref<1x128xi32, #tpu.memory_space<vmem>>
    %dma_wait3A_338 = tpu.memref_squeeze %dma_wait3A_337 : memref<1x128xi32, #tpu.memory_space<vmem>> -> memref<128xi32, #tpu.memory_space<vmem>>
    %dma_wait3A_339 = arith.constant 0 : i32
    %dma_wait3A_340 = arith.constant 0 : i32
    %dma_wait3A_341 = tpu.memref_slice %arg11[%dma_wait3A_339, %dma_wait3A_340] : memref<10112x16xf32, #tpu.memory_space<vmem_shared>> -> memref<10112x16xf32, #tpu.memory_space<vmem_shared>>
    tpu.wait_indirect_dma semaphore(%arg19 : memref<!tpu.dma_semaphore, #tpu.memory_space<semaphore_mem>>) src(%dma_wait3A_341 : memref<10112x16xf32, #tpu.memory_space<vmem_shared>>) dst(%dma_wait3A_335 : memref<128x16xf32, #tpu.memory_space<vmem>>)
    %dma_start3A_342 = arith.constant 5 : i32
    %dma_start3A_343 = arith.constant 5 : i32
    %dma_start3A_344 = arith.constant 0 : i32
    %dma_start3A_345 = arith.constant 0 : i32
    %dma_start3A_346 = tpu.memref_slice %arg8[%dma_start3A_342, %dma_start3A_344, %dma_start3A_345] : memref<10x128x16xf32, #tpu.memory_space<vmem>> -> memref<1x128x16xf32, #tpu.memory_space<vmem>>
    %dma_start3A_347 = tpu.memref_squeeze %dma_start3A_346 : memref<1x128x16xf32, #tpu.memory_space<vmem>> -> memref<128x16xf32, #tpu.memory_space<vmem>>
    %dma_start3A_348 = arith.constant 0 : i32
    %dma_start3A_349 = tpu.memref_slice %arg7[%dma_start3A_343, %dma_start3A_348] : memref<80x128xi32, #tpu.memory_space<vmem>> -> memref<1x128xi32, #tpu.memory_space<vmem>>
    %dma_start3A_350 = tpu.memref_squeeze %dma_start3A_349 : memref<1x128xi32, #tpu.memory_space<vmem>> -> memref<128xi32, #tpu.memory_space<vmem>>
    %dma_start3A_351 = arith.constant 0 : i32
    %dma_start3A_352 = arith.constant 0 : i32
    %dma_start3A_353 = tpu.memref_slice %arg12[%dma_start3A_351, %dma_start3A_352] : memref<10112x16xf32, #tpu.memory_space<vmem_shared>> -> memref<10112x16xf32, #tpu.memory_space<vmem_shared>>
    tpu.enqueue_indirect_dma source(%dma_start3A_347 : memref<128x16xf32, #tpu.memory_space<vmem>>) target(%dma_start3A_353 : memref<10112x16xf32, #tpu.memory_space<vmem_shared>>) offsets(%dma_start3A_350 : memref<128xi32, #tpu.memory_space<vmem>>) semaphore(%arg29 : memref<!tpu.dma_semaphore, #tpu.memory_space<semaphore_mem>>) {add = true}
    %dma_start3A_354 = arith.constant 5 : i32
    %dma_start3A_355 = arith.constant 0 : i32
    %dma_start3A_356 = tpu.memref_slice %arg7[%dma_start3A_354, %dma_start3A_355] : memref<80x128xi32, #tpu.memory_space<vmem>> -> memref<1x128xi32, #tpu.memory_space<vmem>>
    %dma_start3A_357 = tpu.memref_squeeze %dma_start3A_356 : memref<1x128xi32, #tpu.memory_space<vmem>> -> memref<128xi32, #tpu.memory_space<vmem>>
    %dma_start3A_358 = arith.constant 0 : i32
    %dma_start3A_359 = arith.constant 0 : i32
    %dma_start3A_360 = tpu.memref_slice %arg13[%dma_start3A_358, %dma_start3A_359] : memref<10112x16xf32, #tpu.memory_space<vmem_shared>> -> memref<10112x16xf32, #tpu.memory_space<vmem_shared>>
    tpu.enqueue_indirect_dma source(%arg9 : memref<128x16xf32, #tpu.memory_space<vmem>>) target(%dma_start3A_360 : memref<10112x16xf32, #tpu.memory_space<vmem_shared>>) offsets(%dma_start3A_357 : memref<128xi32, #tpu.memory_space<vmem>>) semaphore(%arg39 : memref<!tpu.dma_semaphore, #tpu.memory_space<semaphore_mem>>) {add = true}
    %dma_wait3A_361 = arith.constant 1 : i32
    %dma_wait3A_362 = arith.constant 0 : i32
    %dma_wait3A_363 = arith.constant 0 : i32
    %dma_wait3A_364 = arith.constant 0 : i32
    %dma_wait3A_365 = tpu.memref_slice %arg8[%dma_wait3A_361, %dma_wait3A_363, %dma_wait3A_364] : memref<10x128x16xf32, #tpu.memory_space<vmem>> -> memref<1x128x16xf32, #tpu.memory_space<vmem>>
    %dma_wait3A_366 = tpu.memref_squeeze %dma_wait3A_365 : memref<1x128x16xf32, #tpu.memory_space<vmem>> -> memref<128x16xf32, #tpu.memory_space<vmem>>
    %dma_wait3A_367 = arith.constant 0 : i32
    %dma_wait3A_368 = tpu.memref_slice %arg7[%dma_wait3A_362, %dma_wait3A_367] : memref<80x128xi32, #tpu.memory_space<vmem>> -> memref<1x128xi32, #tpu.memory_space<vmem>>
    %dma_wait3A_369 = tpu.memref_squeeze %dma_wait3A_368 : memref<1x128xi32, #tpu.memory_space<vmem>> -> memref<128xi32, #tpu.memory_space<vmem>>
    %dma_wait3A_370 = arith.constant 0 : i32
    %dma_wait3A_371 = arith.constant 0 : i32
    %dma_wait3A_372 = tpu.memref_slice %arg12[%dma_wait3A_370, %dma_wait3A_371] : memref<10112x16xf32, #tpu.memory_space<vmem_shared>> -> memref<10112x16xf32, #tpu.memory_space<vmem_shared>>
    tpu.wait_indirect_dma semaphore(%arg25 : memref<!tpu.dma_semaphore, #tpu.memory_space<semaphore_mem>>) src(%dma_wait3A_366 : memref<128x16xf32, #tpu.memory_space<vmem>>) dst(%dma_wait3A_372 : memref<10112x16xf32, #tpu.memory_space<vmem_shared>>)
    %dma_wait3A_373 = arith.constant 0 : i32
    %dma_wait3A_374 = arith.constant 0 : i32
    %dma_wait3A_375 = tpu.memref_slice %arg7[%dma_wait3A_373, %dma_wait3A_374] : memref<80x128xi32, #tpu.memory_space<vmem>> -> memref<1x128xi32, #tpu.memory_space<vmem>>
    %dma_wait3A_376 = tpu.memref_squeeze %dma_wait3A_375 : memref<1x128xi32, #tpu.memory_space<vmem>> -> memref<128xi32, #tpu.memory_space<vmem>>
    %dma_wait3A_377 = arith.constant 0 : i32
    %dma_wait3A_378 = arith.constant 0 : i32
    %dma_wait3A_379 = tpu.memref_slice %arg13[%dma_wait3A_377, %dma_wait3A_378] : memref<10112x16xf32, #tpu.memory_space<vmem_shared>> -> memref<10112x16xf32, #tpu.memory_space<vmem_shared>>
    tpu.wait_indirect_dma semaphore(%arg35 : memref<!tpu.dma_semaphore, #tpu.memory_space<semaphore_mem>>) src(%arg9 : memref<128x16xf32, #tpu.memory_space<vmem>>) dst(%dma_wait3A_379 : memref<10112x16xf32, #tpu.memory_space<vmem_shared>>)
    %dma_start3A_380 = arith.constant 11 : i32
    %dma_start3A_381 = arith.constant 1 : i32
    %dma_start3A_382 = arith.constant 0 : i32
    %dma_start3A_383 = arith.constant 0 : i32
    %dma_start3A_384 = tpu.memref_slice %arg8[%dma_start3A_381, %dma_start3A_382, %dma_start3A_383] : memref<10x128x16xf32, #tpu.memory_space<vmem>> -> memref<1x128x16xf32, #tpu.memory_space<vmem>>
    %dma_start3A_385 = tpu.memref_squeeze %dma_start3A_384 : memref<1x128x16xf32, #tpu.memory_space<vmem>> -> memref<128x16xf32, #tpu.memory_space<vmem>>
    %dma_start3A_386 = arith.constant 0 : i32
    %dma_start3A_387 = tpu.memref_slice %arg6[%dma_start3A_380, %dma_start3A_386] : memref<80x128xi32, #tpu.memory_space<vmem>> -> memref<1x128xi32, #tpu.memory_space<vmem>>
    %dma_start3A_388 = tpu.memref_squeeze %dma_start3A_387 : memref<1x128xi32, #tpu.memory_space<vmem>> -> memref<128xi32, #tpu.memory_space<vmem>>
    %dma_start3A_389 = arith.constant 0 : i32
    %dma_start3A_390 = arith.constant 0 : i32
    %dma_start3A_391 = tpu.memref_slice %arg11[%dma_start3A_389, %dma_start3A_390] : memref<10112x16xf32, #tpu.memory_space<vmem_shared>> -> memref<10112x16xf32, #tpu.memory_space<vmem_shared>>
    tpu.enqueue_indirect_dma source(%dma_start3A_391 : memref<10112x16xf32, #tpu.memory_space<vmem_shared>>) target(%dma_start3A_385 : memref<128x16xf32, #tpu.memory_space<vmem>>) offsets(%dma_start3A_388 : memref<128xi32, #tpu.memory_space<vmem>>) semaphore(%arg15 : memref<!tpu.dma_semaphore, #tpu.memory_space<semaphore_mem>>)
    %dma_wait3A_392 = arith.constant 0 : i32
    %dma_wait3A_393 = arith.constant 6 : i32
    %dma_wait3A_394 = arith.constant 0 : i32
    %dma_wait3A_395 = arith.constant 0 : i32
    %dma_wait3A_396 = tpu.memref_slice %arg8[%dma_wait3A_393, %dma_wait3A_394, %dma_wait3A_395] : memref<10x128x16xf32, #tpu.memory_space<vmem>> -> memref<1x128x16xf32, #tpu.memory_space<vmem>>
    %dma_wait3A_397 = tpu.memref_squeeze %dma_wait3A_396 : memref<1x128x16xf32, #tpu.memory_space<vmem>> -> memref<128x16xf32, #tpu.memory_space<vmem>>
    %dma_wait3A_398 = arith.constant 0 : i32
    %dma_wait3A_399 = tpu.memref_slice %arg6[%dma_wait3A_392, %dma_wait3A_398] : memref<80x128xi32, #tpu.memory_space<vmem>> -> memref<1x128xi32, #tpu.memory_space<vmem>>
    %dma_wait3A_400 = tpu.memref_squeeze %dma_wait3A_399 : memref<1x128xi32, #tpu.memory_space<vmem>> -> memref<128xi32, #tpu.memory_space<vmem>>
    %dma_wait3A_401 = arith.constant 0 : i32
    %dma_wait3A_402 = arith.constant 0 : i32
    %dma_wait3A_403 = tpu.memref_slice %arg11[%dma_wait3A_401, %dma_wait3A_402] : memref<10112x16xf32, #tpu.memory_space<vmem_shared>> -> memref<10112x16xf32, #tpu.memory_space<vmem_shared>>
    tpu.wait_indirect_dma semaphore(%arg20 : memref<!tpu.dma_semaphore, #tpu.memory_space<semaphore_mem>>) src(%dma_wait3A_403 : memref<10112x16xf32, #tpu.memory_space<vmem_shared>>) dst(%dma_wait3A_397 : memref<128x16xf32, #tpu.memory_space<vmem>>)
    %dma_start3A_404 = arith.constant 6 : i32
    %dma_start3A_405 = arith.constant 6 : i32
    %dma_start3A_406 = arith.constant 0 : i32
    %dma_start3A_407 = arith.constant 0 : i32
    %dma_start3A_408 = tpu.memref_slice %arg8[%dma_start3A_404, %dma_start3A_406, %dma_start3A_407] : memref<10x128x16xf32, #tpu.memory_space<vmem>> -> memref<1x128x16xf32, #tpu.memory_space<vmem>>
    %dma_start3A_409 = tpu.memref_squeeze %dma_start3A_408 : memref<1x128x16xf32, #tpu.memory_space<vmem>> -> memref<128x16xf32, #tpu.memory_space<vmem>>
    %dma_start3A_410 = arith.constant 0 : i32
    %dma_start3A_411 = tpu.memref_slice %arg7[%dma_start3A_405, %dma_start3A_410] : memref<80x128xi32, #tpu.memory_space<vmem>> -> memref<1x128xi32, #tpu.memory_space<vmem>>
    %dma_start3A_412 = tpu.memref_squeeze %dma_start3A_411 : memref<1x128xi32, #tpu.memory_space<vmem>> -> memref<128xi32, #tpu.memory_space<vmem>>
    %dma_start3A_413 = arith.constant 0 : i32
    %dma_start3A_414 = arith.constant 0 : i32
    %dma_start3A_415 = tpu.memref_slice %arg12[%dma_start3A_413, %dma_start3A_414] : memref<10112x16xf32, #tpu.memory_space<vmem_shared>> -> memref<10112x16xf32, #tpu.memory_space<vmem_shared>>
    tpu.enqueue_indirect_dma source(%dma_start3A_409 : memref<128x16xf32, #tpu.memory_space<vmem>>) target(%dma_start3A_415 : memref<10112x16xf32, #tpu.memory_space<vmem_shared>>) offsets(%dma_start3A_412 : memref<128xi32, #tpu.memory_space<vmem>>) semaphore(%arg30 : memref<!tpu.dma_semaphore, #tpu.memory_space<semaphore_mem>>) {add = true}
    %dma_start3A_416 = arith.constant 6 : i32
    %dma_start3A_417 = arith.constant 0 : i32
    %dma_start3A_418 = tpu.memref_slice %arg7[%dma_start3A_416, %dma_start3A_417] : memref<80x128xi32, #tpu.memory_space<vmem>> -> memref<1x128xi32, #tpu.memory_space<vmem>>
    %dma_start3A_419 = tpu.memref_squeeze %dma_start3A_418 : memref<1x128xi32, #tpu.memory_space<vmem>> -> memref<128xi32, #tpu.memory_space<vmem>>
    %dma_start3A_420 = arith.constant 0 : i32
    %dma_start3A_421 = arith.constant 0 : i32
    %dma_start3A_422 = tpu.memref_slice %arg13[%dma_start3A_420, %dma_start3A_421] : memref<10112x16xf32, #tpu.memory_space<vmem_shared>> -> memref<10112x16xf32, #tpu.memory_space<vmem_shared>>
    tpu.enqueue_indirect_dma source(%arg9 : memref<128x16xf32, #tpu.memory_space<vmem>>) target(%dma_start3A_422 : memref<10112x16xf32, #tpu.memory_space<vmem_shared>>) offsets(%dma_start3A_419 : memref<128xi32, #tpu.memory_space<vmem>>) semaphore(%arg40 : memref<!tpu.dma_semaphore, #tpu.memory_space<semaphore_mem>>) {add = true}
    %dma_wait3A_423 = arith.constant 2 : i32
    %dma_wait3A_424 = arith.constant 0 : i32
    %dma_wait3A_425 = arith.constant 0 : i32
    %dma_wait3A_426 = arith.constant 0 : i32
    %dma_wait3A_427 = tpu.memref_slice %arg8[%dma_wait3A_423, %dma_wait3A_425, %dma_wait3A_426] : memref<10x128x16xf32, #tpu.memory_space<vmem>> -> memref<1x128x16xf32, #tpu.memory_space<vmem>>
    %dma_wait3A_428 = tpu.memref_squeeze %dma_wait3A_427 : memref<1x128x16xf32, #tpu.memory_space<vmem>> -> memref<128x16xf32, #tpu.memory_space<vmem>>
    %dma_wait3A_429 = arith.constant 0 : i32
    %dma_wait3A_430 = tpu.memref_slice %arg7[%dma_wait3A_424, %dma_wait3A_429] : memref<80x128xi32, #tpu.memory_space<vmem>> -> memref<1x128xi32, #tpu.memory_space<vmem>>
    %dma_wait3A_431 = tpu.memref_squeeze %dma_wait3A_430 : memref<1x128xi32, #tpu.memory_space<vmem>> -> memref<128xi32, #tpu.memory_space<vmem>>
    %dma_wait3A_432 = arith.constant 0 : i32
    %dma_wait3A_433 = arith.constant 0 : i32
    %dma_wait3A_434 = tpu.memref_slice %arg12[%dma_wait3A_432, %dma_wait3A_433] : memref<10112x16xf32, #tpu.memory_space<vmem_shared>> -> memref<10112x16xf32, #tpu.memory_space<vmem_shared>>
    tpu.wait_indirect_dma semaphore(%arg26 : memref<!tpu.dma_semaphore, #tpu.memory_space<semaphore_mem>>) src(%dma_wait3A_428 : memref<128x16xf32, #tpu.memory_space<vmem>>) dst(%dma_wait3A_434 : memref<10112x16xf32, #tpu.memory_space<vmem_shared>>)
    %dma_wait3A_435 = arith.constant 0 : i32
    %dma_wait3A_436 = arith.constant 0 : i32
    %dma_wait3A_437 = tpu.memref_slice %arg7[%dma_wait3A_435, %dma_wait3A_436] : memref<80x128xi32, #tpu.memory_space<vmem>> -> memref<1x128xi32, #tpu.memory_space<vmem>>
    %dma_wait3A_438 = tpu.memref_squeeze %dma_wait3A_437 : memref<1x128xi32, #tpu.memory_space<vmem>> -> memref<128xi32, #tpu.memory_space<vmem>>
    %dma_wait3A_439 = arith.constant 0 : i32
    %dma_wait3A_440 = arith.constant 0 : i32
    %dma_wait3A_441 = tpu.memref_slice %arg13[%dma_wait3A_439, %dma_wait3A_440] : memref<10112x16xf32, #tpu.memory_space<vmem_shared>> -> memref<10112x16xf32, #tpu.memory_space<vmem_shared>>
    tpu.wait_indirect_dma semaphore(%arg36 : memref<!tpu.dma_semaphore, #tpu.memory_space<semaphore_mem>>) src(%arg9 : memref<128x16xf32, #tpu.memory_space<vmem>>) dst(%dma_wait3A_441 : memref<10112x16xf32, #tpu.memory_space<vmem_shared>>)
    %dma_start3A_442 = arith.constant 12 : i32
    %dma_start3A_443 = arith.constant 2 : i32
    %dma_start3A_444 = arith.constant 0 : i32
    %dma_start3A_445 = arith.constant 0 : i32
    %dma_start3A_446 = tpu.memref_slice %arg8[%dma_start3A_443, %dma_start3A_444, %dma_start3A_445] : memref<10x128x16xf32, #tpu.memory_space<vmem>> -> memref<1x128x16xf32, #tpu.memory_space<vmem>>
    %dma_start3A_447 = tpu.memref_squeeze %dma_start3A_446 : memref<1x128x16xf32, #tpu.memory_space<vmem>> -> memref<128x16xf32, #tpu.memory_space<vmem>>
    %dma_start3A_448 = arith.constant 0 : i32
    %dma_start3A_449 = tpu.memref_slice %arg6[%dma_start3A_442, %dma_start3A_448] : memref<80x128xi32, #tpu.memory_space<vmem>> -> memref<1x128xi32, #tpu.memory_space<vmem>>
    %dma_start3A_450 = tpu.memref_squeeze %dma_start3A_449 : memref<1x128xi32, #tpu.memory_space<vmem>> -> memref<128xi32, #tpu.memory_space<vmem>>
    %dma_start3A_451 = arith.constant 0 : i32
    %dma_start3A_452 = arith.constant 0 : i32
    %dma_start3A_453 = tpu.memref_slice %arg11[%dma_start3A_451, %dma_start3A_452] : memref<10112x16xf32, #tpu.memory_space<vmem_shared>> -> memref<10112x16xf32, #tpu.memory_space<vmem_shared>>
    tpu.enqueue_indirect_dma source(%dma_start3A_453 : memref<10112x16xf32, #tpu.memory_space<vmem_shared>>) target(%dma_start3A_447 : memref<128x16xf32, #tpu.memory_space<vmem>>) offsets(%dma_start3A_450 : memref<128xi32, #tpu.memory_space<vmem>>) semaphore(%arg16 : memref<!tpu.dma_semaphore, #tpu.memory_space<semaphore_mem>>)
    %dma_wait3A_454 = arith.constant 0 : i32
    %dma_wait3A_455 = arith.constant 7 : i32
    %dma_wait3A_456 = arith.constant 0 : i32
    %dma_wait3A_457 = arith.constant 0 : i32
    %dma_wait3A_458 = tpu.memref_slice %arg8[%dma_wait3A_455, %dma_wait3A_456, %dma_wait3A_457] : memref<10x128x16xf32, #tpu.memory_space<vmem>> -> memref<1x128x16xf32, #tpu.memory_space<vmem>>
    %dma_wait3A_459 = tpu.memref_squeeze %dma_wait3A_458 : memref<1x128x16xf32, #tpu.memory_space<vmem>> -> memref<128x16xf32, #tpu.memory_space<vmem>>
    %dma_wait3A_460 = arith.constant 0 : i32
    %dma_wait3A_461 = tpu.memref_slice %arg6[%dma_wait3A_454, %dma_wait3A_460] : memref<80x128xi32, #tpu.memory_space<vmem>> -> memref<1x128xi32, #tpu.memory_space<vmem>>
    %dma_wait3A_462 = tpu.memref_squeeze %dma_wait3A_461 : memref<1x128xi32, #tpu.memory_space<vmem>> -> memref<128xi32, #tpu.memory_space<vmem>>
    %dma_wait3A_463 = arith.constant 0 : i32
    %dma_wait3A_464 = arith.constant 0 : i32
    %dma_wait3A_465 = tpu.memref_slice %arg11[%dma_wait3A_463, %dma_wait3A_464] : memref<10112x16xf32, #tpu.memory_space<vmem_shared>> -> memref<10112x16xf32, #tpu.memory_space<vmem_shared>>
    tpu.wait_indirect_dma semaphore(%arg21 : memref<!tpu.dma_semaphore, #tpu.memory_space<semaphore_mem>>) src(%dma_wait3A_465 : memref<10112x16xf32, #tpu.memory_space<vmem_shared>>) dst(%dma_wait3A_459 : memref<128x16xf32, #tpu.memory_space<vmem>>)
    %dma_start3A_466 = arith.constant 7 : i32
    %dma_start3A_467 = arith.constant 7 : i32
    %dma_start3A_468 = arith.constant 0 : i32
    %dma_start3A_469 = arith.constant 0 : i32
    %dma_start3A_470 = tpu.memref_slice %arg8[%dma_start3A_466, %dma_start3A_468, %dma_start3A_469] : memref<10x128x16xf32, #tpu.memory_space<vmem>> -> memref<1x128x16xf32, #tpu.memory_space<vmem>>
    %dma_start3A_471 = tpu.memref_squeeze %dma_start3A_470 : memref<1x128x16xf32, #tpu.memory_space<vmem>> -> memref<128x16xf32, #tpu.memory_space<vmem>>
    %dma_start3A_472 = arith.constant 0 : i32
    %dma_start3A_473 = tpu.memref_slice %arg7[%dma_start3A_467, %dma_start3A_472] : memref<80x128xi32, #tpu.memory_space<vmem>> -> memref<1x128xi32, #tpu.memory_space<vmem>>
    %dma_start3A_474 = tpu.memref_squeeze %dma_start3A_473 : memref<1x128xi32, #tpu.memory_space<vmem>> -> memref<128xi32, #tpu.memory_space<vmem>>
    %dma_start3A_475 = arith.constant 0 : i32
    %dma_start3A_476 = arith.constant 0 : i32
    %dma_start3A_477 = tpu.memref_slice %arg12[%dma_start3A_475, %dma_start3A_476] : memref<10112x16xf32, #tpu.memory_space<vmem_shared>> -> memref<10112x16xf32, #tpu.memory_space<vmem_shared>>
    tpu.enqueue_indirect_dma source(%dma_start3A_471 : memref<128x16xf32, #tpu.memory_space<vmem>>) target(%dma_start3A_477 : memref<10112x16xf32, #tpu.memory_space<vmem_shared>>) offsets(%dma_start3A_474 : memref<128xi32, #tpu.memory_space<vmem>>) semaphore(%arg31 : memref<!tpu.dma_semaphore, #tpu.memory_space<semaphore_mem>>) {add = true}
    %dma_start3A_478 = arith.constant 7 : i32
    %dma_start3A_479 = arith.constant 0 : i32
    %dma_start3A_480 = tpu.memref_slice %arg7[%dma_start3A_478, %dma_start3A_479] : memref<80x128xi32, #tpu.memory_space<vmem>> -> memref<1x128xi32, #tpu.memory_space<vmem>>
    %dma_start3A_481 = tpu.memref_squeeze %dma_start3A_480 : memref<1x128xi32, #tpu.memory_space<vmem>> -> memref<128xi32, #tpu.memory_space<vmem>>
    %dma_start3A_482 = arith.constant 0 : i32
    %dma_start3A_483 = arith.constant 0 : i32
    %dma_start3A_484 = tpu.memref_slice %arg13[%dma_start3A_482, %dma_start3A_483] : memref<10112x16xf32, #tpu.memory_space<vmem_shared>> -> memref<10112x16xf32, #tpu.memory_space<vmem_shared>>
    tpu.enqueue_indirect_dma source(%arg9 : memref<128x16xf32, #tpu.memory_space<vmem>>) target(%dma_start3A_484 : memref<10112x16xf32, #tpu.memory_space<vmem_shared>>) offsets(%dma_start3A_481 : memref<128xi32, #tpu.memory_space<vmem>>) semaphore(%arg41 : memref<!tpu.dma_semaphore, #tpu.memory_space<semaphore_mem>>) {add = true}
    %dma_wait3A_485 = arith.constant 3 : i32
    %dma_wait3A_486 = arith.constant 0 : i32
    %dma_wait3A_487 = arith.constant 0 : i32
    %dma_wait3A_488 = arith.constant 0 : i32
    %dma_wait3A_489 = tpu.memref_slice %arg8[%dma_wait3A_485, %dma_wait3A_487, %dma_wait3A_488] : memref<10x128x16xf32, #tpu.memory_space<vmem>> -> memref<1x128x16xf32, #tpu.memory_space<vmem>>
    %dma_wait3A_490 = tpu.memref_squeeze %dma_wait3A_489 : memref<1x128x16xf32, #tpu.memory_space<vmem>> -> memref<128x16xf32, #tpu.memory_space<vmem>>
    %dma_wait3A_491 = arith.constant 0 : i32
    %dma_wait3A_492 = tpu.memref_slice %arg7[%dma_wait3A_486, %dma_wait3A_491] : memref<80x128xi32, #tpu.memory_space<vmem>> -> memref<1x128xi32, #tpu.memory_space<vmem>>
    %dma_wait3A_493 = tpu.memref_squeeze %dma_wait3A_492 : memref<1x128xi32, #tpu.memory_space<vmem>> -> memref<128xi32, #tpu.memory_space<vmem>>
    %dma_wait3A_494 = arith.constant 0 : i32
    %dma_wait3A_495 = arith.constant 0 : i32
    %dma_wait3A_496 = tpu.memref_slice %arg12[%dma_wait3A_494, %dma_wait3A_495] : memref<10112x16xf32, #tpu.memory_space<vmem_shared>> -> memref<10112x16xf32, #tpu.memory_space<vmem_shared>>
    tpu.wait_indirect_dma semaphore(%arg27 : memref<!tpu.dma_semaphore, #tpu.memory_space<semaphore_mem>>) src(%dma_wait3A_490 : memref<128x16xf32, #tpu.memory_space<vmem>>) dst(%dma_wait3A_496 : memref<10112x16xf32, #tpu.memory_space<vmem_shared>>)
    %dma_wait3A_497 = arith.constant 0 : i32
    %dma_wait3A_498 = arith.constant 0 : i32
    %dma_wait3A_499 = tpu.memref_slice %arg7[%dma_wait3A_497, %dma_wait3A_498] : memref<80x128xi32, #tpu.memory_space<vmem>> -> memref<1x128xi32, #tpu.memory_space<vmem>>
    %dma_wait3A_500 = tpu.memref_squeeze %dma_wait3A_499 : memref<1x128xi32, #tpu.memory_space<vmem>> -> memref<128xi32, #tpu.memory_space<vmem>>
    %dma_wait3A_501 = arith.constant 0 : i32
    %dma_wait3A_502 = arith.constant 0 : i32
    %dma_wait3A_503 = tpu.memref_slice %arg13[%dma_wait3A_501, %dma_wait3A_502] : memref<10112x16xf32, #tpu.memory_space<vmem_shared>> -> memref<10112x16xf32, #tpu.memory_space<vmem_shared>>
    tpu.wait_indirect_dma semaphore(%arg37 : memref<!tpu.dma_semaphore, #tpu.memory_space<semaphore_mem>>) src(%arg9 : memref<128x16xf32, #tpu.memory_space<vmem>>) dst(%dma_wait3A_503 : memref<10112x16xf32, #tpu.memory_space<vmem_shared>>)
    %dma_start3A_504 = arith.constant 13 : i32
    %dma_start3A_505 = arith.constant 3 : i32
    %dma_start3A_506 = arith.constant 0 : i32
    %dma_start3A_507 = arith.constant 0 : i32
    %dma_start3A_508 = tpu.memref_slice %arg8[%dma_start3A_505, %dma_start3A_506, %dma_start3A_507] : memref<10x128x16xf32, #tpu.memory_space<vmem>> -> memref<1x128x16xf32, #tpu.memory_space<vmem>>
    %dma_start3A_509 = tpu.memref_squeeze %dma_start3A_508 : memref<1x128x16xf32, #tpu.memory_space<vmem>> -> memref<128x16xf32, #tpu.memory_space<vmem>>
    %dma_start3A_510 = arith.constant 0 : i32
    %dma_start3A_511 = tpu.memref_slice %arg6[%dma_start3A_504, %dma_start3A_510] : memref<80x128xi32, #tpu.memory_space<vmem>> -> memref<1x128xi32, #tpu.memory_space<vmem>>
    %dma_start3A_512 = tpu.memref_squeeze %dma_start3A_511 : memref<1x128xi32, #tpu.memory_space<vmem>> -> memref<128xi32, #tpu.memory_space<vmem>>
    %dma_start3A_513 = arith.constant 0 : i32
    %dma_start3A_514 = arith.constant 0 : i32
    %dma_start3A_515 = tpu.memref_slice %arg11[%dma_start3A_513, %dma_start3A_514] : memref<10112x16xf32, #tpu.memory_space<vmem_shared>> -> memref<10112x16xf32, #tpu.memory_space<vmem_shared>>
    tpu.enqueue_indirect_dma source(%dma_start3A_515 : memref<10112x16xf32, #tpu.memory_space<vmem_shared>>) target(%dma_start3A_509 : memref<128x16xf32, #tpu.memory_space<vmem>>) offsets(%dma_start3A_512 : memref<128xi32, #tpu.memory_space<vmem>>) semaphore(%arg17 : memref<!tpu.dma_semaphore, #tpu.memory_space<semaphore_mem>>)
    %dma_wait3A_516 = arith.constant 0 : i32
    %dma_wait3A_517 = arith.constant 8 : i32
    %dma_wait3A_518 = arith.constant 0 : i32
    %dma_wait3A_519 = arith.constant 0 : i32
    %dma_wait3A_520 = tpu.memref_slice %arg8[%dma_wait3A_517, %dma_wait3A_518, %dma_wait3A_519] : memref<10x128x16xf32, #tpu.memory_space<vmem>> -> memref<1x128x16xf32, #tpu.memory_space<vmem>>
    %dma_wait3A_521 = tpu.memref_squeeze %dma_wait3A_520 : memref<1x128x16xf32, #tpu.memory_space<vmem>> -> memref<128x16xf32, #tpu.memory_space<vmem>>
    %dma_wait3A_522 = arith.constant 0 : i32
    %dma_wait3A_523 = tpu.memref_slice %arg6[%dma_wait3A_516, %dma_wait3A_522] : memref<80x128xi32, #tpu.memory_space<vmem>> -> memref<1x128xi32, #tpu.memory_space<vmem>>
    %dma_wait3A_524 = tpu.memref_squeeze %dma_wait3A_523 : memref<1x128xi32, #tpu.memory_space<vmem>> -> memref<128xi32, #tpu.memory_space<vmem>>
    %dma_wait3A_525 = arith.constant 0 : i32
    %dma_wait3A_526 = arith.constant 0 : i32
    %dma_wait3A_527 = tpu.memref_slice %arg11[%dma_wait3A_525, %dma_wait3A_526] : memref<10112x16xf32, #tpu.memory_space<vmem_shared>> -> memref<10112x16xf32, #tpu.memory_space<vmem_shared>>
    tpu.wait_indirect_dma semaphore(%arg22 : memref<!tpu.dma_semaphore, #tpu.memory_space<semaphore_mem>>) src(%dma_wait3A_527 : memref<10112x16xf32, #tpu.memory_space<vmem_shared>>) dst(%dma_wait3A_521 : memref<128x16xf32, #tpu.memory_space<vmem>>)
    %dma_start3A_528 = arith.constant 8 : i32
    %dma_start3A_529 = arith.constant 8 : i32
    %dma_start3A_530 = arith.constant 0 : i32
    %dma_start3A_531 = arith.constant 0 : i32
    %dma_start3A_532 = tpu.memref_slice %arg8[%dma_start3A_528, %dma_start3A_530, %dma_start3A_531] : memref<10x128x16xf32, #tpu.memory_space<vmem>> -> memref<1x128x16xf32, #tpu.memory_space<vmem>>
    %dma_start3A_533 = tpu.memref_squeeze %dma_start3A_532 : memref<1x128x16xf32, #tpu.memory_space<vmem>> -> memref<128x16xf32, #tpu.memory_space<vmem>>
    %dma_start3A_534 = arith.constant 0 : i32
    %dma_start3A_535 = tpu.memref_slice %arg7[%dma_start3A_529, %dma_start3A_534] : memref<80x128xi32, #tpu.memory_space<vmem>> -> memref<1x128xi32, #tpu.memory_space<vmem>>
    %dma_start3A_536 = tpu.memref_squeeze %dma_start3A_535 : memref<1x128xi32, #tpu.memory_space<vmem>> -> memref<128xi32, #tpu.memory_space<vmem>>
    %dma_start3A_537 = arith.constant 0 : i32
    %dma_start3A_538 = arith.constant 0 : i32
    %dma_start3A_539 = tpu.memref_slice %arg12[%dma_start3A_537, %dma_start3A_538] : memref<10112x16xf32, #tpu.memory_space<vmem_shared>> -> memref<10112x16xf32, #tpu.memory_space<vmem_shared>>
    tpu.enqueue_indirect_dma source(%dma_start3A_533 : memref<128x16xf32, #tpu.memory_space<vmem>>) target(%dma_start3A_539 : memref<10112x16xf32, #tpu.memory_space<vmem_shared>>) offsets(%dma_start3A_536 : memref<128xi32, #tpu.memory_space<vmem>>) semaphore(%arg32 : memref<!tpu.dma_semaphore, #tpu.memory_space<semaphore_mem>>) {add = true}
    %dma_start3A_540 = arith.constant 8 : i32
    %dma_start3A_541 = arith.constant 0 : i32
    %dma_start3A_542 = tpu.memref_slice %arg7[%dma_start3A_540, %dma_start3A_541] : memref<80x128xi32, #tpu.memory_space<vmem>> -> memref<1x128xi32, #tpu.memory_space<vmem>>
    %dma_start3A_543 = tpu.memref_squeeze %dma_start3A_542 : memref<1x128xi32, #tpu.memory_space<vmem>> -> memref<128xi32, #tpu.memory_space<vmem>>
    %dma_start3A_544 = arith.constant 0 : i32
    %dma_start3A_545 = arith.constant 0 : i32
    %dma_start3A_546 = tpu.memref_slice %arg13[%dma_start3A_544, %dma_start3A_545] : memref<10112x16xf32, #tpu.memory_space<vmem_shared>> -> memref<10112x16xf32, #tpu.memory_space<vmem_shared>>
    tpu.enqueue_indirect_dma source(%arg9 : memref<128x16xf32, #tpu.memory_space<vmem>>) target(%dma_start3A_546 : memref<10112x16xf32, #tpu.memory_space<vmem_shared>>) offsets(%dma_start3A_543 : memref<128xi32, #tpu.memory_space<vmem>>) semaphore(%arg42 : memref<!tpu.dma_semaphore, #tpu.memory_space<semaphore_mem>>) {add = true}
    %dma_wait3A_547 = arith.constant 4 : i32
    %dma_wait3A_548 = arith.constant 0 : i32
    %dma_wait3A_549 = arith.constant 0 : i32
    %dma_wait3A_550 = arith.constant 0 : i32
    %dma_wait3A_551 = tpu.memref_slice %arg8[%dma_wait3A_547, %dma_wait3A_549, %dma_wait3A_550] : memref<10x128x16xf32, #tpu.memory_space<vmem>> -> memref<1x128x16xf32, #tpu.memory_space<vmem>>
    %dma_wait3A_552 = tpu.memref_squeeze %dma_wait3A_551 : memref<1x128x16xf32, #tpu.memory_space<vmem>> -> memref<128x16xf32, #tpu.memory_space<vmem>>
    %dma_wait3A_553 = arith.constant 0 : i32
    %dma_wait3A_554 = tpu.memref_slice %arg7[%dma_wait3A_548, %dma_wait3A_553] : memref<80x128xi32, #tpu.memory_space<vmem>> -> memref<1x128xi32, #tpu.memory_space<vmem>>
    %dma_wait3A_555 = tpu.memref_squeeze %dma_wait3A_554 : memref<1x128xi32, #tpu.memory_space<vmem>> -> memref<128xi32, #tpu.memory_space<vmem>>
    %dma_wait3A_556 = arith.constant 0 : i32
    %dma_wait3A_557 = arith.constant 0 : i32
    %dma_wait3A_558 = tpu.memref_slice %arg12[%dma_wait3A_556, %dma_wait3A_557] : memref<10112x16xf32, #tpu.memory_space<vmem_shared>> -> memref<10112x16xf32, #tpu.memory_space<vmem_shared>>
    tpu.wait_indirect_dma semaphore(%arg28 : memref<!tpu.dma_semaphore, #tpu.memory_space<semaphore_mem>>) src(%dma_wait3A_552 : memref<128x16xf32, #tpu.memory_space<vmem>>) dst(%dma_wait3A_558 : memref<10112x16xf32, #tpu.memory_space<vmem_shared>>)
    %dma_wait3A_559 = arith.constant 0 : i32
    %dma_wait3A_560 = arith.constant 0 : i32
    %dma_wait3A_561 = tpu.memref_slice %arg7[%dma_wait3A_559, %dma_wait3A_560] : memref<80x128xi32, #tpu.memory_space<vmem>> -> memref<1x128xi32, #tpu.memory_space<vmem>>
    %dma_wait3A_562 = tpu.memref_squeeze %dma_wait3A_561 : memref<1x128xi32, #tpu.memory_space<vmem>> -> memref<128xi32, #tpu.memory_space<vmem>>
    %dma_wait3A_563 = arith.constant 0 : i32
    %dma_wait3A_564 = arith.constant 0 : i32
    %dma_wait3A_565 = tpu.memref_slice %arg13[%dma_wait3A_563, %dma_wait3A_564] : memref<10112x16xf32, #tpu.memory_space<vmem_shared>> -> memref<10112x16xf32, #tpu.memory_space<vmem_shared>>
    tpu.wait_indirect_dma semaphore(%arg38 : memref<!tpu.dma_semaphore, #tpu.memory_space<semaphore_mem>>) src(%arg9 : memref<128x16xf32, #tpu.memory_space<vmem>>) dst(%dma_wait3A_565 : memref<10112x16xf32, #tpu.memory_space<vmem_shared>>)
    %dma_start3A_566 = arith.constant 14 : i32
    %dma_start3A_567 = arith.constant 4 : i32
    %dma_start3A_568 = arith.constant 0 : i32
    %dma_start3A_569 = arith.constant 0 : i32
    %dma_start3A_570 = tpu.memref_slice %arg8[%dma_start3A_567, %dma_start3A_568, %dma_start3A_569] : memref<10x128x16xf32, #tpu.memory_space<vmem>> -> memref<1x128x16xf32, #tpu.memory_space<vmem>>
    %dma_start3A_571 = tpu.memref_squeeze %dma_start3A_570 : memref<1x128x16xf32, #tpu.memory_space<vmem>> -> memref<128x16xf32, #tpu.memory_space<vmem>>
    %dma_start3A_572 = arith.constant 0 : i32
    %dma_start3A_573 = tpu.memref_slice %arg6[%dma_start3A_566, %dma_start3A_572] : memref<80x128xi32, #tpu.memory_space<vmem>> -> memref<1x128xi32, #tpu.memory_space<vmem>>
    %dma_start3A_574 = tpu.memref_squeeze %dma_start3A_573 : memref<1x128xi32, #tpu.memory_space<vmem>> -> memref<128xi32, #tpu.memory_space<vmem>>
    %dma_start3A_575 = arith.constant 0 : i32
    %dma_start3A_576 = arith.constant 0 : i32
    %dma_start3A_577 = tpu.memref_slice %arg11[%dma_start3A_575, %dma_start3A_576] : memref<10112x16xf32, #tpu.memory_space<vmem_shared>> -> memref<10112x16xf32, #tpu.memory_space<vmem_shared>>
    tpu.enqueue_indirect_dma source(%dma_start3A_577 : memref<10112x16xf32, #tpu.memory_space<vmem_shared>>) target(%dma_start3A_571 : memref<128x16xf32, #tpu.memory_space<vmem>>) offsets(%dma_start3A_574 : memref<128xi32, #tpu.memory_space<vmem>>) semaphore(%arg18 : memref<!tpu.dma_semaphore, #tpu.memory_space<semaphore_mem>>)
    %dma_wait3A_578 = arith.constant 0 : i32
    %dma_wait3A_579 = arith.constant 9 : i32
    %dma_wait3A_580 = arith.constant 0 : i32
    %dma_wait3A_581 = arith.constant 0 : i32
    %dma_wait3A_582 = tpu.memref_slice %arg8[%dma_wait3A_579, %dma_wait3A_580, %dma_wait3A_581] : memref<10x128x16xf32, #tpu.memory_space<vmem>> -> memref<1x128x16xf32, #tpu.memory_space<vmem>>
    %dma_wait3A_583 = tpu.memref_squeeze %dma_wait3A_582 : memref<1x128x16xf32, #tpu.memory_space<vmem>> -> memref<128x16xf32, #tpu.memory_space<vmem>>
    %dma_wait3A_584 = arith.constant 0 : i32
    %dma_wait3A_585 = tpu.memref_slice %arg6[%dma_wait3A_578, %dma_wait3A_584] : memref<80x128xi32, #tpu.memory_space<vmem>> -> memref<1x128xi32, #tpu.memory_space<vmem>>
    %dma_wait3A_586 = tpu.memref_squeeze %dma_wait3A_585 : memref<1x128xi32, #tpu.memory_space<vmem>> -> memref<128xi32, #tpu.memory_space<vmem>>
    %dma_wait3A_587 = arith.constant 0 : i32
    %dma_wait3A_588 = arith.constant 0 : i32
    %dma_wait3A_589 = tpu.memref_slice %arg11[%dma_wait3A_587, %dma_wait3A_588] : memref<10112x16xf32, #tpu.memory_space<vmem_shared>> -> memref<10112x16xf32, #tpu.memory_space<vmem_shared>>
    tpu.wait_indirect_dma semaphore(%arg23 : memref<!tpu.dma_semaphore, #tpu.memory_space<semaphore_mem>>) src(%dma_wait3A_589 : memref<10112x16xf32, #tpu.memory_space<vmem_shared>>) dst(%dma_wait3A_583 : memref<128x16xf32, #tpu.memory_space<vmem>>)
    %dma_start3A_590 = arith.constant 9 : i32
    %dma_start3A_591 = arith.constant 9 : i32
    %dma_start3A_592 = arith.constant 0 : i32
    %dma_start3A_593 = arith.constant 0 : i32
    %dma_start3A_594 = tpu.memref_slice %arg8[%dma_start3A_590, %dma_start3A_592, %dma_start3A_593] : memref<10x128x16xf32, #tpu.memory_space<vmem>> -> memref<1x128x16xf32, #tpu.memory_space<vmem>>
    %dma_start3A_595 = tpu.memref_squeeze %dma_start3A_594 : memref<1x128x16xf32, #tpu.memory_space<vmem>> -> memref<128x16xf32, #tpu.memory_space<vmem>>
    %dma_start3A_596 = arith.constant 0 : i32
    %dma_start3A_597 = tpu.memref_slice %arg7[%dma_start3A_591, %dma_start3A_596] : memref<80x128xi32, #tpu.memory_space<vmem>> -> memref<1x128xi32, #tpu.memory_space<vmem>>
    %dma_start3A_598 = tpu.memref_squeeze %dma_start3A_597 : memref<1x128xi32, #tpu.memory_space<vmem>> -> memref<128xi32, #tpu.memory_space<vmem>>
    %dma_start3A_599 = arith.constant 0 : i32
    %dma_start3A_600 = arith.constant 0 : i32
    %dma_start3A_601 = tpu.memref_slice %arg12[%dma_start3A_599, %dma_start3A_600] : memref<10112x16xf32, #tpu.memory_space<vmem_shared>> -> memref<10112x16xf32, #tpu.memory_space<vmem_shared>>
    tpu.enqueue_indirect_dma source(%dma_start3A_595 : memref<128x16xf32, #tpu.memory_space<vmem>>) target(%dma_start3A_601 : memref<10112x16xf32, #tpu.memory_space<vmem_shared>>) offsets(%dma_start3A_598 : memref<128xi32, #tpu.memory_space<vmem>>) semaphore(%arg33 : memref<!tpu.dma_semaphore, #tpu.memory_space<semaphore_mem>>) {add = true}
    %dma_start3A_602 = arith.constant 9 : i32
    %dma_start3A_603 = arith.constant 0 : i32
    %dma_start3A_604 = tpu.memref_slice %arg7[%dma_start3A_602, %dma_start3A_603] : memref<80x128xi32, #tpu.memory_space<vmem>> -> memref<1x128xi32, #tpu.memory_space<vmem>>
    %dma_start3A_605 = tpu.memref_squeeze %dma_start3A_604 : memref<1x128xi32, #tpu.memory_space<vmem>> -> memref<128xi32, #tpu.memory_space<vmem>>
    %dma_start3A_606 = arith.constant 0 : i32
    %dma_start3A_607 = arith.constant 0 : i32
    %dma_start3A_608 = tpu.memref_slice %arg13[%dma_start3A_606, %dma_start3A_607] : memref<10112x16xf32, #tpu.memory_space<vmem_shared>> -> memref<10112x16xf32, #tpu.memory_space<vmem_shared>>
    tpu.enqueue_indirect_dma source(%arg9 : memref<128x16xf32, #tpu.memory_space<vmem>>) target(%dma_start3A_608 : memref<10112x16xf32, #tpu.memory_space<vmem_shared>>) offsets(%dma_start3A_605 : memref<128xi32, #tpu.memory_space<vmem>>) semaphore(%arg43 : memref<!tpu.dma_semaphore, #tpu.memory_space<semaphore_mem>>) {add = true}
    %sub3A = arith.constant 1 : i32
    %sub3A_609 = arith.subi %select_n3A_18, %sub3A : i32
    %sub3A_610 = arith.constant 1 : i32
    %sub3A_611 = arith.constant 1 : i32
    %sub3A_612 = arith.subi %sub3A_610, %sub3A_611 : i32
    %add3A_613 = arith.addi %sub3A_609, %sub3A_612 : i32
    %div3A = arith.constant 1 : i32
    %div3A_614 = arith.divsi %add3A_613, %div3A : i32
    %while3A = arith.constant 1 : i32
    %while3A_615 = arith.constant 1 : i32
    %while3A_616 = arith.constant 0 : i32
    %while3A_617 = arith.subi %div3A_614, %while3A_616 : i32
    %while3A_618 = arith.addi %while3A_616, %while3A_617 : i32
    %while3A_619 = arith.constant 1 : i32
    %while3A_620 = arith.divsi %while3A_617, %while3A_619 : i32
    %while3A_621 = arith.muli %while3A_620, %while3A_619 : i32
    %while3A_622 = arith.addi %while3A_616, %while3A_621 : i32
    %while3A_623 = arith.constant 1 : i32
    scf.for %while3A_721 = %while3A_616 to %while3A_622 step %while3A_623  : i32 {
      %mul3A_722 = arith.muli %while3A_721, %while3A : i32
      %add3A_723 = arith.addi %while3A_615, %mul3A_722 : i32
      %mul3A_724 = arith.constant 10 : i32
      %mul3A_725 = arith.muli %add3A_723, %mul3A_724 : i32
      %add3A_726 = arith.constant 0 : i32
      %add3A_727 = arith.addi %mul3A_725, %add3A_726 : i32
      %dma_wait3A_728 = arith.constant 5 : i32
      %dma_wait3A_729 = arith.constant 0 : i32
      %dma_wait3A_730 = arith.constant 0 : i32
      %dma_wait3A_731 = arith.constant 0 : i32
      %dma_wait3A_732 = tpu.memref_slice %arg8[%dma_wait3A_728, %dma_wait3A_730, %dma_wait3A_731] : memref<10x128x16xf32, #tpu.memory_space<vmem>> -> memref<1x128x16xf32, #tpu.memory_space<vmem>>
      %dma_wait3A_733 = tpu.memref_squeeze %dma_wait3A_732 : memref<1x128x16xf32, #tpu.memory_space<vmem>> -> memref<128x16xf32, #tpu.memory_space<vmem>>
      %dma_wait3A_734 = arith.constant 0 : i32
      %dma_wait3A_735 = tpu.memref_slice %arg7[%dma_wait3A_729, %dma_wait3A_734] : memref<80x128xi32, #tpu.memory_space<vmem>> -> memref<1x128xi32, #tpu.memory_space<vmem>>
      %dma_wait3A_736 = tpu.memref_squeeze %dma_wait3A_735 : memref<1x128xi32, #tpu.memory_space<vmem>> -> memref<128xi32, #tpu.memory_space<vmem>>
      %dma_wait3A_737 = arith.constant 0 : i32
      %dma_wait3A_738 = arith.constant 0 : i32
      %dma_wait3A_739 = tpu.memref_slice %arg12[%dma_wait3A_737, %dma_wait3A_738] : memref<10112x16xf32, #tpu.memory_space<vmem_shared>> -> memref<10112x16xf32, #tpu.memory_space<vmem_shared>>
      tpu.wait_indirect_dma semaphore(%arg29 : memref<!tpu.dma_semaphore, #tpu.memory_space<semaphore_mem>>) src(%dma_wait3A_733 : memref<128x16xf32, #tpu.memory_space<vmem>>) dst(%dma_wait3A_739 : memref<10112x16xf32, #tpu.memory_space<vmem_shared>>)
      %dma_wait3A_740 = arith.constant 0 : i32
      %dma_wait3A_741 = arith.constant 0 : i32
      %dma_wait3A_742 = tpu.memref_slice %arg7[%dma_wait3A_740, %dma_wait3A_741] : memref<80x128xi32, #tpu.memory_space<vmem>> -> memref<1x128xi32, #tpu.memory_space<vmem>>
      %dma_wait3A_743 = tpu.memref_squeeze %dma_wait3A_742 : memref<1x128xi32, #tpu.memory_space<vmem>> -> memref<128xi32, #tpu.memory_space<vmem>>
      %dma_wait3A_744 = arith.constant 0 : i32
      %dma_wait3A_745 = arith.constant 0 : i32
      %dma_wait3A_746 = tpu.memref_slice %arg13[%dma_wait3A_744, %dma_wait3A_745] : memref<10112x16xf32, #tpu.memory_space<vmem_shared>> -> memref<10112x16xf32, #tpu.memory_space<vmem_shared>>
      tpu.wait_indirect_dma semaphore(%arg39 : memref<!tpu.dma_semaphore, #tpu.memory_space<semaphore_mem>>) src(%arg9 : memref<128x16xf32, #tpu.memory_space<vmem>>) dst(%dma_wait3A_746 : memref<10112x16xf32, #tpu.memory_space<vmem_shared>>)
      %add3A_747 = arith.constant 5 : i32
      %add3A_748 = arith.addi %add3A_727, %add3A_747 : i32
      %lt3A_749 = arith.cmpi slt, %add3A_748, %select_n3A : i32
      %convert_element_type3A_750 = arith.extui %lt3A_749 : i1 to i32
      %cond3A_751 = arith.constant 0 : i32
      %cond3A_752 = arith.cmpi ne, %convert_element_type3A_750, %cond3A_751 : i32
      scf.if %cond3A_752 {
        %add3A_1286 = arith.constant 5 : i32
        %add3A_1287 = arith.addi %add3A_727, %add3A_1286 : i32
        %dma_start3A_1288 = arith.constant 5 : i32
        %dma_start3A_1289 = arith.constant 0 : i32
        %dma_start3A_1290 = arith.constant 0 : i32
        %dma_start3A_1291 = tpu.memref_slice %arg8[%dma_start3A_1288, %dma_start3A_1289, %dma_start3A_1290] : memref<10x128x16xf32, #tpu.memory_space<vmem>> -> memref<1x128x16xf32, #tpu.memory_space<vmem>>
        %dma_start3A_1292 = tpu.memref_squeeze %dma_start3A_1291 : memref<1x128x16xf32, #tpu.memory_space<vmem>> -> memref<128x16xf32, #tpu.memory_space<vmem>>
        %dma_start3A_1293 = arith.constant 0 : i32
        %dma_start3A_1294 = tpu.memref_slice %arg6[%add3A_1287, %dma_start3A_1293] : memref<80x128xi32, #tpu.memory_space<vmem>> -> memref<1x128xi32, #tpu.memory_space<vmem>>
        %dma_start3A_1295 = tpu.memref_squeeze %dma_start3A_1294 : memref<1x128xi32, #tpu.memory_space<vmem>> -> memref<128xi32, #tpu.memory_space<vmem>>
        %dma_start3A_1296 = arith.constant 0 : i32
        %dma_start3A_1297 = arith.constant 0 : i32
        %dma_start3A_1298 = tpu.memref_slice %arg11[%dma_start3A_1296, %dma_start3A_1297] : memref<10112x16xf32, #tpu.memory_space<vmem_shared>> -> memref<10112x16xf32, #tpu.memory_space<vmem_shared>>
        tpu.enqueue_indirect_dma source(%dma_start3A_1298 : memref<10112x16xf32, #tpu.memory_space<vmem_shared>>) target(%dma_start3A_1292 : memref<128x16xf32, #tpu.memory_space<vmem>>) offsets(%dma_start3A_1295 : memref<128xi32, #tpu.memory_space<vmem>>) semaphore(%arg19 : memref<!tpu.dma_semaphore, #tpu.memory_space<semaphore_mem>>)
      } else {
      }
      %dma_wait3A_753 = arith.constant 0 : i32
      %dma_wait3A_754 = arith.constant 0 : i32
      %dma_wait3A_755 = arith.constant 0 : i32
      %dma_wait3A_756 = arith.constant 0 : i32
      %dma_wait3A_757 = tpu.memref_slice %arg8[%dma_wait3A_754, %dma_wait3A_755, %dma_wait3A_756] : memref<10x128x16xf32, #tpu.memory_space<vmem>> -> memref<1x128x16xf32, #tpu.memory_space<vmem>>
      %dma_wait3A_758 = tpu.memref_squeeze %dma_wait3A_757 : memref<1x128x16xf32, #tpu.memory_space<vmem>> -> memref<128x16xf32, #tpu.memory_space<vmem>>
      %dma_wait3A_759 = arith.constant 0 : i32
      %dma_wait3A_760 = tpu.memref_slice %arg6[%dma_wait3A_753, %dma_wait3A_759] : memref<80x128xi32, #tpu.memory_space<vmem>> -> memref<1x128xi32, #tpu.memory_space<vmem>>
      %dma_wait3A_761 = tpu.memref_squeeze %dma_wait3A_760 : memref<1x128xi32, #tpu.memory_space<vmem>> -> memref<128xi32, #tpu.memory_space<vmem>>
      %dma_wait3A_762 = arith.constant 0 : i32
      %dma_wait3A_763 = arith.constant 0 : i32
      %dma_wait3A_764 = tpu.memref_slice %arg11[%dma_wait3A_762, %dma_wait3A_763] : memref<10112x16xf32, #tpu.memory_space<vmem_shared>> -> memref<10112x16xf32, #tpu.memory_space<vmem_shared>>
      tpu.wait_indirect_dma semaphore(%arg14 : memref<!tpu.dma_semaphore, #tpu.memory_space<semaphore_mem>>) src(%dma_wait3A_764 : memref<10112x16xf32, #tpu.memory_space<vmem_shared>>) dst(%dma_wait3A_758 : memref<128x16xf32, #tpu.memory_space<vmem>>)
      %dma_start3A_765 = arith.constant 0 : i32
      %dma_start3A_766 = arith.constant 0 : i32
      %dma_start3A_767 = arith.constant 0 : i32
      %dma_start3A_768 = tpu.memref_slice %arg8[%dma_start3A_765, %dma_start3A_766, %dma_start3A_767] : memref<10x128x16xf32, #tpu.memory_space<vmem>> -> memref<1x128x16xf32, #tpu.memory_space<vmem>>
      %dma_start3A_769 = tpu.memref_squeeze %dma_start3A_768 : memref<1x128x16xf32, #tpu.memory_space<vmem>> -> memref<128x16xf32, #tpu.memory_space<vmem>>
      %dma_start3A_770 = arith.constant 0 : i32
      %dma_start3A_771 = tpu.memref_slice %arg7[%add3A_727, %dma_start3A_770] : memref<80x128xi32, #tpu.memory_space<vmem>> -> memref<1x128xi32, #tpu.memory_space<vmem>>
      %dma_start3A_772 = tpu.memref_squeeze %dma_start3A_771 : memref<1x128xi32, #tpu.memory_space<vmem>> -> memref<128xi32, #tpu.memory_space<vmem>>
      %dma_start3A_773 = arith.constant 0 : i32
      %dma_start3A_774 = arith.constant 0 : i32
      %dma_start3A_775 = tpu.memref_slice %arg12[%dma_start3A_773, %dma_start3A_774] : memref<10112x16xf32, #tpu.memory_space<vmem_shared>> -> memref<10112x16xf32, #tpu.memory_space<vmem_shared>>
      tpu.enqueue_indirect_dma source(%dma_start3A_769 : memref<128x16xf32, #tpu.memory_space<vmem>>) target(%dma_start3A_775 : memref<10112x16xf32, #tpu.memory_space<vmem_shared>>) offsets(%dma_start3A_772 : memref<128xi32, #tpu.memory_space<vmem>>) semaphore(%arg24 : memref<!tpu.dma_semaphore, #tpu.memory_space<semaphore_mem>>) {add = true}
      %dma_start3A_776 = arith.constant 0 : i32
      %dma_start3A_777 = tpu.memref_slice %arg7[%add3A_727, %dma_start3A_776] : memref<80x128xi32, #tpu.memory_space<vmem>> -> memref<1x128xi32, #tpu.memory_space<vmem>>
      %dma_start3A_778 = tpu.memref_squeeze %dma_start3A_777 : memref<1x128xi32, #tpu.memory_space<vmem>> -> memref<128xi32, #tpu.memory_space<vmem>>
      %dma_start3A_779 = arith.constant 0 : i32
      %dma_start3A_780 = arith.constant 0 : i32
      %dma_start3A_781 = tpu.memref_slice %arg13[%dma_start3A_779, %dma_start3A_780] : memref<10112x16xf32, #tpu.memory_space<vmem_shared>> -> memref<10112x16xf32, #tpu.memory_space<vmem_shared>>
      tpu.enqueue_indirect_dma source(%arg9 : memref<128x16xf32, #tpu.memory_space<vmem>>) target(%dma_start3A_781 : memref<10112x16xf32, #tpu.memory_space<vmem_shared>>) offsets(%dma_start3A_778 : memref<128xi32, #tpu.memory_space<vmem>>) semaphore(%arg34 : memref<!tpu.dma_semaphore, #tpu.memory_space<semaphore_mem>>) {add = true}
      %add3A_782 = arith.constant 1 : i32
      %add3A_783 = arith.addi %mul3A_725, %add3A_782 : i32
      %dma_wait3A_784 = arith.constant 6 : i32
      %dma_wait3A_785 = arith.constant 0 : i32
      %dma_wait3A_786 = arith.constant 0 : i32
      %dma_wait3A_787 = arith.constant 0 : i32
      %dma_wait3A_788 = tpu.memref_slice %arg8[%dma_wait3A_784, %dma_wait3A_786, %dma_wait3A_787] : memref<10x128x16xf32, #tpu.memory_space<vmem>> -> memref<1x128x16xf32, #tpu.memory_space<vmem>>
      %dma_wait3A_789 = tpu.memref_squeeze %dma_wait3A_788 : memref<1x128x16xf32, #tpu.memory_space<vmem>> -> memref<128x16xf32, #tpu.memory_space<vmem>>
      %dma_wait3A_790 = arith.constant 0 : i32
      %dma_wait3A_791 = tpu.memref_slice %arg7[%dma_wait3A_785, %dma_wait3A_790] : memref<80x128xi32, #tpu.memory_space<vmem>> -> memref<1x128xi32, #tpu.memory_space<vmem>>
      %dma_wait3A_792 = tpu.memref_squeeze %dma_wait3A_791 : memref<1x128xi32, #tpu.memory_space<vmem>> -> memref<128xi32, #tpu.memory_space<vmem>>
      %dma_wait3A_793 = arith.constant 0 : i32
      %dma_wait3A_794 = arith.constant 0 : i32
      %dma_wait3A_795 = tpu.memref_slice %arg12[%dma_wait3A_793, %dma_wait3A_794] : memref<10112x16xf32, #tpu.memory_space<vmem_shared>> -> memref<10112x16xf32, #tpu.memory_space<vmem_shared>>
      tpu.wait_indirect_dma semaphore(%arg30 : memref<!tpu.dma_semaphore, #tpu.memory_space<semaphore_mem>>) src(%dma_wait3A_789 : memref<128x16xf32, #tpu.memory_space<vmem>>) dst(%dma_wait3A_795 : memref<10112x16xf32, #tpu.memory_space<vmem_shared>>)
      %dma_wait3A_796 = arith.constant 0 : i32
      %dma_wait3A_797 = arith.constant 0 : i32
      %dma_wait3A_798 = tpu.memref_slice %arg7[%dma_wait3A_796, %dma_wait3A_797] : memref<80x128xi32, #tpu.memory_space<vmem>> -> memref<1x128xi32, #tpu.memory_space<vmem>>
      %dma_wait3A_799 = tpu.memref_squeeze %dma_wait3A_798 : memref<1x128xi32, #tpu.memory_space<vmem>> -> memref<128xi32, #tpu.memory_space<vmem>>
      %dma_wait3A_800 = arith.constant 0 : i32
      %dma_wait3A_801 = arith.constant 0 : i32
      %dma_wait3A_802 = tpu.memref_slice %arg13[%dma_wait3A_800, %dma_wait3A_801] : memref<10112x16xf32, #tpu.memory_space<vmem_shared>> -> memref<10112x16xf32, #tpu.memory_space<vmem_shared>>
      tpu.wait_indirect_dma semaphore(%arg40 : memref<!tpu.dma_semaphore, #tpu.memory_space<semaphore_mem>>) src(%arg9 : memref<128x16xf32, #tpu.memory_space<vmem>>) dst(%dma_wait3A_802 : memref<10112x16xf32, #tpu.memory_space<vmem_shared>>)
      %add3A_803 = arith.constant 5 : i32
      %add3A_804 = arith.addi %add3A_783, %add3A_803 : i32
      %lt3A_805 = arith.cmpi slt, %add3A_804, %select_n3A : i32
      %convert_element_type3A_806 = arith.extui %lt3A_805 : i1 to i32
      %cond3A_807 = arith.constant 0 : i32
      %cond3A_808 = arith.cmpi ne, %convert_element_type3A_806, %cond3A_807 : i32
      scf.if %cond3A_808 {
        %add3A_1286 = arith.constant 5 : i32
        %add3A_1287 = arith.addi %add3A_783, %add3A_1286 : i32
        %dma_start3A_1288 = arith.constant 6 : i32
        %dma_start3A_1289 = arith.constant 0 : i32
        %dma_start3A_1290 = arith.constant 0 : i32
        %dma_start3A_1291 = tpu.memref_slice %arg8[%dma_start3A_1288, %dma_start3A_1289, %dma_start3A_1290] : memref<10x128x16xf32, #tpu.memory_space<vmem>> -> memref<1x128x16xf32, #tpu.memory_space<vmem>>
        %dma_start3A_1292 = tpu.memref_squeeze %dma_start3A_1291 : memref<1x128x16xf32, #tpu.memory_space<vmem>> -> memref<128x16xf32, #tpu.memory_space<vmem>>
        %dma_start3A_1293 = arith.constant 0 : i32
        %dma_start3A_1294 = tpu.memref_slice %arg6[%add3A_1287, %dma_start3A_1293] : memref<80x128xi32, #tpu.memory_space<vmem>> -> memref<1x128xi32, #tpu.memory_space<vmem>>
        %dma_start3A_1295 = tpu.memref_squeeze %dma_start3A_1294 : memref<1x128xi32, #tpu.memory_space<vmem>> -> memref<128xi32, #tpu.memory_space<vmem>>
        %dma_start3A_1296 = arith.constant 0 : i32
        %dma_start3A_1297 = arith.constant 0 : i32
        %dma_start3A_1298 = tpu.memref_slice %arg11[%dma_start3A_1296, %dma_start3A_1297] : memref<10112x16xf32, #tpu.memory_space<vmem_shared>> -> memref<10112x16xf32, #tpu.memory_space<vmem_shared>>
        tpu.enqueue_indirect_dma source(%dma_start3A_1298 : memref<10112x16xf32, #tpu.memory_space<vmem_shared>>) target(%dma_start3A_1292 : memref<128x16xf32, #tpu.memory_space<vmem>>) offsets(%dma_start3A_1295 : memref<128xi32, #tpu.memory_space<vmem>>) semaphore(%arg20 : memref<!tpu.dma_semaphore, #tpu.memory_space<semaphore_mem>>)
      } else {
      }
      %dma_wait3A_809 = arith.constant 0 : i32
      %dma_wait3A_810 = arith.constant 1 : i32
      %dma_wait3A_811 = arith.constant 0 : i32
      %dma_wait3A_812 = arith.constant 0 : i32
      %dma_wait3A_813 = tpu.memref_slice %arg8[%dma_wait3A_810, %dma_wait3A_811, %dma_wait3A_812] : memref<10x128x16xf32, #tpu.memory_space<vmem>> -> memref<1x128x16xf32, #tpu.memory_space<vmem>>
      %dma_wait3A_814 = tpu.memref_squeeze %dma_wait3A_813 : memref<1x128x16xf32, #tpu.memory_space<vmem>> -> memref<128x16xf32, #tpu.memory_space<vmem>>
      %dma_wait3A_815 = arith.constant 0 : i32
      %dma_wait3A_816 = tpu.memref_slice %arg6[%dma_wait3A_809, %dma_wait3A_815] : memref<80x128xi32, #tpu.memory_space<vmem>> -> memref<1x128xi32, #tpu.memory_space<vmem>>
      %dma_wait3A_817 = tpu.memref_squeeze %dma_wait3A_816 : memref<1x128xi32, #tpu.memory_space<vmem>> -> memref<128xi32, #tpu.memory_space<vmem>>
      %dma_wait3A_818 = arith.constant 0 : i32
      %dma_wait3A_819 = arith.constant 0 : i32
      %dma_wait3A_820 = tpu.memref_slice %arg11[%dma_wait3A_818, %dma_wait3A_819] : memref<10112x16xf32, #tpu.memory_space<vmem_shared>> -> memref<10112x16xf32, #tpu.memory_space<vmem_shared>>
      tpu.wait_indirect_dma semaphore(%arg15 : memref<!tpu.dma_semaphore, #tpu.memory_space<semaphore_mem>>) src(%dma_wait3A_820 : memref<10112x16xf32, #tpu.memory_space<vmem_shared>>) dst(%dma_wait3A_814 : memref<128x16xf32, #tpu.memory_space<vmem>>)
      %dma_start3A_821 = arith.constant 1 : i32
      %dma_start3A_822 = arith.constant 0 : i32
      %dma_start3A_823 = arith.constant 0 : i32
      %dma_start3A_824 = tpu.memref_slice %arg8[%dma_start3A_821, %dma_start3A_822, %dma_start3A_823] : memref<10x128x16xf32, #tpu.memory_space<vmem>> -> memref<1x128x16xf32, #tpu.memory_space<vmem>>
      %dma_start3A_825 = tpu.memref_squeeze %dma_start3A_824 : memref<1x128x16xf32, #tpu.memory_space<vmem>> -> memref<128x16xf32, #tpu.memory_space<vmem>>
      %dma_start3A_826 = arith.constant 0 : i32
      %dma_start3A_827 = tpu.memref_slice %arg7[%add3A_783, %dma_start3A_826] : memref<80x128xi32, #tpu.memory_space<vmem>> -> memref<1x128xi32, #tpu.memory_space<vmem>>
      %dma_start3A_828 = tpu.memref_squeeze %dma_start3A_827 : memref<1x128xi32, #tpu.memory_space<vmem>> -> memref<128xi32, #tpu.memory_space<vmem>>
      %dma_start3A_829 = arith.constant 0 : i32
      %dma_start3A_830 = arith.constant 0 : i32
      %dma_start3A_831 = tpu.memref_slice %arg12[%dma_start3A_829, %dma_start3A_830] : memref<10112x16xf32, #tpu.memory_space<vmem_shared>> -> memref<10112x16xf32, #tpu.memory_space<vmem_shared>>
      tpu.enqueue_indirect_dma source(%dma_start3A_825 : memref<128x16xf32, #tpu.memory_space<vmem>>) target(%dma_start3A_831 : memref<10112x16xf32, #tpu.memory_space<vmem_shared>>) offsets(%dma_start3A_828 : memref<128xi32, #tpu.memory_space<vmem>>) semaphore(%arg25 : memref<!tpu.dma_semaphore, #tpu.memory_space<semaphore_mem>>) {add = true}
      %dma_start3A_832 = arith.constant 0 : i32
      %dma_start3A_833 = tpu.memref_slice %arg7[%add3A_783, %dma_start3A_832] : memref<80x128xi32, #tpu.memory_space<vmem>> -> memref<1x128xi32, #tpu.memory_space<vmem>>
      %dma_start3A_834 = tpu.memref_squeeze %dma_start3A_833 : memref<1x128xi32, #tpu.memory_space<vmem>> -> memref<128xi32, #tpu.memory_space<vmem>>
      %dma_start3A_835 = arith.constant 0 : i32
      %dma_start3A_836 = arith.constant 0 : i32
      %dma_start3A_837 = tpu.memref_slice %arg13[%dma_start3A_835, %dma_start3A_836] : memref<10112x16xf32, #tpu.memory_space<vmem_shared>> -> memref<10112x16xf32, #tpu.memory_space<vmem_shared>>
      tpu.enqueue_indirect_dma source(%arg9 : memref<128x16xf32, #tpu.memory_space<vmem>>) target(%dma_start3A_837 : memref<10112x16xf32, #tpu.memory_space<vmem_shared>>) offsets(%dma_start3A_834 : memref<128xi32, #tpu.memory_space<vmem>>) semaphore(%arg35 : memref<!tpu.dma_semaphore, #tpu.memory_space<semaphore_mem>>) {add = true}
      %add3A_838 = arith.constant 2 : i32
      %add3A_839 = arith.addi %mul3A_725, %add3A_838 : i32
      %dma_wait3A_840 = arith.constant 7 : i32
      %dma_wait3A_841 = arith.constant 0 : i32
      %dma_wait3A_842 = arith.constant 0 : i32
      %dma_wait3A_843 = arith.constant 0 : i32
      %dma_wait3A_844 = tpu.memref_slice %arg8[%dma_wait3A_840, %dma_wait3A_842, %dma_wait3A_843] : memref<10x128x16xf32, #tpu.memory_space<vmem>> -> memref<1x128x16xf32, #tpu.memory_space<vmem>>
      %dma_wait3A_845 = tpu.memref_squeeze %dma_wait3A_844 : memref<1x128x16xf32, #tpu.memory_space<vmem>> -> memref<128x16xf32, #tpu.memory_space<vmem>>
      %dma_wait3A_846 = arith.constant 0 : i32
      %dma_wait3A_847 = tpu.memref_slice %arg7[%dma_wait3A_841, %dma_wait3A_846] : memref<80x128xi32, #tpu.memory_space<vmem>> -> memref<1x128xi32, #tpu.memory_space<vmem>>
      %dma_wait3A_848 = tpu.memref_squeeze %dma_wait3A_847 : memref<1x128xi32, #tpu.memory_space<vmem>> -> memref<128xi32, #tpu.memory_space<vmem>>
      %dma_wait3A_849 = arith.constant 0 : i32
      %dma_wait3A_850 = arith.constant 0 : i32
      %dma_wait3A_851 = tpu.memref_slice %arg12[%dma_wait3A_849, %dma_wait3A_850] : memref<10112x16xf32, #tpu.memory_space<vmem_shared>> -> memref<10112x16xf32, #tpu.memory_space<vmem_shared>>
      tpu.wait_indirect_dma semaphore(%arg31 : memref<!tpu.dma_semaphore, #tpu.memory_space<semaphore_mem>>) src(%dma_wait3A_845 : memref<128x16xf32, #tpu.memory_space<vmem>>) dst(%dma_wait3A_851 : memref<10112x16xf32, #tpu.memory_space<vmem_shared>>)
      %dma_wait3A_852 = arith.constant 0 : i32
      %dma_wait3A_853 = arith.constant 0 : i32
      %dma_wait3A_854 = tpu.memref_slice %arg7[%dma_wait3A_852, %dma_wait3A_853] : memref<80x128xi32, #tpu.memory_space<vmem>> -> memref<1x128xi32, #tpu.memory_space<vmem>>
      %dma_wait3A_855 = tpu.memref_squeeze %dma_wait3A_854 : memref<1x128xi32, #tpu.memory_space<vmem>> -> memref<128xi32, #tpu.memory_space<vmem>>
      %dma_wait3A_856 = arith.constant 0 : i32
      %dma_wait3A_857 = arith.constant 0 : i32
      %dma_wait3A_858 = tpu.memref_slice %arg13[%dma_wait3A_856, %dma_wait3A_857] : memref<10112x16xf32, #tpu.memory_space<vmem_shared>> -> memref<10112x16xf32, #tpu.memory_space<vmem_shared>>
      tpu.wait_indirect_dma semaphore(%arg41 : memref<!tpu.dma_semaphore, #tpu.memory_space<semaphore_mem>>) src(%arg9 : memref<128x16xf32, #tpu.memory_space<vmem>>) dst(%dma_wait3A_858 : memref<10112x16xf32, #tpu.memory_space<vmem_shared>>)
      %add3A_859 = arith.constant 5 : i32
      %add3A_860 = arith.addi %add3A_839, %add3A_859 : i32
      %lt3A_861 = arith.cmpi slt, %add3A_860, %select_n3A : i32
      %convert_element_type3A_862 = arith.extui %lt3A_861 : i1 to i32
      %cond3A_863 = arith.constant 0 : i32
      %cond3A_864 = arith.cmpi ne, %convert_element_type3A_862, %cond3A_863 : i32
      scf.if %cond3A_864 {
        %add3A_1286 = arith.constant 5 : i32
        %add3A_1287 = arith.addi %add3A_839, %add3A_1286 : i32
        %dma_start3A_1288 = arith.constant 7 : i32
        %dma_start3A_1289 = arith.constant 0 : i32
        %dma_start3A_1290 = arith.constant 0 : i32
        %dma_start3A_1291 = tpu.memref_slice %arg8[%dma_start3A_1288, %dma_start3A_1289, %dma_start3A_1290] : memref<10x128x16xf32, #tpu.memory_space<vmem>> -> memref<1x128x16xf32, #tpu.memory_space<vmem>>
        %dma_start3A_1292 = tpu.memref_squeeze %dma_start3A_1291 : memref<1x128x16xf32, #tpu.memory_space<vmem>> -> memref<128x16xf32, #tpu.memory_space<vmem>>
        %dma_start3A_1293 = arith.constant 0 : i32
        %dma_start3A_1294 = tpu.memref_slice %arg6[%add3A_1287, %dma_start3A_1293] : memref<80x128xi32, #tpu.memory_space<vmem>> -> memref<1x128xi32, #tpu.memory_space<vmem>>
        %dma_start3A_1295 = tpu.memref_squeeze %dma_start3A_1294 : memref<1x128xi32, #tpu.memory_space<vmem>> -> memref<128xi32, #tpu.memory_space<vmem>>
        %dma_start3A_1296 = arith.constant 0 : i32
        %dma_start3A_1297 = arith.constant 0 : i32
        %dma_start3A_1298 = tpu.memref_slice %arg11[%dma_start3A_1296, %dma_start3A_1297] : memref<10112x16xf32, #tpu.memory_space<vmem_shared>> -> memref<10112x16xf32, #tpu.memory_space<vmem_shared>>
        tpu.enqueue_indirect_dma source(%dma_start3A_1298 : memref<10112x16xf32, #tpu.memory_space<vmem_shared>>) target(%dma_start3A_1292 : memref<128x16xf32, #tpu.memory_space<vmem>>) offsets(%dma_start3A_1295 : memref<128xi32, #tpu.memory_space<vmem>>) semaphore(%arg21 : memref<!tpu.dma_semaphore, #tpu.memory_space<semaphore_mem>>)
      } else {
      }
      %dma_wait3A_865 = arith.constant 0 : i32
      %dma_wait3A_866 = arith.constant 2 : i32
      %dma_wait3A_867 = arith.constant 0 : i32
      %dma_wait3A_868 = arith.constant 0 : i32
      %dma_wait3A_869 = tpu.memref_slice %arg8[%dma_wait3A_866, %dma_wait3A_867, %dma_wait3A_868] : memref<10x128x16xf32, #tpu.memory_space<vmem>> -> memref<1x128x16xf32, #tpu.memory_space<vmem>>
      %dma_wait3A_870 = tpu.memref_squeeze %dma_wait3A_869 : memref<1x128x16xf32, #tpu.memory_space<vmem>> -> memref<128x16xf32, #tpu.memory_space<vmem>>
      %dma_wait3A_871 = arith.constant 0 : i32
      %dma_wait3A_872 = tpu.memref_slice %arg6[%dma_wait3A_865, %dma_wait3A_871] : memref<80x128xi32, #tpu.memory_space<vmem>> -> memref<1x128xi32, #tpu.memory_space<vmem>>
      %dma_wait3A_873 = tpu.memref_squeeze %dma_wait3A_872 : memref<1x128xi32, #tpu.memory_space<vmem>> -> memref<128xi32, #tpu.memory_space<vmem>>
      %dma_wait3A_874 = arith.constant 0 : i32
      %dma_wait3A_875 = arith.constant 0 : i32
      %dma_wait3A_876 = tpu.memref_slice %arg11[%dma_wait3A_874, %dma_wait3A_875] : memref<10112x16xf32, #tpu.memory_space<vmem_shared>> -> memref<10112x16xf32, #tpu.memory_space<vmem_shared>>
      tpu.wait_indirect_dma semaphore(%arg16 : memref<!tpu.dma_semaphore, #tpu.memory_space<semaphore_mem>>) src(%dma_wait3A_876 : memref<10112x16xf32, #tpu.memory_space<vmem_shared>>) dst(%dma_wait3A_870 : memref<128x16xf32, #tpu.memory_space<vmem>>)
      %dma_start3A_877 = arith.constant 2 : i32
      %dma_start3A_878 = arith.constant 0 : i32
      %dma_start3A_879 = arith.constant 0 : i32
      %dma_start3A_880 = tpu.memref_slice %arg8[%dma_start3A_877, %dma_start3A_878, %dma_start3A_879] : memref<10x128x16xf32, #tpu.memory_space<vmem>> -> memref<1x128x16xf32, #tpu.memory_space<vmem>>
      %dma_start3A_881 = tpu.memref_squeeze %dma_start3A_880 : memref<1x128x16xf32, #tpu.memory_space<vmem>> -> memref<128x16xf32, #tpu.memory_space<vmem>>
      %dma_start3A_882 = arith.constant 0 : i32
      %dma_start3A_883 = tpu.memref_slice %arg7[%add3A_839, %dma_start3A_882] : memref<80x128xi32, #tpu.memory_space<vmem>> -> memref<1x128xi32, #tpu.memory_space<vmem>>
      %dma_start3A_884 = tpu.memref_squeeze %dma_start3A_883 : memref<1x128xi32, #tpu.memory_space<vmem>> -> memref<128xi32, #tpu.memory_space<vmem>>
      %dma_start3A_885 = arith.constant 0 : i32
      %dma_start3A_886 = arith.constant 0 : i32
      %dma_start3A_887 = tpu.memref_slice %arg12[%dma_start3A_885, %dma_start3A_886] : memref<10112x16xf32, #tpu.memory_space<vmem_shared>> -> memref<10112x16xf32, #tpu.memory_space<vmem_shared>>
      tpu.enqueue_indirect_dma source(%dma_start3A_881 : memref<128x16xf32, #tpu.memory_space<vmem>>) target(%dma_start3A_887 : memref<10112x16xf32, #tpu.memory_space<vmem_shared>>) offsets(%dma_start3A_884 : memref<128xi32, #tpu.memory_space<vmem>>) semaphore(%arg26 : memref<!tpu.dma_semaphore, #tpu.memory_space<semaphore_mem>>) {add = true}
      %dma_start3A_888 = arith.constant 0 : i32
      %dma_start3A_889 = tpu.memref_slice %arg7[%add3A_839, %dma_start3A_888] : memref<80x128xi32, #tpu.memory_space<vmem>> -> memref<1x128xi32, #tpu.memory_space<vmem>>
      %dma_start3A_890 = tpu.memref_squeeze %dma_start3A_889 : memref<1x128xi32, #tpu.memory_space<vmem>> -> memref<128xi32, #tpu.memory_space<vmem>>
      %dma_start3A_891 = arith.constant 0 : i32
      %dma_start3A_892 = arith.constant 0 : i32
      %dma_start3A_893 = tpu.memref_slice %arg13[%dma_start3A_891, %dma_start3A_892] : memref<10112x16xf32, #tpu.memory_space<vmem_shared>> -> memref<10112x16xf32, #tpu.memory_space<vmem_shared>>
      tpu.enqueue_indirect_dma source(%arg9 : memref<128x16xf32, #tpu.memory_space<vmem>>) target(%dma_start3A_893 : memref<10112x16xf32, #tpu.memory_space<vmem_shared>>) offsets(%dma_start3A_890 : memref<128xi32, #tpu.memory_space<vmem>>) semaphore(%arg36 : memref<!tpu.dma_semaphore, #tpu.memory_space<semaphore_mem>>) {add = true}
      %add3A_894 = arith.constant 3 : i32
      %add3A_895 = arith.addi %mul3A_725, %add3A_894 : i32
      %dma_wait3A_896 = arith.constant 8 : i32
      %dma_wait3A_897 = arith.constant 0 : i32
      %dma_wait3A_898 = arith.constant 0 : i32
      %dma_wait3A_899 = arith.constant 0 : i32
      %dma_wait3A_900 = tpu.memref_slice %arg8[%dma_wait3A_896, %dma_wait3A_898, %dma_wait3A_899] : memref<10x128x16xf32, #tpu.memory_space<vmem>> -> memref<1x128x16xf32, #tpu.memory_space<vmem>>
      %dma_wait3A_901 = tpu.memref_squeeze %dma_wait3A_900 : memref<1x128x16xf32, #tpu.memory_space<vmem>> -> memref<128x16xf32, #tpu.memory_space<vmem>>
      %dma_wait3A_902 = arith.constant 0 : i32
      %dma_wait3A_903 = tpu.memref_slice %arg7[%dma_wait3A_897, %dma_wait3A_902] : memref<80x128xi32, #tpu.memory_space<vmem>> -> memref<1x128xi32, #tpu.memory_space<vmem>>
      %dma_wait3A_904 = tpu.memref_squeeze %dma_wait3A_903 : memref<1x128xi32, #tpu.memory_space<vmem>> -> memref<128xi32, #tpu.memory_space<vmem>>
      %dma_wait3A_905 = arith.constant 0 : i32
      %dma_wait3A_906 = arith.constant 0 : i32
      %dma_wait3A_907 = tpu.memref_slice %arg12[%dma_wait3A_905, %dma_wait3A_906] : memref<10112x16xf32, #tpu.memory_space<vmem_shared>> -> memref<10112x16xf32, #tpu.memory_space<vmem_shared>>
      tpu.wait_indirect_dma semaphore(%arg32 : memref<!tpu.dma_semaphore, #tpu.memory_space<semaphore_mem>>) src(%dma_wait3A_901 : memref<128x16xf32, #tpu.memory_space<vmem>>) dst(%dma_wait3A_907 : memref<10112x16xf32, #tpu.memory_space<vmem_shared>>)
      %dma_wait3A_908 = arith.constant 0 : i32
      %dma_wait3A_909 = arith.constant 0 : i32
      %dma_wait3A_910 = tpu.memref_slice %arg7[%dma_wait3A_908, %dma_wait3A_909] : memref<80x128xi32, #tpu.memory_space<vmem>> -> memref<1x128xi32, #tpu.memory_space<vmem>>
      %dma_wait3A_911 = tpu.memref_squeeze %dma_wait3A_910 : memref<1x128xi32, #tpu.memory_space<vmem>> -> memref<128xi32, #tpu.memory_space<vmem>>
      %dma_wait3A_912 = arith.constant 0 : i32
      %dma_wait3A_913 = arith.constant 0 : i32
      %dma_wait3A_914 = tpu.memref_slice %arg13[%dma_wait3A_912, %dma_wait3A_913] : memref<10112x16xf32, #tpu.memory_space<vmem_shared>> -> memref<10112x16xf32, #tpu.memory_space<vmem_shared>>
      tpu.wait_indirect_dma semaphore(%arg42 : memref<!tpu.dma_semaphore, #tpu.memory_space<semaphore_mem>>) src(%arg9 : memref<128x16xf32, #tpu.memory_space<vmem>>) dst(%dma_wait3A_914 : memref<10112x16xf32, #tpu.memory_space<vmem_shared>>)
      %add3A_915 = arith.constant 5 : i32
      %add3A_916 = arith.addi %add3A_895, %add3A_915 : i32
      %lt3A_917 = arith.cmpi slt, %add3A_916, %select_n3A : i32
      %convert_element_type3A_918 = arith.extui %lt3A_917 : i1 to i32
      %cond3A_919 = arith.constant 0 : i32
      %cond3A_920 = arith.cmpi ne, %convert_element_type3A_918, %cond3A_919 : i32
      scf.if %cond3A_920 {
        %add3A_1286 = arith.constant 5 : i32
        %add3A_1287 = arith.addi %add3A_895, %add3A_1286 : i32
        %dma_start3A_1288 = arith.constant 8 : i32
        %dma_start3A_1289 = arith.constant 0 : i32
        %dma_start3A_1290 = arith.constant 0 : i32
        %dma_start3A_1291 = tpu.memref_slice %arg8[%dma_start3A_1288, %dma_start3A_1289, %dma_start3A_1290] : memref<10x128x16xf32, #tpu.memory_space<vmem>> -> memref<1x128x16xf32, #tpu.memory_space<vmem>>
        %dma_start3A_1292 = tpu.memref_squeeze %dma_start3A_1291 : memref<1x128x16xf32, #tpu.memory_space<vmem>> -> memref<128x16xf32, #tpu.memory_space<vmem>>
        %dma_start3A_1293 = arith.constant 0 : i32
        %dma_start3A_1294 = tpu.memref_slice %arg6[%add3A_1287, %dma_start3A_1293] : memref<80x128xi32, #tpu.memory_space<vmem>> -> memref<1x128xi32, #tpu.memory_space<vmem>>
        %dma_start3A_1295 = tpu.memref_squeeze %dma_start3A_1294 : memref<1x128xi32, #tpu.memory_space<vmem>> -> memref<128xi32, #tpu.memory_space<vmem>>
        %dma_start3A_1296 = arith.constant 0 : i32
        %dma_start3A_1297 = arith.constant 0 : i32
        %dma_start3A_1298 = tpu.memref_slice %arg11[%dma_start3A_1296, %dma_start3A_1297] : memref<10112x16xf32, #tpu.memory_space<vmem_shared>> -> memref<10112x16xf32, #tpu.memory_space<vmem_shared>>
        tpu.enqueue_indirect_dma source(%dma_start3A_1298 : memref<10112x16xf32, #tpu.memory_space<vmem_shared>>) target(%dma_start3A_1292 : memref<128x16xf32, #tpu.memory_space<vmem>>) offsets(%dma_start3A_1295 : memref<128xi32, #tpu.memory_space<vmem>>) semaphore(%arg22 : memref<!tpu.dma_semaphore, #tpu.memory_space<semaphore_mem>>)
      } else {
      }
      %dma_wait3A_921 = arith.constant 0 : i32
      %dma_wait3A_922 = arith.constant 3 : i32
      %dma_wait3A_923 = arith.constant 0 : i32
      %dma_wait3A_924 = arith.constant 0 : i32
      %dma_wait3A_925 = tpu.memref_slice %arg8[%dma_wait3A_922, %dma_wait3A_923, %dma_wait3A_924] : memref<10x128x16xf32, #tpu.memory_space<vmem>> -> memref<1x128x16xf32, #tpu.memory_space<vmem>>
      %dma_wait3A_926 = tpu.memref_squeeze %dma_wait3A_925 : memref<1x128x16xf32, #tpu.memory_space<vmem>> -> memref<128x16xf32, #tpu.memory_space<vmem>>
      %dma_wait3A_927 = arith.constant 0 : i32
      %dma_wait3A_928 = tpu.memref_slice %arg6[%dma_wait3A_921, %dma_wait3A_927] : memref<80x128xi32, #tpu.memory_space<vmem>> -> memref<1x128xi32, #tpu.memory_space<vmem>>
      %dma_wait3A_929 = tpu.memref_squeeze %dma_wait3A_928 : memref<1x128xi32, #tpu.memory_space<vmem>> -> memref<128xi32, #tpu.memory_space<vmem>>
      %dma_wait3A_930 = arith.constant 0 : i32
      %dma_wait3A_931 = arith.constant 0 : i32
      %dma_wait3A_932 = tpu.memref_slice %arg11[%dma_wait3A_930, %dma_wait3A_931] : memref<10112x16xf32, #tpu.memory_space<vmem_shared>> -> memref<10112x16xf32, #tpu.memory_space<vmem_shared>>
      tpu.wait_indirect_dma semaphore(%arg17 : memref<!tpu.dma_semaphore, #tpu.memory_space<semaphore_mem>>) src(%dma_wait3A_932 : memref<10112x16xf32, #tpu.memory_space<vmem_shared>>) dst(%dma_wait3A_926 : memref<128x16xf32, #tpu.memory_space<vmem>>)
      %dma_start3A_933 = arith.constant 3 : i32
      %dma_start3A_934 = arith.constant 0 : i32
      %dma_start3A_935 = arith.constant 0 : i32
      %dma_start3A_936 = tpu.memref_slice %arg8[%dma_start3A_933, %dma_start3A_934, %dma_start3A_935] : memref<10x128x16xf32, #tpu.memory_space<vmem>> -> memref<1x128x16xf32, #tpu.memory_space<vmem>>
      %dma_start3A_937 = tpu.memref_squeeze %dma_start3A_936 : memref<1x128x16xf32, #tpu.memory_space<vmem>> -> memref<128x16xf32, #tpu.memory_space<vmem>>
      %dma_start3A_938 = arith.constant 0 : i32
      %dma_start3A_939 = tpu.memref_slice %arg7[%add3A_895, %dma_start3A_938] : memref<80x128xi32, #tpu.memory_space<vmem>> -> memref<1x128xi32, #tpu.memory_space<vmem>>
      %dma_start3A_940 = tpu.memref_squeeze %dma_start3A_939 : memref<1x128xi32, #tpu.memory_space<vmem>> -> memref<128xi32, #tpu.memory_space<vmem>>
      %dma_start3A_941 = arith.constant 0 : i32
      %dma_start3A_942 = arith.constant 0 : i32
      %dma_start3A_943 = tpu.memref_slice %arg12[%dma_start3A_941, %dma_start3A_942] : memref<10112x16xf32, #tpu.memory_space<vmem_shared>> -> memref<10112x16xf32, #tpu.memory_space<vmem_shared>>
      tpu.enqueue_indirect_dma source(%dma_start3A_937 : memref<128x16xf32, #tpu.memory_space<vmem>>) target(%dma_start3A_943 : memref<10112x16xf32, #tpu.memory_space<vmem_shared>>) offsets(%dma_start3A_940 : memref<128xi32, #tpu.memory_space<vmem>>) semaphore(%arg27 : memref<!tpu.dma_semaphore, #tpu.memory_space<semaphore_mem>>) {add = true}
      %dma_start3A_944 = arith.constant 0 : i32
      %dma_start3A_945 = tpu.memref_slice %arg7[%add3A_895, %dma_start3A_944] : memref<80x128xi32, #tpu.memory_space<vmem>> -> memref<1x128xi32, #tpu.memory_space<vmem>>
      %dma_start3A_946 = tpu.memref_squeeze %dma_start3A_945 : memref<1x128xi32, #tpu.memory_space<vmem>> -> memref<128xi32, #tpu.memory_space<vmem>>
      %dma_start3A_947 = arith.constant 0 : i32
      %dma_start3A_948 = arith.constant 0 : i32
      %dma_start3A_949 = tpu.memref_slice %arg13[%dma_start3A_947, %dma_start3A_948] : memref<10112x16xf32, #tpu.memory_space<vmem_shared>> -> memref<10112x16xf32, #tpu.memory_space<vmem_shared>>
      tpu.enqueue_indirect_dma source(%arg9 : memref<128x16xf32, #tpu.memory_space<vmem>>) target(%dma_start3A_949 : memref<10112x16xf32, #tpu.memory_space<vmem_shared>>) offsets(%dma_start3A_946 : memref<128xi32, #tpu.memory_space<vmem>>) semaphore(%arg37 : memref<!tpu.dma_semaphore, #tpu.memory_space<semaphore_mem>>) {add = true}
      %add3A_950 = arith.constant 4 : i32
      %add3A_951 = arith.addi %mul3A_725, %add3A_950 : i32
      %dma_wait3A_952 = arith.constant 9 : i32
      %dma_wait3A_953 = arith.constant 0 : i32
      %dma_wait3A_954 = arith.constant 0 : i32
      %dma_wait3A_955 = arith.constant 0 : i32
      %dma_wait3A_956 = tpu.memref_slice %arg8[%dma_wait3A_952, %dma_wait3A_954, %dma_wait3A_955] : memref<10x128x16xf32, #tpu.memory_space<vmem>> -> memref<1x128x16xf32, #tpu.memory_space<vmem>>
      %dma_wait3A_957 = tpu.memref_squeeze %dma_wait3A_956 : memref<1x128x16xf32, #tpu.memory_space<vmem>> -> memref<128x16xf32, #tpu.memory_space<vmem>>
      %dma_wait3A_958 = arith.constant 0 : i32
      %dma_wait3A_959 = tpu.memref_slice %arg7[%dma_wait3A_953, %dma_wait3A_958] : memref<80x128xi32, #tpu.memory_space<vmem>> -> memref<1x128xi32, #tpu.memory_space<vmem>>
      %dma_wait3A_960 = tpu.memref_squeeze %dma_wait3A_959 : memref<1x128xi32, #tpu.memory_space<vmem>> -> memref<128xi32, #tpu.memory_space<vmem>>
      %dma_wait3A_961 = arith.constant 0 : i32
      %dma_wait3A_962 = arith.constant 0 : i32
      %dma_wait3A_963 = tpu.memref_slice %arg12[%dma_wait3A_961, %dma_wait3A_962] : memref<10112x16xf32, #tpu.memory_space<vmem_shared>> -> memref<10112x16xf32, #tpu.memory_space<vmem_shared>>
      tpu.wait_indirect_dma semaphore(%arg33 : memref<!tpu.dma_semaphore, #tpu.memory_space<semaphore_mem>>) src(%dma_wait3A_957 : memref<128x16xf32, #tpu.memory_space<vmem>>) dst(%dma_wait3A_963 : memref<10112x16xf32, #tpu.memory_space<vmem_shared>>)
      %dma_wait3A_964 = arith.constant 0 : i32
      %dma_wait3A_965 = arith.constant 0 : i32
      %dma_wait3A_966 = tpu.memref_slice %arg7[%dma_wait3A_964, %dma_wait3A_965] : memref<80x128xi32, #tpu.memory_space<vmem>> -> memref<1x128xi32, #tpu.memory_space<vmem>>
      %dma_wait3A_967 = tpu.memref_squeeze %dma_wait3A_966 : memref<1x128xi32, #tpu.memory_space<vmem>> -> memref<128xi32, #tpu.memory_space<vmem>>
      %dma_wait3A_968 = arith.constant 0 : i32
      %dma_wait3A_969 = arith.constant 0 : i32
      %dma_wait3A_970 = tpu.memref_slice %arg13[%dma_wait3A_968, %dma_wait3A_969] : memref<10112x16xf32, #tpu.memory_space<vmem_shared>> -> memref<10112x16xf32, #tpu.memory_space<vmem_shared>>
      tpu.wait_indirect_dma semaphore(%arg43 : memref<!tpu.dma_semaphore, #tpu.memory_space<semaphore_mem>>) src(%arg9 : memref<128x16xf32, #tpu.memory_space<vmem>>) dst(%dma_wait3A_970 : memref<10112x16xf32, #tpu.memory_space<vmem_shared>>)
      %add3A_971 = arith.constant 5 : i32
      %add3A_972 = arith.addi %add3A_951, %add3A_971 : i32
      %lt3A_973 = arith.cmpi slt, %add3A_972, %select_n3A : i32
      %convert_element_type3A_974 = arith.extui %lt3A_973 : i1 to i32
      %cond3A_975 = arith.constant 0 : i32
      %cond3A_976 = arith.cmpi ne, %convert_element_type3A_974, %cond3A_975 : i32
      scf.if %cond3A_976 {
        %add3A_1286 = arith.constant 5 : i32
        %add3A_1287 = arith.addi %add3A_951, %add3A_1286 : i32
        %dma_start3A_1288 = arith.constant 9 : i32
        %dma_start3A_1289 = arith.constant 0 : i32
        %dma_start3A_1290 = arith.constant 0 : i32
        %dma_start3A_1291 = tpu.memref_slice %arg8[%dma_start3A_1288, %dma_start3A_1289, %dma_start3A_1290] : memref<10x128x16xf32, #tpu.memory_space<vmem>> -> memref<1x128x16xf32, #tpu.memory_space<vmem>>
        %dma_start3A_1292 = tpu.memref_squeeze %dma_start3A_1291 : memref<1x128x16xf32, #tpu.memory_space<vmem>> -> memref<128x16xf32, #tpu.memory_space<vmem>>
        %dma_start3A_1293 = arith.constant 0 : i32
        %dma_start3A_1294 = tpu.memref_slice %arg6[%add3A_1287, %dma_start3A_1293] : memref<80x128xi32, #tpu.memory_space<vmem>> -> memref<1x128xi32, #tpu.memory_space<vmem>>
        %dma_start3A_1295 = tpu.memref_squeeze %dma_start3A_1294 : memref<1x128xi32, #tpu.memory_space<vmem>> -> memref<128xi32, #tpu.memory_space<vmem>>
        %dma_start3A_1296 = arith.constant 0 : i32
        %dma_start3A_1297 = arith.constant 0 : i32
        %dma_start3A_1298 = tpu.memref_slice %arg11[%dma_start3A_1296, %dma_start3A_1297] : memref<10112x16xf32, #tpu.memory_space<vmem_shared>> -> memref<10112x16xf32, #tpu.memory_space<vmem_shared>>
        tpu.enqueue_indirect_dma source(%dma_start3A_1298 : memref<10112x16xf32, #tpu.memory_space<vmem_shared>>) target(%dma_start3A_1292 : memref<128x16xf32, #tpu.memory_space<vmem>>) offsets(%dma_start3A_1295 : memref<128xi32, #tpu.memory_space<vmem>>) semaphore(%arg23 : memref<!tpu.dma_semaphore, #tpu.memory_space<semaphore_mem>>)
      } else {
      }
      %dma_wait3A_977 = arith.constant 0 : i32
      %dma_wait3A_978 = arith.constant 4 : i32
      %dma_wait3A_979 = arith.constant 0 : i32
      %dma_wait3A_980 = arith.constant 0 : i32
      %dma_wait3A_981 = tpu.memref_slice %arg8[%dma_wait3A_978, %dma_wait3A_979, %dma_wait3A_980] : memref<10x128x16xf32, #tpu.memory_space<vmem>> -> memref<1x128x16xf32, #tpu.memory_space<vmem>>
      %dma_wait3A_982 = tpu.memref_squeeze %dma_wait3A_981 : memref<1x128x16xf32, #tpu.memory_space<vmem>> -> memref<128x16xf32, #tpu.memory_space<vmem>>
      %dma_wait3A_983 = arith.constant 0 : i32
      %dma_wait3A_984 = tpu.memref_slice %arg6[%dma_wait3A_977, %dma_wait3A_983] : memref<80x128xi32, #tpu.memory_space<vmem>> -> memref<1x128xi32, #tpu.memory_space<vmem>>
      %dma_wait3A_985 = tpu.memref_squeeze %dma_wait3A_984 : memref<1x128xi32, #tpu.memory_space<vmem>> -> memref<128xi32, #tpu.memory_space<vmem>>
      %dma_wait3A_986 = arith.constant 0 : i32
      %dma_wait3A_987 = arith.constant 0 : i32
      %dma_wait3A_988 = tpu.memref_slice %arg11[%dma_wait3A_986, %dma_wait3A_987] : memref<10112x16xf32, #tpu.memory_space<vmem_shared>> -> memref<10112x16xf32, #tpu.memory_space<vmem_shared>>
      tpu.wait_indirect_dma semaphore(%arg18 : memref<!tpu.dma_semaphore, #tpu.memory_space<semaphore_mem>>) src(%dma_wait3A_988 : memref<10112x16xf32, #tpu.memory_space<vmem_shared>>) dst(%dma_wait3A_982 : memref<128x16xf32, #tpu.memory_space<vmem>>)
      %dma_start3A_989 = arith.constant 4 : i32
      %dma_start3A_990 = arith.constant 0 : i32
      %dma_start3A_991 = arith.constant 0 : i32
      %dma_start3A_992 = tpu.memref_slice %arg8[%dma_start3A_989, %dma_start3A_990, %dma_start3A_991] : memref<10x128x16xf32, #tpu.memory_space<vmem>> -> memref<1x128x16xf32, #tpu.memory_space<vmem>>
      %dma_start3A_993 = tpu.memref_squeeze %dma_start3A_992 : memref<1x128x16xf32, #tpu.memory_space<vmem>> -> memref<128x16xf32, #tpu.memory_space<vmem>>
      %dma_start3A_994 = arith.constant 0 : i32
      %dma_start3A_995 = tpu.memref_slice %arg7[%add3A_951, %dma_start3A_994] : memref<80x128xi32, #tpu.memory_space<vmem>> -> memref<1x128xi32, #tpu.memory_space<vmem>>
      %dma_start3A_996 = tpu.memref_squeeze %dma_start3A_995 : memref<1x128xi32, #tpu.memory_space<vmem>> -> memref<128xi32, #tpu.memory_space<vmem>>
      %dma_start3A_997 = arith.constant 0 : i32
      %dma_start3A_998 = arith.constant 0 : i32
      %dma_start3A_999 = tpu.memref_slice %arg12[%dma_start3A_997, %dma_start3A_998] : memref<10112x16xf32, #tpu.memory_space<vmem_shared>> -> memref<10112x16xf32, #tpu.memory_space<vmem_shared>>
      tpu.enqueue_indirect_dma source(%dma_start3A_993 : memref<128x16xf32, #tpu.memory_space<vmem>>) target(%dma_start3A_999 : memref<10112x16xf32, #tpu.memory_space<vmem_shared>>) offsets(%dma_start3A_996 : memref<128xi32, #tpu.memory_space<vmem>>) semaphore(%arg28 : memref<!tpu.dma_semaphore, #tpu.memory_space<semaphore_mem>>) {add = true}
      %dma_start3A_1000 = arith.constant 0 : i32
      %dma_start3A_1001 = tpu.memref_slice %arg7[%add3A_951, %dma_start3A_1000] : memref<80x128xi32, #tpu.memory_space<vmem>> -> memref<1x128xi32, #tpu.memory_space<vmem>>
      %dma_start3A_1002 = tpu.memref_squeeze %dma_start3A_1001 : memref<1x128xi32, #tpu.memory_space<vmem>> -> memref<128xi32, #tpu.memory_space<vmem>>
      %dma_start3A_1003 = arith.constant 0 : i32
      %dma_start3A_1004 = arith.constant 0 : i32
      %dma_start3A_1005 = tpu.memref_slice %arg13[%dma_start3A_1003, %dma_start3A_1004] : memref<10112x16xf32, #tpu.memory_space<vmem_shared>> -> memref<10112x16xf32, #tpu.memory_space<vmem_shared>>
      tpu.enqueue_indirect_dma source(%arg9 : memref<128x16xf32, #tpu.memory_space<vmem>>) target(%dma_start3A_1005 : memref<10112x16xf32, #tpu.memory_space<vmem_shared>>) offsets(%dma_start3A_1002 : memref<128xi32, #tpu.memory_space<vmem>>) semaphore(%arg38 : memref<!tpu.dma_semaphore, #tpu.memory_space<semaphore_mem>>) {add = true}
      %add3A_1006 = arith.constant 5 : i32
      %add3A_1007 = arith.addi %mul3A_725, %add3A_1006 : i32
      %dma_wait3A_1008 = arith.constant 0 : i32
      %dma_wait3A_1009 = arith.constant 0 : i32
      %dma_wait3A_1010 = arith.constant 0 : i32
      %dma_wait3A_1011 = arith.constant 0 : i32
      %dma_wait3A_1012 = tpu.memref_slice %arg8[%dma_wait3A_1008, %dma_wait3A_1010, %dma_wait3A_1011] : memref<10x128x16xf32, #tpu.memory_space<vmem>> -> memref<1x128x16xf32, #tpu.memory_space<vmem>>
      %dma_wait3A_1013 = tpu.memref_squeeze %dma_wait3A_1012 : memref<1x128x16xf32, #tpu.memory_space<vmem>> -> memref<128x16xf32, #tpu.memory_space<vmem>>
      %dma_wait3A_1014 = arith.constant 0 : i32
      %dma_wait3A_1015 = tpu.memref_slice %arg7[%dma_wait3A_1009, %dma_wait3A_1014] : memref<80x128xi32, #tpu.memory_space<vmem>> -> memref<1x128xi32, #tpu.memory_space<vmem>>
      %dma_wait3A_1016 = tpu.memref_squeeze %dma_wait3A_1015 : memref<1x128xi32, #tpu.memory_space<vmem>> -> memref<128xi32, #tpu.memory_space<vmem>>
      %dma_wait3A_1017 = arith.constant 0 : i32
      %dma_wait3A_1018 = arith.constant 0 : i32
      %dma_wait3A_1019 = tpu.memref_slice %arg12[%dma_wait3A_1017, %dma_wait3A_1018] : memref<10112x16xf32, #tpu.memory_space<vmem_shared>> -> memref<10112x16xf32, #tpu.memory_space<vmem_shared>>
      tpu.wait_indirect_dma semaphore(%arg24 : memref<!tpu.dma_semaphore, #tpu.memory_space<semaphore_mem>>) src(%dma_wait3A_1013 : memref<128x16xf32, #tpu.memory_space<vmem>>) dst(%dma_wait3A_1019 : memref<10112x16xf32, #tpu.memory_space<vmem_shared>>)
      %dma_wait3A_1020 = arith.constant 0 : i32
      %dma_wait3A_1021 = arith.constant 0 : i32
      %dma_wait3A_1022 = tpu.memref_slice %arg7[%dma_wait3A_1020, %dma_wait3A_1021] : memref<80x128xi32, #tpu.memory_space<vmem>> -> memref<1x128xi32, #tpu.memory_space<vmem>>
      %dma_wait3A_1023 = tpu.memref_squeeze %dma_wait3A_1022 : memref<1x128xi32, #tpu.memory_space<vmem>> -> memref<128xi32, #tpu.memory_space<vmem>>
      %dma_wait3A_1024 = arith.constant 0 : i32
      %dma_wait3A_1025 = arith.constant 0 : i32
      %dma_wait3A_1026 = tpu.memref_slice %arg13[%dma_wait3A_1024, %dma_wait3A_1025] : memref<10112x16xf32, #tpu.memory_space<vmem_shared>> -> memref<10112x16xf32, #tpu.memory_space<vmem_shared>>
      tpu.wait_indirect_dma semaphore(%arg34 : memref<!tpu.dma_semaphore, #tpu.memory_space<semaphore_mem>>) src(%arg9 : memref<128x16xf32, #tpu.memory_space<vmem>>) dst(%dma_wait3A_1026 : memref<10112x16xf32, #tpu.memory_space<vmem_shared>>)
      %add3A_1027 = arith.constant 5 : i32
      %add3A_1028 = arith.addi %add3A_1007, %add3A_1027 : i32
      %lt3A_1029 = arith.cmpi slt, %add3A_1028, %select_n3A : i32
      %convert_element_type3A_1030 = arith.extui %lt3A_1029 : i1 to i32
      %cond3A_1031 = arith.constant 0 : i32
      %cond3A_1032 = arith.cmpi ne, %convert_element_type3A_1030, %cond3A_1031 : i32
      scf.if %cond3A_1032 {
        %add3A_1286 = arith.constant 5 : i32
        %add3A_1287 = arith.addi %add3A_1007, %add3A_1286 : i32
        %dma_start3A_1288 = arith.constant 0 : i32
        %dma_start3A_1289 = arith.constant 0 : i32
        %dma_start3A_1290 = arith.constant 0 : i32
        %dma_start3A_1291 = tpu.memref_slice %arg8[%dma_start3A_1288, %dma_start3A_1289, %dma_start3A_1290] : memref<10x128x16xf32, #tpu.memory_space<vmem>> -> memref<1x128x16xf32, #tpu.memory_space<vmem>>
        %dma_start3A_1292 = tpu.memref_squeeze %dma_start3A_1291 : memref<1x128x16xf32, #tpu.memory_space<vmem>> -> memref<128x16xf32, #tpu.memory_space<vmem>>
        %dma_start3A_1293 = arith.constant 0 : i32
        %dma_start3A_1294 = tpu.memref_slice %arg6[%add3A_1287, %dma_start3A_1293] : memref<80x128xi32, #tpu.memory_space<vmem>> -> memref<1x128xi32, #tpu.memory_space<vmem>>
        %dma_start3A_1295 = tpu.memref_squeeze %dma_start3A_1294 : memref<1x128xi32, #tpu.memory_space<vmem>> -> memref<128xi32, #tpu.memory_space<vmem>>
        %dma_start3A_1296 = arith.constant 0 : i32
        %dma_start3A_1297 = arith.constant 0 : i32
        %dma_start3A_1298 = tpu.memref_slice %arg11[%dma_start3A_1296, %dma_start3A_1297] : memref<10112x16xf32, #tpu.memory_space<vmem_shared>> -> memref<10112x16xf32, #tpu.memory_space<vmem_shared>>
        tpu.enqueue_indirect_dma source(%dma_start3A_1298 : memref<10112x16xf32, #tpu.memory_space<vmem_shared>>) target(%dma_start3A_1292 : memref<128x16xf32, #tpu.memory_space<vmem>>) offsets(%dma_start3A_1295 : memref<128xi32, #tpu.memory_space<vmem>>) semaphore(%arg14 : memref<!tpu.dma_semaphore, #tpu.memory_space<semaphore_mem>>)
      } else {
      }
      %dma_wait3A_1033 = arith.constant 0 : i32
      %dma_wait3A_1034 = arith.constant 5 : i32
      %dma_wait3A_1035 = arith.constant 0 : i32
      %dma_wait3A_1036 = arith.constant 0 : i32
      %dma_wait3A_1037 = tpu.memref_slice %arg8[%dma_wait3A_1034, %dma_wait3A_1035, %dma_wait3A_1036] : memref<10x128x16xf32, #tpu.memory_space<vmem>> -> memref<1x128x16xf32, #tpu.memory_space<vmem>>
      %dma_wait3A_1038 = tpu.memref_squeeze %dma_wait3A_1037 : memref<1x128x16xf32, #tpu.memory_space<vmem>> -> memref<128x16xf32, #tpu.memory_space<vmem>>
      %dma_wait3A_1039 = arith.constant 0 : i32
      %dma_wait3A_1040 = tpu.memref_slice %arg6[%dma_wait3A_1033, %dma_wait3A_1039] : memref<80x128xi32, #tpu.memory_space<vmem>> -> memref<1x128xi32, #tpu.memory_space<vmem>>
      %dma_wait3A_1041 = tpu.memref_squeeze %dma_wait3A_1040 : memref<1x128xi32, #tpu.memory_space<vmem>> -> memref<128xi32, #tpu.memory_space<vmem>>
      %dma_wait3A_1042 = arith.constant 0 : i32
      %dma_wait3A_1043 = arith.constant 0 : i32
      %dma_wait3A_1044 = tpu.memref_slice %arg11[%dma_wait3A_1042, %dma_wait3A_1043] : memref<10112x16xf32, #tpu.memory_space<vmem_shared>> -> memref<10112x16xf32, #tpu.memory_space<vmem_shared>>
      tpu.wait_indirect_dma semaphore(%arg19 : memref<!tpu.dma_semaphore, #tpu.memory_space<semaphore_mem>>) src(%dma_wait3A_1044 : memref<10112x16xf32, #tpu.memory_space<vmem_shared>>) dst(%dma_wait3A_1038 : memref<128x16xf32, #tpu.memory_space<vmem>>)
      %dma_start3A_1045 = arith.constant 5 : i32
      %dma_start3A_1046 = arith.constant 0 : i32
      %dma_start3A_1047 = arith.constant 0 : i32
      %dma_start3A_1048 = tpu.memref_slice %arg8[%dma_start3A_1045, %dma_start3A_1046, %dma_start3A_1047] : memref<10x128x16xf32, #tpu.memory_space<vmem>> -> memref<1x128x16xf32, #tpu.memory_space<vmem>>
      %dma_start3A_1049 = tpu.memref_squeeze %dma_start3A_1048 : memref<1x128x16xf32, #tpu.memory_space<vmem>> -> memref<128x16xf32, #tpu.memory_space<vmem>>
      %dma_start3A_1050 = arith.constant 0 : i32
      %dma_start3A_1051 = tpu.memref_slice %arg7[%add3A_1007, %dma_start3A_1050] : memref<80x128xi32, #tpu.memory_space<vmem>> -> memref<1x128xi32, #tpu.memory_space<vmem>>
      %dma_start3A_1052 = tpu.memref_squeeze %dma_start3A_1051 : memref<1x128xi32, #tpu.memory_space<vmem>> -> memref<128xi32, #tpu.memory_space<vmem>>
      %dma_start3A_1053 = arith.constant 0 : i32
      %dma_start3A_1054 = arith.constant 0 : i32
      %dma_start3A_1055 = tpu.memref_slice %arg12[%dma_start3A_1053, %dma_start3A_1054] : memref<10112x16xf32, #tpu.memory_space<vmem_shared>> -> memref<10112x16xf32, #tpu.memory_space<vmem_shared>>
      tpu.enqueue_indirect_dma source(%dma_start3A_1049 : memref<128x16xf32, #tpu.memory_space<vmem>>) target(%dma_start3A_1055 : memref<10112x16xf32, #tpu.memory_space<vmem_shared>>) offsets(%dma_start3A_1052 : memref<128xi32, #tpu.memory_space<vmem>>) semaphore(%arg29 : memref<!tpu.dma_semaphore, #tpu.memory_space<semaphore_mem>>) {add = true}
      %dma_start3A_1056 = arith.constant 0 : i32
      %dma_start3A_1057 = tpu.memref_slice %arg7[%add3A_1007, %dma_start3A_1056] : memref<80x128xi32, #tpu.memory_space<vmem>> -> memref<1x128xi32, #tpu.memory_space<vmem>>
      %dma_start3A_1058 = tpu.memref_squeeze %dma_start3A_1057 : memref<1x128xi32, #tpu.memory_space<vmem>> -> memref<128xi32, #tpu.memory_space<vmem>>
      %dma_start3A_1059 = arith.constant 0 : i32
      %dma_start3A_1060 = arith.constant 0 : i32
      %dma_start3A_1061 = tpu.memref_slice %arg13[%dma_start3A_1059, %dma_start3A_1060] : memref<10112x16xf32, #tpu.memory_space<vmem_shared>> -> memref<10112x16xf32, #tpu.memory_space<vmem_shared>>
      tpu.enqueue_indirect_dma source(%arg9 : memref<128x16xf32, #tpu.memory_space<vmem>>) target(%dma_start3A_1061 : memref<10112x16xf32, #tpu.memory_space<vmem_shared>>) offsets(%dma_start3A_1058 : memref<128xi32, #tpu.memory_space<vmem>>) semaphore(%arg39 : memref<!tpu.dma_semaphore, #tpu.memory_space<semaphore_mem>>) {add = true}
      %add3A_1062 = arith.constant 6 : i32
      %add3A_1063 = arith.addi %mul3A_725, %add3A_1062 : i32
      %dma_wait3A_1064 = arith.constant 1 : i32
      %dma_wait3A_1065 = arith.constant 0 : i32
      %dma_wait3A_1066 = arith.constant 0 : i32
      %dma_wait3A_1067 = arith.constant 0 : i32
      %dma_wait3A_1068 = tpu.memref_slice %arg8[%dma_wait3A_1064, %dma_wait3A_1066, %dma_wait3A_1067] : memref<10x128x16xf32, #tpu.memory_space<vmem>> -> memref<1x128x16xf32, #tpu.memory_space<vmem>>
      %dma_wait3A_1069 = tpu.memref_squeeze %dma_wait3A_1068 : memref<1x128x16xf32, #tpu.memory_space<vmem>> -> memref<128x16xf32, #tpu.memory_space<vmem>>
      %dma_wait3A_1070 = arith.constant 0 : i32
      %dma_wait3A_1071 = tpu.memref_slice %arg7[%dma_wait3A_1065, %dma_wait3A_1070] : memref<80x128xi32, #tpu.memory_space<vmem>> -> memref<1x128xi32, #tpu.memory_space<vmem>>
      %dma_wait3A_1072 = tpu.memref_squeeze %dma_wait3A_1071 : memref<1x128xi32, #tpu.memory_space<vmem>> -> memref<128xi32, #tpu.memory_space<vmem>>
      %dma_wait3A_1073 = arith.constant 0 : i32
      %dma_wait3A_1074 = arith.constant 0 : i32
      %dma_wait3A_1075 = tpu.memref_slice %arg12[%dma_wait3A_1073, %dma_wait3A_1074] : memref<10112x16xf32, #tpu.memory_space<vmem_shared>> -> memref<10112x16xf32, #tpu.memory_space<vmem_shared>>
      tpu.wait_indirect_dma semaphore(%arg25 : memref<!tpu.dma_semaphore, #tpu.memory_space<semaphore_mem>>) src(%dma_wait3A_1069 : memref<128x16xf32, #tpu.memory_space<vmem>>) dst(%dma_wait3A_1075 : memref<10112x16xf32, #tpu.memory_space<vmem_shared>>)
      %dma_wait3A_1076 = arith.constant 0 : i32
      %dma_wait3A_1077 = arith.constant 0 : i32
      %dma_wait3A_1078 = tpu.memref_slice %arg7[%dma_wait3A_1076, %dma_wait3A_1077] : memref<80x128xi32, #tpu.memory_space<vmem>> -> memref<1x128xi32, #tpu.memory_space<vmem>>
      %dma_wait3A_1079 = tpu.memref_squeeze %dma_wait3A_1078 : memref<1x128xi32, #tpu.memory_space<vmem>> -> memref<128xi32, #tpu.memory_space<vmem>>
      %dma_wait3A_1080 = arith.constant 0 : i32
      %dma_wait3A_1081 = arith.constant 0 : i32
      %dma_wait3A_1082 = tpu.memref_slice %arg13[%dma_wait3A_1080, %dma_wait3A_1081] : memref<10112x16xf32, #tpu.memory_space<vmem_shared>> -> memref<10112x16xf32, #tpu.memory_space<vmem_shared>>
      tpu.wait_indirect_dma semaphore(%arg35 : memref<!tpu.dma_semaphore, #tpu.memory_space<semaphore_mem>>) src(%arg9 : memref<128x16xf32, #tpu.memory_space<vmem>>) dst(%dma_wait3A_1082 : memref<10112x16xf32, #tpu.memory_space<vmem_shared>>)
      %add3A_1083 = arith.constant 5 : i32
      %add3A_1084 = arith.addi %add3A_1063, %add3A_1083 : i32
      %lt3A_1085 = arith.cmpi slt, %add3A_1084, %select_n3A : i32
      %convert_element_type3A_1086 = arith.extui %lt3A_1085 : i1 to i32
      %cond3A_1087 = arith.constant 0 : i32
      %cond3A_1088 = arith.cmpi ne, %convert_element_type3A_1086, %cond3A_1087 : i32
      scf.if %cond3A_1088 {
        %add3A_1286 = arith.constant 5 : i32
        %add3A_1287 = arith.addi %add3A_1063, %add3A_1286 : i32
        %dma_start3A_1288 = arith.constant 1 : i32
        %dma_start3A_1289 = arith.constant 0 : i32
        %dma_start3A_1290 = arith.constant 0 : i32
        %dma_start3A_1291 = tpu.memref_slice %arg8[%dma_start3A_1288, %dma_start3A_1289, %dma_start3A_1290] : memref<10x128x16xf32, #tpu.memory_space<vmem>> -> memref<1x128x16xf32, #tpu.memory_space<vmem>>
        %dma_start3A_1292 = tpu.memref_squeeze %dma_start3A_1291 : memref<1x128x16xf32, #tpu.memory_space<vmem>> -> memref<128x16xf32, #tpu.memory_space<vmem>>
        %dma_start3A_1293 = arith.constant 0 : i32
        %dma_start3A_1294 = tpu.memref_slice %arg6[%add3A_1287, %dma_start3A_1293] : memref<80x128xi32, #tpu.memory_space<vmem>> -> memref<1x128xi32, #tpu.memory_space<vmem>>
        %dma_start3A_1295 = tpu.memref_squeeze %dma_start3A_1294 : memref<1x128xi32, #tpu.memory_space<vmem>> -> memref<128xi32, #tpu.memory_space<vmem>>
        %dma_start3A_1296 = arith.constant 0 : i32
        %dma_start3A_1297 = arith.constant 0 : i32
        %dma_start3A_1298 = tpu.memref_slice %arg11[%dma_start3A_1296, %dma_start3A_1297] : memref<10112x16xf32, #tpu.memory_space<vmem_shared>> -> memref<10112x16xf32, #tpu.memory_space<vmem_shared>>
        tpu.enqueue_indirect_dma source(%dma_start3A_1298 : memref<10112x16xf32, #tpu.memory_space<vmem_shared>>) target(%dma_start3A_1292 : memref<128x16xf32, #tpu.memory_space<vmem>>) offsets(%dma_start3A_1295 : memref<128xi32, #tpu.memory_space<vmem>>) semaphore(%arg15 : memref<!tpu.dma_semaphore, #tpu.memory_space<semaphore_mem>>)
      } else {
      }
      %dma_wait3A_1089 = arith.constant 0 : i32
      %dma_wait3A_1090 = arith.constant 6 : i32
      %dma_wait3A_1091 = arith.constant 0 : i32
      %dma_wait3A_1092 = arith.constant 0 : i32
      %dma_wait3A_1093 = tpu.memref_slice %arg8[%dma_wait3A_1090, %dma_wait3A_1091, %dma_wait3A_1092] : memref<10x128x16xf32, #tpu.memory_space<vmem>> -> memref<1x128x16xf32, #tpu.memory_space<vmem>>
      %dma_wait3A_1094 = tpu.memref_squeeze %dma_wait3A_1093 : memref<1x128x16xf32, #tpu.memory_space<vmem>> -> memref<128x16xf32, #tpu.memory_space<vmem>>
      %dma_wait3A_1095 = arith.constant 0 : i32
      %dma_wait3A_1096 = tpu.memref_slice %arg6[%dma_wait3A_1089, %dma_wait3A_1095] : memref<80x128xi32, #tpu.memory_space<vmem>> -> memref<1x128xi32, #tpu.memory_space<vmem>>
      %dma_wait3A_1097 = tpu.memref_squeeze %dma_wait3A_1096 : memref<1x128xi32, #tpu.memory_space<vmem>> -> memref<128xi32, #tpu.memory_space<vmem>>
      %dma_wait3A_1098 = arith.constant 0 : i32
      %dma_wait3A_1099 = arith.constant 0 : i32
      %dma_wait3A_1100 = tpu.memref_slice %arg11[%dma_wait3A_1098, %dma_wait3A_1099] : memref<10112x16xf32, #tpu.memory_space<vmem_shared>> -> memref<10112x16xf32, #tpu.memory_space<vmem_shared>>
      tpu.wait_indirect_dma semaphore(%arg20 : memref<!tpu.dma_semaphore, #tpu.memory_space<semaphore_mem>>) src(%dma_wait3A_1100 : memref<10112x16xf32, #tpu.memory_space<vmem_shared>>) dst(%dma_wait3A_1094 : memref<128x16xf32, #tpu.memory_space<vmem>>)
      %dma_start3A_1101 = arith.constant 6 : i32
      %dma_start3A_1102 = arith.constant 0 : i32
      %dma_start3A_1103 = arith.constant 0 : i32
      %dma_start3A_1104 = tpu.memref_slice %arg8[%dma_start3A_1101, %dma_start3A_1102, %dma_start3A_1103] : memref<10x128x16xf32, #tpu.memory_space<vmem>> -> memref<1x128x16xf32, #tpu.memory_space<vmem>>
      %dma_start3A_1105 = tpu.memref_squeeze %dma_start3A_1104 : memref<1x128x16xf32, #tpu.memory_space<vmem>> -> memref<128x16xf32, #tpu.memory_space<vmem>>
      %dma_start3A_1106 = arith.constant 0 : i32
      %dma_start3A_1107 = tpu.memref_slice %arg7[%add3A_1063, %dma_start3A_1106] : memref<80x128xi32, #tpu.memory_space<vmem>> -> memref<1x128xi32, #tpu.memory_space<vmem>>
      %dma_start3A_1108 = tpu.memref_squeeze %dma_start3A_1107 : memref<1x128xi32, #tpu.memory_space<vmem>> -> memref<128xi32, #tpu.memory_space<vmem>>
      %dma_start3A_1109 = arith.constant 0 : i32
      %dma_start3A_1110 = arith.constant 0 : i32
      %dma_start3A_1111 = tpu.memref_slice %arg12[%dma_start3A_1109, %dma_start3A_1110] : memref<10112x16xf32, #tpu.memory_space<vmem_shared>> -> memref<10112x16xf32, #tpu.memory_space<vmem_shared>>
      tpu.enqueue_indirect_dma source(%dma_start3A_1105 : memref<128x16xf32, #tpu.memory_space<vmem>>) target(%dma_start3A_1111 : memref<10112x16xf32, #tpu.memory_space<vmem_shared>>) offsets(%dma_start3A_1108 : memref<128xi32, #tpu.memory_space<vmem>>) semaphore(%arg30 : memref<!tpu.dma_semaphore, #tpu.memory_space<semaphore_mem>>) {add = true}
      %dma_start3A_1112 = arith.constant 0 : i32
      %dma_start3A_1113 = tpu.memref_slice %arg7[%add3A_1063, %dma_start3A_1112] : memref<80x128xi32, #tpu.memory_space<vmem>> -> memref<1x128xi32, #tpu.memory_space<vmem>>
      %dma_start3A_1114 = tpu.memref_squeeze %dma_start3A_1113 : memref<1x128xi32, #tpu.memory_space<vmem>> -> memref<128xi32, #tpu.memory_space<vmem>>
      %dma_start3A_1115 = arith.constant 0 : i32
      %dma_start3A_1116 = arith.constant 0 : i32
      %dma_start3A_1117 = tpu.memref_slice %arg13[%dma_start3A_1115, %dma_start3A_1116] : memref<10112x16xf32, #tpu.memory_space<vmem_shared>> -> memref<10112x16xf32, #tpu.memory_space<vmem_shared>>
      tpu.enqueue_indirect_dma source(%arg9 : memref<128x16xf32, #tpu.memory_space<vmem>>) target(%dma_start3A_1117 : memref<10112x16xf32, #tpu.memory_space<vmem_shared>>) offsets(%dma_start3A_1114 : memref<128xi32, #tpu.memory_space<vmem>>) semaphore(%arg40 : memref<!tpu.dma_semaphore, #tpu.memory_space<semaphore_mem>>) {add = true}
      %add3A_1118 = arith.constant 7 : i32
      %add3A_1119 = arith.addi %mul3A_725, %add3A_1118 : i32
      %dma_wait3A_1120 = arith.constant 2 : i32
      %dma_wait3A_1121 = arith.constant 0 : i32
      %dma_wait3A_1122 = arith.constant 0 : i32
      %dma_wait3A_1123 = arith.constant 0 : i32
      %dma_wait3A_1124 = tpu.memref_slice %arg8[%dma_wait3A_1120, %dma_wait3A_1122, %dma_wait3A_1123] : memref<10x128x16xf32, #tpu.memory_space<vmem>> -> memref<1x128x16xf32, #tpu.memory_space<vmem>>
      %dma_wait3A_1125 = tpu.memref_squeeze %dma_wait3A_1124 : memref<1x128x16xf32, #tpu.memory_space<vmem>> -> memref<128x16xf32, #tpu.memory_space<vmem>>
      %dma_wait3A_1126 = arith.constant 0 : i32
      %dma_wait3A_1127 = tpu.memref_slice %arg7[%dma_wait3A_1121, %dma_wait3A_1126] : memref<80x128xi32, #tpu.memory_space<vmem>> -> memref<1x128xi32, #tpu.memory_space<vmem>>
      %dma_wait3A_1128 = tpu.memref_squeeze %dma_wait3A_1127 : memref<1x128xi32, #tpu.memory_space<vmem>> -> memref<128xi32, #tpu.memory_space<vmem>>
      %dma_wait3A_1129 = arith.constant 0 : i32
      %dma_wait3A_1130 = arith.constant 0 : i32
      %dma_wait3A_1131 = tpu.memref_slice %arg12[%dma_wait3A_1129, %dma_wait3A_1130] : memref<10112x16xf32, #tpu.memory_space<vmem_shared>> -> memref<10112x16xf32, #tpu.memory_space<vmem_shared>>
      tpu.wait_indirect_dma semaphore(%arg26 : memref<!tpu.dma_semaphore, #tpu.memory_space<semaphore_mem>>) src(%dma_wait3A_1125 : memref<128x16xf32, #tpu.memory_space<vmem>>) dst(%dma_wait3A_1131 : memref<10112x16xf32, #tpu.memory_space<vmem_shared>>)
      %dma_wait3A_1132 = arith.constant 0 : i32
      %dma_wait3A_1133 = arith.constant 0 : i32
      %dma_wait3A_1134 = tpu.memref_slice %arg7[%dma_wait3A_1132, %dma_wait3A_1133] : memref<80x128xi32, #tpu.memory_space<vmem>> -> memref<1x128xi32, #tpu.memory_space<vmem>>
      %dma_wait3A_1135 = tpu.memref_squeeze %dma_wait3A_1134 : memref<1x128xi32, #tpu.memory_space<vmem>> -> memref<128xi32, #tpu.memory_space<vmem>>
      %dma_wait3A_1136 = arith.constant 0 : i32
      %dma_wait3A_1137 = arith.constant 0 : i32
      %dma_wait3A_1138 = tpu.memref_slice %arg13[%dma_wait3A_1136, %dma_wait3A_1137] : memref<10112x16xf32, #tpu.memory_space<vmem_shared>> -> memref<10112x16xf32, #tpu.memory_space<vmem_shared>>
      tpu.wait_indirect_dma semaphore(%arg36 : memref<!tpu.dma_semaphore, #tpu.memory_space<semaphore_mem>>) src(%arg9 : memref<128x16xf32, #tpu.memory_space<vmem>>) dst(%dma_wait3A_1138 : memref<10112x16xf32, #tpu.memory_space<vmem_shared>>)
      %add3A_1139 = arith.constant 5 : i32
      %add3A_1140 = arith.addi %add3A_1119, %add3A_1139 : i32
      %lt3A_1141 = arith.cmpi slt, %add3A_1140, %select_n3A : i32
      %convert_element_type3A_1142 = arith.extui %lt3A_1141 : i1 to i32
      %cond3A_1143 = arith.constant 0 : i32
      %cond3A_1144 = arith.cmpi ne, %convert_element_type3A_1142, %cond3A_1143 : i32
      scf.if %cond3A_1144 {
        %add3A_1286 = arith.constant 5 : i32
        %add3A_1287 = arith.addi %add3A_1119, %add3A_1286 : i32
        %dma_start3A_1288 = arith.constant 2 : i32
        %dma_start3A_1289 = arith.constant 0 : i32
        %dma_start3A_1290 = arith.constant 0 : i32
        %dma_start3A_1291 = tpu.memref_slice %arg8[%dma_start3A_1288, %dma_start3A_1289, %dma_start3A_1290] : memref<10x128x16xf32, #tpu.memory_space<vmem>> -> memref<1x128x16xf32, #tpu.memory_space<vmem>>
        %dma_start3A_1292 = tpu.memref_squeeze %dma_start3A_1291 : memref<1x128x16xf32, #tpu.memory_space<vmem>> -> memref<128x16xf32, #tpu.memory_space<vmem>>
        %dma_start3A_1293 = arith.constant 0 : i32
        %dma_start3A_1294 = tpu.memref_slice %arg6[%add3A_1287, %dma_start3A_1293] : memref<80x128xi32, #tpu.memory_space<vmem>> -> memref<1x128xi32, #tpu.memory_space<vmem>>
        %dma_start3A_1295 = tpu.memref_squeeze %dma_start3A_1294 : memref<1x128xi32, #tpu.memory_space<vmem>> -> memref<128xi32, #tpu.memory_space<vmem>>
        %dma_start3A_1296 = arith.constant 0 : i32
        %dma_start3A_1297 = arith.constant 0 : i32
        %dma_start3A_1298 = tpu.memref_slice %arg11[%dma_start3A_1296, %dma_start3A_1297] : memref<10112x16xf32, #tpu.memory_space<vmem_shared>> -> memref<10112x16xf32, #tpu.memory_space<vmem_shared>>
        tpu.enqueue_indirect_dma source(%dma_start3A_1298 : memref<10112x16xf32, #tpu.memory_space<vmem_shared>>) target(%dma_start3A_1292 : memref<128x16xf32, #tpu.memory_space<vmem>>) offsets(%dma_start3A_1295 : memref<128xi32, #tpu.memory_space<vmem>>) semaphore(%arg16 : memref<!tpu.dma_semaphore, #tpu.memory_space<semaphore_mem>>)
      } else {
      }
      %dma_wait3A_1145 = arith.constant 0 : i32
      %dma_wait3A_1146 = arith.constant 7 : i32
      %dma_wait3A_1147 = arith.constant 0 : i32
      %dma_wait3A_1148 = arith.constant 0 : i32
      %dma_wait3A_1149 = tpu.memref_slice %arg8[%dma_wait3A_1146, %dma_wait3A_1147, %dma_wait3A_1148] : memref<10x128x16xf32, #tpu.memory_space<vmem>> -> memref<1x128x16xf32, #tpu.memory_space<vmem>>
      %dma_wait3A_1150 = tpu.memref_squeeze %dma_wait3A_1149 : memref<1x128x16xf32, #tpu.memory_space<vmem>> -> memref<128x16xf32, #tpu.memory_space<vmem>>
      %dma_wait3A_1151 = arith.constant 0 : i32
      %dma_wait3A_1152 = tpu.memref_slice %arg6[%dma_wait3A_1145, %dma_wait3A_1151] : memref<80x128xi32, #tpu.memory_space<vmem>> -> memref<1x128xi32, #tpu.memory_space<vmem>>
      %dma_wait3A_1153 = tpu.memref_squeeze %dma_wait3A_1152 : memref<1x128xi32, #tpu.memory_space<vmem>> -> memref<128xi32, #tpu.memory_space<vmem>>
      %dma_wait3A_1154 = arith.constant 0 : i32
      %dma_wait3A_1155 = arith.constant 0 : i32
      %dma_wait3A_1156 = tpu.memref_slice %arg11[%dma_wait3A_1154, %dma_wait3A_1155] : memref<10112x16xf32, #tpu.memory_space<vmem_shared>> -> memref<10112x16xf32, #tpu.memory_space<vmem_shared>>
      tpu.wait_indirect_dma semaphore(%arg21 : memref<!tpu.dma_semaphore, #tpu.memory_space<semaphore_mem>>) src(%dma_wait3A_1156 : memref<10112x16xf32, #tpu.memory_space<vmem_shared>>) dst(%dma_wait3A_1150 : memref<128x16xf32, #tpu.memory_space<vmem>>)
      %dma_start3A_1157 = arith.constant 7 : i32
      %dma_start3A_1158 = arith.constant 0 : i32
      %dma_start3A_1159 = arith.constant 0 : i32
      %dma_start3A_1160 = tpu.memref_slice %arg8[%dma_start3A_1157, %dma_start3A_1158, %dma_start3A_1159] : memref<10x128x16xf32, #tpu.memory_space<vmem>> -> memref<1x128x16xf32, #tpu.memory_space<vmem>>
      %dma_start3A_1161 = tpu.memref_squeeze %dma_start3A_1160 : memref<1x128x16xf32, #tpu.memory_space<vmem>> -> memref<128x16xf32, #tpu.memory_space<vmem>>
      %dma_start3A_1162 = arith.constant 0 : i32
      %dma_start3A_1163 = tpu.memref_slice %arg7[%add3A_1119, %dma_start3A_1162] : memref<80x128xi32, #tpu.memory_space<vmem>> -> memref<1x128xi32, #tpu.memory_space<vmem>>
      %dma_start3A_1164 = tpu.memref_squeeze %dma_start3A_1163 : memref<1x128xi32, #tpu.memory_space<vmem>> -> memref<128xi32, #tpu.memory_space<vmem>>
      %dma_start3A_1165 = arith.constant 0 : i32
      %dma_start3A_1166 = arith.constant 0 : i32
      %dma_start3A_1167 = tpu.memref_slice %arg12[%dma_start3A_1165, %dma_start3A_1166] : memref<10112x16xf32, #tpu.memory_space<vmem_shared>> -> memref<10112x16xf32, #tpu.memory_space<vmem_shared>>
      tpu.enqueue_indirect_dma source(%dma_start3A_1161 : memref<128x16xf32, #tpu.memory_space<vmem>>) target(%dma_start3A_1167 : memref<10112x16xf32, #tpu.memory_space<vmem_shared>>) offsets(%dma_start3A_1164 : memref<128xi32, #tpu.memory_space<vmem>>) semaphore(%arg31 : memref<!tpu.dma_semaphore, #tpu.memory_space<semaphore_mem>>) {add = true}
      %dma_start3A_1168 = arith.constant 0 : i32
      %dma_start3A_1169 = tpu.memref_slice %arg7[%add3A_1119, %dma_start3A_1168] : memref<80x128xi32, #tpu.memory_space<vmem>> -> memref<1x128xi32, #tpu.memory_space<vmem>>
      %dma_start3A_1170 = tpu.memref_squeeze %dma_start3A_1169 : memref<1x128xi32, #tpu.memory_space<vmem>> -> memref<128xi32, #tpu.memory_space<vmem>>
      %dma_start3A_1171 = arith.constant 0 : i32
      %dma_start3A_1172 = arith.constant 0 : i32
      %dma_start3A_1173 = tpu.memref_slice %arg13[%dma_start3A_1171, %dma_start3A_1172] : memref<10112x16xf32, #tpu.memory_space<vmem_shared>> -> memref<10112x16xf32, #tpu.memory_space<vmem_shared>>
      tpu.enqueue_indirect_dma source(%arg9 : memref<128x16xf32, #tpu.memory_space<vmem>>) target(%dma_start3A_1173 : memref<10112x16xf32, #tpu.memory_space<vmem_shared>>) offsets(%dma_start3A_1170 : memref<128xi32, #tpu.memory_space<vmem>>) semaphore(%arg41 : memref<!tpu.dma_semaphore, #tpu.memory_space<semaphore_mem>>) {add = true}
      %add3A_1174 = arith.constant 8 : i32
      %add3A_1175 = arith.addi %mul3A_725, %add3A_1174 : i32
      %dma_wait3A_1176 = arith.constant 3 : i32
      %dma_wait3A_1177 = arith.constant 0 : i32
      %dma_wait3A_1178 = arith.constant 0 : i32
      %dma_wait3A_1179 = arith.constant 0 : i32
      %dma_wait3A_1180 = tpu.memref_slice %arg8[%dma_wait3A_1176, %dma_wait3A_1178, %dma_wait3A_1179] : memref<10x128x16xf32, #tpu.memory_space<vmem>> -> memref<1x128x16xf32, #tpu.memory_space<vmem>>
      %dma_wait3A_1181 = tpu.memref_squeeze %dma_wait3A_1180 : memref<1x128x16xf32, #tpu.memory_space<vmem>> -> memref<128x16xf32, #tpu.memory_space<vmem>>
      %dma_wait3A_1182 = arith.constant 0 : i32
      %dma_wait3A_1183 = tpu.memref_slice %arg7[%dma_wait3A_1177, %dma_wait3A_1182] : memref<80x128xi32, #tpu.memory_space<vmem>> -> memref<1x128xi32, #tpu.memory_space<vmem>>
      %dma_wait3A_1184 = tpu.memref_squeeze %dma_wait3A_1183 : memref<1x128xi32, #tpu.memory_space<vmem>> -> memref<128xi32, #tpu.memory_space<vmem>>
      %dma_wait3A_1185 = arith.constant 0 : i32
      %dma_wait3A_1186 = arith.constant 0 : i32
      %dma_wait3A_1187 = tpu.memref_slice %arg12[%dma_wait3A_1185, %dma_wait3A_1186] : memref<10112x16xf32, #tpu.memory_space<vmem_shared>> -> memref<10112x16xf32, #tpu.memory_space<vmem_shared>>
      tpu.wait_indirect_dma semaphore(%arg27 : memref<!tpu.dma_semaphore, #tpu.memory_space<semaphore_mem>>) src(%dma_wait3A_1181 : memref<128x16xf32, #tpu.memory_space<vmem>>) dst(%dma_wait3A_1187 : memref<10112x16xf32, #tpu.memory_space<vmem_shared>>)
      %dma_wait3A_1188 = arith.constant 0 : i32
      %dma_wait3A_1189 = arith.constant 0 : i32
      %dma_wait3A_1190 = tpu.memref_slice %arg7[%dma_wait3A_1188, %dma_wait3A_1189] : memref<80x128xi32, #tpu.memory_space<vmem>> -> memref<1x128xi32, #tpu.memory_space<vmem>>
      %dma_wait3A_1191 = tpu.memref_squeeze %dma_wait3A_1190 : memref<1x128xi32, #tpu.memory_space<vmem>> -> memref<128xi32, #tpu.memory_space<vmem>>
      %dma_wait3A_1192 = arith.constant 0 : i32
      %dma_wait3A_1193 = arith.constant 0 : i32
      %dma_wait3A_1194 = tpu.memref_slice %arg13[%dma_wait3A_1192, %dma_wait3A_1193] : memref<10112x16xf32, #tpu.memory_space<vmem_shared>> -> memref<10112x16xf32, #tpu.memory_space<vmem_shared>>
      tpu.wait_indirect_dma semaphore(%arg37 : memref<!tpu.dma_semaphore, #tpu.memory_space<semaphore_mem>>) src(%arg9 : memref<128x16xf32, #tpu.memory_space<vmem>>) dst(%dma_wait3A_1194 : memref<10112x16xf32, #tpu.memory_space<vmem_shared>>)
      %add3A_1195 = arith.constant 5 : i32
      %add3A_1196 = arith.addi %add3A_1175, %add3A_1195 : i32
      %lt3A_1197 = arith.cmpi slt, %add3A_1196, %select_n3A : i32
      %convert_element_type3A_1198 = arith.extui %lt3A_1197 : i1 to i32
      %cond3A_1199 = arith.constant 0 : i32
      %cond3A_1200 = arith.cmpi ne, %convert_element_type3A_1198, %cond3A_1199 : i32
      scf.if %cond3A_1200 {
        %add3A_1286 = arith.constant 5 : i32
        %add3A_1287 = arith.addi %add3A_1175, %add3A_1286 : i32
        %dma_start3A_1288 = arith.constant 3 : i32
        %dma_start3A_1289 = arith.constant 0 : i32
        %dma_start3A_1290 = arith.constant 0 : i32
        %dma_start3A_1291 = tpu.memref_slice %arg8[%dma_start3A_1288, %dma_start3A_1289, %dma_start3A_1290] : memref<10x128x16xf32, #tpu.memory_space<vmem>> -> memref<1x128x16xf32, #tpu.memory_space<vmem>>
        %dma_start3A_1292 = tpu.memref_squeeze %dma_start3A_1291 : memref<1x128x16xf32, #tpu.memory_space<vmem>> -> memref<128x16xf32, #tpu.memory_space<vmem>>
        %dma_start3A_1293 = arith.constant 0 : i32
        %dma_start3A_1294 = tpu.memref_slice %arg6[%add3A_1287, %dma_start3A_1293] : memref<80x128xi32, #tpu.memory_space<vmem>> -> memref<1x128xi32, #tpu.memory_space<vmem>>
        %dma_start3A_1295 = tpu.memref_squeeze %dma_start3A_1294 : memref<1x128xi32, #tpu.memory_space<vmem>> -> memref<128xi32, #tpu.memory_space<vmem>>
        %dma_start3A_1296 = arith.constant 0 : i32
        %dma_start3A_1297 = arith.constant 0 : i32
        %dma_start3A_1298 = tpu.memref_slice %arg11[%dma_start3A_1296, %dma_start3A_1297] : memref<10112x16xf32, #tpu.memory_space<vmem_shared>> -> memref<10112x16xf32, #tpu.memory_space<vmem_shared>>
        tpu.enqueue_indirect_dma source(%dma_start3A_1298 : memref<10112x16xf32, #tpu.memory_space<vmem_shared>>) target(%dma_start3A_1292 : memref<128x16xf32, #tpu.memory_space<vmem>>) offsets(%dma_start3A_1295 : memref<128xi32, #tpu.memory_space<vmem>>) semaphore(%arg17 : memref<!tpu.dma_semaphore, #tpu.memory_space<semaphore_mem>>)
      } else {
      }
      %dma_wait3A_1201 = arith.constant 0 : i32
      %dma_wait3A_1202 = arith.constant 8 : i32
      %dma_wait3A_1203 = arith.constant 0 : i32
      %dma_wait3A_1204 = arith.constant 0 : i32
      %dma_wait3A_1205 = tpu.memref_slice %arg8[%dma_wait3A_1202, %dma_wait3A_1203, %dma_wait3A_1204] : memref<10x128x16xf32, #tpu.memory_space<vmem>> -> memref<1x128x16xf32, #tpu.memory_space<vmem>>
      %dma_wait3A_1206 = tpu.memref_squeeze %dma_wait3A_1205 : memref<1x128x16xf32, #tpu.memory_space<vmem>> -> memref<128x16xf32, #tpu.memory_space<vmem>>
      %dma_wait3A_1207 = arith.constant 0 : i32
      %dma_wait3A_1208 = tpu.memref_slice %arg6[%dma_wait3A_1201, %dma_wait3A_1207] : memref<80x128xi32, #tpu.memory_space<vmem>> -> memref<1x128xi32, #tpu.memory_space<vmem>>
      %dma_wait3A_1209 = tpu.memref_squeeze %dma_wait3A_1208 : memref<1x128xi32, #tpu.memory_space<vmem>> -> memref<128xi32, #tpu.memory_space<vmem>>
      %dma_wait3A_1210 = arith.constant 0 : i32
      %dma_wait3A_1211 = arith.constant 0 : i32
      %dma_wait3A_1212 = tpu.memref_slice %arg11[%dma_wait3A_1210, %dma_wait3A_1211] : memref<10112x16xf32, #tpu.memory_space<vmem_shared>> -> memref<10112x16xf32, #tpu.memory_space<vmem_shared>>
      tpu.wait_indirect_dma semaphore(%arg22 : memref<!tpu.dma_semaphore, #tpu.memory_space<semaphore_mem>>) src(%dma_wait3A_1212 : memref<10112x16xf32, #tpu.memory_space<vmem_shared>>) dst(%dma_wait3A_1206 : memref<128x16xf32, #tpu.memory_space<vmem>>)
      %dma_start3A_1213 = arith.constant 8 : i32
      %dma_start3A_1214 = arith.constant 0 : i32
      %dma_start3A_1215 = arith.constant 0 : i32
      %dma_start3A_1216 = tpu.memref_slice %arg8[%dma_start3A_1213, %dma_start3A_1214, %dma_start3A_1215] : memref<10x128x16xf32, #tpu.memory_space<vmem>> -> memref<1x128x16xf32, #tpu.memory_space<vmem>>
      %dma_start3A_1217 = tpu.memref_squeeze %dma_start3A_1216 : memref<1x128x16xf32, #tpu.memory_space<vmem>> -> memref<128x16xf32, #tpu.memory_space<vmem>>
      %dma_start3A_1218 = arith.constant 0 : i32
      %dma_start3A_1219 = tpu.memref_slice %arg7[%add3A_1175, %dma_start3A_1218] : memref<80x128xi32, #tpu.memory_space<vmem>> -> memref<1x128xi32, #tpu.memory_space<vmem>>
      %dma_start3A_1220 = tpu.memref_squeeze %dma_start3A_1219 : memref<1x128xi32, #tpu.memory_space<vmem>> -> memref<128xi32, #tpu.memory_space<vmem>>
      %dma_start3A_1221 = arith.constant 0 : i32
      %dma_start3A_1222 = arith.constant 0 : i32
      %dma_start3A_1223 = tpu.memref_slice %arg12[%dma_start3A_1221, %dma_start3A_1222] : memref<10112x16xf32, #tpu.memory_space<vmem_shared>> -> memref<10112x16xf32, #tpu.memory_space<vmem_shared>>
      tpu.enqueue_indirect_dma source(%dma_start3A_1217 : memref<128x16xf32, #tpu.memory_space<vmem>>) target(%dma_start3A_1223 : memref<10112x16xf32, #tpu.memory_space<vmem_shared>>) offsets(%dma_start3A_1220 : memref<128xi32, #tpu.memory_space<vmem>>) semaphore(%arg32 : memref<!tpu.dma_semaphore, #tpu.memory_space<semaphore_mem>>) {add = true}
      %dma_start3A_1224 = arith.constant 0 : i32
      %dma_start3A_1225 = tpu.memref_slice %arg7[%add3A_1175, %dma_start3A_1224] : memref<80x128xi32, #tpu.memory_space<vmem>> -> memref<1x128xi32, #tpu.memory_space<vmem>>
      %dma_start3A_1226 = tpu.memref_squeeze %dma_start3A_1225 : memref<1x128xi32, #tpu.memory_space<vmem>> -> memref<128xi32, #tpu.memory_space<vmem>>
      %dma_start3A_1227 = arith.constant 0 : i32
      %dma_start3A_1228 = arith.constant 0 : i32
      %dma_start3A_1229 = tpu.memref_slice %arg13[%dma_start3A_1227, %dma_start3A_1228] : memref<10112x16xf32, #tpu.memory_space<vmem_shared>> -> memref<10112x16xf32, #tpu.memory_space<vmem_shared>>
      tpu.enqueue_indirect_dma source(%arg9 : memref<128x16xf32, #tpu.memory_space<vmem>>) target(%dma_start3A_1229 : memref<10112x16xf32, #tpu.memory_space<vmem_shared>>) offsets(%dma_start3A_1226 : memref<128xi32, #tpu.memory_space<vmem>>) semaphore(%arg42 : memref<!tpu.dma_semaphore, #tpu.memory_space<semaphore_mem>>) {add = true}
      %add3A_1230 = arith.constant 9 : i32
      %add3A_1231 = arith.addi %mul3A_725, %add3A_1230 : i32
      %dma_wait3A_1232 = arith.constant 4 : i32
      %dma_wait3A_1233 = arith.constant 0 : i32
      %dma_wait3A_1234 = arith.constant 0 : i32
      %dma_wait3A_1235 = arith.constant 0 : i32
      %dma_wait3A_1236 = tpu.memref_slice %arg8[%dma_wait3A_1232, %dma_wait3A_1234, %dma_wait3A_1235] : memref<10x128x16xf32, #tpu.memory_space<vmem>> -> memref<1x128x16xf32, #tpu.memory_space<vmem>>
      %dma_wait3A_1237 = tpu.memref_squeeze %dma_wait3A_1236 : memref<1x128x16xf32, #tpu.memory_space<vmem>> -> memref<128x16xf32, #tpu.memory_space<vmem>>
      %dma_wait3A_1238 = arith.constant 0 : i32
      %dma_wait3A_1239 = tpu.memref_slice %arg7[%dma_wait3A_1233, %dma_wait3A_1238] : memref<80x128xi32, #tpu.memory_space<vmem>> -> memref<1x128xi32, #tpu.memory_space<vmem>>
      %dma_wait3A_1240 = tpu.memref_squeeze %dma_wait3A_1239 : memref<1x128xi32, #tpu.memory_space<vmem>> -> memref<128xi32, #tpu.memory_space<vmem>>
      %dma_wait3A_1241 = arith.constant 0 : i32
      %dma_wait3A_1242 = arith.constant 0 : i32
      %dma_wait3A_1243 = tpu.memref_slice %arg12[%dma_wait3A_1241, %dma_wait3A_1242] : memref<10112x16xf32, #tpu.memory_space<vmem_shared>> -> memref<10112x16xf32, #tpu.memory_space<vmem_shared>>
      tpu.wait_indirect_dma semaphore(%arg28 : memref<!tpu.dma_semaphore, #tpu.memory_space<semaphore_mem>>) src(%dma_wait3A_1237 : memref<128x16xf32, #tpu.memory_space<vmem>>) dst(%dma_wait3A_1243 : memref<10112x16xf32, #tpu.memory_space<vmem_shared>>)
      %dma_wait3A_1244 = arith.constant 0 : i32
      %dma_wait3A_1245 = arith.constant 0 : i32
      %dma_wait3A_1246 = tpu.memref_slice %arg7[%dma_wait3A_1244, %dma_wait3A_1245] : memref<80x128xi32, #tpu.memory_space<vmem>> -> memref<1x128xi32, #tpu.memory_space<vmem>>
      %dma_wait3A_1247 = tpu.memref_squeeze %dma_wait3A_1246 : memref<1x128xi32, #tpu.memory_space<vmem>> -> memref<128xi32, #tpu.memory_space<vmem>>
      %dma_wait3A_1248 = arith.constant 0 : i32
      %dma_wait3A_1249 = arith.constant 0 : i32
      %dma_wait3A_1250 = tpu.memref_slice %arg13[%dma_wait3A_1248, %dma_wait3A_1249] : memref<10112x16xf32, #tpu.memory_space<vmem_shared>> -> memref<10112x16xf32, #tpu.memory_space<vmem_shared>>
      tpu.wait_indirect_dma semaphore(%arg38 : memref<!tpu.dma_semaphore, #tpu.memory_space<semaphore_mem>>) src(%arg9 : memref<128x16xf32, #tpu.memory_space<vmem>>) dst(%dma_wait3A_1250 : memref<10112x16xf32, #tpu.memory_space<vmem_shared>>)
      %add3A_1251 = arith.constant 5 : i32
      %add3A_1252 = arith.addi %add3A_1231, %add3A_1251 : i32
      %lt3A_1253 = arith.cmpi slt, %add3A_1252, %select_n3A : i32
      %convert_element_type3A_1254 = arith.extui %lt3A_1253 : i1 to i32
      %cond3A_1255 = arith.constant 0 : i32
      %cond3A_1256 = arith.cmpi ne, %convert_element_type3A_1254, %cond3A_1255 : i32
      scf.if %cond3A_1256 {
        %add3A_1286 = arith.constant 5 : i32
        %add3A_1287 = arith.addi %add3A_1231, %add3A_1286 : i32
        %dma_start3A_1288 = arith.constant 4 : i32
        %dma_start3A_1289 = arith.constant 0 : i32
        %dma_start3A_1290 = arith.constant 0 : i32
        %dma_start3A_1291 = tpu.memref_slice %arg8[%dma_start3A_1288, %dma_start3A_1289, %dma_start3A_1290] : memref<10x128x16xf32, #tpu.memory_space<vmem>> -> memref<1x128x16xf32, #tpu.memory_space<vmem>>
        %dma_start3A_1292 = tpu.memref_squeeze %dma_start3A_1291 : memref<1x128x16xf32, #tpu.memory_space<vmem>> -> memref<128x16xf32, #tpu.memory_space<vmem>>
        %dma_start3A_1293 = arith.constant 0 : i32
        %dma_start3A_1294 = tpu.memref_slice %arg6[%add3A_1287, %dma_start3A_1293] : memref<80x128xi32, #tpu.memory_space<vmem>> -> memref<1x128xi32, #tpu.memory_space<vmem>>
        %dma_start3A_1295 = tpu.memref_squeeze %dma_start3A_1294 : memref<1x128xi32, #tpu.memory_space<vmem>> -> memref<128xi32, #tpu.memory_space<vmem>>
        %dma_start3A_1296 = arith.constant 0 : i32
        %dma_start3A_1297 = arith.constant 0 : i32
        %dma_start3A_1298 = tpu.memref_slice %arg11[%dma_start3A_1296, %dma_start3A_1297] : memref<10112x16xf32, #tpu.memory_space<vmem_shared>> -> memref<10112x16xf32, #tpu.memory_space<vmem_shared>>
        tpu.enqueue_indirect_dma source(%dma_start3A_1298 : memref<10112x16xf32, #tpu.memory_space<vmem_shared>>) target(%dma_start3A_1292 : memref<128x16xf32, #tpu.memory_space<vmem>>) offsets(%dma_start3A_1295 : memref<128xi32, #tpu.memory_space<vmem>>) semaphore(%arg18 : memref<!tpu.dma_semaphore, #tpu.memory_space<semaphore_mem>>)
      } else {
      }
      %dma_wait3A_1257 = arith.constant 0 : i32
      %dma_wait3A_1258 = arith.constant 9 : i32
      %dma_wait3A_1259 = arith.constant 0 : i32
      %dma_wait3A_1260 = arith.constant 0 : i32
      %dma_wait3A_1261 = tpu.memref_slice %arg8[%dma_wait3A_1258, %dma_wait3A_1259, %dma_wait3A_1260] : memref<10x128x16xf32, #tpu.memory_space<vmem>> -> memref<1x128x16xf32, #tpu.memory_space<vmem>>
      %dma_wait3A_1262 = tpu.memref_squeeze %dma_wait3A_1261 : memref<1x128x16xf32, #tpu.memory_space<vmem>> -> memref<128x16xf32, #tpu.memory_space<vmem>>
      %dma_wait3A_1263 = arith.constant 0 : i32
      %dma_wait3A_1264 = tpu.memref_slice %arg6[%dma_wait3A_1257, %dma_wait3A_1263] : memref<80x128xi32, #tpu.memory_space<vmem>> -> memref<1x128xi32, #tpu.memory_space<vmem>>
      %dma_wait3A_1265 = tpu.memref_squeeze %dma_wait3A_1264 : memref<1x128xi32, #tpu.memory_space<vmem>> -> memref<128xi32, #tpu.memory_space<vmem>>
      %dma_wait3A_1266 = arith.constant 0 : i32
      %dma_wait3A_1267 = arith.constant 0 : i32
      %dma_wait3A_1268 = tpu.memref_slice %arg11[%dma_wait3A_1266, %dma_wait3A_1267] : memref<10112x16xf32, #tpu.memory_space<vmem_shared>> -> memref<10112x16xf32, #tpu.memory_space<vmem_shared>>
      tpu.wait_indirect_dma semaphore(%arg23 : memref<!tpu.dma_semaphore, #tpu.memory_space<semaphore_mem>>) src(%dma_wait3A_1268 : memref<10112x16xf32, #tpu.memory_space<vmem_shared>>) dst(%dma_wait3A_1262 : memref<128x16xf32, #tpu.memory_space<vmem>>)
      %dma_start3A_1269 = arith.constant 9 : i32
      %dma_start3A_1270 = arith.constant 0 : i32
      %dma_start3A_1271 = arith.constant 0 : i32
      %dma_start3A_1272 = tpu.memref_slice %arg8[%dma_start3A_1269, %dma_start3A_1270, %dma_start3A_1271] : memref<10x128x16xf32, #tpu.memory_space<vmem>> -> memref<1x128x16xf32, #tpu.memory_space<vmem>>
      %dma_start3A_1273 = tpu.memref_squeeze %dma_start3A_1272 : memref<1x128x16xf32, #tpu.memory_space<vmem>> -> memref<128x16xf32, #tpu.memory_space<vmem>>
      %dma_start3A_1274 = arith.constant 0 : i32
      %dma_start3A_1275 = tpu.memref_slice %arg7[%add3A_1231, %dma_start3A_1274] : memref<80x128xi32, #tpu.memory_space<vmem>> -> memref<1x128xi32, #tpu.memory_space<vmem>>
      %dma_start3A_1276 = tpu.memref_squeeze %dma_start3A_1275 : memref<1x128xi32, #tpu.memory_space<vmem>> -> memref<128xi32, #tpu.memory_space<vmem>>
      %dma_start3A_1277 = arith.constant 0 : i32
      %dma_start3A_1278 = arith.constant 0 : i32
      %dma_start3A_1279 = tpu.memref_slice %arg12[%dma_start3A_1277, %dma_start3A_1278] : memref<10112x16xf32, #tpu.memory_space<vmem_shared>> -> memref<10112x16xf32, #tpu.memory_space<vmem_shared>>
      tpu.enqueue_indirect_dma source(%dma_start3A_1273 : memref<128x16xf32, #tpu.memory_space<vmem>>) target(%dma_start3A_1279 : memref<10112x16xf32, #tpu.memory_space<vmem_shared>>) offsets(%dma_start3A_1276 : memref<128xi32, #tpu.memory_space<vmem>>) semaphore(%arg33 : memref<!tpu.dma_semaphore, #tpu.memory_space<semaphore_mem>>) {add = true}
      %dma_start3A_1280 = arith.constant 0 : i32
      %dma_start3A_1281 = tpu.memref_slice %arg7[%add3A_1231, %dma_start3A_1280] : memref<80x128xi32, #tpu.memory_space<vmem>> -> memref<1x128xi32, #tpu.memory_space<vmem>>
      %dma_start3A_1282 = tpu.memref_squeeze %dma_start3A_1281 : memref<1x128xi32, #tpu.memory_space<vmem>> -> memref<128xi32, #tpu.memory_space<vmem>>
      %dma_start3A_1283 = arith.constant 0 : i32
      %dma_start3A_1284 = arith.constant 0 : i32
      %dma_start3A_1285 = tpu.memref_slice %arg13[%dma_start3A_1283, %dma_start3A_1284] : memref<10112x16xf32, #tpu.memory_space<vmem_shared>> -> memref<10112x16xf32, #tpu.memory_space<vmem_shared>>
      tpu.enqueue_indirect_dma source(%arg9 : memref<128x16xf32, #tpu.memory_space<vmem>>) target(%dma_start3A_1285 : memref<10112x16xf32, #tpu.memory_space<vmem_shared>>) offsets(%dma_start3A_1282 : memref<128xi32, #tpu.memory_space<vmem>>) semaphore(%arg43 : memref<!tpu.dma_semaphore, #tpu.memory_space<semaphore_mem>>) {add = true}
    }
    %while3A_624 = arith.constant 1 : i32
    scf.for %while3A_721 = %while3A_622 to %while3A_618 step %while3A_624  : i32 {
      %mul3A_722 = arith.muli %while3A_721, %while3A : i32
      %add3A_723 = arith.addi %while3A_615, %mul3A_722 : i32
      %mul3A_724 = arith.constant 10 : i32
      %mul3A_725 = arith.muli %add3A_723, %mul3A_724 : i32
      %add3A_726 = arith.constant 0 : i32
      %add3A_727 = arith.addi %mul3A_725, %add3A_726 : i32
      %dma_wait3A_728 = arith.constant 5 : i32
      %dma_wait3A_729 = arith.constant 0 : i32
      %dma_wait3A_730 = arith.constant 0 : i32
      %dma_wait3A_731 = arith.constant 0 : i32
      %dma_wait3A_732 = tpu.memref_slice %arg8[%dma_wait3A_728, %dma_wait3A_730, %dma_wait3A_731] : memref<10x128x16xf32, #tpu.memory_space<vmem>> -> memref<1x128x16xf32, #tpu.memory_space<vmem>>
      %dma_wait3A_733 = tpu.memref_squeeze %dma_wait3A_732 : memref<1x128x16xf32, #tpu.memory_space<vmem>> -> memref<128x16xf32, #tpu.memory_space<vmem>>
      %dma_wait3A_734 = arith.constant 0 : i32
      %dma_wait3A_735 = tpu.memref_slice %arg7[%dma_wait3A_729, %dma_wait3A_734] : memref<80x128xi32, #tpu.memory_space<vmem>> -> memref<1x128xi32, #tpu.memory_space<vmem>>
      %dma_wait3A_736 = tpu.memref_squeeze %dma_wait3A_735 : memref<1x128xi32, #tpu.memory_space<vmem>> -> memref<128xi32, #tpu.memory_space<vmem>>
      %dma_wait3A_737 = arith.constant 0 : i32
      %dma_wait3A_738 = arith.constant 0 : i32
      %dma_wait3A_739 = tpu.memref_slice %arg12[%dma_wait3A_737, %dma_wait3A_738] : memref<10112x16xf32, #tpu.memory_space<vmem_shared>> -> memref<10112x16xf32, #tpu.memory_space<vmem_shared>>
      tpu.wait_indirect_dma semaphore(%arg29 : memref<!tpu.dma_semaphore, #tpu.memory_space<semaphore_mem>>) src(%dma_wait3A_733 : memref<128x16xf32, #tpu.memory_space<vmem>>) dst(%dma_wait3A_739 : memref<10112x16xf32, #tpu.memory_space<vmem_shared>>)
      %dma_wait3A_740 = arith.constant 0 : i32
      %dma_wait3A_741 = arith.constant 0 : i32
      %dma_wait3A_742 = tpu.memref_slice %arg7[%dma_wait3A_740, %dma_wait3A_741] : memref<80x128xi32, #tpu.memory_space<vmem>> -> memref<1x128xi32, #tpu.memory_space<vmem>>
      %dma_wait3A_743 = tpu.memref_squeeze %dma_wait3A_742 : memref<1x128xi32, #tpu.memory_space<vmem>> -> memref<128xi32, #tpu.memory_space<vmem>>
      %dma_wait3A_744 = arith.constant 0 : i32
      %dma_wait3A_745 = arith.constant 0 : i32
      %dma_wait3A_746 = tpu.memref_slice %arg13[%dma_wait3A_744, %dma_wait3A_745] : memref<10112x16xf32, #tpu.memory_space<vmem_shared>> -> memref<10112x16xf32, #tpu.memory_space<vmem_shared>>
      tpu.wait_indirect_dma semaphore(%arg39 : memref<!tpu.dma_semaphore, #tpu.memory_space<semaphore_mem>>) src(%arg9 : memref<128x16xf32, #tpu.memory_space<vmem>>) dst(%dma_wait3A_746 : memref<10112x16xf32, #tpu.memory_space<vmem_shared>>)
      %add3A_747 = arith.constant 5 : i32
      %add3A_748 = arith.addi %add3A_727, %add3A_747 : i32
      %lt3A_749 = arith.cmpi slt, %add3A_748, %select_n3A : i32
      %convert_element_type3A_750 = arith.extui %lt3A_749 : i1 to i32
      %cond3A_751 = arith.constant 0 : i32
      %cond3A_752 = arith.cmpi ne, %convert_element_type3A_750, %cond3A_751 : i32
      scf.if %cond3A_752 {
        %add3A_1286 = arith.constant 5 : i32
        %add3A_1287 = arith.addi %add3A_727, %add3A_1286 : i32
        %dma_start3A_1288 = arith.constant 5 : i32
        %dma_start3A_1289 = arith.constant 0 : i32
        %dma_start3A_1290 = arith.constant 0 : i32
        %dma_start3A_1291 = tpu.memref_slice %arg8[%dma_start3A_1288, %dma_start3A_1289, %dma_start3A_1290] : memref<10x128x16xf32, #tpu.memory_space<vmem>> -> memref<1x128x16xf32, #tpu.memory_space<vmem>>
        %dma_start3A_1292 = tpu.memref_squeeze %dma_start3A_1291 : memref<1x128x16xf32, #tpu.memory_space<vmem>> -> memref<128x16xf32, #tpu.memory_space<vmem>>
        %dma_start3A_1293 = arith.constant 0 : i32
        %dma_start3A_1294 = tpu.memref_slice %arg6[%add3A_1287, %dma_start3A_1293] : memref<80x128xi32, #tpu.memory_space<vmem>> -> memref<1x128xi32, #tpu.memory_space<vmem>>
        %dma_start3A_1295 = tpu.memref_squeeze %dma_start3A_1294 : memref<1x128xi32, #tpu.memory_space<vmem>> -> memref<128xi32, #tpu.memory_space<vmem>>
        %dma_start3A_1296 = arith.constant 0 : i32
        %dma_start3A_1297 = arith.constant 0 : i32
        %dma_start3A_1298 = tpu.memref_slice %arg11[%dma_start3A_1296, %dma_start3A_1297] : memref<10112x16xf32, #tpu.memory_space<vmem_shared>> -> memref<10112x16xf32, #tpu.memory_space<vmem_shared>>
        tpu.enqueue_indirect_dma source(%dma_start3A_1298 : memref<10112x16xf32, #tpu.memory_space<vmem_shared>>) target(%dma_start3A_1292 : memref<128x16xf32, #tpu.memory_space<vmem>>) offsets(%dma_start3A_1295 : memref<128xi32, #tpu.memory_space<vmem>>) semaphore(%arg19 : memref<!tpu.dma_semaphore, #tpu.memory_space<semaphore_mem>>)
      } else {
      }
      %dma_wait3A_753 = arith.constant 0 : i32
      %dma_wait3A_754 = arith.constant 0 : i32
      %dma_wait3A_755 = arith.constant 0 : i32
      %dma_wait3A_756 = arith.constant 0 : i32
      %dma_wait3A_757 = tpu.memref_slice %arg8[%dma_wait3A_754, %dma_wait3A_755, %dma_wait3A_756] : memref<10x128x16xf32, #tpu.memory_space<vmem>> -> memref<1x128x16xf32, #tpu.memory_space<vmem>>
      %dma_wait3A_758 = tpu.memref_squeeze %dma_wait3A_757 : memref<1x128x16xf32, #tpu.memory_space<vmem>> -> memref<128x16xf32, #tpu.memory_space<vmem>>
      %dma_wait3A_759 = arith.constant 0 : i32
      %dma_wait3A_760 = tpu.memref_slice %arg6[%dma_wait3A_753, %dma_wait3A_759] : memref<80x128xi32, #tpu.memory_space<vmem>> -> memref<1x128xi32, #tpu.memory_space<vmem>>
      %dma_wait3A_761 = tpu.memref_squeeze %dma_wait3A_760 : memref<1x128xi32, #tpu.memory_space<vmem>> -> memref<128xi32, #tpu.memory_space<vmem>>
      %dma_wait3A_762 = arith.constant 0 : i32
      %dma_wait3A_763 = arith.constant 0 : i32
      %dma_wait3A_764 = tpu.memref_slice %arg11[%dma_wait3A_762, %dma_wait3A_763] : memref<10112x16xf32, #tpu.memory_space<vmem_shared>> -> memref<10112x16xf32, #tpu.memory_space<vmem_shared>>
      tpu.wait_indirect_dma semaphore(%arg14 : memref<!tpu.dma_semaphore, #tpu.memory_space<semaphore_mem>>) src(%dma_wait3A_764 : memref<10112x16xf32, #tpu.memory_space<vmem_shared>>) dst(%dma_wait3A_758 : memref<128x16xf32, #tpu.memory_space<vmem>>)
      %dma_start3A_765 = arith.constant 0 : i32
      %dma_start3A_766 = arith.constant 0 : i32
      %dma_start3A_767 = arith.constant 0 : i32
      %dma_start3A_768 = tpu.memref_slice %arg8[%dma_start3A_765, %dma_start3A_766, %dma_start3A_767] : memref<10x128x16xf32, #tpu.memory_space<vmem>> -> memref<1x128x16xf32, #tpu.memory_space<vmem>>
      %dma_start3A_769 = tpu.memref_squeeze %dma_start3A_768 : memref<1x128x16xf32, #tpu.memory_space<vmem>> -> memref<128x16xf32, #tpu.memory_space<vmem>>
      %dma_start3A_770 = arith.constant 0 : i32
      %dma_start3A_771 = tpu.memref_slice %arg7[%add3A_727, %dma_start3A_770] : memref<80x128xi32, #tpu.memory_space<vmem>> -> memref<1x128xi32, #tpu.memory_space<vmem>>
      %dma_start3A_772 = tpu.memref_squeeze %dma_start3A_771 : memref<1x128xi32, #tpu.memory_space<vmem>> -> memref<128xi32, #tpu.memory_space<vmem>>
      %dma_start3A_773 = arith.constant 0 : i32
      %dma_start3A_774 = arith.constant 0 : i32
      %dma_start3A_775 = tpu.memref_slice %arg12[%dma_start3A_773, %dma_start3A_774] : memref<10112x16xf32, #tpu.memory_space<vmem_shared>> -> memref<10112x16xf32, #tpu.memory_space<vmem_shared>>
      tpu.enqueue_indirect_dma source(%dma_start3A_769 : memref<128x16xf32, #tpu.memory_space<vmem>>) target(%dma_start3A_775 : memref<10112x16xf32, #tpu.memory_space<vmem_shared>>) offsets(%dma_start3A_772 : memref<128xi32, #tpu.memory_space<vmem>>) semaphore(%arg24 : memref<!tpu.dma_semaphore, #tpu.memory_space<semaphore_mem>>) {add = true}
      %dma_start3A_776 = arith.constant 0 : i32
      %dma_start3A_777 = tpu.memref_slice %arg7[%add3A_727, %dma_start3A_776] : memref<80x128xi32, #tpu.memory_space<vmem>> -> memref<1x128xi32, #tpu.memory_space<vmem>>
      %dma_start3A_778 = tpu.memref_squeeze %dma_start3A_777 : memref<1x128xi32, #tpu.memory_space<vmem>> -> memref<128xi32, #tpu.memory_space<vmem>>
      %dma_start3A_779 = arith.constant 0 : i32
      %dma_start3A_780 = arith.constant 0 : i32
      %dma_start3A_781 = tpu.memref_slice %arg13[%dma_start3A_779, %dma_start3A_780] : memref<10112x16xf32, #tpu.memory_space<vmem_shared>> -> memref<10112x16xf32, #tpu.memory_space<vmem_shared>>
      tpu.enqueue_indirect_dma source(%arg9 : memref<128x16xf32, #tpu.memory_space<vmem>>) target(%dma_start3A_781 : memref<10112x16xf32, #tpu.memory_space<vmem_shared>>) offsets(%dma_start3A_778 : memref<128xi32, #tpu.memory_space<vmem>>) semaphore(%arg34 : memref<!tpu.dma_semaphore, #tpu.memory_space<semaphore_mem>>) {add = true}
      %add3A_782 = arith.constant 1 : i32
      %add3A_783 = arith.addi %mul3A_725, %add3A_782 : i32
      %dma_wait3A_784 = arith.constant 6 : i32
      %dma_wait3A_785 = arith.constant 0 : i32
      %dma_wait3A_786 = arith.constant 0 : i32
      %dma_wait3A_787 = arith.constant 0 : i32
      %dma_wait3A_788 = tpu.memref_slice %arg8[%dma_wait3A_784, %dma_wait3A_786, %dma_wait3A_787] : memref<10x128x16xf32, #tpu.memory_space<vmem>> -> memref<1x128x16xf32, #tpu.memory_space<vmem>>
      %dma_wait3A_789 = tpu.memref_squeeze %dma_wait3A_788 : memref<1x128x16xf32, #tpu.memory_space<vmem>> -> memref<128x16xf32, #tpu.memory_space<vmem>>
      %dma_wait3A_790 = arith.constant 0 : i32
      %dma_wait3A_791 = tpu.memref_slice %arg7[%dma_wait3A_785, %dma_wait3A_790] : memref<80x128xi32, #tpu.memory_space<vmem>> -> memref<1x128xi32, #tpu.memory_space<vmem>>
      %dma_wait3A_792 = tpu.memref_squeeze %dma_wait3A_791 : memref<1x128xi32, #tpu.memory_space<vmem>> -> memref<128xi32, #tpu.memory_space<vmem>>
      %dma_wait3A_793 = arith.constant 0 : i32
      %dma_wait3A_794 = arith.constant 0 : i32
      %dma_wait3A_795 = tpu.memref_slice %arg12[%dma_wait3A_793, %dma_wait3A_794] : memref<10112x16xf32, #tpu.memory_space<vmem_shared>> -> memref<10112x16xf32, #tpu.memory_space<vmem_shared>>
      tpu.wait_indirect_dma semaphore(%arg30 : memref<!tpu.dma_semaphore, #tpu.memory_space<semaphore_mem>>) src(%dma_wait3A_789 : memref<128x16xf32, #tpu.memory_space<vmem>>) dst(%dma_wait3A_795 : memref<10112x16xf32, #tpu.memory_space<vmem_shared>>)
      %dma_wait3A_796 = arith.constant 0 : i32
      %dma_wait3A_797 = arith.constant 0 : i32
      %dma_wait3A_798 = tpu.memref_slice %arg7[%dma_wait3A_796, %dma_wait3A_797] : memref<80x128xi32, #tpu.memory_space<vmem>> -> memref<1x128xi32, #tpu.memory_space<vmem>>
      %dma_wait3A_799 = tpu.memref_squeeze %dma_wait3A_798 : memref<1x128xi32, #tpu.memory_space<vmem>> -> memref<128xi32, #tpu.memory_space<vmem>>
      %dma_wait3A_800 = arith.constant 0 : i32
      %dma_wait3A_801 = arith.constant 0 : i32
      %dma_wait3A_802 = tpu.memref_slice %arg13[%dma_wait3A_800, %dma_wait3A_801] : memref<10112x16xf32, #tpu.memory_space<vmem_shared>> -> memref<10112x16xf32, #tpu.memory_space<vmem_shared>>
      tpu.wait_indirect_dma semaphore(%arg40 : memref<!tpu.dma_semaphore, #tpu.memory_space<semaphore_mem>>) src(%arg9 : memref<128x16xf32, #tpu.memory_space<vmem>>) dst(%dma_wait3A_802 : memref<10112x16xf32, #tpu.memory_space<vmem_shared>>)
      %add3A_803 = arith.constant 5 : i32
      %add3A_804 = arith.addi %add3A_783, %add3A_803 : i32
      %lt3A_805 = arith.cmpi slt, %add3A_804, %select_n3A : i32
      %convert_element_type3A_806 = arith.extui %lt3A_805 : i1 to i32
      %cond3A_807 = arith.constant 0 : i32
      %cond3A_808 = arith.cmpi ne, %convert_element_type3A_806, %cond3A_807 : i32
      scf.if %cond3A_808 {
        %add3A_1286 = arith.constant 5 : i32
        %add3A_1287 = arith.addi %add3A_783, %add3A_1286 : i32
        %dma_start3A_1288 = arith.constant 6 : i32
        %dma_start3A_1289 = arith.constant 0 : i32
        %dma_start3A_1290 = arith.constant 0 : i32
        %dma_start3A_1291 = tpu.memref_slice %arg8[%dma_start3A_1288, %dma_start3A_1289, %dma_start3A_1290] : memref<10x128x16xf32, #tpu.memory_space<vmem>> -> memref<1x128x16xf32, #tpu.memory_space<vmem>>
        %dma_start3A_1292 = tpu.memref_squeeze %dma_start3A_1291 : memref<1x128x16xf32, #tpu.memory_space<vmem>> -> memref<128x16xf32, #tpu.memory_space<vmem>>
        %dma_start3A_1293 = arith.constant 0 : i32
        %dma_start3A_1294 = tpu.memref_slice %arg6[%add3A_1287, %dma_start3A_1293] : memref<80x128xi32, #tpu.memory_space<vmem>> -> memref<1x128xi32, #tpu.memory_space<vmem>>
        %dma_start3A_1295 = tpu.memref_squeeze %dma_start3A_1294 : memref<1x128xi32, #tpu.memory_space<vmem>> -> memref<128xi32, #tpu.memory_space<vmem>>
        %dma_start3A_1296 = arith.constant 0 : i32
        %dma_start3A_1297 = arith.constant 0 : i32
        %dma_start3A_1298 = tpu.memref_slice %arg11[%dma_start3A_1296, %dma_start3A_1297] : memref<10112x16xf32, #tpu.memory_space<vmem_shared>> -> memref<10112x16xf32, #tpu.memory_space<vmem_shared>>
        tpu.enqueue_indirect_dma source(%dma_start3A_1298 : memref<10112x16xf32, #tpu.memory_space<vmem_shared>>) target(%dma_start3A_1292 : memref<128x16xf32, #tpu.memory_space<vmem>>) offsets(%dma_start3A_1295 : memref<128xi32, #tpu.memory_space<vmem>>) semaphore(%arg20 : memref<!tpu.dma_semaphore, #tpu.memory_space<semaphore_mem>>)
      } else {
      }
      %dma_wait3A_809 = arith.constant 0 : i32
      %dma_wait3A_810 = arith.constant 1 : i32
      %dma_wait3A_811 = arith.constant 0 : i32
      %dma_wait3A_812 = arith.constant 0 : i32
      %dma_wait3A_813 = tpu.memref_slice %arg8[%dma_wait3A_810, %dma_wait3A_811, %dma_wait3A_812] : memref<10x128x16xf32, #tpu.memory_space<vmem>> -> memref<1x128x16xf32, #tpu.memory_space<vmem>>
      %dma_wait3A_814 = tpu.memref_squeeze %dma_wait3A_813 : memref<1x128x16xf32, #tpu.memory_space<vmem>> -> memref<128x16xf32, #tpu.memory_space<vmem>>
      %dma_wait3A_815 = arith.constant 0 : i32
      %dma_wait3A_816 = tpu.memref_slice %arg6[%dma_wait3A_809, %dma_wait3A_815] : memref<80x128xi32, #tpu.memory_space<vmem>> -> memref<1x128xi32, #tpu.memory_space<vmem>>
      %dma_wait3A_817 = tpu.memref_squeeze %dma_wait3A_816 : memref<1x128xi32, #tpu.memory_space<vmem>> -> memref<128xi32, #tpu.memory_space<vmem>>
      %dma_wait3A_818 = arith.constant 0 : i32
      %dma_wait3A_819 = arith.constant 0 : i32
      %dma_wait3A_820 = tpu.memref_slice %arg11[%dma_wait3A_818, %dma_wait3A_819] : memref<10112x16xf32, #tpu.memory_space<vmem_shared>> -> memref<10112x16xf32, #tpu.memory_space<vmem_shared>>
      tpu.wait_indirect_dma semaphore(%arg15 : memref<!tpu.dma_semaphore, #tpu.memory_space<semaphore_mem>>) src(%dma_wait3A_820 : memref<10112x16xf32, #tpu.memory_space<vmem_shared>>) dst(%dma_wait3A_814 : memref<128x16xf32, #tpu.memory_space<vmem>>)
      %dma_start3A_821 = arith.constant 1 : i32
      %dma_start3A_822 = arith.constant 0 : i32
      %dma_start3A_823 = arith.constant 0 : i32
      %dma_start3A_824 = tpu.memref_slice %arg8[%dma_start3A_821, %dma_start3A_822, %dma_start3A_823] : memref<10x128x16xf32, #tpu.memory_space<vmem>> -> memref<1x128x16xf32, #tpu.memory_space<vmem>>
      %dma_start3A_825 = tpu.memref_squeeze %dma_start3A_824 : memref<1x128x16xf32, #tpu.memory_space<vmem>> -> memref<128x16xf32, #tpu.memory_space<vmem>>
      %dma_start3A_826 = arith.constant 0 : i32
      %dma_start3A_827 = tpu.memref_slice %arg7[%add3A_783, %dma_start3A_826] : memref<80x128xi32, #tpu.memory_space<vmem>> -> memref<1x128xi32, #tpu.memory_space<vmem>>
      %dma_start3A_828 = tpu.memref_squeeze %dma_start3A_827 : memref<1x128xi32, #tpu.memory_space<vmem>> -> memref<128xi32, #tpu.memory_space<vmem>>
      %dma_start3A_829 = arith.constant 0 : i32
      %dma_start3A_830 = arith.constant 0 : i32
      %dma_start3A_831 = tpu.memref_slice %arg12[%dma_start3A_829, %dma_start3A_830] : memref<10112x16xf32, #tpu.memory_space<vmem_shared>> -> memref<10112x16xf32, #tpu.memory_space<vmem_shared>>
      tpu.enqueue_indirect_dma source(%dma_start3A_825 : memref<128x16xf32, #tpu.memory_space<vmem>>) target(%dma_start3A_831 : memref<10112x16xf32, #tpu.memory_space<vmem_shared>>) offsets(%dma_start3A_828 : memref<128xi32, #tpu.memory_space<vmem>>) semaphore(%arg25 : memref<!tpu.dma_semaphore, #tpu.memory_space<semaphore_mem>>) {add = true}
      %dma_start3A_832 = arith.constant 0 : i32
      %dma_start3A_833 = tpu.memref_slice %arg7[%add3A_783, %dma_start3A_832] : memref<80x128xi32, #tpu.memory_space<vmem>> -> memref<1x128xi32, #tpu.memory_space<vmem>>
      %dma_start3A_834 = tpu.memref_squeeze %dma_start3A_833 : memref<1x128xi32, #tpu.memory_space<vmem>> -> memref<128xi32, #tpu.memory_space<vmem>>
      %dma_start3A_835 = arith.constant 0 : i32
      %dma_start3A_836 = arith.constant 0 : i32
      %dma_start3A_837 = tpu.memref_slice %arg13[%dma_start3A_835, %dma_start3A_836] : memref<10112x16xf32, #tpu.memory_space<vmem_shared>> -> memref<10112x16xf32, #tpu.memory_space<vmem_shared>>
      tpu.enqueue_indirect_dma source(%arg9 : memref<128x16xf32, #tpu.memory_space<vmem>>) target(%dma_start3A_837 : memref<10112x16xf32, #tpu.memory_space<vmem_shared>>) offsets(%dma_start3A_834 : memref<128xi32, #tpu.memory_space<vmem>>) semaphore(%arg35 : memref<!tpu.dma_semaphore, #tpu.memory_space<semaphore_mem>>) {add = true}
      %add3A_838 = arith.constant 2 : i32
      %add3A_839 = arith.addi %mul3A_725, %add3A_838 : i32
      %dma_wait3A_840 = arith.constant 7 : i32
      %dma_wait3A_841 = arith.constant 0 : i32
      %dma_wait3A_842 = arith.constant 0 : i32
      %dma_wait3A_843 = arith.constant 0 : i32
      %dma_wait3A_844 = tpu.memref_slice %arg8[%dma_wait3A_840, %dma_wait3A_842, %dma_wait3A_843] : memref<10x128x16xf32, #tpu.memory_space<vmem>> -> memref<1x128x16xf32, #tpu.memory_space<vmem>>
      %dma_wait3A_845 = tpu.memref_squeeze %dma_wait3A_844 : memref<1x128x16xf32, #tpu.memory_space<vmem>> -> memref<128x16xf32, #tpu.memory_space<vmem>>
      %dma_wait3A_846 = arith.constant 0 : i32
      %dma_wait3A_847 = tpu.memref_slice %arg7[%dma_wait3A_841, %dma_wait3A_846] : memref<80x128xi32, #tpu.memory_space<vmem>> -> memref<1x128xi32, #tpu.memory_space<vmem>>
      %dma_wait3A_848 = tpu.memref_squeeze %dma_wait3A_847 : memref<1x128xi32, #tpu.memory_space<vmem>> -> memref<128xi32, #tpu.memory_space<vmem>>
      %dma_wait3A_849 = arith.constant 0 : i32
      %dma_wait3A_850 = arith.constant 0 : i32
      %dma_wait3A_851 = tpu.memref_slice %arg12[%dma_wait3A_849, %dma_wait3A_850] : memref<10112x16xf32, #tpu.memory_space<vmem_shared>> -> memref<10112x16xf32, #tpu.memory_space<vmem_shared>>
      tpu.wait_indirect_dma semaphore(%arg31 : memref<!tpu.dma_semaphore, #tpu.memory_space<semaphore_mem>>) src(%dma_wait3A_845 : memref<128x16xf32, #tpu.memory_space<vmem>>) dst(%dma_wait3A_851 : memref<10112x16xf32, #tpu.memory_space<vmem_shared>>)
      %dma_wait3A_852 = arith.constant 0 : i32
      %dma_wait3A_853 = arith.constant 0 : i32
      %dma_wait3A_854 = tpu.memref_slice %arg7[%dma_wait3A_852, %dma_wait3A_853] : memref<80x128xi32, #tpu.memory_space<vmem>> -> memref<1x128xi32, #tpu.memory_space<vmem>>
      %dma_wait3A_855 = tpu.memref_squeeze %dma_wait3A_854 : memref<1x128xi32, #tpu.memory_space<vmem>> -> memref<128xi32, #tpu.memory_space<vmem>>
      %dma_wait3A_856 = arith.constant 0 : i32
      %dma_wait3A_857 = arith.constant 0 : i32
      %dma_wait3A_858 = tpu.memref_slice %arg13[%dma_wait3A_856, %dma_wait3A_857] : memref<10112x16xf32, #tpu.memory_space<vmem_shared>> -> memref<10112x16xf32, #tpu.memory_space<vmem_shared>>
      tpu.wait_indirect_dma semaphore(%arg41 : memref<!tpu.dma_semaphore, #tpu.memory_space<semaphore_mem>>) src(%arg9 : memref<128x16xf32, #tpu.memory_space<vmem>>) dst(%dma_wait3A_858 : memref<10112x16xf32, #tpu.memory_space<vmem_shared>>)
      %add3A_859 = arith.constant 5 : i32
      %add3A_860 = arith.addi %add3A_839, %add3A_859 : i32
      %lt3A_861 = arith.cmpi slt, %add3A_860, %select_n3A : i32
      %convert_element_type3A_862 = arith.extui %lt3A_861 : i1 to i32
      %cond3A_863 = arith.constant 0 : i32
      %cond3A_864 = arith.cmpi ne, %convert_element_type3A_862, %cond3A_863 : i32
      scf.if %cond3A_864 {
        %add3A_1286 = arith.constant 5 : i32
        %add3A_1287 = arith.addi %add3A_839, %add3A_1286 : i32
        %dma_start3A_1288 = arith.constant 7 : i32
        %dma_start3A_1289 = arith.constant 0 : i32
        %dma_start3A_1290 = arith.constant 0 : i32
        %dma_start3A_1291 = tpu.memref_slice %arg8[%dma_start3A_1288, %dma_start3A_1289, %dma_start3A_1290] : memref<10x128x16xf32, #tpu.memory_space<vmem>> -> memref<1x128x16xf32, #tpu.memory_space<vmem>>
        %dma_start3A_1292 = tpu.memref_squeeze %dma_start3A_1291 : memref<1x128x16xf32, #tpu.memory_space<vmem>> -> memref<128x16xf32, #tpu.memory_space<vmem>>
        %dma_start3A_1293 = arith.constant 0 : i32
        %dma_start3A_1294 = tpu.memref_slice %arg6[%add3A_1287, %dma_start3A_1293] : memref<80x128xi32, #tpu.memory_space<vmem>> -> memref<1x128xi32, #tpu.memory_space<vmem>>
        %dma_start3A_1295 = tpu.memref_squeeze %dma_start3A_1294 : memref<1x128xi32, #tpu.memory_space<vmem>> -> memref<128xi32, #tpu.memory_space<vmem>>
        %dma_start3A_1296 = arith.constant 0 : i32
        %dma_start3A_1297 = arith.constant 0 : i32
        %dma_start3A_1298 = tpu.memref_slice %arg11[%dma_start3A_1296, %dma_start3A_1297] : memref<10112x16xf32, #tpu.memory_space<vmem_shared>> -> memref<10112x16xf32, #tpu.memory_space<vmem_shared>>
        tpu.enqueue_indirect_dma source(%dma_start3A_1298 : memref<10112x16xf32, #tpu.memory_space<vmem_shared>>) target(%dma_start3A_1292 : memref<128x16xf32, #tpu.memory_space<vmem>>) offsets(%dma_start3A_1295 : memref<128xi32, #tpu.memory_space<vmem>>) semaphore(%arg21 : memref<!tpu.dma_semaphore, #tpu.memory_space<semaphore_mem>>)
      } else {
      }
      %dma_wait3A_865 = arith.constant 0 : i32
      %dma_wait3A_866 = arith.constant 2 : i32
      %dma_wait3A_867 = arith.constant 0 : i32
      %dma_wait3A_868 = arith.constant 0 : i32
      %dma_wait3A_869 = tpu.memref_slice %arg8[%dma_wait3A_866, %dma_wait3A_867, %dma_wait3A_868] : memref<10x128x16xf32, #tpu.memory_space<vmem>> -> memref<1x128x16xf32, #tpu.memory_space<vmem>>
      %dma_wait3A_870 = tpu.memref_squeeze %dma_wait3A_869 : memref<1x128x16xf32, #tpu.memory_space<vmem>> -> memref<128x16xf32, #tpu.memory_space<vmem>>
      %dma_wait3A_871 = arith.constant 0 : i32
      %dma_wait3A_872 = tpu.memref_slice %arg6[%dma_wait3A_865, %dma_wait3A_871] : memref<80x128xi32, #tpu.memory_space<vmem>> -> memref<1x128xi32, #tpu.memory_space<vmem>>
      %dma_wait3A_873 = tpu.memref_squeeze %dma_wait3A_872 : memref<1x128xi32, #tpu.memory_space<vmem>> -> memref<128xi32, #tpu.memory_space<vmem>>
      %dma_wait3A_874 = arith.constant 0 : i32
      %dma_wait3A_875 = arith.constant 0 : i32
      %dma_wait3A_876 = tpu.memref_slice %arg11[%dma_wait3A_874, %dma_wait3A_875] : memref<10112x16xf32, #tpu.memory_space<vmem_shared>> -> memref<10112x16xf32, #tpu.memory_space<vmem_shared>>
      tpu.wait_indirect_dma semaphore(%arg16 : memref<!tpu.dma_semaphore, #tpu.memory_space<semaphore_mem>>) src(%dma_wait3A_876 : memref<10112x16xf32, #tpu.memory_space<vmem_shared>>) dst(%dma_wait3A_870 : memref<128x16xf32, #tpu.memory_space<vmem>>)
      %dma_start3A_877 = arith.constant 2 : i32
      %dma_start3A_878 = arith.constant 0 : i32
      %dma_start3A_879 = arith.constant 0 : i32
      %dma_start3A_880 = tpu.memref_slice %arg8[%dma_start3A_877, %dma_start3A_878, %dma_start3A_879] : memref<10x128x16xf32, #tpu.memory_space<vmem>> -> memref<1x128x16xf32, #tpu.memory_space<vmem>>
      %dma_start3A_881 = tpu.memref_squeeze %dma_start3A_880 : memref<1x128x16xf32, #tpu.memory_space<vmem>> -> memref<128x16xf32, #tpu.memory_space<vmem>>
      %dma_start3A_882 = arith.constant 0 : i32
      %dma_start3A_883 = tpu.memref_slice %arg7[%add3A_839, %dma_start3A_882] : memref<80x128xi32, #tpu.memory_space<vmem>> -> memref<1x128xi32, #tpu.memory_space<vmem>>
      %dma_start3A_884 = tpu.memref_squeeze %dma_start3A_883 : memref<1x128xi32, #tpu.memory_space<vmem>> -> memref<128xi32, #tpu.memory_space<vmem>>
      %dma_start3A_885 = arith.constant 0 : i32
      %dma_start3A_886 = arith.constant 0 : i32
      %dma_start3A_887 = tpu.memref_slice %arg12[%dma_start3A_885, %dma_start3A_886] : memref<10112x16xf32, #tpu.memory_space<vmem_shared>> -> memref<10112x16xf32, #tpu.memory_space<vmem_shared>>
      tpu.enqueue_indirect_dma source(%dma_start3A_881 : memref<128x16xf32, #tpu.memory_space<vmem>>) target(%dma_start3A_887 : memref<10112x16xf32, #tpu.memory_space<vmem_shared>>) offsets(%dma_start3A_884 : memref<128xi32, #tpu.memory_space<vmem>>) semaphore(%arg26 : memref<!tpu.dma_semaphore, #tpu.memory_space<semaphore_mem>>) {add = true}
      %dma_start3A_888 = arith.constant 0 : i32
      %dma_start3A_889 = tpu.memref_slice %arg7[%add3A_839, %dma_start3A_888] : memref<80x128xi32, #tpu.memory_space<vmem>> -> memref<1x128xi32, #tpu.memory_space<vmem>>
      %dma_start3A_890 = tpu.memref_squeeze %dma_start3A_889 : memref<1x128xi32, #tpu.memory_space<vmem>> -> memref<128xi32, #tpu.memory_space<vmem>>
      %dma_start3A_891 = arith.constant 0 : i32
      %dma_start3A_892 = arith.constant 0 : i32
      %dma_start3A_893 = tpu.memref_slice %arg13[%dma_start3A_891, %dma_start3A_892] : memref<10112x16xf32, #tpu.memory_space<vmem_shared>> -> memref<10112x16xf32, #tpu.memory_space<vmem_shared>>
      tpu.enqueue_indirect_dma source(%arg9 : memref<128x16xf32, #tpu.memory_space<vmem>>) target(%dma_start3A_893 : memref<10112x16xf32, #tpu.memory_space<vmem_shared>>) offsets(%dma_start3A_890 : memref<128xi32, #tpu.memory_space<vmem>>) semaphore(%arg36 : memref<!tpu.dma_semaphore, #tpu.memory_space<semaphore_mem>>) {add = true}
      %add3A_894 = arith.constant 3 : i32
      %add3A_895 = arith.addi %mul3A_725, %add3A_894 : i32
      %dma_wait3A_896 = arith.constant 8 : i32
      %dma_wait3A_897 = arith.constant 0 : i32
      %dma_wait3A_898 = arith.constant 0 : i32
      %dma_wait3A_899 = arith.constant 0 : i32
      %dma_wait3A_900 = tpu.memref_slice %arg8[%dma_wait3A_896, %dma_wait3A_898, %dma_wait3A_899] : memref<10x128x16xf32, #tpu.memory_space<vmem>> -> memref<1x128x16xf32, #tpu.memory_space<vmem>>
      %dma_wait3A_901 = tpu.memref_squeeze %dma_wait3A_900 : memref<1x128x16xf32, #tpu.memory_space<vmem>> -> memref<128x16xf32, #tpu.memory_space<vmem>>
      %dma_wait3A_902 = arith.constant 0 : i32
      %dma_wait3A_903 = tpu.memref_slice %arg7[%dma_wait3A_897, %dma_wait3A_902] : memref<80x128xi32, #tpu.memory_space<vmem>> -> memref<1x128xi32, #tpu.memory_space<vmem>>
      %dma_wait3A_904 = tpu.memref_squeeze %dma_wait3A_903 : memref<1x128xi32, #tpu.memory_space<vmem>> -> memref<128xi32, #tpu.memory_space<vmem>>
      %dma_wait3A_905 = arith.constant 0 : i32
      %dma_wait3A_906 = arith.constant 0 : i32
      %dma_wait3A_907 = tpu.memref_slice %arg12[%dma_wait3A_905, %dma_wait3A_906] : memref<10112x16xf32, #tpu.memory_space<vmem_shared>> -> memref<10112x16xf32, #tpu.memory_space<vmem_shared>>
      tpu.wait_indirect_dma semaphore(%arg32 : memref<!tpu.dma_semaphore, #tpu.memory_space<semaphore_mem>>) src(%dma_wait3A_901 : memref<128x16xf32, #tpu.memory_space<vmem>>) dst(%dma_wait3A_907 : memref<10112x16xf32, #tpu.memory_space<vmem_shared>>)
      %dma_wait3A_908 = arith.constant 0 : i32
      %dma_wait3A_909 = arith.constant 0 : i32
      %dma_wait3A_910 = tpu.memref_slice %arg7[%dma_wait3A_908, %dma_wait3A_909] : memref<80x128xi32, #tpu.memory_space<vmem>> -> memref<1x128xi32, #tpu.memory_space<vmem>>
      %dma_wait3A_911 = tpu.memref_squeeze %dma_wait3A_910 : memref<1x128xi32, #tpu.memory_space<vmem>> -> memref<128xi32, #tpu.memory_space<vmem>>
      %dma_wait3A_912 = arith.constant 0 : i32
      %dma_wait3A_913 = arith.constant 0 : i32
      %dma_wait3A_914 = tpu.memref_slice %arg13[%dma_wait3A_912, %dma_wait3A_913] : memref<10112x16xf32, #tpu.memory_space<vmem_shared>> -> memref<10112x16xf32, #tpu.memory_space<vmem_shared>>
      tpu.wait_indirect_dma semaphore(%arg42 : memref<!tpu.dma_semaphore, #tpu.memory_space<semaphore_mem>>) src(%arg9 : memref<128x16xf32, #tpu.memory_space<vmem>>) dst(%dma_wait3A_914 : memref<10112x16xf32, #tpu.memory_space<vmem_shared>>)
      %add3A_915 = arith.constant 5 : i32
      %add3A_916 = arith.addi %add3A_895, %add3A_915 : i32
      %lt3A_917 = arith.cmpi slt, %add3A_916, %select_n3A : i32
      %convert_element_type3A_918 = arith.extui %lt3A_917 : i1 to i32
      %cond3A_919 = arith.constant 0 : i32
      %cond3A_920 = arith.cmpi ne, %convert_element_type3A_918, %cond3A_919 : i32
      scf.if %cond3A_920 {
        %add3A_1286 = arith.constant 5 : i32
        %add3A_1287 = arith.addi %add3A_895, %add3A_1286 : i32
        %dma_start3A_1288 = arith.constant 8 : i32
        %dma_start3A_1289 = arith.constant 0 : i32
        %dma_start3A_1290 = arith.constant 0 : i32
        %dma_start3A_1291 = tpu.memref_slice %arg8[%dma_start3A_1288, %dma_start3A_1289, %dma_start3A_1290] : memref<10x128x16xf32, #tpu.memory_space<vmem>> -> memref<1x128x16xf32, #tpu.memory_space<vmem>>
        %dma_start3A_1292 = tpu.memref_squeeze %dma_start3A_1291 : memref<1x128x16xf32, #tpu.memory_space<vmem>> -> memref<128x16xf32, #tpu.memory_space<vmem>>
        %dma_start3A_1293 = arith.constant 0 : i32
        %dma_start3A_1294 = tpu.memref_slice %arg6[%add3A_1287, %dma_start3A_1293] : memref<80x128xi32, #tpu.memory_space<vmem>> -> memref<1x128xi32, #tpu.memory_space<vmem>>
        %dma_start3A_1295 = tpu.memref_squeeze %dma_start3A_1294 : memref<1x128xi32, #tpu.memory_space<vmem>> -> memref<128xi32, #tpu.memory_space<vmem>>
        %dma_start3A_1296 = arith.constant 0 : i32
        %dma_start3A_1297 = arith.constant 0 : i32
        %dma_start3A_1298 = tpu.memref_slice %arg11[%dma_start3A_1296, %dma_start3A_1297] : memref<10112x16xf32, #tpu.memory_space<vmem_shared>> -> memref<10112x16xf32, #tpu.memory_space<vmem_shared>>
        tpu.enqueue_indirect_dma source(%dma_start3A_1298 : memref<10112x16xf32, #tpu.memory_space<vmem_shared>>) target(%dma_start3A_1292 : memref<128x16xf32, #tpu.memory_space<vmem>>) offsets(%dma_start3A_1295 : memref<128xi32, #tpu.memory_space<vmem>>) semaphore(%arg22 : memref<!tpu.dma_semaphore, #tpu.memory_space<semaphore_mem>>)
      } else {
      }
      %dma_wait3A_921 = arith.constant 0 : i32
      %dma_wait3A_922 = arith.constant 3 : i32
      %dma_wait3A_923 = arith.constant 0 : i32
      %dma_wait3A_924 = arith.constant 0 : i32
      %dma_wait3A_925 = tpu.memref_slice %arg8[%dma_wait3A_922, %dma_wait3A_923, %dma_wait3A_924] : memref<10x128x16xf32, #tpu.memory_space<vmem>> -> memref<1x128x16xf32, #tpu.memory_space<vmem>>
      %dma_wait3A_926 = tpu.memref_squeeze %dma_wait3A_925 : memref<1x128x16xf32, #tpu.memory_space<vmem>> -> memref<128x16xf32, #tpu.memory_space<vmem>>
      %dma_wait3A_927 = arith.constant 0 : i32
      %dma_wait3A_928 = tpu.memref_slice %arg6[%dma_wait3A_921, %dma_wait3A_927] : memref<80x128xi32, #tpu.memory_space<vmem>> -> memref<1x128xi32, #tpu.memory_space<vmem>>
      %dma_wait3A_929 = tpu.memref_squeeze %dma_wait3A_928 : memref<1x128xi32, #tpu.memory_space<vmem>> -> memref<128xi32, #tpu.memory_space<vmem>>
      %dma_wait3A_930 = arith.constant 0 : i32
      %dma_wait3A_931 = arith.constant 0 : i32
      %dma_wait3A_932 = tpu.memref_slice %arg11[%dma_wait3A_930, %dma_wait3A_931] : memref<10112x16xf32, #tpu.memory_space<vmem_shared>> -> memref<10112x16xf32, #tpu.memory_space<vmem_shared>>
      tpu.wait_indirect_dma semaphore(%arg17 : memref<!tpu.dma_semaphore, #tpu.memory_space<semaphore_mem>>) src(%dma_wait3A_932 : memref<10112x16xf32, #tpu.memory_space<vmem_shared>>) dst(%dma_wait3A_926 : memref<128x16xf32, #tpu.memory_space<vmem>>)
      %dma_start3A_933 = arith.constant 3 : i32
      %dma_start3A_934 = arith.constant 0 : i32
      %dma_start3A_935 = arith.constant 0 : i32
      %dma_start3A_936 = tpu.memref_slice %arg8[%dma_start3A_933, %dma_start3A_934, %dma_start3A_935] : memref<10x128x16xf32, #tpu.memory_space<vmem>> -> memref<1x128x16xf32, #tpu.memory_space<vmem>>
      %dma_start3A_937 = tpu.memref_squeeze %dma_start3A_936 : memref<1x128x16xf32, #tpu.memory_space<vmem>> -> memref<128x16xf32, #tpu.memory_space<vmem>>
      %dma_start3A_938 = arith.constant 0 : i32
      %dma_start3A_939 = tpu.memref_slice %arg7[%add3A_895, %dma_start3A_938] : memref<80x128xi32, #tpu.memory_space<vmem>> -> memref<1x128xi32, #tpu.memory_space<vmem>>
      %dma_start3A_940 = tpu.memref_squeeze %dma_start3A_939 : memref<1x128xi32, #tpu.memory_space<vmem>> -> memref<128xi32, #tpu.memory_space<vmem>>
      %dma_start3A_941 = arith.constant 0 : i32
      %dma_start3A_942 = arith.constant 0 : i32
      %dma_start3A_943 = tpu.memref_slice %arg12[%dma_start3A_941, %dma_start3A_942] : memref<10112x16xf32, #tpu.memory_space<vmem_shared>> -> memref<10112x16xf32, #tpu.memory_space<vmem_shared>>
      tpu.enqueue_indirect_dma source(%dma_start3A_937 : memref<128x16xf32, #tpu.memory_space<vmem>>) target(%dma_start3A_943 : memref<10112x16xf32, #tpu.memory_space<vmem_shared>>) offsets(%dma_start3A_940 : memref<128xi32, #tpu.memory_space<vmem>>) semaphore(%arg27 : memref<!tpu.dma_semaphore, #tpu.memory_space<semaphore_mem>>) {add = true}
      %dma_start3A_944 = arith.constant 0 : i32
      %dma_start3A_945 = tpu.memref_slice %arg7[%add3A_895, %dma_start3A_944] : memref<80x128xi32, #tpu.memory_space<vmem>> -> memref<1x128xi32, #tpu.memory_space<vmem>>
      %dma_start3A_946 = tpu.memref_squeeze %dma_start3A_945 : memref<1x128xi32, #tpu.memory_space<vmem>> -> memref<128xi32, #tpu.memory_space<vmem>>
      %dma_start3A_947 = arith.constant 0 : i32
      %dma_start3A_948 = arith.constant 0 : i32
      %dma_start3A_949 = tpu.memref_slice %arg13[%dma_start3A_947, %dma_start3A_948] : memref<10112x16xf32, #tpu.memory_space<vmem_shared>> -> memref<10112x16xf32, #tpu.memory_space<vmem_shared>>
      tpu.enqueue_indirect_dma source(%arg9 : memref<128x16xf32, #tpu.memory_space<vmem>>) target(%dma_start3A_949 : memref<10112x16xf32, #tpu.memory_space<vmem_shared>>) offsets(%dma_start3A_946 : memref<128xi32, #tpu.memory_space<vmem>>) semaphore(%arg37 : memref<!tpu.dma_semaphore, #tpu.memory_space<semaphore_mem>>) {add = true}
      %add3A_950 = arith.constant 4 : i32
      %add3A_951 = arith.addi %mul3A_725, %add3A_950 : i32
      %dma_wait3A_952 = arith.constant 9 : i32
      %dma_wait3A_953 = arith.constant 0 : i32
      %dma_wait3A_954 = arith.constant 0 : i32
      %dma_wait3A_955 = arith.constant 0 : i32
      %dma_wait3A_956 = tpu.memref_slice %arg8[%dma_wait3A_952, %dma_wait3A_954, %dma_wait3A_955] : memref<10x128x16xf32, #tpu.memory_space<vmem>> -> memref<1x128x16xf32, #tpu.memory_space<vmem>>
      %dma_wait3A_957 = tpu.memref_squeeze %dma_wait3A_956 : memref<1x128x16xf32, #tpu.memory_space<vmem>> -> memref<128x16xf32, #tpu.memory_space<vmem>>
      %dma_wait3A_958 = arith.constant 0 : i32
      %dma_wait3A_959 = tpu.memref_slice %arg7[%dma_wait3A_953, %dma_wait3A_958] : memref<80x128xi32, #tpu.memory_space<vmem>> -> memref<1x128xi32, #tpu.memory_space<vmem>>
      %dma_wait3A_960 = tpu.memref_squeeze %dma_wait3A_959 : memref<1x128xi32, #tpu.memory_space<vmem>> -> memref<128xi32, #tpu.memory_space<vmem>>
      %dma_wait3A_961 = arith.constant 0 : i32
      %dma_wait3A_962 = arith.constant 0 : i32
      %dma_wait3A_963 = tpu.memref_slice %arg12[%dma_wait3A_961, %dma_wait3A_962] : memref<10112x16xf32, #tpu.memory_space<vmem_shared>> -> memref<10112x16xf32, #tpu.memory_space<vmem_shared>>
      tpu.wait_indirect_dma semaphore(%arg33 : memref<!tpu.dma_semaphore, #tpu.memory_space<semaphore_mem>>) src(%dma_wait3A_957 : memref<128x16xf32, #tpu.memory_space<vmem>>) dst(%dma_wait3A_963 : memref<10112x16xf32, #tpu.memory_space<vmem_shared>>)
      %dma_wait3A_964 = arith.constant 0 : i32
      %dma_wait3A_965 = arith.constant 0 : i32
      %dma_wait3A_966 = tpu.memref_slice %arg7[%dma_wait3A_964, %dma_wait3A_965] : memref<80x128xi32, #tpu.memory_space<vmem>> -> memref<1x128xi32, #tpu.memory_space<vmem>>
      %dma_wait3A_967 = tpu.memref_squeeze %dma_wait3A_966 : memref<1x128xi32, #tpu.memory_space<vmem>> -> memref<128xi32, #tpu.memory_space<vmem>>
      %dma_wait3A_968 = arith.constant 0 : i32
      %dma_wait3A_969 = arith.constant 0 : i32
      %dma_wait3A_970 = tpu.memref_slice %arg13[%dma_wait3A_968, %dma_wait3A_969] : memref<10112x16xf32, #tpu.memory_space<vmem_shared>> -> memref<10112x16xf32, #tpu.memory_space<vmem_shared>>
      tpu.wait_indirect_dma semaphore(%arg43 : memref<!tpu.dma_semaphore, #tpu.memory_space<semaphore_mem>>) src(%arg9 : memref<128x16xf32, #tpu.memory_space<vmem>>) dst(%dma_wait3A_970 : memref<10112x16xf32, #tpu.memory_space<vmem_shared>>)
      %add3A_971 = arith.constant 5 : i32
      %add3A_972 = arith.addi %add3A_951, %add3A_971 : i32
      %lt3A_973 = arith.cmpi slt, %add3A_972, %select_n3A : i32
      %convert_element_type3A_974 = arith.extui %lt3A_973 : i1 to i32
      %cond3A_975 = arith.constant 0 : i32
      %cond3A_976 = arith.cmpi ne, %convert_element_type3A_974, %cond3A_975 : i32
      scf.if %cond3A_976 {
        %add3A_1286 = arith.constant 5 : i32
        %add3A_1287 = arith.addi %add3A_951, %add3A_1286 : i32
        %dma_start3A_1288 = arith.constant 9 : i32
        %dma_start3A_1289 = arith.constant 0 : i32
        %dma_start3A_1290 = arith.constant 0 : i32
        %dma_start3A_1291 = tpu.memref_slice %arg8[%dma_start3A_1288, %dma_start3A_1289, %dma_start3A_1290] : memref<10x128x16xf32, #tpu.memory_space<vmem>> -> memref<1x128x16xf32, #tpu.memory_space<vmem>>
        %dma_start3A_1292 = tpu.memref_squeeze %dma_start3A_1291 : memref<1x128x16xf32, #tpu.memory_space<vmem>> -> memref<128x16xf32, #tpu.memory_space<vmem>>
        %dma_start3A_1293 = arith.constant 0 : i32
        %dma_start3A_1294 = tpu.memref_slice %arg6[%add3A_1287, %dma_start3A_1293] : memref<80x128xi32, #tpu.memory_space<vmem>> -> memref<1x128xi32, #tpu.memory_space<vmem>>
        %dma_start3A_1295 = tpu.memref_squeeze %dma_start3A_1294 : memref<1x128xi32, #tpu.memory_space<vmem>> -> memref<128xi32, #tpu.memory_space<vmem>>
        %dma_start3A_1296 = arith.constant 0 : i32
        %dma_start3A_1297 = arith.constant 0 : i32
        %dma_start3A_1298 = tpu.memref_slice %arg11[%dma_start3A_1296, %dma_start3A_1297] : memref<10112x16xf32, #tpu.memory_space<vmem_shared>> -> memref<10112x16xf32, #tpu.memory_space<vmem_shared>>
        tpu.enqueue_indirect_dma source(%dma_start3A_1298 : memref<10112x16xf32, #tpu.memory_space<vmem_shared>>) target(%dma_start3A_1292 : memref<128x16xf32, #tpu.memory_space<vmem>>) offsets(%dma_start3A_1295 : memref<128xi32, #tpu.memory_space<vmem>>) semaphore(%arg23 : memref<!tpu.dma_semaphore, #tpu.memory_space<semaphore_mem>>)
      } else {
      }
      %dma_wait3A_977 = arith.constant 0 : i32
      %dma_wait3A_978 = arith.constant 4 : i32
      %dma_wait3A_979 = arith.constant 0 : i32
      %dma_wait3A_980 = arith.constant 0 : i32
      %dma_wait3A_981 = tpu.memref_slice %arg8[%dma_wait3A_978, %dma_wait3A_979, %dma_wait3A_980] : memref<10x128x16xf32, #tpu.memory_space<vmem>> -> memref<1x128x16xf32, #tpu.memory_space<vmem>>
      %dma_wait3A_982 = tpu.memref_squeeze %dma_wait3A_981 : memref<1x128x16xf32, #tpu.memory_space<vmem>> -> memref<128x16xf32, #tpu.memory_space<vmem>>
      %dma_wait3A_983 = arith.constant 0 : i32
      %dma_wait3A_984 = tpu.memref_slice %arg6[%dma_wait3A_977, %dma_wait3A_983] : memref<80x128xi32, #tpu.memory_space<vmem>> -> memref<1x128xi32, #tpu.memory_space<vmem>>
      %dma_wait3A_985 = tpu.memref_squeeze %dma_wait3A_984 : memref<1x128xi32, #tpu.memory_space<vmem>> -> memref<128xi32, #tpu.memory_space<vmem>>
      %dma_wait3A_986 = arith.constant 0 : i32
      %dma_wait3A_987 = arith.constant 0 : i32
      %dma_wait3A_988 = tpu.memref_slice %arg11[%dma_wait3A_986, %dma_wait3A_987] : memref<10112x16xf32, #tpu.memory_space<vmem_shared>> -> memref<10112x16xf32, #tpu.memory_space<vmem_shared>>
      tpu.wait_indirect_dma semaphore(%arg18 : memref<!tpu.dma_semaphore, #tpu.memory_space<semaphore_mem>>) src(%dma_wait3A_988 : memref<10112x16xf32, #tpu.memory_space<vmem_shared>>) dst(%dma_wait3A_982 : memref<128x16xf32, #tpu.memory_space<vmem>>)
      %dma_start3A_989 = arith.constant 4 : i32
      %dma_start3A_990 = arith.constant 0 : i32
      %dma_start3A_991 = arith.constant 0 : i32
      %dma_start3A_992 = tpu.memref_slice %arg8[%dma_start3A_989, %dma_start3A_990, %dma_start3A_991] : memref<10x128x16xf32, #tpu.memory_space<vmem>> -> memref<1x128x16xf32, #tpu.memory_space<vmem>>
      %dma_start3A_993 = tpu.memref_squeeze %dma_start3A_992 : memref<1x128x16xf32, #tpu.memory_space<vmem>> -> memref<128x16xf32, #tpu.memory_space<vmem>>
      %dma_start3A_994 = arith.constant 0 : i32
      %dma_start3A_995 = tpu.memref_slice %arg7[%add3A_951, %dma_start3A_994] : memref<80x128xi32, #tpu.memory_space<vmem>> -> memref<1x128xi32, #tpu.memory_space<vmem>>
      %dma_start3A_996 = tpu.memref_squeeze %dma_start3A_995 : memref<1x128xi32, #tpu.memory_space<vmem>> -> memref<128xi32, #tpu.memory_space<vmem>>
      %dma_start3A_997 = arith.constant 0 : i32
      %dma_start3A_998 = arith.constant 0 : i32
      %dma_start3A_999 = tpu.memref_slice %arg12[%dma_start3A_997, %dma_start3A_998] : memref<10112x16xf32, #tpu.memory_space<vmem_shared>> -> memref<10112x16xf32, #tpu.memory_space<vmem_shared>>
      tpu.enqueue_indirect_dma source(%dma_start3A_993 : memref<128x16xf32, #tpu.memory_space<vmem>>) target(%dma_start3A_999 : memref<10112x16xf32, #tpu.memory_space<vmem_shared>>) offsets(%dma_start3A_996 : memref<128xi32, #tpu.memory_space<vmem>>) semaphore(%arg28 : memref<!tpu.dma_semaphore, #tpu.memory_space<semaphore_mem>>) {add = true}
      %dma_start3A_1000 = arith.constant 0 : i32
      %dma_start3A_1001 = tpu.memref_slice %arg7[%add3A_951, %dma_start3A_1000] : memref<80x128xi32, #tpu.memory_space<vmem>> -> memref<1x128xi32, #tpu.memory_space<vmem>>
      %dma_start3A_1002 = tpu.memref_squeeze %dma_start3A_1001 : memref<1x128xi32, #tpu.memory_space<vmem>> -> memref<128xi32, #tpu.memory_space<vmem>>
      %dma_start3A_1003 = arith.constant 0 : i32
      %dma_start3A_1004 = arith.constant 0 : i32
      %dma_start3A_1005 = tpu.memref_slice %arg13[%dma_start3A_1003, %dma_start3A_1004] : memref<10112x16xf32, #tpu.memory_space<vmem_shared>> -> memref<10112x16xf32, #tpu.memory_space<vmem_shared>>
      tpu.enqueue_indirect_dma source(%arg9 : memref<128x16xf32, #tpu.memory_space<vmem>>) target(%dma_start3A_1005 : memref<10112x16xf32, #tpu.memory_space<vmem_shared>>) offsets(%dma_start3A_1002 : memref<128xi32, #tpu.memory_space<vmem>>) semaphore(%arg38 : memref<!tpu.dma_semaphore, #tpu.memory_space<semaphore_mem>>) {add = true}
      %add3A_1006 = arith.constant 5 : i32
      %add3A_1007 = arith.addi %mul3A_725, %add3A_1006 : i32
      %dma_wait3A_1008 = arith.constant 0 : i32
      %dma_wait3A_1009 = arith.constant 0 : i32
      %dma_wait3A_1010 = arith.constant 0 : i32
      %dma_wait3A_1011 = arith.constant 0 : i32
      %dma_wait3A_1012 = tpu.memref_slice %arg8[%dma_wait3A_1008, %dma_wait3A_1010, %dma_wait3A_1011] : memref<10x128x16xf32, #tpu.memory_space<vmem>> -> memref<1x128x16xf32, #tpu.memory_space<vmem>>
      %dma_wait3A_1013 = tpu.memref_squeeze %dma_wait3A_1012 : memref<1x128x16xf32, #tpu.memory_space<vmem>> -> memref<128x16xf32, #tpu.memory_space<vmem>>
      %dma_wait3A_1014 = arith.constant 0 : i32
      %dma_wait3A_1015 = tpu.memref_slice %arg7[%dma_wait3A_1009, %dma_wait3A_1014] : memref<80x128xi32, #tpu.memory_space<vmem>> -> memref<1x128xi32, #tpu.memory_space<vmem>>
      %dma_wait3A_1016 = tpu.memref_squeeze %dma_wait3A_1015 : memref<1x128xi32, #tpu.memory_space<vmem>> -> memref<128xi32, #tpu.memory_space<vmem>>
      %dma_wait3A_1017 = arith.constant 0 : i32
      %dma_wait3A_1018 = arith.constant 0 : i32
      %dma_wait3A_1019 = tpu.memref_slice %arg12[%dma_wait3A_1017, %dma_wait3A_1018] : memref<10112x16xf32, #tpu.memory_space<vmem_shared>> -> memref<10112x16xf32, #tpu.memory_space<vmem_shared>>
      tpu.wait_indirect_dma semaphore(%arg24 : memref<!tpu.dma_semaphore, #tpu.memory_space<semaphore_mem>>) src(%dma_wait3A_1013 : memref<128x16xf32, #tpu.memory_space<vmem>>) dst(%dma_wait3A_1019 : memref<10112x16xf32, #tpu.memory_space<vmem_shared>>)
      %dma_wait3A_1020 = arith.constant 0 : i32
      %dma_wait3A_1021 = arith.constant 0 : i32
      %dma_wait3A_1022 = tpu.memref_slice %arg7[%dma_wait3A_1020, %dma_wait3A_1021] : memref<80x128xi32, #tpu.memory_space<vmem>> -> memref<1x128xi32, #tpu.memory_space<vmem>>
      %dma_wait3A_1023 = tpu.memref_squeeze %dma_wait3A_1022 : memref<1x128xi32, #tpu.memory_space<vmem>> -> memref<128xi32, #tpu.memory_space<vmem>>
      %dma_wait3A_1024 = arith.constant 0 : i32
      %dma_wait3A_1025 = arith.constant 0 : i32
      %dma_wait3A_1026 = tpu.memref_slice %arg13[%dma_wait3A_1024, %dma_wait3A_1025] : memref<10112x16xf32, #tpu.memory_space<vmem_shared>> -> memref<10112x16xf32, #tpu.memory_space<vmem_shared>>
      tpu.wait_indirect_dma semaphore(%arg34 : memref<!tpu.dma_semaphore, #tpu.memory_space<semaphore_mem>>) src(%arg9 : memref<128x16xf32, #tpu.memory_space<vmem>>) dst(%dma_wait3A_1026 : memref<10112x16xf32, #tpu.memory_space<vmem_shared>>)
      %add3A_1027 = arith.constant 5 : i32
      %add3A_1028 = arith.addi %add3A_1007, %add3A_1027 : i32
      %lt3A_1029 = arith.cmpi slt, %add3A_1028, %select_n3A : i32
      %convert_element_type3A_1030 = arith.extui %lt3A_1029 : i1 to i32
      %cond3A_1031 = arith.constant 0 : i32
      %cond3A_1032 = arith.cmpi ne, %convert_element_type3A_1030, %cond3A_1031 : i32
      scf.if %cond3A_1032 {
        %add3A_1286 = arith.constant 5 : i32
        %add3A_1287 = arith.addi %add3A_1007, %add3A_1286 : i32
        %dma_start3A_1288 = arith.constant 0 : i32
        %dma_start3A_1289 = arith.constant 0 : i32
        %dma_start3A_1290 = arith.constant 0 : i32
        %dma_start3A_1291 = tpu.memref_slice %arg8[%dma_start3A_1288, %dma_start3A_1289, %dma_start3A_1290] : memref<10x128x16xf32, #tpu.memory_space<vmem>> -> memref<1x128x16xf32, #tpu.memory_space<vmem>>
        %dma_start3A_1292 = tpu.memref_squeeze %dma_start3A_1291 : memref<1x128x16xf32, #tpu.memory_space<vmem>> -> memref<128x16xf32, #tpu.memory_space<vmem>>
        %dma_start3A_1293 = arith.constant 0 : i32
        %dma_start3A_1294 = tpu.memref_slice %arg6[%add3A_1287, %dma_start3A_1293] : memref<80x128xi32, #tpu.memory_space<vmem>> -> memref<1x128xi32, #tpu.memory_space<vmem>>
        %dma_start3A_1295 = tpu.memref_squeeze %dma_start3A_1294 : memref<1x128xi32, #tpu.memory_space<vmem>> -> memref<128xi32, #tpu.memory_space<vmem>>
        %dma_start3A_1296 = arith.constant 0 : i32
        %dma_start3A_1297 = arith.constant 0 : i32
        %dma_start3A_1298 = tpu.memref_slice %arg11[%dma_start3A_1296, %dma_start3A_1297] : memref<10112x16xf32, #tpu.memory_space<vmem_shared>> -> memref<10112x16xf32, #tpu.memory_space<vmem_shared>>
        tpu.enqueue_indirect_dma source(%dma_start3A_1298 : memref<10112x16xf32, #tpu.memory_space<vmem_shared>>) target(%dma_start3A_1292 : memref<128x16xf32, #tpu.memory_space<vmem>>) offsets(%dma_start3A_1295 : memref<128xi32, #tpu.memory_space<vmem>>) semaphore(%arg14 : memref<!tpu.dma_semaphore, #tpu.memory_space<semaphore_mem>>)
      } else {
      }
      %dma_wait3A_1033 = arith.constant 0 : i32
      %dma_wait3A_1034 = arith.constant 5 : i32
      %dma_wait3A_1035 = arith.constant 0 : i32
      %dma_wait3A_1036 = arith.constant 0 : i32
      %dma_wait3A_1037 = tpu.memref_slice %arg8[%dma_wait3A_1034, %dma_wait3A_1035, %dma_wait3A_1036] : memref<10x128x16xf32, #tpu.memory_space<vmem>> -> memref<1x128x16xf32, #tpu.memory_space<vmem>>
      %dma_wait3A_1038 = tpu.memref_squeeze %dma_wait3A_1037 : memref<1x128x16xf32, #tpu.memory_space<vmem>> -> memref<128x16xf32, #tpu.memory_space<vmem>>
      %dma_wait3A_1039 = arith.constant 0 : i32
      %dma_wait3A_1040 = tpu.memref_slice %arg6[%dma_wait3A_1033, %dma_wait3A_1039] : memref<80x128xi32, #tpu.memory_space<vmem>> -> memref<1x128xi32, #tpu.memory_space<vmem>>
      %dma_wait3A_1041 = tpu.memref_squeeze %dma_wait3A_1040 : memref<1x128xi32, #tpu.memory_space<vmem>> -> memref<128xi32, #tpu.memory_space<vmem>>
      %dma_wait3A_1042 = arith.constant 0 : i32
      %dma_wait3A_1043 = arith.constant 0 : i32
      %dma_wait3A_1044 = tpu.memref_slice %arg11[%dma_wait3A_1042, %dma_wait3A_1043] : memref<10112x16xf32, #tpu.memory_space<vmem_shared>> -> memref<10112x16xf32, #tpu.memory_space<vmem_shared>>
      tpu.wait_indirect_dma semaphore(%arg19 : memref<!tpu.dma_semaphore, #tpu.memory_space<semaphore_mem>>) src(%dma_wait3A_1044 : memref<10112x16xf32, #tpu.memory_space<vmem_shared>>) dst(%dma_wait3A_1038 : memref<128x16xf32, #tpu.memory_space<vmem>>)
      %dma_start3A_1045 = arith.constant 5 : i32
      %dma_start3A_1046 = arith.constant 0 : i32
      %dma_start3A_1047 = arith.constant 0 : i32
      %dma_start3A_1048 = tpu.memref_slice %arg8[%dma_start3A_1045, %dma_start3A_1046, %dma_start3A_1047] : memref<10x128x16xf32, #tpu.memory_space<vmem>> -> memref<1x128x16xf32, #tpu.memory_space<vmem>>
      %dma_start3A_1049 = tpu.memref_squeeze %dma_start3A_1048 : memref<1x128x16xf32, #tpu.memory_space<vmem>> -> memref<128x16xf32, #tpu.memory_space<vmem>>
      %dma_start3A_1050 = arith.constant 0 : i32
      %dma_start3A_1051 = tpu.memref_slice %arg7[%add3A_1007, %dma_start3A_1050] : memref<80x128xi32, #tpu.memory_space<vmem>> -> memref<1x128xi32, #tpu.memory_space<vmem>>
      %dma_start3A_1052 = tpu.memref_squeeze %dma_start3A_1051 : memref<1x128xi32, #tpu.memory_space<vmem>> -> memref<128xi32, #tpu.memory_space<vmem>>
      %dma_start3A_1053 = arith.constant 0 : i32
      %dma_start3A_1054 = arith.constant 0 : i32
      %dma_start3A_1055 = tpu.memref_slice %arg12[%dma_start3A_1053, %dma_start3A_1054] : memref<10112x16xf32, #tpu.memory_space<vmem_shared>> -> memref<10112x16xf32, #tpu.memory_space<vmem_shared>>
      tpu.enqueue_indirect_dma source(%dma_start3A_1049 : memref<128x16xf32, #tpu.memory_space<vmem>>) target(%dma_start3A_1055 : memref<10112x16xf32, #tpu.memory_space<vmem_shared>>) offsets(%dma_start3A_1052 : memref<128xi32, #tpu.memory_space<vmem>>) semaphore(%arg29 : memref<!tpu.dma_semaphore, #tpu.memory_space<semaphore_mem>>) {add = true}
      %dma_start3A_1056 = arith.constant 0 : i32
      %dma_start3A_1057 = tpu.memref_slice %arg7[%add3A_1007, %dma_start3A_1056] : memref<80x128xi32, #tpu.memory_space<vmem>> -> memref<1x128xi32, #tpu.memory_space<vmem>>
      %dma_start3A_1058 = tpu.memref_squeeze %dma_start3A_1057 : memref<1x128xi32, #tpu.memory_space<vmem>> -> memref<128xi32, #tpu.memory_space<vmem>>
      %dma_start3A_1059 = arith.constant 0 : i32
      %dma_start3A_1060 = arith.constant 0 : i32
      %dma_start3A_1061 = tpu.memref_slice %arg13[%dma_start3A_1059, %dma_start3A_1060] : memref<10112x16xf32, #tpu.memory_space<vmem_shared>> -> memref<10112x16xf32, #tpu.memory_space<vmem_shared>>
      tpu.enqueue_indirect_dma source(%arg9 : memref<128x16xf32, #tpu.memory_space<vmem>>) target(%dma_start3A_1061 : memref<10112x16xf32, #tpu.memory_space<vmem_shared>>) offsets(%dma_start3A_1058 : memref<128xi32, #tpu.memory_space<vmem>>) semaphore(%arg39 : memref<!tpu.dma_semaphore, #tpu.memory_space<semaphore_mem>>) {add = true}
      %add3A_1062 = arith.constant 6 : i32
      %add3A_1063 = arith.addi %mul3A_725, %add3A_1062 : i32
      %dma_wait3A_1064 = arith.constant 1 : i32
      %dma_wait3A_1065 = arith.constant 0 : i32
      %dma_wait3A_1066 = arith.constant 0 : i32
      %dma_wait3A_1067 = arith.constant 0 : i32
      %dma_wait3A_1068 = tpu.memref_slice %arg8[%dma_wait3A_1064, %dma_wait3A_1066, %dma_wait3A_1067] : memref<10x128x16xf32, #tpu.memory_space<vmem>> -> memref<1x128x16xf32, #tpu.memory_space<vmem>>
      %dma_wait3A_1069 = tpu.memref_squeeze %dma_wait3A_1068 : memref<1x128x16xf32, #tpu.memory_space<vmem>> -> memref<128x16xf32, #tpu.memory_space<vmem>>
      %dma_wait3A_1070 = arith.constant 0 : i32
      %dma_wait3A_1071 = tpu.memref_slice %arg7[%dma_wait3A_1065, %dma_wait3A_1070] : memref<80x128xi32, #tpu.memory_space<vmem>> -> memref<1x128xi32, #tpu.memory_space<vmem>>
      %dma_wait3A_1072 = tpu.memref_squeeze %dma_wait3A_1071 : memref<1x128xi32, #tpu.memory_space<vmem>> -> memref<128xi32, #tpu.memory_space<vmem>>
      %dma_wait3A_1073 = arith.constant 0 : i32
      %dma_wait3A_1074 = arith.constant 0 : i32
      %dma_wait3A_1075 = tpu.memref_slice %arg12[%dma_wait3A_1073, %dma_wait3A_1074] : memref<10112x16xf32, #tpu.memory_space<vmem_shared>> -> memref<10112x16xf32, #tpu.memory_space<vmem_shared>>
      tpu.wait_indirect_dma semaphore(%arg25 : memref<!tpu.dma_semaphore, #tpu.memory_space<semaphore_mem>>) src(%dma_wait3A_1069 : memref<128x16xf32, #tpu.memory_space<vmem>>) dst(%dma_wait3A_1075 : memref<10112x16xf32, #tpu.memory_space<vmem_shared>>)
      %dma_wait3A_1076 = arith.constant 0 : i32
      %dma_wait3A_1077 = arith.constant 0 : i32
      %dma_wait3A_1078 = tpu.memref_slice %arg7[%dma_wait3A_1076, %dma_wait3A_1077] : memref<80x128xi32, #tpu.memory_space<vmem>> -> memref<1x128xi32, #tpu.memory_space<vmem>>
      %dma_wait3A_1079 = tpu.memref_squeeze %dma_wait3A_1078 : memref<1x128xi32, #tpu.memory_space<vmem>> -> memref<128xi32, #tpu.memory_space<vmem>>
      %dma_wait3A_1080 = arith.constant 0 : i32
      %dma_wait3A_1081 = arith.constant 0 : i32
      %dma_wait3A_1082 = tpu.memref_slice %arg13[%dma_wait3A_1080, %dma_wait3A_1081] : memref<10112x16xf32, #tpu.memory_space<vmem_shared>> -> memref<10112x16xf32, #tpu.memory_space<vmem_shared>>
      tpu.wait_indirect_dma semaphore(%arg35 : memref<!tpu.dma_semaphore, #tpu.memory_space<semaphore_mem>>) src(%arg9 : memref<128x16xf32, #tpu.memory_space<vmem>>) dst(%dma_wait3A_1082 : memref<10112x16xf32, #tpu.memory_space<vmem_shared>>)
      %add3A_1083 = arith.constant 5 : i32
      %add3A_1084 = arith.addi %add3A_1063, %add3A_1083 : i32
      %lt3A_1085 = arith.cmpi slt, %add3A_1084, %select_n3A : i32
      %convert_element_type3A_1086 = arith.extui %lt3A_1085 : i1 to i32
      %cond3A_1087 = arith.constant 0 : i32
      %cond3A_1088 = arith.cmpi ne, %convert_element_type3A_1086, %cond3A_1087 : i32
      scf.if %cond3A_1088 {
        %add3A_1286 = arith.constant 5 : i32
        %add3A_1287 = arith.addi %add3A_1063, %add3A_1286 : i32
        %dma_start3A_1288 = arith.constant 1 : i32
        %dma_start3A_1289 = arith.constant 0 : i32
        %dma_start3A_1290 = arith.constant 0 : i32
        %dma_start3A_1291 = tpu.memref_slice %arg8[%dma_start3A_1288, %dma_start3A_1289, %dma_start3A_1290] : memref<10x128x16xf32, #tpu.memory_space<vmem>> -> memref<1x128x16xf32, #tpu.memory_space<vmem>>
        %dma_start3A_1292 = tpu.memref_squeeze %dma_start3A_1291 : memref<1x128x16xf32, #tpu.memory_space<vmem>> -> memref<128x16xf32, #tpu.memory_space<vmem>>
        %dma_start3A_1293 = arith.constant 0 : i32
        %dma_start3A_1294 = tpu.memref_slice %arg6[%add3A_1287, %dma_start3A_1293] : memref<80x128xi32, #tpu.memory_space<vmem>> -> memref<1x128xi32, #tpu.memory_space<vmem>>
        %dma_start3A_1295 = tpu.memref_squeeze %dma_start3A_1294 : memref<1x128xi32, #tpu.memory_space<vmem>> -> memref<128xi32, #tpu.memory_space<vmem>>
        %dma_start3A_1296 = arith.constant 0 : i32
        %dma_start3A_1297 = arith.constant 0 : i32
        %dma_start3A_1298 = tpu.memref_slice %arg11[%dma_start3A_1296, %dma_start3A_1297] : memref<10112x16xf32, #tpu.memory_space<vmem_shared>> -> memref<10112x16xf32, #tpu.memory_space<vmem_shared>>
        tpu.enqueue_indirect_dma source(%dma_start3A_1298 : memref<10112x16xf32, #tpu.memory_space<vmem_shared>>) target(%dma_start3A_1292 : memref<128x16xf32, #tpu.memory_space<vmem>>) offsets(%dma_start3A_1295 : memref<128xi32, #tpu.memory_space<vmem>>) semaphore(%arg15 : memref<!tpu.dma_semaphore, #tpu.memory_space<semaphore_mem>>)
      } else {
      }
      %dma_wait3A_1089 = arith.constant 0 : i32
      %dma_wait3A_1090 = arith.constant 6 : i32
      %dma_wait3A_1091 = arith.constant 0 : i32
      %dma_wait3A_1092 = arith.constant 0 : i32
      %dma_wait3A_1093 = tpu.memref_slice %arg8[%dma_wait3A_1090, %dma_wait3A_1091, %dma_wait3A_1092] : memref<10x128x16xf32, #tpu.memory_space<vmem>> -> memref<1x128x16xf32, #tpu.memory_space<vmem>>
      %dma_wait3A_1094 = tpu.memref_squeeze %dma_wait3A_1093 : memref<1x128x16xf32, #tpu.memory_space<vmem>> -> memref<128x16xf32, #tpu.memory_space<vmem>>
      %dma_wait3A_1095 = arith.constant 0 : i32
      %dma_wait3A_1096 = tpu.memref_slice %arg6[%dma_wait3A_1089, %dma_wait3A_1095] : memref<80x128xi32, #tpu.memory_space<vmem>> -> memref<1x128xi32, #tpu.memory_space<vmem>>
      %dma_wait3A_1097 = tpu.memref_squeeze %dma_wait3A_1096 : memref<1x128xi32, #tpu.memory_space<vmem>> -> memref<128xi32, #tpu.memory_space<vmem>>
      %dma_wait3A_1098 = arith.constant 0 : i32
      %dma_wait3A_1099 = arith.constant 0 : i32
      %dma_wait3A_1100 = tpu.memref_slice %arg11[%dma_wait3A_1098, %dma_wait3A_1099] : memref<10112x16xf32, #tpu.memory_space<vmem_shared>> -> memref<10112x16xf32, #tpu.memory_space<vmem_shared>>
      tpu.wait_indirect_dma semaphore(%arg20 : memref<!tpu.dma_semaphore, #tpu.memory_space<semaphore_mem>>) src(%dma_wait3A_1100 : memref<10112x16xf32, #tpu.memory_space<vmem_shared>>) dst(%dma_wait3A_1094 : memref<128x16xf32, #tpu.memory_space<vmem>>)
      %dma_start3A_1101 = arith.constant 6 : i32
      %dma_start3A_1102 = arith.constant 0 : i32
      %dma_start3A_1103 = arith.constant 0 : i32
      %dma_start3A_1104 = tpu.memref_slice %arg8[%dma_start3A_1101, %dma_start3A_1102, %dma_start3A_1103] : memref<10x128x16xf32, #tpu.memory_space<vmem>> -> memref<1x128x16xf32, #tpu.memory_space<vmem>>
      %dma_start3A_1105 = tpu.memref_squeeze %dma_start3A_1104 : memref<1x128x16xf32, #tpu.memory_space<vmem>> -> memref<128x16xf32, #tpu.memory_space<vmem>>
      %dma_start3A_1106 = arith.constant 0 : i32
      %dma_start3A_1107 = tpu.memref_slice %arg7[%add3A_1063, %dma_start3A_1106] : memref<80x128xi32, #tpu.memory_space<vmem>> -> memref<1x128xi32, #tpu.memory_space<vmem>>
      %dma_start3A_1108 = tpu.memref_squeeze %dma_start3A_1107 : memref<1x128xi32, #tpu.memory_space<vmem>> -> memref<128xi32, #tpu.memory_space<vmem>>
      %dma_start3A_1109 = arith.constant 0 : i32
      %dma_start3A_1110 = arith.constant 0 : i32
      %dma_start3A_1111 = tpu.memref_slice %arg12[%dma_start3A_1109, %dma_start3A_1110] : memref<10112x16xf32, #tpu.memory_space<vmem_shared>> -> memref<10112x16xf32, #tpu.memory_space<vmem_shared>>
      tpu.enqueue_indirect_dma source(%dma_start3A_1105 : memref<128x16xf32, #tpu.memory_space<vmem>>) target(%dma_start3A_1111 : memref<10112x16xf32, #tpu.memory_space<vmem_shared>>) offsets(%dma_start3A_1108 : memref<128xi32, #tpu.memory_space<vmem>>) semaphore(%arg30 : memref<!tpu.dma_semaphore, #tpu.memory_space<semaphore_mem>>) {add = true}
      %dma_start3A_1112 = arith.constant 0 : i32
      %dma_start3A_1113 = tpu.memref_slice %arg7[%add3A_1063, %dma_start3A_1112] : memref<80x128xi32, #tpu.memory_space<vmem>> -> memref<1x128xi32, #tpu.memory_space<vmem>>
      %dma_start3A_1114 = tpu.memref_squeeze %dma_start3A_1113 : memref<1x128xi32, #tpu.memory_space<vmem>> -> memref<128xi32, #tpu.memory_space<vmem>>
      %dma_start3A_1115 = arith.constant 0 : i32
      %dma_start3A_1116 = arith.constant 0 : i32
      %dma_start3A_1117 = tpu.memref_slice %arg13[%dma_start3A_1115, %dma_start3A_1116] : memref<10112x16xf32, #tpu.memory_space<vmem_shared>> -> memref<10112x16xf32, #tpu.memory_space<vmem_shared>>
      tpu.enqueue_indirect_dma source(%arg9 : memref<128x16xf32, #tpu.memory_space<vmem>>) target(%dma_start3A_1117 : memref<10112x16xf32, #tpu.memory_space<vmem_shared>>) offsets(%dma_start3A_1114 : memref<128xi32, #tpu.memory_space<vmem>>) semaphore(%arg40 : memref<!tpu.dma_semaphore, #tpu.memory_space<semaphore_mem>>) {add = true}
      %add3A_1118 = arith.constant 7 : i32
      %add3A_1119 = arith.addi %mul3A_725, %add3A_1118 : i32
      %dma_wait3A_1120 = arith.constant 2 : i32
      %dma_wait3A_1121 = arith.constant 0 : i32
      %dma_wait3A_1122 = arith.constant 0 : i32
      %dma_wait3A_1123 = arith.constant 0 : i32
      %dma_wait3A_1124 = tpu.memref_slice %arg8[%dma_wait3A_1120, %dma_wait3A_1122, %dma_wait3A_1123] : memref<10x128x16xf32, #tpu.memory_space<vmem>> -> memref<1x128x16xf32, #tpu.memory_space<vmem>>
      %dma_wait3A_1125 = tpu.memref_squeeze %dma_wait3A_1124 : memref<1x128x16xf32, #tpu.memory_space<vmem>> -> memref<128x16xf32, #tpu.memory_space<vmem>>
      %dma_wait3A_1126 = arith.constant 0 : i32
      %dma_wait3A_1127 = tpu.memref_slice %arg7[%dma_wait3A_1121, %dma_wait3A_1126] : memref<80x128xi32, #tpu.memory_space<vmem>> -> memref<1x128xi32, #tpu.memory_space<vmem>>
      %dma_wait3A_1128 = tpu.memref_squeeze %dma_wait3A_1127 : memref<1x128xi32, #tpu.memory_space<vmem>> -> memref<128xi32, #tpu.memory_space<vmem>>
      %dma_wait3A_1129 = arith.constant 0 : i32
      %dma_wait3A_1130 = arith.constant 0 : i32
      %dma_wait3A_1131 = tpu.memref_slice %arg12[%dma_wait3A_1129, %dma_wait3A_1130] : memref<10112x16xf32, #tpu.memory_space<vmem_shared>> -> memref<10112x16xf32, #tpu.memory_space<vmem_shared>>
      tpu.wait_indirect_dma semaphore(%arg26 : memref<!tpu.dma_semaphore, #tpu.memory_space<semaphore_mem>>) src(%dma_wait3A_1125 : memref<128x16xf32, #tpu.memory_space<vmem>>) dst(%dma_wait3A_1131 : memref<10112x16xf32, #tpu.memory_space<vmem_shared>>)
      %dma_wait3A_1132 = arith.constant 0 : i32
      %dma_wait3A_1133 = arith.constant 0 : i32
      %dma_wait3A_1134 = tpu.memref_slice %arg7[%dma_wait3A_1132, %dma_wait3A_1133] : memref<80x128xi32, #tpu.memory_space<vmem>> -> memref<1x128xi32, #tpu.memory_space<vmem>>
      %dma_wait3A_1135 = tpu.memref_squeeze %dma_wait3A_1134 : memref<1x128xi32, #tpu.memory_space<vmem>> -> memref<128xi32, #tpu.memory_space<vmem>>
      %dma_wait3A_1136 = arith.constant 0 : i32
      %dma_wait3A_1137 = arith.constant 0 : i32
      %dma_wait3A_1138 = tpu.memref_slice %arg13[%dma_wait3A_1136, %dma_wait3A_1137] : memref<10112x16xf32, #tpu.memory_space<vmem_shared>> -> memref<10112x16xf32, #tpu.memory_space<vmem_shared>>
      tpu.wait_indirect_dma semaphore(%arg36 : memref<!tpu.dma_semaphore, #tpu.memory_space<semaphore_mem>>) src(%arg9 : memref<128x16xf32, #tpu.memory_space<vmem>>) dst(%dma_wait3A_1138 : memref<10112x16xf32, #tpu.memory_space<vmem_shared>>)
      %add3A_1139 = arith.constant 5 : i32
      %add3A_1140 = arith.addi %add3A_1119, %add3A_1139 : i32
      %lt3A_1141 = arith.cmpi slt, %add3A_1140, %select_n3A : i32
      %convert_element_type3A_1142 = arith.extui %lt3A_1141 : i1 to i32
      %cond3A_1143 = arith.constant 0 : i32
      %cond3A_1144 = arith.cmpi ne, %convert_element_type3A_1142, %cond3A_1143 : i32
      scf.if %cond3A_1144 {
        %add3A_1286 = arith.constant 5 : i32
        %add3A_1287 = arith.addi %add3A_1119, %add3A_1286 : i32
        %dma_start3A_1288 = arith.constant 2 : i32
        %dma_start3A_1289 = arith.constant 0 : i32
        %dma_start3A_1290 = arith.constant 0 : i32
        %dma_start3A_1291 = tpu.memref_slice %arg8[%dma_start3A_1288, %dma_start3A_1289, %dma_start3A_1290] : memref<10x128x16xf32, #tpu.memory_space<vmem>> -> memref<1x128x16xf32, #tpu.memory_space<vmem>>
        %dma_start3A_1292 = tpu.memref_squeeze %dma_start3A_1291 : memref<1x128x16xf32, #tpu.memory_space<vmem>> -> memref<128x16xf32, #tpu.memory_space<vmem>>
        %dma_start3A_1293 = arith.constant 0 : i32
        %dma_start3A_1294 = tpu.memref_slice %arg6[%add3A_1287, %dma_start3A_1293] : memref<80x128xi32, #tpu.memory_space<vmem>> -> memref<1x128xi32, #tpu.memory_space<vmem>>
        %dma_start3A_1295 = tpu.memref_squeeze %dma_start3A_1294 : memref<1x128xi32, #tpu.memory_space<vmem>> -> memref<128xi32, #tpu.memory_space<vmem>>
        %dma_start3A_1296 = arith.constant 0 : i32
        %dma_start3A_1297 = arith.constant 0 : i32
        %dma_start3A_1298 = tpu.memref_slice %arg11[%dma_start3A_1296, %dma_start3A_1297] : memref<10112x16xf32, #tpu.memory_space<vmem_shared>> -> memref<10112x16xf32, #tpu.memory_space<vmem_shared>>
        tpu.enqueue_indirect_dma source(%dma_start3A_1298 : memref<10112x16xf32, #tpu.memory_space<vmem_shared>>) target(%dma_start3A_1292 : memref<128x16xf32, #tpu.memory_space<vmem>>) offsets(%dma_start3A_1295 : memref<128xi32, #tpu.memory_space<vmem>>) semaphore(%arg16 : memref<!tpu.dma_semaphore, #tpu.memory_space<semaphore_mem>>)
      } else {
      }
      %dma_wait3A_1145 = arith.constant 0 : i32
      %dma_wait3A_1146 = arith.constant 7 : i32
      %dma_wait3A_1147 = arith.constant 0 : i32
      %dma_wait3A_1148 = arith.constant 0 : i32
      %dma_wait3A_1149 = tpu.memref_slice %arg8[%dma_wait3A_1146, %dma_wait3A_1147, %dma_wait3A_1148] : memref<10x128x16xf32, #tpu.memory_space<vmem>> -> memref<1x128x16xf32, #tpu.memory_space<vmem>>
      %dma_wait3A_1150 = tpu.memref_squeeze %dma_wait3A_1149 : memref<1x128x16xf32, #tpu.memory_space<vmem>> -> memref<128x16xf32, #tpu.memory_space<vmem>>
      %dma_wait3A_1151 = arith.constant 0 : i32
      %dma_wait3A_1152 = tpu.memref_slice %arg6[%dma_wait3A_1145, %dma_wait3A_1151] : memref<80x128xi32, #tpu.memory_space<vmem>> -> memref<1x128xi32, #tpu.memory_space<vmem>>
      %dma_wait3A_1153 = tpu.memref_squeeze %dma_wait3A_1152 : memref<1x128xi32, #tpu.memory_space<vmem>> -> memref<128xi32, #tpu.memory_space<vmem>>
      %dma_wait3A_1154 = arith.constant 0 : i32
      %dma_wait3A_1155 = arith.constant 0 : i32
      %dma_wait3A_1156 = tpu.memref_slice %arg11[%dma_wait3A_1154, %dma_wait3A_1155] : memref<10112x16xf32, #tpu.memory_space<vmem_shared>> -> memref<10112x16xf32, #tpu.memory_space<vmem_shared>>
      tpu.wait_indirect_dma semaphore(%arg21 : memref<!tpu.dma_semaphore, #tpu.memory_space<semaphore_mem>>) src(%dma_wait3A_1156 : memref<10112x16xf32, #tpu.memory_space<vmem_shared>>) dst(%dma_wait3A_1150 : memref<128x16xf32, #tpu.memory_space<vmem>>)
      %dma_start3A_1157 = arith.constant 7 : i32
      %dma_start3A_1158 = arith.constant 0 : i32
      %dma_start3A_1159 = arith.constant 0 : i32
      %dma_start3A_1160 = tpu.memref_slice %arg8[%dma_start3A_1157, %dma_start3A_1158, %dma_start3A_1159] : memref<10x128x16xf32, #tpu.memory_space<vmem>> -> memref<1x128x16xf32, #tpu.memory_space<vmem>>
      %dma_start3A_1161 = tpu.memref_squeeze %dma_start3A_1160 : memref<1x128x16xf32, #tpu.memory_space<vmem>> -> memref<128x16xf32, #tpu.memory_space<vmem>>
      %dma_start3A_1162 = arith.constant 0 : i32
      %dma_start3A_1163 = tpu.memref_slice %arg7[%add3A_1119, %dma_start3A_1162] : memref<80x128xi32, #tpu.memory_space<vmem>> -> memref<1x128xi32, #tpu.memory_space<vmem>>
      %dma_start3A_1164 = tpu.memref_squeeze %dma_start3A_1163 : memref<1x128xi32, #tpu.memory_space<vmem>> -> memref<128xi32, #tpu.memory_space<vmem>>
      %dma_start3A_1165 = arith.constant 0 : i32
      %dma_start3A_1166 = arith.constant 0 : i32
      %dma_start3A_1167 = tpu.memref_slice %arg12[%dma_start3A_1165, %dma_start3A_1166] : memref<10112x16xf32, #tpu.memory_space<vmem_shared>> -> memref<10112x16xf32, #tpu.memory_space<vmem_shared>>
      tpu.enqueue_indirect_dma source(%dma_start3A_1161 : memref<128x16xf32, #tpu.memory_space<vmem>>) target(%dma_start3A_1167 : memref<10112x16xf32, #tpu.memory_space<vmem_shared>>) offsets(%dma_start3A_1164 : memref<128xi32, #tpu.memory_space<vmem>>) semaphore(%arg31 : memref<!tpu.dma_semaphore, #tpu.memory_space<semaphore_mem>>) {add = true}
      %dma_start3A_1168 = arith.constant 0 : i32
      %dma_start3A_1169 = tpu.memref_slice %arg7[%add3A_1119, %dma_start3A_1168] : memref<80x128xi32, #tpu.memory_space<vmem>> -> memref<1x128xi32, #tpu.memory_space<vmem>>
      %dma_start3A_1170 = tpu.memref_squeeze %dma_start3A_1169 : memref<1x128xi32, #tpu.memory_space<vmem>> -> memref<128xi32, #tpu.memory_space<vmem>>
      %dma_start3A_1171 = arith.constant 0 : i32
      %dma_start3A_1172 = arith.constant 0 : i32
      %dma_start3A_1173 = tpu.memref_slice %arg13[%dma_start3A_1171, %dma_start3A_1172] : memref<10112x16xf32, #tpu.memory_space<vmem_shared>> -> memref<10112x16xf32, #tpu.memory_space<vmem_shared>>
      tpu.enqueue_indirect_dma source(%arg9 : memref<128x16xf32, #tpu.memory_space<vmem>>) target(%dma_start3A_1173 : memref<10112x16xf32, #tpu.memory_space<vmem_shared>>) offsets(%dma_start3A_1170 : memref<128xi32, #tpu.memory_space<vmem>>) semaphore(%arg41 : memref<!tpu.dma_semaphore, #tpu.memory_space<semaphore_mem>>) {add = true}
      %add3A_1174 = arith.constant 8 : i32
      %add3A_1175 = arith.addi %mul3A_725, %add3A_1174 : i32
      %dma_wait3A_1176 = arith.constant 3 : i32
      %dma_wait3A_1177 = arith.constant 0 : i32
      %dma_wait3A_1178 = arith.constant 0 : i32
      %dma_wait3A_1179 = arith.constant 0 : i32
      %dma_wait3A_1180 = tpu.memref_slice %arg8[%dma_wait3A_1176, %dma_wait3A_1178, %dma_wait3A_1179] : memref<10x128x16xf32, #tpu.memory_space<vmem>> -> memref<1x128x16xf32, #tpu.memory_space<vmem>>
      %dma_wait3A_1181 = tpu.memref_squeeze %dma_wait3A_1180 : memref<1x128x16xf32, #tpu.memory_space<vmem>> -> memref<128x16xf32, #tpu.memory_space<vmem>>
      %dma_wait3A_1182 = arith.constant 0 : i32
      %dma_wait3A_1183 = tpu.memref_slice %arg7[%dma_wait3A_1177, %dma_wait3A_1182] : memref<80x128xi32, #tpu.memory_space<vmem>> -> memref<1x128xi32, #tpu.memory_space<vmem>>
      %dma_wait3A_1184 = tpu.memref_squeeze %dma_wait3A_1183 : memref<1x128xi32, #tpu.memory_space<vmem>> -> memref<128xi32, #tpu.memory_space<vmem>>
      %dma_wait3A_1185 = arith.constant 0 : i32
      %dma_wait3A_1186 = arith.constant 0 : i32
      %dma_wait3A_1187 = tpu.memref_slice %arg12[%dma_wait3A_1185, %dma_wait3A_1186] : memref<10112x16xf32, #tpu.memory_space<vmem_shared>> -> memref<10112x16xf32, #tpu.memory_space<vmem_shared>>
      tpu.wait_indirect_dma semaphore(%arg27 : memref<!tpu.dma_semaphore, #tpu.memory_space<semaphore_mem>>) src(%dma_wait3A_1181 : memref<128x16xf32, #tpu.memory_space<vmem>>) dst(%dma_wait3A_1187 : memref<10112x16xf32, #tpu.memory_space<vmem_shared>>)
      %dma_wait3A_1188 = arith.constant 0 : i32
      %dma_wait3A_1189 = arith.constant 0 : i32
      %dma_wait3A_1190 = tpu.memref_slice %arg7[%dma_wait3A_1188, %dma_wait3A_1189] : memref<80x128xi32, #tpu.memory_space<vmem>> -> memref<1x128xi32, #tpu.memory_space<vmem>>
      %dma_wait3A_1191 = tpu.memref_squeeze %dma_wait3A_1190 : memref<1x128xi32, #tpu.memory_space<vmem>> -> memref<128xi32, #tpu.memory_space<vmem>>
      %dma_wait3A_1192 = arith.constant 0 : i32
      %dma_wait3A_1193 = arith.constant 0 : i32
      %dma_wait3A_1194 = tpu.memref_slice %arg13[%dma_wait3A_1192, %dma_wait3A_1193] : memref<10112x16xf32, #tpu.memory_space<vmem_shared>> -> memref<10112x16xf32, #tpu.memory_space<vmem_shared>>
      tpu.wait_indirect_dma semaphore(%arg37 : memref<!tpu.dma_semaphore, #tpu.memory_space<semaphore_mem>>) src(%arg9 : memref<128x16xf32, #tpu.memory_space<vmem>>) dst(%dma_wait3A_1194 : memref<10112x16xf32, #tpu.memory_space<vmem_shared>>)
      %add3A_1195 = arith.constant 5 : i32
      %add3A_1196 = arith.addi %add3A_1175, %add3A_1195 : i32
      %lt3A_1197 = arith.cmpi slt, %add3A_1196, %select_n3A : i32
      %convert_element_type3A_1198 = arith.extui %lt3A_1197 : i1 to i32
      %cond3A_1199 = arith.constant 0 : i32
      %cond3A_1200 = arith.cmpi ne, %convert_element_type3A_1198, %cond3A_1199 : i32
      scf.if %cond3A_1200 {
        %add3A_1286 = arith.constant 5 : i32
        %add3A_1287 = arith.addi %add3A_1175, %add3A_1286 : i32
        %dma_start3A_1288 = arith.constant 3 : i32
        %dma_start3A_1289 = arith.constant 0 : i32
        %dma_start3A_1290 = arith.constant 0 : i32
        %dma_start3A_1291 = tpu.memref_slice %arg8[%dma_start3A_1288, %dma_start3A_1289, %dma_start3A_1290] : memref<10x128x16xf32, #tpu.memory_space<vmem>> -> memref<1x128x16xf32, #tpu.memory_space<vmem>>
        %dma_start3A_1292 = tpu.memref_squeeze %dma_start3A_1291 : memref<1x128x16xf32, #tpu.memory_space<vmem>> -> memref<128x16xf32, #tpu.memory_space<vmem>>
        %dma_start3A_1293 = arith.constant 0 : i32
        %dma_start3A_1294 = tpu.memref_slice %arg6[%add3A_1287, %dma_start3A_1293] : memref<80x128xi32, #tpu.memory_space<vmem>> -> memref<1x128xi32, #tpu.memory_space<vmem>>
        %dma_start3A_1295 = tpu.memref_squeeze %dma_start3A_1294 : memref<1x128xi32, #tpu.memory_space<vmem>> -> memref<128xi32, #tpu.memory_space<vmem>>
        %dma_start3A_1296 = arith.constant 0 : i32
        %dma_start3A_1297 = arith.constant 0 : i32
        %dma_start3A_1298 = tpu.memref_slice %arg11[%dma_start3A_1296, %dma_start3A_1297] : memref<10112x16xf32, #tpu.memory_space<vmem_shared>> -> memref<10112x16xf32, #tpu.memory_space<vmem_shared>>
        tpu.enqueue_indirect_dma source(%dma_start3A_1298 : memref<10112x16xf32, #tpu.memory_space<vmem_shared>>) target(%dma_start3A_1292 : memref<128x16xf32, #tpu.memory_space<vmem>>) offsets(%dma_start3A_1295 : memref<128xi32, #tpu.memory_space<vmem>>) semaphore(%arg17 : memref<!tpu.dma_semaphore, #tpu.memory_space<semaphore_mem>>)
      } else {
      }
      %dma_wait3A_1201 = arith.constant 0 : i32
      %dma_wait3A_1202 = arith.constant 8 : i32
      %dma_wait3A_1203 = arith.constant 0 : i32
      %dma_wait3A_1204 = arith.constant 0 : i32
      %dma_wait3A_1205 = tpu.memref_slice %arg8[%dma_wait3A_1202, %dma_wait3A_1203, %dma_wait3A_1204] : memref<10x128x16xf32, #tpu.memory_space<vmem>> -> memref<1x128x16xf32, #tpu.memory_space<vmem>>
      %dma_wait3A_1206 = tpu.memref_squeeze %dma_wait3A_1205 : memref<1x128x16xf32, #tpu.memory_space<vmem>> -> memref<128x16xf32, #tpu.memory_space<vmem>>
      %dma_wait3A_1207 = arith.constant 0 : i32
      %dma_wait3A_1208 = tpu.memref_slice %arg6[%dma_wait3A_1201, %dma_wait3A_1207] : memref<80x128xi32, #tpu.memory_space<vmem>> -> memref<1x128xi32, #tpu.memory_space<vmem>>
      %dma_wait3A_1209 = tpu.memref_squeeze %dma_wait3A_1208 : memref<1x128xi32, #tpu.memory_space<vmem>> -> memref<128xi32, #tpu.memory_space<vmem>>
      %dma_wait3A_1210 = arith.constant 0 : i32
      %dma_wait3A_1211 = arith.constant 0 : i32
      %dma_wait3A_1212 = tpu.memref_slice %arg11[%dma_wait3A_1210, %dma_wait3A_1211] : memref<10112x16xf32, #tpu.memory_space<vmem_shared>> -> memref<10112x16xf32, #tpu.memory_space<vmem_shared>>
      tpu.wait_indirect_dma semaphore(%arg22 : memref<!tpu.dma_semaphore, #tpu.memory_space<semaphore_mem>>) src(%dma_wait3A_1212 : memref<10112x16xf32, #tpu.memory_space<vmem_shared>>) dst(%dma_wait3A_1206 : memref<128x16xf32, #tpu.memory_space<vmem>>)
      %dma_start3A_1213 = arith.constant 8 : i32
      %dma_start3A_1214 = arith.constant 0 : i32
      %dma_start3A_1215 = arith.constant 0 : i32
      %dma_start3A_1216 = tpu.memref_slice %arg8[%dma_start3A_1213, %dma_start3A_1214, %dma_start3A_1215] : memref<10x128x16xf32, #tpu.memory_space<vmem>> -> memref<1x128x16xf32, #tpu.memory_space<vmem>>
      %dma_start3A_1217 = tpu.memref_squeeze %dma_start3A_1216 : memref<1x128x16xf32, #tpu.memory_space<vmem>> -> memref<128x16xf32, #tpu.memory_space<vmem>>
      %dma_start3A_1218 = arith.constant 0 : i32
      %dma_start3A_1219 = tpu.memref_slice %arg7[%add3A_1175, %dma_start3A_1218] : memref<80x128xi32, #tpu.memory_space<vmem>> -> memref<1x128xi32, #tpu.memory_space<vmem>>
      %dma_start3A_1220 = tpu.memref_squeeze %dma_start3A_1219 : memref<1x128xi32, #tpu.memory_space<vmem>> -> memref<128xi32, #tpu.memory_space<vmem>>
      %dma_start3A_1221 = arith.constant 0 : i32
      %dma_start3A_1222 = arith.constant 0 : i32
      %dma_start3A_1223 = tpu.memref_slice %arg12[%dma_start3A_1221, %dma_start3A_1222] : memref<10112x16xf32, #tpu.memory_space<vmem_shared>> -> memref<10112x16xf32, #tpu.memory_space<vmem_shared>>
      tpu.enqueue_indirect_dma source(%dma_start3A_1217 : memref<128x16xf32, #tpu.memory_space<vmem>>) target(%dma_start3A_1223 : memref<10112x16xf32, #tpu.memory_space<vmem_shared>>) offsets(%dma_start3A_1220 : memref<128xi32, #tpu.memory_space<vmem>>) semaphore(%arg32 : memref<!tpu.dma_semaphore, #tpu.memory_space<semaphore_mem>>) {add = true}
      %dma_start3A_1224 = arith.constant 0 : i32
      %dma_start3A_1225 = tpu.memref_slice %arg7[%add3A_1175, %dma_start3A_1224] : memref<80x128xi32, #tpu.memory_space<vmem>> -> memref<1x128xi32, #tpu.memory_space<vmem>>
      %dma_start3A_1226 = tpu.memref_squeeze %dma_start3A_1225 : memref<1x128xi32, #tpu.memory_space<vmem>> -> memref<128xi32, #tpu.memory_space<vmem>>
      %dma_start3A_1227 = arith.constant 0 : i32
      %dma_start3A_1228 = arith.constant 0 : i32
      %dma_start3A_1229 = tpu.memref_slice %arg13[%dma_start3A_1227, %dma_start3A_1228] : memref<10112x16xf32, #tpu.memory_space<vmem_shared>> -> memref<10112x16xf32, #tpu.memory_space<vmem_shared>>
      tpu.enqueue_indirect_dma source(%arg9 : memref<128x16xf32, #tpu.memory_space<vmem>>) target(%dma_start3A_1229 : memref<10112x16xf32, #tpu.memory_space<vmem_shared>>) offsets(%dma_start3A_1226 : memref<128xi32, #tpu.memory_space<vmem>>) semaphore(%arg42 : memref<!tpu.dma_semaphore, #tpu.memory_space<semaphore_mem>>) {add = true}
      %add3A_1230 = arith.constant 9 : i32
      %add3A_1231 = arith.addi %mul3A_725, %add3A_1230 : i32
      %dma_wait3A_1232 = arith.constant 4 : i32
      %dma_wait3A_1233 = arith.constant 0 : i32
      %dma_wait3A_1234 = arith.constant 0 : i32
      %dma_wait3A_1235 = arith.constant 0 : i32
      %dma_wait3A_1236 = tpu.memref_slice %arg8[%dma_wait3A_1232, %dma_wait3A_1234, %dma_wait3A_1235] : memref<10x128x16xf32, #tpu.memory_space<vmem>> -> memref<1x128x16xf32, #tpu.memory_space<vmem>>
      %dma_wait3A_1237 = tpu.memref_squeeze %dma_wait3A_1236 : memref<1x128x16xf32, #tpu.memory_space<vmem>> -> memref<128x16xf32, #tpu.memory_space<vmem>>
      %dma_wait3A_1238 = arith.constant 0 : i32
      %dma_wait3A_1239 = tpu.memref_slice %arg7[%dma_wait3A_1233, %dma_wait3A_1238] : memref<80x128xi32, #tpu.memory_space<vmem>> -> memref<1x128xi32, #tpu.memory_space<vmem>>
      %dma_wait3A_1240 = tpu.memref_squeeze %dma_wait3A_1239 : memref<1x128xi32, #tpu.memory_space<vmem>> -> memref<128xi32, #tpu.memory_space<vmem>>
      %dma_wait3A_1241 = arith.constant 0 : i32
      %dma_wait3A_1242 = arith.constant 0 : i32
      %dma_wait3A_1243 = tpu.memref_slice %arg12[%dma_wait3A_1241, %dma_wait3A_1242] : memref<10112x16xf32, #tpu.memory_space<vmem_shared>> -> memref<10112x16xf32, #tpu.memory_space<vmem_shared>>
      tpu.wait_indirect_dma semaphore(%arg28 : memref<!tpu.dma_semaphore, #tpu.memory_space<semaphore_mem>>) src(%dma_wait3A_1237 : memref<128x16xf32, #tpu.memory_space<vmem>>) dst(%dma_wait3A_1243 : memref<10112x16xf32, #tpu.memory_space<vmem_shared>>)
      %dma_wait3A_1244 = arith.constant 0 : i32
      %dma_wait3A_1245 = arith.constant 0 : i32
      %dma_wait3A_1246 = tpu.memref_slice %arg7[%dma_wait3A_1244, %dma_wait3A_1245] : memref<80x128xi32, #tpu.memory_space<vmem>> -> memref<1x128xi32, #tpu.memory_space<vmem>>
      %dma_wait3A_1247 = tpu.memref_squeeze %dma_wait3A_1246 : memref<1x128xi32, #tpu.memory_space<vmem>> -> memref<128xi32, #tpu.memory_space<vmem>>
      %dma_wait3A_1248 = arith.constant 0 : i32
      %dma_wait3A_1249 = arith.constant 0 : i32
      %dma_wait3A_1250 = tpu.memref_slice %arg13[%dma_wait3A_1248, %dma_wait3A_1249] : memref<10112x16xf32, #tpu.memory_space<vmem_shared>> -> memref<10112x16xf32, #tpu.memory_space<vmem_shared>>
      tpu.wait_indirect_dma semaphore(%arg38 : memref<!tpu.dma_semaphore, #tpu.memory_space<semaphore_mem>>) src(%arg9 : memref<128x16xf32, #tpu.memory_space<vmem>>) dst(%dma_wait3A_1250 : memref<10112x16xf32, #tpu.memory_space<vmem_shared>>)
      %add3A_1251 = arith.constant 5 : i32
      %add3A_1252 = arith.addi %add3A_1231, %add3A_1251 : i32
      %lt3A_1253 = arith.cmpi slt, %add3A_1252, %select_n3A : i32
      %convert_element_type3A_1254 = arith.extui %lt3A_1253 : i1 to i32
      %cond3A_1255 = arith.constant 0 : i32
      %cond3A_1256 = arith.cmpi ne, %convert_element_type3A_1254, %cond3A_1255 : i32
      scf.if %cond3A_1256 {
        %add3A_1286 = arith.constant 5 : i32
        %add3A_1287 = arith.addi %add3A_1231, %add3A_1286 : i32
        %dma_start3A_1288 = arith.constant 4 : i32
        %dma_start3A_1289 = arith.constant 0 : i32
        %dma_start3A_1290 = arith.constant 0 : i32
        %dma_start3A_1291 = tpu.memref_slice %arg8[%dma_start3A_1288, %dma_start3A_1289, %dma_start3A_1290] : memref<10x128x16xf32, #tpu.memory_space<vmem>> -> memref<1x128x16xf32, #tpu.memory_space<vmem>>
        %dma_start3A_1292 = tpu.memref_squeeze %dma_start3A_1291 : memref<1x128x16xf32, #tpu.memory_space<vmem>> -> memref<128x16xf32, #tpu.memory_space<vmem>>
        %dma_start3A_1293 = arith.constant 0 : i32
        %dma_start3A_1294 = tpu.memref_slice %arg6[%add3A_1287, %dma_start3A_1293] : memref<80x128xi32, #tpu.memory_space<vmem>> -> memref<1x128xi32, #tpu.memory_space<vmem>>
        %dma_start3A_1295 = tpu.memref_squeeze %dma_start3A_1294 : memref<1x128xi32, #tpu.memory_space<vmem>> -> memref<128xi32, #tpu.memory_space<vmem>>
        %dma_start3A_1296 = arith.constant 0 : i32
        %dma_start3A_1297 = arith.constant 0 : i32
        %dma_start3A_1298 = tpu.memref_slice %arg11[%dma_start3A_1296, %dma_start3A_1297] : memref<10112x16xf32, #tpu.memory_space<vmem_shared>> -> memref<10112x16xf32, #tpu.memory_space<vmem_shared>>
        tpu.enqueue_indirect_dma source(%dma_start3A_1298 : memref<10112x16xf32, #tpu.memory_space<vmem_shared>>) target(%dma_start3A_1292 : memref<128x16xf32, #tpu.memory_space<vmem>>) offsets(%dma_start3A_1295 : memref<128xi32, #tpu.memory_space<vmem>>) semaphore(%arg18 : memref<!tpu.dma_semaphore, #tpu.memory_space<semaphore_mem>>)
      } else {
      }
      %dma_wait3A_1257 = arith.constant 0 : i32
      %dma_wait3A_1258 = arith.constant 9 : i32
      %dma_wait3A_1259 = arith.constant 0 : i32
      %dma_wait3A_1260 = arith.constant 0 : i32
      %dma_wait3A_1261 = tpu.memref_slice %arg8[%dma_wait3A_1258, %dma_wait3A_1259, %dma_wait3A_1260] : memref<10x128x16xf32, #tpu.memory_space<vmem>> -> memref<1x128x16xf32, #tpu.memory_space<vmem>>
      %dma_wait3A_1262 = tpu.memref_squeeze %dma_wait3A_1261 : memref<1x128x16xf32, #tpu.memory_space<vmem>> -> memref<128x16xf32, #tpu.memory_space<vmem>>
      %dma_wait3A_1263 = arith.constant 0 : i32
      %dma_wait3A_1264 = tpu.memref_slice %arg6[%dma_wait3A_1257, %dma_wait3A_1263] : memref<80x128xi32, #tpu.memory_space<vmem>> -> memref<1x128xi32, #tpu.memory_space<vmem>>
      %dma_wait3A_1265 = tpu.memref_squeeze %dma_wait3A_1264 : memref<1x128xi32, #tpu.memory_space<vmem>> -> memref<128xi32, #tpu.memory_space<vmem>>
      %dma_wait3A_1266 = arith.constant 0 : i32
      %dma_wait3A_1267 = arith.constant 0 : i32
      %dma_wait3A_1268 = tpu.memref_slice %arg11[%dma_wait3A_1266, %dma_wait3A_1267] : memref<10112x16xf32, #tpu.memory_space<vmem_shared>> -> memref<10112x16xf32, #tpu.memory_space<vmem_shared>>
      tpu.wait_indirect_dma semaphore(%arg23 : memref<!tpu.dma_semaphore, #tpu.memory_space<semaphore_mem>>) src(%dma_wait3A_1268 : memref<10112x16xf32, #tpu.memory_space<vmem_shared>>) dst(%dma_wait3A_1262 : memref<128x16xf32, #tpu.memory_space<vmem>>)
      %dma_start3A_1269 = arith.constant 9 : i32
      %dma_start3A_1270 = arith.constant 0 : i32
      %dma_start3A_1271 = arith.constant 0 : i32
      %dma_start3A_1272 = tpu.memref_slice %arg8[%dma_start3A_1269, %dma_start3A_1270, %dma_start3A_1271] : memref<10x128x16xf32, #tpu.memory_space<vmem>> -> memref<1x128x16xf32, #tpu.memory_space<vmem>>
      %dma_start3A_1273 = tpu.memref_squeeze %dma_start3A_1272 : memref<1x128x16xf32, #tpu.memory_space<vmem>> -> memref<128x16xf32, #tpu.memory_space<vmem>>
      %dma_start3A_1274 = arith.constant 0 : i32
      %dma_start3A_1275 = tpu.memref_slice %arg7[%add3A_1231, %dma_start3A_1274] : memref<80x128xi32, #tpu.memory_space<vmem>> -> memref<1x128xi32, #tpu.memory_space<vmem>>
      %dma_start3A_1276 = tpu.memref_squeeze %dma_start3A_1275 : memref<1x128xi32, #tpu.memory_space<vmem>> -> memref<128xi32, #tpu.memory_space<vmem>>
      %dma_start3A_1277 = arith.constant 0 : i32
      %dma_start3A_1278 = arith.constant 0 : i32
      %dma_start3A_1279 = tpu.memref_slice %arg12[%dma_start3A_1277, %dma_start3A_1278] : memref<10112x16xf32, #tpu.memory_space<vmem_shared>> -> memref<10112x16xf32, #tpu.memory_space<vmem_shared>>
      tpu.enqueue_indirect_dma source(%dma_start3A_1273 : memref<128x16xf32, #tpu.memory_space<vmem>>) target(%dma_start3A_1279 : memref<10112x16xf32, #tpu.memory_space<vmem_shared>>) offsets(%dma_start3A_1276 : memref<128xi32, #tpu.memory_space<vmem>>) semaphore(%arg33 : memref<!tpu.dma_semaphore, #tpu.memory_space<semaphore_mem>>) {add = true}
      %dma_start3A_1280 = arith.constant 0 : i32
      %dma_start3A_1281 = tpu.memref_slice %arg7[%add3A_1231, %dma_start3A_1280] : memref<80x128xi32, #tpu.memory_space<vmem>> -> memref<1x128xi32, #tpu.memory_space<vmem>>
      %dma_start3A_1282 = tpu.memref_squeeze %dma_start3A_1281 : memref<1x128xi32, #tpu.memory_space<vmem>> -> memref<128xi32, #tpu.memory_space<vmem>>
      %dma_start3A_1283 = arith.constant 0 : i32
      %dma_start3A_1284 = arith.constant 0 : i32
      %dma_start3A_1285 = tpu.memref_slice %arg13[%dma_start3A_1283, %dma_start3A_1284] : memref<10112x16xf32, #tpu.memory_space<vmem_shared>> -> memref<10112x16xf32, #tpu.memory_space<vmem_shared>>
      tpu.enqueue_indirect_dma source(%arg9 : memref<128x16xf32, #tpu.memory_space<vmem>>) target(%dma_start3A_1285 : memref<10112x16xf32, #tpu.memory_space<vmem_shared>>) offsets(%dma_start3A_1282 : memref<128xi32, #tpu.memory_space<vmem>>) semaphore(%arg43 : memref<!tpu.dma_semaphore, #tpu.memory_space<semaphore_mem>>) {add = true}
    }
    %dma_wait3A_625 = arith.constant 5 : i32
    %dma_wait3A_626 = arith.constant 0 : i32
    %dma_wait3A_627 = arith.constant 0 : i32
    %dma_wait3A_628 = arith.constant 0 : i32
    %dma_wait3A_629 = tpu.memref_slice %arg8[%dma_wait3A_625, %dma_wait3A_627, %dma_wait3A_628] : memref<10x128x16xf32, #tpu.memory_space<vmem>> -> memref<1x128x16xf32, #tpu.memory_space<vmem>>
    %dma_wait3A_630 = tpu.memref_squeeze %dma_wait3A_629 : memref<1x128x16xf32, #tpu.memory_space<vmem>> -> memref<128x16xf32, #tpu.memory_space<vmem>>
    %dma_wait3A_631 = arith.constant 0 : i32
    %dma_wait3A_632 = tpu.memref_slice %arg7[%dma_wait3A_626, %dma_wait3A_631] : memref<80x128xi32, #tpu.memory_space<vmem>> -> memref<1x128xi32, #tpu.memory_space<vmem>>
    %dma_wait3A_633 = tpu.memref_squeeze %dma_wait3A_632 : memref<1x128xi32, #tpu.memory_space<vmem>> -> memref<128xi32, #tpu.memory_space<vmem>>
    %dma_wait3A_634 = arith.constant 0 : i32
    %dma_wait3A_635 = arith.constant 0 : i32
    %dma_wait3A_636 = tpu.memref_slice %arg12[%dma_wait3A_634, %dma_wait3A_635] : memref<10112x16xf32, #tpu.memory_space<vmem_shared>> -> memref<10112x16xf32, #tpu.memory_space<vmem_shared>>
    tpu.wait_indirect_dma semaphore(%arg29 : memref<!tpu.dma_semaphore, #tpu.memory_space<semaphore_mem>>) src(%dma_wait3A_630 : memref<128x16xf32, #tpu.memory_space<vmem>>) dst(%dma_wait3A_636 : memref<10112x16xf32, #tpu.memory_space<vmem_shared>>)
    %dma_wait3A_637 = arith.constant 0 : i32
    %dma_wait3A_638 = arith.constant 0 : i32
    %dma_wait3A_639 = tpu.memref_slice %arg7[%dma_wait3A_637, %dma_wait3A_638] : memref<80x128xi32, #tpu.memory_space<vmem>> -> memref<1x128xi32, #tpu.memory_space<vmem>>
    %dma_wait3A_640 = tpu.memref_squeeze %dma_wait3A_639 : memref<1x128xi32, #tpu.memory_space<vmem>> -> memref<128xi32, #tpu.memory_space<vmem>>
    %dma_wait3A_641 = arith.constant 0 : i32
    %dma_wait3A_642 = arith.constant 0 : i32
    %dma_wait3A_643 = tpu.memref_slice %arg13[%dma_wait3A_641, %dma_wait3A_642] : memref<10112x16xf32, #tpu.memory_space<vmem_shared>> -> memref<10112x16xf32, #tpu.memory_space<vmem_shared>>
    tpu.wait_indirect_dma semaphore(%arg39 : memref<!tpu.dma_semaphore, #tpu.memory_space<semaphore_mem>>) src(%arg9 : memref<128x16xf32, #tpu.memory_space<vmem>>) dst(%dma_wait3A_643 : memref<10112x16xf32, #tpu.memory_space<vmem_shared>>)
    %dma_wait3A_644 = arith.constant 6 : i32
    %dma_wait3A_645 = arith.constant 0 : i32
    %dma_wait3A_646 = arith.constant 0 : i32
    %dma_wait3A_647 = arith.constant 0 : i32
    %dma_wait3A_648 = tpu.memref_slice %arg8[%dma_wait3A_644, %dma_wait3A_646, %dma_wait3A_647] : memref<10x128x16xf32, #tpu.memory_space<vmem>> -> memref<1x128x16xf32, #tpu.memory_space<vmem>>
    %dma_wait3A_649 = tpu.memref_squeeze %dma_wait3A_648 : memref<1x128x16xf32, #tpu.memory_space<vmem>> -> memref<128x16xf32, #tpu.memory_space<vmem>>
    %dma_wait3A_650 = arith.constant 0 : i32
    %dma_wait3A_651 = tpu.memref_slice %arg7[%dma_wait3A_645, %dma_wait3A_650] : memref<80x128xi32, #tpu.memory_space<vmem>> -> memref<1x128xi32, #tpu.memory_space<vmem>>
    %dma_wait3A_652 = tpu.memref_squeeze %dma_wait3A_651 : memref<1x128xi32, #tpu.memory_space<vmem>> -> memref<128xi32, #tpu.memory_space<vmem>>
    %dma_wait3A_653 = arith.constant 0 : i32
    %dma_wait3A_654 = arith.constant 0 : i32
    %dma_wait3A_655 = tpu.memref_slice %arg12[%dma_wait3A_653, %dma_wait3A_654] : memref<10112x16xf32, #tpu.memory_space<vmem_shared>> -> memref<10112x16xf32, #tpu.memory_space<vmem_shared>>
    tpu.wait_indirect_dma semaphore(%arg30 : memref<!tpu.dma_semaphore, #tpu.memory_space<semaphore_mem>>) src(%dma_wait3A_649 : memref<128x16xf32, #tpu.memory_space<vmem>>) dst(%dma_wait3A_655 : memref<10112x16xf32, #tpu.memory_space<vmem_shared>>)
    %dma_wait3A_656 = arith.constant 0 : i32
    %dma_wait3A_657 = arith.constant 0 : i32
    %dma_wait3A_658 = tpu.memref_slice %arg7[%dma_wait3A_656, %dma_wait3A_657] : memref<80x128xi32, #tpu.memory_space<vmem>> -> memref<1x128xi32, #tpu.memory_space<vmem>>
    %dma_wait3A_659 = tpu.memref_squeeze %dma_wait3A_658 : memref<1x128xi32, #tpu.memory_space<vmem>> -> memref<128xi32, #tpu.memory_space<vmem>>
    %dma_wait3A_660 = arith.constant 0 : i32
    %dma_wait3A_661 = arith.constant 0 : i32
    %dma_wait3A_662 = tpu.memref_slice %arg13[%dma_wait3A_660, %dma_wait3A_661] : memref<10112x16xf32, #tpu.memory_space<vmem_shared>> -> memref<10112x16xf32, #tpu.memory_space<vmem_shared>>
    tpu.wait_indirect_dma semaphore(%arg40 : memref<!tpu.dma_semaphore, #tpu.memory_space<semaphore_mem>>) src(%arg9 : memref<128x16xf32, #tpu.memory_space<vmem>>) dst(%dma_wait3A_662 : memref<10112x16xf32, #tpu.memory_space<vmem_shared>>)
    %dma_wait3A_663 = arith.constant 7 : i32
    %dma_wait3A_664 = arith.constant 0 : i32
    %dma_wait3A_665 = arith.constant 0 : i32
    %dma_wait3A_666 = arith.constant 0 : i32
    %dma_wait3A_667 = tpu.memref_slice %arg8[%dma_wait3A_663, %dma_wait3A_665, %dma_wait3A_666] : memref<10x128x16xf32, #tpu.memory_space<vmem>> -> memref<1x128x16xf32, #tpu.memory_space<vmem>>
    %dma_wait3A_668 = tpu.memref_squeeze %dma_wait3A_667 : memref<1x128x16xf32, #tpu.memory_space<vmem>> -> memref<128x16xf32, #tpu.memory_space<vmem>>
    %dma_wait3A_669 = arith.constant 0 : i32
    %dma_wait3A_670 = tpu.memref_slice %arg7[%dma_wait3A_664, %dma_wait3A_669] : memref<80x128xi32, #tpu.memory_space<vmem>> -> memref<1x128xi32, #tpu.memory_space<vmem>>
    %dma_wait3A_671 = tpu.memref_squeeze %dma_wait3A_670 : memref<1x128xi32, #tpu.memory_space<vmem>> -> memref<128xi32, #tpu.memory_space<vmem>>
    %dma_wait3A_672 = arith.constant 0 : i32
    %dma_wait3A_673 = arith.constant 0 : i32
    %dma_wait3A_674 = tpu.memref_slice %arg12[%dma_wait3A_672, %dma_wait3A_673] : memref<10112x16xf32, #tpu.memory_space<vmem_shared>> -> memref<10112x16xf32, #tpu.memory_space<vmem_shared>>
    tpu.wait_indirect_dma semaphore(%arg31 : memref<!tpu.dma_semaphore, #tpu.memory_space<semaphore_mem>>) src(%dma_wait3A_668 : memref<128x16xf32, #tpu.memory_space<vmem>>) dst(%dma_wait3A_674 : memref<10112x16xf32, #tpu.memory_space<vmem_shared>>)
    %dma_wait3A_675 = arith.constant 0 : i32
    %dma_wait3A_676 = arith.constant 0 : i32
    %dma_wait3A_677 = tpu.memref_slice %arg7[%dma_wait3A_675, %dma_wait3A_676] : memref<80x128xi32, #tpu.memory_space<vmem>> -> memref<1x128xi32, #tpu.memory_space<vmem>>
    %dma_wait3A_678 = tpu.memref_squeeze %dma_wait3A_677 : memref<1x128xi32, #tpu.memory_space<vmem>> -> memref<128xi32, #tpu.memory_space<vmem>>
    %dma_wait3A_679 = arith.constant 0 : i32
    %dma_wait3A_680 = arith.constant 0 : i32
    %dma_wait3A_681 = tpu.memref_slice %arg13[%dma_wait3A_679, %dma_wait3A_680] : memref<10112x16xf32, #tpu.memory_space<vmem_shared>> -> memref<10112x16xf32, #tpu.memory_space<vmem_shared>>
    tpu.wait_indirect_dma semaphore(%arg41 : memref<!tpu.dma_semaphore, #tpu.memory_space<semaphore_mem>>) src(%arg9 : memref<128x16xf32, #tpu.memory_space<vmem>>) dst(%dma_wait3A_681 : memref<10112x16xf32, #tpu.memory_space<vmem_shared>>)
    %dma_wait3A_682 = arith.constant 8 : i32
    %dma_wait3A_683 = arith.constant 0 : i32
    %dma_wait3A_684 = arith.constant 0 : i32
    %dma_wait3A_685 = arith.constant 0 : i32
    %dma_wait3A_686 = tpu.memref_slice %arg8[%dma_wait3A_682, %dma_wait3A_684, %dma_wait3A_685] : memref<10x128x16xf32, #tpu.memory_space<vmem>> -> memref<1x128x16xf32, #tpu.memory_space<vmem>>
    %dma_wait3A_687 = tpu.memref_squeeze %dma_wait3A_686 : memref<1x128x16xf32, #tpu.memory_space<vmem>> -> memref<128x16xf32, #tpu.memory_space<vmem>>
    %dma_wait3A_688 = arith.constant 0 : i32
    %dma_wait3A_689 = tpu.memref_slice %arg7[%dma_wait3A_683, %dma_wait3A_688] : memref<80x128xi32, #tpu.memory_space<vmem>> -> memref<1x128xi32, #tpu.memory_space<vmem>>
    %dma_wait3A_690 = tpu.memref_squeeze %dma_wait3A_689 : memref<1x128xi32, #tpu.memory_space<vmem>> -> memref<128xi32, #tpu.memory_space<vmem>>
    %dma_wait3A_691 = arith.constant 0 : i32
    %dma_wait3A_692 = arith.constant 0 : i32
    %dma_wait3A_693 = tpu.memref_slice %arg12[%dma_wait3A_691, %dma_wait3A_692] : memref<10112x16xf32, #tpu.memory_space<vmem_shared>> -> memref<10112x16xf32, #tpu.memory_space<vmem_shared>>
    tpu.wait_indirect_dma semaphore(%arg32 : memref<!tpu.dma_semaphore, #tpu.memory_space<semaphore_mem>>) src(%dma_wait3A_687 : memref<128x16xf32, #tpu.memory_space<vmem>>) dst(%dma_wait3A_693 : memref<10112x16xf32, #tpu.memory_space<vmem_shared>>)
    %dma_wait3A_694 = arith.constant 0 : i32
    %dma_wait3A_695 = arith.constant 0 : i32
    %dma_wait3A_696 = tpu.memref_slice %arg7[%dma_wait3A_694, %dma_wait3A_695] : memref<80x128xi32, #tpu.memory_space<vmem>> -> memref<1x128xi32, #tpu.memory_space<vmem>>
    %dma_wait3A_697 = tpu.memref_squeeze %dma_wait3A_696 : memref<1x128xi32, #tpu.memory_space<vmem>> -> memref<128xi32, #tpu.memory_space<vmem>>
    %dma_wait3A_698 = arith.constant 0 : i32
    %dma_wait3A_699 = arith.constant 0 : i32
    %dma_wait3A_700 = tpu.memref_slice %arg13[%dma_wait3A_698, %dma_wait3A_699] : memref<10112x16xf32, #tpu.memory_space<vmem_shared>> -> memref<10112x16xf32, #tpu.memory_space<vmem_shared>>
    tpu.wait_indirect_dma semaphore(%arg42 : memref<!tpu.dma_semaphore, #tpu.memory_space<semaphore_mem>>) src(%arg9 : memref<128x16xf32, #tpu.memory_space<vmem>>) dst(%dma_wait3A_700 : memref<10112x16xf32, #tpu.memory_space<vmem_shared>>)
    %dma_wait3A_701 = arith.constant 9 : i32
    %dma_wait3A_702 = arith.constant 0 : i32
    %dma_wait3A_703 = arith.constant 0 : i32
    %dma_wait3A_704 = arith.constant 0 : i32
    %dma_wait3A_705 = tpu.memref_slice %arg8[%dma_wait3A_701, %dma_wait3A_703, %dma_wait3A_704] : memref<10x128x16xf32, #tpu.memory_space<vmem>> -> memref<1x128x16xf32, #tpu.memory_space<vmem>>
    %dma_wait3A_706 = tpu.memref_squeeze %dma_wait3A_705 : memref<1x128x16xf32, #tpu.memory_space<vmem>> -> memref<128x16xf32, #tpu.memory_space<vmem>>
    %dma_wait3A_707 = arith.constant 0 : i32
    %dma_wait3A_708 = tpu.memref_slice %arg7[%dma_wait3A_702, %dma_wait3A_707] : memref<80x128xi32, #tpu.memory_space<vmem>> -> memref<1x128xi32, #tpu.memory_space<vmem>>
    %dma_wait3A_709 = tpu.memref_squeeze %dma_wait3A_708 : memref<1x128xi32, #tpu.memory_space<vmem>> -> memref<128xi32, #tpu.memory_space<vmem>>
    %dma_wait3A_710 = arith.constant 0 : i32
    %dma_wait3A_711 = arith.constant 0 : i32
    %dma_wait3A_712 = tpu.memref_slice %arg12[%dma_wait3A_710, %dma_wait3A_711] : memref<10112x16xf32, #tpu.memory_space<vmem_shared>> -> memref<10112x16xf32, #tpu.memory_space<vmem_shared>>
    tpu.wait_indirect_dma semaphore(%arg33 : memref<!tpu.dma_semaphore, #tpu.memory_space<semaphore_mem>>) src(%dma_wait3A_706 : memref<128x16xf32, #tpu.memory_space<vmem>>) dst(%dma_wait3A_712 : memref<10112x16xf32, #tpu.memory_space<vmem_shared>>)
    %dma_wait3A_713 = arith.constant 0 : i32
    %dma_wait3A_714 = arith.constant 0 : i32
    %dma_wait3A_715 = tpu.memref_slice %arg7[%dma_wait3A_713, %dma_wait3A_714] : memref<80x128xi32, #tpu.memory_space<vmem>> -> memref<1x128xi32, #tpu.memory_space<vmem>>
    %dma_wait3A_716 = tpu.memref_squeeze %dma_wait3A_715 : memref<1x128xi32, #tpu.memory_space<vmem>> -> memref<128xi32, #tpu.memory_space<vmem>>
    %dma_wait3A_717 = arith.constant 0 : i32
    %dma_wait3A_718 = arith.constant 0 : i32
    %dma_wait3A_719 = tpu.memref_slice %arg13[%dma_wait3A_717, %dma_wait3A_718] : memref<10112x16xf32, #tpu.memory_space<vmem_shared>> -> memref<10112x16xf32, #tpu.memory_space<vmem_shared>>
    tpu.wait_indirect_dma semaphore(%arg43 : memref<!tpu.dma_semaphore, #tpu.memory_space<semaphore_mem>>) src(%arg9 : memref<128x16xf32, #tpu.memory_space<vmem>>) dst(%dma_wait3A_719 : memref<10112x16xf32, #tpu.memory_space<vmem_shared>>)
    %barrier3A_720 = arith.constant 0 : index
    tpu.barrier barrier_id(%barrier3A_720)
    "tpu.region"() ({
      %run_scoped3A = tpu.sem_alloc : memref<!tpu.dma_semaphore, #tpu.memory_space<semaphore_mem>>
      %dma_start3A_721 = arith.constant 0 : i32
      %dma_start3A_722 = arith.constant 0 : i32
      %dma_start3A_723 = tpu.memref_slice %arg4[%arg0, %dma_start3A_721, %dma_start3A_722] : memref<2x10112x16xf32, #tpu.memory_space<hbm>> -> memref<1x10112x16xf32, #tpu.memory_space<hbm>>
      %dma_start3A_724 = tpu.memref_squeeze %dma_start3A_723 : memref<1x10112x16xf32, #tpu.memory_space<hbm>> -> memref<10112x16xf32, #tpu.memory_space<hbm>>
      %dma_start3A_725 = arith.constant 0 : i32
      %dma_start3A_726 = tpu.memref_slice %dma_start3A_724[%mul3A_2, %dma_start3A_725] : memref<10112x16xf32, #tpu.memory_space<hbm>> -> memref<632x16xf32, #tpu.memory_space<hbm>>
      %dma_start3A_727 = arith.constant 0 : i32
      %dma_start3A_728 = tpu.memref_slice %arg12[%mul3A_2, %dma_start3A_727] : memref<10112x16xf32, #tpu.memory_space<vmem_shared>> -> memref<632x16xf32, #tpu.memory_space<vmem_shared>>
      tpu.enqueue_dma source(%dma_start3A_728 : memref<632x16xf32, #tpu.memory_space<vmem_shared>>) target(%dma_start3A_726 : memref<632x16xf32, #tpu.memory_space<hbm>>) target_semaphore(%run_scoped3A : memref<!tpu.dma_semaphore, #tpu.memory_space<semaphore_mem>>)
      %dma_wait3A_729 = arith.constant 0 : i32
      %dma_wait3A_730 = arith.constant 0 : i32
      %dma_wait3A_731 = tpu.memref_slice %arg4[%arg0, %dma_wait3A_729, %dma_wait3A_730] : memref<2x10112x16xf32, #tpu.memory_space<hbm>> -> memref<1x10112x16xf32, #tpu.memory_space<hbm>>
      %dma_wait3A_732 = tpu.memref_squeeze %dma_wait3A_731 : memref<1x10112x16xf32, #tpu.memory_space<hbm>> -> memref<10112x16xf32, #tpu.memory_space<hbm>>
      %dma_wait3A_733 = arith.constant 0 : i32
      %dma_wait3A_734 = tpu.memref_slice %dma_wait3A_732[%mul3A_2, %dma_wait3A_733] : memref<10112x16xf32, #tpu.memory_space<hbm>> -> memref<632x16xf32, #tpu.memory_space<hbm>>
      %dma_wait3A_735 = arith.constant 0 : i32
      %dma_wait3A_736 = tpu.memref_slice %arg12[%mul3A_2, %dma_wait3A_735] : memref<10112x16xf32, #tpu.memory_space<vmem_shared>> -> memref<632x16xf32, #tpu.memory_space<vmem_shared>>
      tpu.wait_dma2 semaphore(%run_scoped3A : memref<!tpu.dma_semaphore, #tpu.memory_space<semaphore_mem>>) src(%dma_wait3A_736 : memref<632x16xf32, #tpu.memory_space<vmem_shared>>) dst(%dma_wait3A_734 : memref<632x16xf32, #tpu.memory_space<hbm>>)
      tpu.yield
    }) : () -> ()
    "tpu.region"() ({
      %run_scoped3A = tpu.sem_alloc : memref<!tpu.dma_semaphore, #tpu.memory_space<semaphore_mem>>
      %dma_start3A_721 = arith.constant 0 : i32
      %dma_start3A_722 = arith.constant 0 : i32
      %dma_start3A_723 = tpu.memref_slice %arg5[%arg0, %dma_start3A_721, %dma_start3A_722] : memref<2x10112x16xf32, #tpu.memory_space<hbm>> -> memref<1x10112x16xf32, #tpu.memory_space<hbm>>
      %dma_start3A_724 = tpu.memref_squeeze %dma_start3A_723 : memref<1x10112x16xf32, #tpu.memory_space<hbm>> -> memref<10112x16xf32, #tpu.memory_space<hbm>>
      %dma_start3A_725 = arith.constant 0 : i32
      %dma_start3A_726 = tpu.memref_slice %dma_start3A_724[%mul3A_2, %dma_start3A_725] : memref<10112x16xf32, #tpu.memory_space<hbm>> -> memref<632x16xf32, #tpu.memory_space<hbm>>
      %dma_start3A_727 = arith.constant 0 : i32
      %dma_start3A_728 = tpu.memref_slice %arg13[%mul3A_2, %dma_start3A_727] : memref<10112x16xf32, #tpu.memory_space<vmem_shared>> -> memref<632x16xf32, #tpu.memory_space<vmem_shared>>
      tpu.enqueue_dma source(%dma_start3A_728 : memref<632x16xf32, #tpu.memory_space<vmem_shared>>) target(%dma_start3A_726 : memref<632x16xf32, #tpu.memory_space<hbm>>) target_semaphore(%run_scoped3A : memref<!tpu.dma_semaphore, #tpu.memory_space<semaphore_mem>>)
      %dma_wait3A_729 = arith.constant 0 : i32
      %dma_wait3A_730 = arith.constant 0 : i32
      %dma_wait3A_731 = tpu.memref_slice %arg5[%arg0, %dma_wait3A_729, %dma_wait3A_730] : memref<2x10112x16xf32, #tpu.memory_space<hbm>> -> memref<1x10112x16xf32, #tpu.memory_space<hbm>>
      %dma_wait3A_732 = tpu.memref_squeeze %dma_wait3A_731 : memref<1x10112x16xf32, #tpu.memory_space<hbm>> -> memref<10112x16xf32, #tpu.memory_space<hbm>>
      %dma_wait3A_733 = arith.constant 0 : i32
      %dma_wait3A_734 = tpu.memref_slice %dma_wait3A_732[%mul3A_2, %dma_wait3A_733] : memref<10112x16xf32, #tpu.memory_space<hbm>> -> memref<632x16xf32, #tpu.memory_space<hbm>>
      %dma_wait3A_735 = arith.constant 0 : i32
      %dma_wait3A_736 = tpu.memref_slice %arg13[%mul3A_2, %dma_wait3A_735] : memref<10112x16xf32, #tpu.memory_space<vmem_shared>> -> memref<632x16xf32, #tpu.memory_space<vmem_shared>>
      tpu.wait_dma2 semaphore(%run_scoped3A : memref<!tpu.dma_semaphore, #tpu.memory_space<semaphore_mem>>) src(%dma_wait3A_736 : memref<632x16xf32, #tpu.memory_space<vmem_shared>>) dst(%dma_wait3A_734 : memref<632x16xf32, #tpu.memory_space<hbm>>)
      tpu.yield
    }) : () -> ()
    return
  }
}

module attributes {stable_mosaic.version = 14 : i64} {
  func.func @_prep_body(%arg0: i32, %arg1: memref<128x1024xf32, #tpu.memory_space<vmem>>, %arg2: memref<128x32xf32, #tpu.memory_space<vmem>>, %arg3: memref<1x32xf32, #tpu.memory_space<vmem>>, %arg4: memref<128x128xf32, #tpu.memory_space<vmem>>, %arg5: memref<128x128xf32, #tpu.memory_space<vmem>>) attributes {dimension_semantics = [#tpu.dimension_semantics<arbitrary>], iteration_bounds = array<i64: 10>, scalar_prefetch = 0 : i64, scratch_operands = 0 : i64, tpu.core_type = #tpu.core_type<tc>, window_params = [{transform_indices = @transform_0, window_bounds = array<i64: 128, 1024>}, {pipeline_mode = #tpu.pipeline_mode<synchronous>, transform_indices = @transform_1, window_bounds = array<i64: 128, 32>}, {pipeline_mode = #tpu.pipeline_mode<synchronous>, transform_indices = @transform_2, window_bounds = array<i64: 1, 32>}, {transform_indices = @transform_3, window_bounds = array<i64: 128, 128>}, {transform_indices = @transform_4, window_bounds = array<i64: 128, 128>}]} {
    %get3A = arith.constant 0 : index
    %get3A_0 = arith.constant 0 : index
    %get3A_1 = vector.load %arg1[%get3A, %get3A_0] : memref<128x1024xf32, #tpu.memory_space<vmem>>, vector<128x1024xf32>
    %slice3A = vector.extract_strided_slice %get3A_1 {offsets = [0, 0], sizes = [128, 128], strides = [1, 1]} : vector<128x1024xf32> to vector<128x128xf32>
    %get3A_2 = arith.constant 0 : index
    %get3A_3 = arith.constant 0 : index
    %get3A_4 = vector.load %arg2[%get3A_2, %get3A_3] : memref<128x32xf32, #tpu.memory_space<vmem>>, vector<128x32xf32>
    %dot_general3A = arith.constant dense<0.000000e+00> : vector<128x32xf32>
    %dot_general3A_5 = tpu.matmul %slice3A, %get3A_4, %dot_general3A {dimension_numbers = #tpu.dot_dimension_numbers<[1], [0], [0], [1], [0, 0, 1, 1], [], []>, transpose_lhs_hint = false} : vector<128x128xf32>, vector<128x32xf32>, vector<128x32xf32> -> vector<128x32xf32>
    %get3A_6 = arith.constant 0 : index
    %get3A_7 = arith.constant 0 : index
    %get3A_8 = vector.load %arg3[%get3A_6, %get3A_7] : memref<1x32xf32, #tpu.memory_space<vmem>>, vector<1x32xf32>
    %add3A = vector.broadcast %get3A_8 : vector<1x32xf32> to vector<128x32xf32>
    %add3A_9 = arith.addf %dot_general3A_5, %add3A : vector<128x32xf32>
    %slice3A_10 = vector.extract_strided_slice %get3A_1 {offsets = [0, 128], sizes = [128, 128], strides = [1, 1]} : vector<128x1024xf32> to vector<128x128xf32>
    %get3A_11 = arith.constant 0 : index
    %get3A_12 = arith.constant 0 : index
    %get3A_13 = vector.load %arg2[%get3A_11, %get3A_12] : memref<128x32xf32, #tpu.memory_space<vmem>>, vector<128x32xf32>
    %dot_general3A_14 = arith.constant dense<0.000000e+00> : vector<128x32xf32>
    %dot_general3A_15 = tpu.matmul %slice3A_10, %get3A_13, %dot_general3A_14 {dimension_numbers = #tpu.dot_dimension_numbers<[1], [0], [0], [1], [0, 0, 1, 1], [], []>, transpose_lhs_hint = false} : vector<128x128xf32>, vector<128x32xf32>, vector<128x32xf32> -> vector<128x32xf32>
    %get3A_16 = arith.constant 0 : index
    %get3A_17 = arith.constant 0 : index
    %get3A_18 = vector.load %arg3[%get3A_16, %get3A_17] : memref<1x32xf32, #tpu.memory_space<vmem>>, vector<1x32xf32>
    %add3A_19 = vector.broadcast %get3A_18 : vector<1x32xf32> to vector<128x32xf32>
    %add3A_20 = arith.addf %dot_general3A_15, %add3A_19 : vector<128x32xf32>
    %slice3A_21 = vector.extract_strided_slice %get3A_1 {offsets = [0, 256], sizes = [128, 128], strides = [1, 1]} : vector<128x1024xf32> to vector<128x128xf32>
    %get3A_22 = arith.constant 0 : index
    %get3A_23 = arith.constant 0 : index
    %get3A_24 = vector.load %arg2[%get3A_22, %get3A_23] : memref<128x32xf32, #tpu.memory_space<vmem>>, vector<128x32xf32>
    %dot_general3A_25 = arith.constant dense<0.000000e+00> : vector<128x32xf32>
    %dot_general3A_26 = tpu.matmul %slice3A_21, %get3A_24, %dot_general3A_25 {dimension_numbers = #tpu.dot_dimension_numbers<[1], [0], [0], [1], [0, 0, 1, 1], [], []>, transpose_lhs_hint = false} : vector<128x128xf32>, vector<128x32xf32>, vector<128x32xf32> -> vector<128x32xf32>
    %get3A_27 = arith.constant 0 : index
    %get3A_28 = arith.constant 0 : index
    %get3A_29 = vector.load %arg3[%get3A_27, %get3A_28] : memref<1x32xf32, #tpu.memory_space<vmem>>, vector<1x32xf32>
    %add3A_30 = vector.broadcast %get3A_29 : vector<1x32xf32> to vector<128x32xf32>
    %add3A_31 = arith.addf %dot_general3A_26, %add3A_30 : vector<128x32xf32>
    %slice3A_32 = vector.extract_strided_slice %get3A_1 {offsets = [0, 384], sizes = [128, 128], strides = [1, 1]} : vector<128x1024xf32> to vector<128x128xf32>
    %get3A_33 = arith.constant 0 : index
    %get3A_34 = arith.constant 0 : index
    %get3A_35 = vector.load %arg2[%get3A_33, %get3A_34] : memref<128x32xf32, #tpu.memory_space<vmem>>, vector<128x32xf32>
    %dot_general3A_36 = arith.constant dense<0.000000e+00> : vector<128x32xf32>
    %dot_general3A_37 = tpu.matmul %slice3A_32, %get3A_35, %dot_general3A_36 {dimension_numbers = #tpu.dot_dimension_numbers<[1], [0], [0], [1], [0, 0, 1, 1], [], []>, transpose_lhs_hint = false} : vector<128x128xf32>, vector<128x32xf32>, vector<128x32xf32> -> vector<128x32xf32>
    %get3A_38 = arith.constant 0 : index
    %get3A_39 = arith.constant 0 : index
    %get3A_40 = vector.load %arg3[%get3A_38, %get3A_39] : memref<1x32xf32, #tpu.memory_space<vmem>>, vector<1x32xf32>
    %add3A_41 = vector.broadcast %get3A_40 : vector<1x32xf32> to vector<128x32xf32>
    %add3A_42 = arith.addf %dot_general3A_37, %add3A_41 : vector<128x32xf32>
    %slice3A_43 = vector.extract_strided_slice %get3A_1 {offsets = [0, 512], sizes = [128, 128], strides = [1, 1]} : vector<128x1024xf32> to vector<128x128xf32>
    %get3A_44 = arith.constant 0 : index
    %get3A_45 = arith.constant 0 : index
    %get3A_46 = vector.load %arg2[%get3A_44, %get3A_45] : memref<128x32xf32, #tpu.memory_space<vmem>>, vector<128x32xf32>
    %dot_general3A_47 = arith.constant dense<0.000000e+00> : vector<128x32xf32>
    %dot_general3A_48 = tpu.matmul %slice3A_43, %get3A_46, %dot_general3A_47 {dimension_numbers = #tpu.dot_dimension_numbers<[1], [0], [0], [1], [0, 0, 1, 1], [], []>, transpose_lhs_hint = false} : vector<128x128xf32>, vector<128x32xf32>, vector<128x32xf32> -> vector<128x32xf32>
    %get3A_49 = arith.constant 0 : index
    %get3A_50 = arith.constant 0 : index
    %get3A_51 = vector.load %arg3[%get3A_49, %get3A_50] : memref<1x32xf32, #tpu.memory_space<vmem>>, vector<1x32xf32>
    %add3A_52 = vector.broadcast %get3A_51 : vector<1x32xf32> to vector<128x32xf32>
    %add3A_53 = arith.addf %dot_general3A_48, %add3A_52 : vector<128x32xf32>
    %slice3A_54 = vector.extract_strided_slice %get3A_1 {offsets = [0, 640], sizes = [128, 128], strides = [1, 1]} : vector<128x1024xf32> to vector<128x128xf32>
    %get3A_55 = arith.constant 0 : index
    %get3A_56 = arith.constant 0 : index
    %get3A_57 = vector.load %arg2[%get3A_55, %get3A_56] : memref<128x32xf32, #tpu.memory_space<vmem>>, vector<128x32xf32>
    %dot_general3A_58 = arith.constant dense<0.000000e+00> : vector<128x32xf32>
    %dot_general3A_59 = tpu.matmul %slice3A_54, %get3A_57, %dot_general3A_58 {dimension_numbers = #tpu.dot_dimension_numbers<[1], [0], [0], [1], [0, 0, 1, 1], [], []>, transpose_lhs_hint = false} : vector<128x128xf32>, vector<128x32xf32>, vector<128x32xf32> -> vector<128x32xf32>
    %get3A_60 = arith.constant 0 : index
    %get3A_61 = arith.constant 0 : index
    %get3A_62 = vector.load %arg3[%get3A_60, %get3A_61] : memref<1x32xf32, #tpu.memory_space<vmem>>, vector<1x32xf32>
    %add3A_63 = vector.broadcast %get3A_62 : vector<1x32xf32> to vector<128x32xf32>
    %add3A_64 = arith.addf %dot_general3A_59, %add3A_63 : vector<128x32xf32>
    %slice3A_65 = vector.extract_strided_slice %get3A_1 {offsets = [0, 768], sizes = [128, 128], strides = [1, 1]} : vector<128x1024xf32> to vector<128x128xf32>
    %get3A_66 = arith.constant 0 : index
    %get3A_67 = arith.constant 0 : index
    %get3A_68 = vector.load %arg2[%get3A_66, %get3A_67] : memref<128x32xf32, #tpu.memory_space<vmem>>, vector<128x32xf32>
    %dot_general3A_69 = arith.constant dense<0.000000e+00> : vector<128x32xf32>
    %dot_general3A_70 = tpu.matmul %slice3A_65, %get3A_68, %dot_general3A_69 {dimension_numbers = #tpu.dot_dimension_numbers<[1], [0], [0], [1], [0, 0, 1, 1], [], []>, transpose_lhs_hint = false} : vector<128x128xf32>, vector<128x32xf32>, vector<128x32xf32> -> vector<128x32xf32>
    %get3A_71 = arith.constant 0 : index
    %get3A_72 = arith.constant 0 : index
    %get3A_73 = vector.load %arg3[%get3A_71, %get3A_72] : memref<1x32xf32, #tpu.memory_space<vmem>>, vector<1x32xf32>
    %add3A_74 = vector.broadcast %get3A_73 : vector<1x32xf32> to vector<128x32xf32>
    %add3A_75 = arith.addf %dot_general3A_70, %add3A_74 : vector<128x32xf32>
    %slice3A_76 = vector.extract_strided_slice %get3A_1 {offsets = [0, 896], sizes = [128, 128], strides = [1, 1]} : vector<128x1024xf32> to vector<128x128xf32>
    %get3A_77 = arith.constant 0 : index
    %get3A_78 = arith.constant 0 : index
    %get3A_79 = vector.load %arg2[%get3A_77, %get3A_78] : memref<128x32xf32, #tpu.memory_space<vmem>>, vector<128x32xf32>
    %dot_general3A_80 = arith.constant dense<0.000000e+00> : vector<128x32xf32>
    %dot_general3A_81 = tpu.matmul %slice3A_76, %get3A_79, %dot_general3A_80 {dimension_numbers = #tpu.dot_dimension_numbers<[1], [0], [0], [1], [0, 0, 1, 1], [], []>, transpose_lhs_hint = false} : vector<128x128xf32>, vector<128x32xf32>, vector<128x32xf32> -> vector<128x32xf32>
    %get3A_82 = arith.constant 0 : index
    %get3A_83 = arith.constant 0 : index
    %get3A_84 = vector.load %arg3[%get3A_82, %get3A_83] : memref<1x32xf32, #tpu.memory_space<vmem>>, vector<1x32xf32>
    %add3A_85 = vector.broadcast %get3A_84 : vector<1x32xf32> to vector<128x32xf32>
    %add3A_86 = arith.addf %dot_general3A_81, %add3A_85 : vector<128x32xf32>
    %slice3A_87 = vector.extract_strided_slice %add3A_9 {offsets = [0, 0], sizes = [128, 16], strides = [1, 1]} : vector<128x32xf32> to vector<128x16xf32>
    %slice3A_88 = vector.extract_strided_slice %add3A_20 {offsets = [0, 0], sizes = [128, 16], strides = [1, 1]} : vector<128x32xf32> to vector<128x16xf32>
    %slice3A_89 = vector.extract_strided_slice %add3A_31 {offsets = [0, 0], sizes = [128, 16], strides = [1, 1]} : vector<128x32xf32> to vector<128x16xf32>
    %slice3A_90 = vector.extract_strided_slice %add3A_42 {offsets = [0, 0], sizes = [128, 16], strides = [1, 1]} : vector<128x32xf32> to vector<128x16xf32>
    %slice3A_91 = vector.extract_strided_slice %add3A_53 {offsets = [0, 0], sizes = [128, 16], strides = [1, 1]} : vector<128x32xf32> to vector<128x16xf32>
    %slice3A_92 = vector.extract_strided_slice %add3A_64 {offsets = [0, 0], sizes = [128, 16], strides = [1, 1]} : vector<128x32xf32> to vector<128x16xf32>
    %slice3A_93 = vector.extract_strided_slice %add3A_75 {offsets = [0, 0], sizes = [128, 16], strides = [1, 1]} : vector<128x32xf32> to vector<128x16xf32>
    %slice3A_94 = vector.extract_strided_slice %add3A_86 {offsets = [0, 0], sizes = [128, 16], strides = [1, 1]} : vector<128x32xf32> to vector<128x16xf32>
    %concatenate3A = tpu.concatenate %slice3A_87, %slice3A_88, %slice3A_89, %slice3A_90, %slice3A_91, %slice3A_92, %slice3A_93, %slice3A_94 in 1 : vector<128x16xf32>, vector<128x16xf32>, vector<128x16xf32>, vector<128x16xf32>, vector<128x16xf32>, vector<128x16xf32>, vector<128x16xf32>, vector<128x16xf32> -> vector<128x128xf32>
    %swap3A = arith.constant 0 : index
    %swap3A_95 = arith.constant 0 : index
    %swap3A_96 = vector.load %arg4[%swap3A, %swap3A_95] : memref<128x128xf32, #tpu.memory_space<vmem>>, vector<128x128xf32>
    tpu.vector_store %arg4[%swap3A, %swap3A_95], %concatenate3A {strides = array<i32>} : memref<128x128xf32, #tpu.memory_space<vmem>>, vector<128x128xf32>,
    %slice3A_97 = vector.extract_strided_slice %add3A_9 {offsets = [0, 16], sizes = [128, 16], strides = [1, 1]} : vector<128x32xf32> to vector<128x16xf32>
    %slice3A_98 = vector.extract_strided_slice %add3A_20 {offsets = [0, 16], sizes = [128, 16], strides = [1, 1]} : vector<128x32xf32> to vector<128x16xf32>
    %slice3A_99 = vector.extract_strided_slice %add3A_31 {offsets = [0, 16], sizes = [128, 16], strides = [1, 1]} : vector<128x32xf32> to vector<128x16xf32>
    %slice3A_100 = vector.extract_strided_slice %add3A_42 {offsets = [0, 16], sizes = [128, 16], strides = [1, 1]} : vector<128x32xf32> to vector<128x16xf32>
    %slice3A_101 = vector.extract_strided_slice %add3A_53 {offsets = [0, 16], sizes = [128, 16], strides = [1, 1]} : vector<128x32xf32> to vector<128x16xf32>
    %slice3A_102 = vector.extract_strided_slice %add3A_64 {offsets = [0, 16], sizes = [128, 16], strides = [1, 1]} : vector<128x32xf32> to vector<128x16xf32>
    %slice3A_103 = vector.extract_strided_slice %add3A_75 {offsets = [0, 16], sizes = [128, 16], strides = [1, 1]} : vector<128x32xf32> to vector<128x16xf32>
    %slice3A_104 = vector.extract_strided_slice %add3A_86 {offsets = [0, 16], sizes = [128, 16], strides = [1, 1]} : vector<128x32xf32> to vector<128x16xf32>
    %concatenate3A_105 = tpu.concatenate %slice3A_97, %slice3A_98, %slice3A_99, %slice3A_100, %slice3A_101, %slice3A_102, %slice3A_103, %slice3A_104 in 1 : vector<128x16xf32>, vector<128x16xf32>, vector<128x16xf32>, vector<128x16xf32>, vector<128x16xf32>, vector<128x16xf32>, vector<128x16xf32>, vector<128x16xf32> -> vector<128x128xf32>
    %swap3A_106 = arith.constant 0 : index
    %swap3A_107 = arith.constant 0 : index
    %swap3A_108 = vector.load %arg5[%swap3A_106, %swap3A_107] : memref<128x128xf32, #tpu.memory_space<vmem>>, vector<128x128xf32>
    tpu.vector_store %arg5[%swap3A_106, %swap3A_107], %concatenate3A_105 {strides = array<i32>} : memref<128x128xf32, #tpu.memory_space<vmem>>, vector<128x128xf32>,
    return
  }
  func.func @transform_0(%arg0: i32) -> (i32, i32) {
    %c0_i32 = arith.constant 0 : i32
    %c0_i32_0 = arith.constant 0 : i32
    return %arg0, %c0_i32 : i32, i32
  }
  func.func @transform_1(%arg0: i32) -> (i32, i32) {
    %c0_i32 = arith.constant 0 : i32
    %c0_i32_0 = arith.constant 0 : i32
    %c0_i32_1 = arith.constant 0 : i32
    return %c0_i32, %c0_i32_0 : i32, i32
  }
  func.func @transform_2(%arg0: i32) -> (i32, i32) {
    %c0_i32 = arith.constant 0 : i32
    %c0_i32_0 = arith.constant 0 : i32
    %c0_i32_1 = arith.constant 0 : i32
    return %c0_i32, %c0_i32_0 : i32, i32
  }
  func.func @transform_3(%arg0: i32) -> (i32, i32) {
    %c0_i32 = arith.constant 0 : i32
    %c0_i32_0 = arith.constant 0 : i32
    return %arg0, %c0_i32 : i32, i32
  }
  func.func @transform_4(%arg0: i32) -> (i32, i32) {
    %c0_i32 = arith.constant 0 : i32
    %c0_i32_0 = arith.constant 0 : i32
    return %arg0, %c0_i32 : i32, i32
  }
}

module attributes {stable_mosaic.version = 14 : i64} {
  func.func @_combine_body(%arg0: i32, %arg1: memref<128x128xf32, #tpu.memory_space<vmem>>, %arg2: memref<2x128x128xf32, #tpu.memory_space<vmem>>, %arg3: memref<2x128x128xf32, #tpu.memory_space<vmem>>, %arg4: memref<128x128xf32, #tpu.memory_space<vmem>>) attributes {dimension_semantics = [#tpu.dimension_semantics<arbitrary>], iteration_bounds = array<i64: 10>, scalar_prefetch = 0 : i64, scratch_operands = 0 : i64, tpu.core_type = #tpu.core_type<tc>, window_params = [{transform_indices = @transform_0, window_bounds = array<i64: 128, 128>}, {transform_indices = @transform_1, window_bounds = array<i64: 2, 128, 128>}, {transform_indices = @transform_2, window_bounds = array<i64: 2, 128, 128>}, {transform_indices = @transform_3, window_bounds = array<i64: 128, 128>}]} {
    %get3A = arith.constant 0 : index
    %get3A_0 = arith.constant 0 : index
    %get3A_1 = arith.constant 0 : index
    %get3A_2 = vector.load %arg2[%get3A, %get3A_0, %get3A_1] : memref<2x128x128xf32, #tpu.memory_space<vmem>>, vector<1x128x128xf32>
    %get3A_3 = vector.shape_cast %get3A_2 : vector<1x128x128xf32> to vector<128x128xf32>
    %get3A_4 = arith.constant 1 : index
    %get3A_5 = arith.constant 0 : index
    %get3A_6 = arith.constant 0 : index
    %get3A_7 = vector.load %arg2[%get3A_4, %get3A_5, %get3A_6] : memref<2x128x128xf32, #tpu.memory_space<vmem>>, vector<1x128x128xf32>
    %get3A_8 = vector.shape_cast %get3A_7 : vector<1x128x128xf32> to vector<128x128xf32>
    %add3A = arith.addf %get3A_3, %get3A_8 : vector<128x128xf32>
    %get3A_9 = arith.constant 0 : index
    %get3A_10 = arith.constant 0 : index
    %get3A_11 = arith.constant 0 : index
    %get3A_12 = vector.load %arg3[%get3A_9, %get3A_10, %get3A_11] : memref<2x128x128xf32, #tpu.memory_space<vmem>>, vector<1x128x128xf32>
    %get3A_13 = vector.shape_cast %get3A_12 : vector<1x128x128xf32> to vector<128x128xf32>
    %get3A_14 = arith.constant 1 : index
    %get3A_15 = arith.constant 0 : index
    %get3A_16 = arith.constant 0 : index
    %get3A_17 = vector.load %arg3[%get3A_14, %get3A_15, %get3A_16] : memref<2x128x128xf32, #tpu.memory_space<vmem>>, vector<1x128x128xf32>
    %get3A_18 = vector.shape_cast %get3A_17 : vector<1x128x128xf32> to vector<128x128xf32>
    %add3A_19 = arith.addf %get3A_13, %get3A_18 : vector<128x128xf32>
    %get3A_20 = arith.constant 0 : index
    %get3A_21 = arith.constant 0 : index
    %get3A_22 = vector.load %arg1[%get3A_20, %get3A_21] : memref<128x128xf32, #tpu.memory_space<vmem>>, vector<128x128xf32>
    %max3A = arith.constant 1.000000e+00 : f32
    %max3A_23 = vector.broadcast %max3A : f32 to vector<128x128xf32>
    %max3A_24 = arith.maximumf %add3A_19, %max3A_23 : vector<128x128xf32>
    %div3A = arith.divf %add3A, %max3A_24 : vector<128x128xf32>
    %add3A_25 = arith.addf %get3A_22, %div3A : vector<128x128xf32>
    %logistic3A = arith.negf %add3A_25 : vector<128x128xf32>
    %logistic3A_26 = math.exp %logistic3A : vector<128x128xf32>
    %logistic3A_27 = arith.constant 1.000000e+00 : f32
    %logistic3A_28 = vector.broadcast %logistic3A_27 : f32 to vector<128x128xf32>
    %logistic3A_29 = arith.addf %logistic3A_28, %logistic3A_26 : vector<128x128xf32>
    %logistic3A_30 = arith.divf %logistic3A_28, %logistic3A_29 : vector<128x128xf32>
    %swap3A = arith.constant 0 : index
    %swap3A_31 = arith.constant 0 : index
    %swap3A_32 = vector.load %arg4[%swap3A, %swap3A_31] : memref<128x128xf32, #tpu.memory_space<vmem>>, vector<128x128xf32>
    tpu.vector_store %arg4[%swap3A, %swap3A_31], %logistic3A_30 {strides = array<i32>} : memref<128x128xf32, #tpu.memory_space<vmem>>, vector<128x128xf32>,
    return
  }
  func.func @transform_0(%arg0: i32) -> (i32, i32) {
    %c0_i32 = arith.constant 0 : i32
    %c0_i32_0 = arith.constant 0 : i32
    return %arg0, %c0_i32 : i32, i32
  }
  func.func @transform_1(%arg0: i32) -> (i32, i32, i32) {
    %c0_i32 = arith.constant 0 : i32
    %c0_i32_0 = arith.constant 0 : i32
    %c0_i32_1 = arith.constant 0 : i32
    return %c0_i32, %arg0, %c0_i32_0 : i32, i32, i32
  }
  func.func @transform_2(%arg0: i32) -> (i32, i32, i32) {
    %c0_i32 = arith.constant 0 : i32
    %c0_i32_0 = arith.constant 0 : i32
    %c0_i32_1 = arith.constant 0 : i32
    return %c0_i32, %arg0, %c0_i32_0 : i32, i32, i32
  }
  func.func @transform_3(%arg0: i32) -> (i32, i32) {
    %c0_i32 = arith.constant 0 : i32
    %c0_i32_0 = arith.constant 0 : i32
    return %arg0, %c0_i32 : i32, i32
  }
}

</mosaic_0001>

<sc_bundles>
// kernel: kernel.5.cloned.1.call-start
scs
__scs_entry_jumppad:
0x0: {  	(pc) =	sbr.rel $0x88, $3  }
0x1: {  	(tag) =	ssettag $0x0;
	lr =	simm.s32 $0x1  }
0x2: {  	[smem:$0x3F9C] =	sst lr;
	_ =	strace $0xD0000000  }
0x3: {  	_ = 	snop  }
0x4: {  	_ = 	snop  }
0x5: {  	_ = 	snop  }
0x6: {  	_ = 	snop  }
0x7: {  	_ = 	snop  }
__scs_overlays_trampoline_lowered:
0x8: {  	[smem:$0x3FAB] =	sst s0  }
0x9: {  	[smem:$0x3FAC] =	sst s1  }
0xa: {  	[smem:$0x3FAD] =	sst s2  }
0xb: {  	[smem:$0x3FAE] =	sst s3  }
0xc: {  	[smem:$0x3FAF] =	sst s4  }
0xd: {  	[smem:$0x3FB0] =	sst s5  }
0xe: {  	[smem:$0x3FB1] =	sst s6  }
0xf: {  	[smem:$0x3FB2] =	sst s7  }
0x10: {  	[smem:$0x3FB3] =	sst s8  }
0x11: {  	[smem:$0x3FB4] =	sst s9;
	s0 =	simm.s32 @!p0 $0x0  }
0x12: {  	s1 =	sld [smem:$0x3F9A];
	s0 =	simm.s32 @p0 $0x1  }
0x13: {  	[smem:$0x3FB5] =	sst s0;
	s0 =	simm.s32 @!p1 $0x0  }
0x14: {  	s2 =	sld [smem:$0x3F99];
	s0 =	simm.s32 @p1 $0x1  }
0x15: {  	[smem:$0x3FB6] =	sst s0;
	s0 =	simm.s32 @!p2 $0x0  }
0x16: {  	s3 =	sld [smem:$0x3FDB];
	s0 =	simm.s32 @p2 $0x1  }
0x17: {  	s4 =	simm.s32 $0x1BF5;
	[smem:$0x3FB8] =	sst s0  }
0x18: {  	s0 =	sld [smem:$0x3F9B];
	_ =	swait.ge [sflag:s4], $0x0  }
0x19: {  	s7 =	sld [smem:$0x3F9C]  }
0x1a: {  	s8 =	sadd.s32 $0xFFFFE003, lr  }
0x1b: {  	s9 =	sadd.s32 $0xFFFFFEF7, lr;
	s5 =	simm.s32 $0xFFFFFFFF;
	p2 =	slt.u32 s8, $0xFFFFF086  }
0x1c: {  	p1 =	slt.u32 s9, $0xF7A;
	s5 =	simm.s32 @!p2 $0x0  }
0x1d: {  	s5 =	simm.s32 @p1 $0x1;
	p0 =	seq.s32 s7, s2  }
0x1e: {  	s7 =	smul.u32 @!p0 $0xF7A, s2;
	p2 =	seq.s32 @!p0 s5, $0x0  }
0x1f: {  	s9 =	smul.u32 $0xF7A, s1;
	s8 =	simm.s32 @!p0 $0x1BF5;
	p2 =	por !p2, p0  }
0x20: {  	[sflag:s8] =	ssyncset.s32 @!p0 $0xFFFFF086;
	s6 =	sadd.s32 @!p0 s3, s7;
	s7 =	simm.s32 @!p0 $0x108  }
0x21: {  	s3 =	sadd.s32 s3, s9;
	s6 =	sadd.s32 @!p0 $0x88, s6;
	s7 =	simm.s32 @p2 $0x1082  }
0x22: {  	[simem:s7], [sflag:s8] =	dma.local @!p0 [hbm:s6], $0xF7A  }
0x23: {  	s9 =	sor.u32 $0xD0000000, s2;
	s6 =	simm.s32 $0x108;
	_ =	swait.ge @!p0 [sflag:s8], $0x0  }
0x24: {  	s3 =	sadd.s32 $0x88, s3;
	s6 =	simm.s32 @!p1 $0x1082;
	[sflag:s4] =	ssyncset.s32 $0xFFFFF086  }
0x25: {  	[simem:s6], [sflag:s4] =	dma.local [hbm:s3], $0xF7A  }
0x26: {  	[smem:$0x3F9C] =	sst s1;
	(tag) =	ssettag s2;
	_ =	strace s9  }
0x27: {  	s1 =	sld [smem:$0x3FAC]  }
0x28: {  	s2 =	sld [smem:$0x3FAD]  }
0x29: {  	s4 =	sld [smem:$0x3FAF]  }
0x2a: {  	p0 =	seq.s32 s5, $0x0;
	s5 =	sld [smem:$0x3FB0]  }
0x2b: {  	s6 =	sld [smem:$0x3FB1]  }
0x2c: {  	s7 =	sld [smem:$0x3FB2]  }
0x2d: {  	s3 =	simm.s32 $0x108;
	s8 =	sld [smem:$0x3FB3]  }
0x2e: {  	s3 =	simm.s32 @!p0 $0x1082;
	s9 =	sld [smem:$0x3FB4]  }
0x2f: {  	lr =	sadd.s32 s0, s3;
	s0 =	sld [smem:$0x3FAB]  }
0x30: {  	s3 =	sld [smem:$0x3FAE]  }
0x31: {  	[smem:$0x3FB7] =	sst s10  }
0x32: {  	s10 =	sld [smem:$0x3FB5];
	_ =	sdelay $0x3  }
0x33: {  	p0 =	seq.s32 s10, $0x1;
	s10 =	sld [smem:$0x3FB7];
	_ =	sdelay $0x3  }
0x34: {  	[smem:$0x3FB7] =	sst s10  }
0x35: {  	s10 =	sld [smem:$0x3FB6];
	_ =	sdelay $0x3  }
0x36: {  	p1 =	seq.s32 s10, $0x1;
	s10 =	sld [smem:$0x3FB7];
	_ =	sdelay $0x3  }
0x37: {  	[smem:$0x3FB7] =	sst s10  }
0x38: {  	s10 =	sld [smem:$0x3FB8]  }
0x39: {  	_ = 	snop;
	(pc) =	sbr.ind lr, $3  }
0x3a: {  	_ = 	snop  }
0x3b: {  	_ = 	snop  }
0x3c: {  	p2 =	seq.s32 s10, $0x1;
	s10 =	sld [smem:$0x3FB7]  }
0x3d: {  	_ =	shalt  }
0x3e: {  	_ =	shalt  }
0x3f: {  	_ =	shalt  }
0x40: {  	_ =	shalt  }
0x41: {  	_ =	shalt  }
0x42: {  	_ =	shalt  }
0x43: {  	_ =	shalt  }
0x44: {  	_ =	shalt  }
0x45: {  	_ =	shalt  }
0x46: {  	_ =	shalt  }
0x47: {  	_ =	shalt  }
0x48: {  	_ =	shalt  }
0x49: {  	_ =	shalt  }
0x4a: {  	_ =	shalt  }
0x4b: {  	_ =	shalt  }
0x4c: {  	_ =	shalt  }
0x4d: {  	_ =	shalt  }
0x4e: {  	_ =	shalt  }
0x4f: {  	_ =	shalt  }
0x50: {  	_ =	shalt  }
0x51: {  	_ =	shalt  }
0x52: {  	_ =	shalt  }
0x53: {  	_ =	shalt  }
0x54: {  	_ =	shalt  }
0x55: {  	_ =	shalt  }
0x56: {  	_ =	shalt  }
0x57: {  	_ =	shalt  }
0x58: {  	_ =	shalt  }
0x59: {  	_ =	shalt  }
0x5a: {  	_ =	shalt  }
0x5b: {  	_ =	shalt  }
0x5c: {  	_ =	shalt  }
0x5d: {  	_ =	shalt  }
0x5e: {  	_ =	shalt  }
0x5f: {  	_ =	shalt  }
0x60: {  	_ =	shalt  }
0x61: {  	_ =	shalt  }
0x62: {  	_ =	shalt  }
0x63: {  	_ =	shalt  }
0x64: {  	_ =	shalt  }
0x65: {  	_ =	shalt  }
0x66: {  	_ =	shalt  }
0x67: {  	_ =	shalt  }
0x68: {  	_ =	shalt  }
0x69: {  	_ =	shalt  }
0x6a: {  	_ =	shalt  }
0x6b: {  	_ =	shalt  }
0x6c: {  	_ =	shalt  }
0x6d: {  	_ =	shalt  }
0x6e: {  	_ =	shalt  }
0x6f: {  	_ =	shalt  }
0x70: {  	_ =	shalt  }
0x71: {  	_ =	shalt  }
0x72: {  	_ =	shalt  }
0x73: {  	_ =	shalt  }
0x74: {  	_ =	shalt  }
0x75: {  	_ =	shalt  }
0x76: {  	_ =	shalt  }
0x77: {  	_ =	shalt  }
0x78: {  	_ =	shalt  }
0x79: {  	_ =	shalt  }
0x7a: {  	_ =	shalt  }
0x7b: {  	_ =	shalt  }
0x7c: {  	_ =	shalt  }
0x7d: {  	_ =	shalt  }
0x7e: {  	_ =	shalt  }
0x7f: {  	_ =	shalt  }
0x80: {  	_ =	shalt  }
0x81: {  	_ =	shalt  }
0x82: {  	_ =	shalt  }
0x83: {  	_ =	shalt  }
0x84: {  	_ =	shalt  }
0x85: {  	_ =	shalt  }
0x86: {  	_ =	shalt  }
0x87: {  	_ =	shalt  }
.Lfunc_end0:
.L_simem_size_0:
called_computation_lowered:
.L_overlay_start_0:
0x88: {  	s2 =	sld [smem:$0x3FD9]  }
0x89: {  	s3 =	sld [smem:$0x3FFE];
	_ =	sdelay $0x1  }
0x8a: {  	s1 =	srdreg.scid  }
0x8b: {  	s0 =	sand.u32 $0x1, s1  }
0x8c: {  	s17 =	sshll.u32 s0, $0xA;
	s2 =	sadd.s32 s3, s2  }
0x8d: {  	s2 =	sadd.s32 s2, s17  }
0x8e: {  	[smem:$0x3FC3] =	sst s2  }
0x8f: {  	_ = 	snop  }
0x90: {  	s2 =	sld [smem:$0x3FD0];
	(tm) =	ssettm $0x1  }
0x91: {  	s18 =	sld [smem:$0x3FFB];
	_ =	sdelay $0x3  }
0x92: {  	_ =	strace s18  }
0x93: {  	s3 =	sld [smem:$0x3FFC];
	_ =	sdelay $0x3  }
0x94: {  	_ =	strace s3  }
0x95: {  	s3 =	sld [smem:$0x3FFD];
	_ =	sdelay $0x3  }
0x96: {  	_ =	strace s3  }
0x97: {  	_ =	strace $0x8FFFFFFF  }
0x98: {  	s19 =	sld [smem:$0x3FDB];
	_ =	sdelay $0x1  }
0x99: {  	s4 =	simm.s32 $_scs_section_size  }
0x9a: {  	s5 =	simm.s32 $_size__tile_overlayer_lowered;
	s6 =	simm.s32 $_tile_overlayer_lowered  }
0x9b: {  	s22 =	simm.s32 $0x1BFF;
	s21 =	sshll.u32 s6, $0x1;
	s3 =	sadd.s32 s4, s19  }
0x9c: {  	s7 =	simm.s32 $0x0;
	s20 =	sshll.u32 s5, $0x1;
	s5 =	sadd.s32 s21, s3  }
0x9d: {  	[timem:s7], [sflag:s22] =	dma.local [hbm:s5], s20  }
0x9e: {  	_ =	swait.ge [sflag:s22], s20  }
0x9f: {  	s4 =	ssub.s32 $0x0, s20;
	[sflag:s22] =	ssyncset.done $0x0  }
0xa0: {  	[sflag:s22] =	ssyncadd.s32 s4;
	_ =	sdelay $0x1  }
0xa1: {  	s23 =	simm.s32 $0x1B8B  }
0xa2: {  	_ =	swait.ge [sflag:s23], $0x1  }
0xa3: {  	[sflag:s23] =	ssyncset.done $0x0  }
0xa4: {  	s25 =	simm.s32 $0x1B8E;
	s24 =	sld [smem:$0x3FFE];
	[sflag:s23] =	ssyncadd.s32 $0xFFFFFFFF  }
0xa5: {  	s26 =	simm.s32 $execute0_lowered;
	[smem:$0x3FD2] =	sst s25  }
0xa6: {  	s5 =	sshll.u32 s26, $0x1;
	_ =	strace $0x80000046;
	[dreg:$0x1] =	wrdreg $0xFFFFFFFF  }
0xa7: {  	s28 =	simm.s32 $_size_execute0_lowered;
	s3 =	sadd.s32 s3, s5;
	[dreg:$0x0] =	wrdreg $0x0  }
0xa8: {  	s5 =	sshll.u32 s28, $0x1;
	[dreg:$0x2] =	wrdreg s3  }
0xa9: {  	[dreg:$0x3] =	wrdreg s5  }
0xaa: {  	[dreg:$0x4] =	wrdreg $0xC0  }
0xab: {  	_ =	task [dreg:s7], $0x5FFFF  }
0xac: {  	[dreg:$0x1] =	wrdreg $0xFFFFFFFF  }
0xad: {  	[dreg:$0x0] =	wrdreg $0x60  }
0xae: {  	[dreg:$0x2] =	wrdreg s2  }
0xaf: {  	[dreg:$0x3] =	wrdreg s24  }
0xb0: {  	[dreg:$0x4] =	wrdreg $0xF7000  }
0xb1: {  	[dreg:$0x5] =	wrdreg $0x11E800  }
0xb2: {  	[dreg:$0x6] =	wrdreg $0xCF800  }
0xb3: {  	[dreg:$0x7] =	wrdreg $0x9  }
0xb4: {  	_ =	task.clear_ibuf [dreg:s7], $0x8FFFF;
	_ =	strace $0x90000046  }
0xb5: {  	s29 =	simm.s32 $0x9;
	_ =	strace $0x80000048  }
0xb6: {  	_ =	swait.ge [sflag:s29], $0x1  }
0xb7: {  	[sflag:s29] =	ssyncadd.s32 $0xFFFFFFFF  }
0xb8: {  	_ =	strace $0x90000048  }
0xb9: {  	_ =	sfence  }
0xba: {  	s30 =	sld [smem:$0x0];
	_ =	sdelay $0x2  }
0xbb: {  	s31 =	sshll.u32 s1, $0xD;
	s1 =	sshrl.u32 s1, $0x2  }
0xbc: {  	s3 =	sand.u32 $0x4000, s31;
	s1 =	sadd.s32 s1, s30  }
0xbd: {  	s0 =	sor.u32 s3, s0;
	s1 =	sshll.u32 s1, $0x11  }
0xbe: {  	s0 =	sor.u32 s1, s0  }
0xbf: {  	s0 =	sadd.s32 $0x8F2B, s0  }
0xc0: {  	[sflag:s0] =	ssyncadd.remote.s32 $0x1  }
0xc1: {  	_ =	sfence.sel $0xFFFF  }
0xc2: {  	[dreg:$0x0] =	wrdreg $0xFFFFFFFF;
	(pc) =	sbr.abs _section_cstart, $3  }
0xc3: {  	[dreg:$0x1] =	wrdreg $0xFFFFFFFF  }
0xc4: {  	_ =	task.clear_ibuf [dreg:s7], $0x2FFFF;
	_ =	strace $0x9FFFFFFF  }
0xc5: {  	(tm) =	ssettm $0x7FFFFFFF  }
tec
execute0_lowered:
.L_overlay_start_1:
0x0: {  	(tag) =	ssettag $0x1  }
0x1: {  	s0 =	rddreg [dreg:$0x0]  }
0x2: {  	s2 =	rddreg [dreg:$0x1]  }
0x3: {  	s1 =	rddreg [dreg:$0x2]  }
0x4: {  	s4 =	srdreg.scid;
	s9 =	stileid.u32  }
0x5: {  	s3 =	rddreg [dreg:$0x3];
	s14 =	simm.s32 $0x0;
	s19 =	simm.s32 $0x80  }
0x6: {  	s29 =	simm.s32 $0xA000;
	s5 =	sand.u32 $0x1, s4;
	s4 =	rddreg [dreg:$0x4]  }
0x7: {  	s6 =	sshll.u32 s9, $0x1;
	[smem:$0x7FF] =	sst s14;
	s9 =	smul.u32 $0x2780, s9  }
0x8: {  	s24 =	sadd.s32 $0xB440, s2;
	s25 =	sadd.s32 $0xB300, s2;
	s6 =	sor.u32 s5, s6  }
0x9: {  	s7 =	smul.u32 $0x4F00, s5;
	_ =	strace $0x80000047;
	[dreg:$0xd] =	wrdreg s24  }
0xa: {  	s5 =	ssub.s32 $0x2, s5;
	[dreg:$0xe] =	wrdreg s25;
	s24 =	simm.s32 $0x1F  }
0xb: {  	s25 =	simm.s32 $0x1B;
	s10 =	smul.u32 $0x500, s6;
	s8 =	sshrl.u32 s5, $0x1  }
0xc: {  	s18 =	sadd.s32 s9, s1;
	s23 =	sadd.s32 s9, s3;
	s21 =	sadd.s32 s9, s4  }
0xd: {  	s11 =	sshrl.u32 s9, $0x3;
	p0 =	seq.s32 s6, $0x1F;
	[dreg:$0x9] =	wrdreg s18  }
0xe: {  	s9 =	simm.s32 $0x14;
	s7 =	sadd.s32 s7, s2;
	[dreg:$0xa] =	wrdreg s23  }
0xf: {  	s5 =	ssub.s32 s5, s8;
	s0 =	sadd.s32 s0, s11;
	[dreg:$0x8] =	wrdreg s10  }
0x10: {  	s9 =	simm.s32 @!p0 $0x50;
	s30 =	sshrl.u32 s21, $0x3;
	[dreg:$0xb] =	wrdreg s0  }
0x11: {  	s10 =	sadd.s32 s10, s2;
	s5 =	smax.u32 s5, $0x1;
	[dreg:$0x10] =	wrdreg s30  }
0x12: {  	s26 =	sadd.s32 $0x15200, s7;
	s22 =	sadd.s32 $0x1800, s10;
	[dreg:$0xf] =	wrdreg s5  }
0x13: {  	s28 =	sadd.s32 $0x1F000, s7;
	s0 =	sadd.s32 s11, s26;
	[dreg:$0xc] =	wrdreg s22  }
0x14: {  	s31 =	sadd.s32 s11, s28;
	s11 =	simm.s32 $0xD;
	[dreg:$0x11] =	wrdreg s0  }
0x15: {  	v0 =	vimm.f32 $1.000000000e+00;
	v1 =	vimm.f32 $0.0e+00;
	s26 =	simm.s32 $0x17;
	[dreg:$0x12] =	wrdreg s31;
	s22 =	simm.s32 $0x8  }
.LBB2_1:
0x16: {  	[dreg:$0x7] =	wrdreg s14;
	s14 =	simm.s32 $0x0  }
.LBB2_2:
0x17: {  	p1 =	sne.s32 s14, $0x1FC0  }
.Ltmp0:
0x18: {  	_ = 	snop;
	(pc) =	sbr.rel @p1 .LBB2_2-.Ltmp0, $3  }
0x19: {  	_ =	sdelay $0x1  }
0x1a: {  	s16 =	sshra.s32 s14, $0x2  }
0x1b: {  	s14 =	sadd.s32 $0x40, s14;
	[tilespmem:s16+$0xA000] =	vst v0  }
0x1c: {  	s14 =	simm.s32 $0x40;
	s16 =	simm.s32 $0x0  }
.LBB2_4:
0x1d: {  	p1 =	sne.s32 s14, $0x9DC0;
	[tilespmem:s16+$0xA800] =	vst v1;
	s16 =	smov.u32 s14;
	s14 =	sadd.s32 $0x40, s14  }
.Ltmp1:
0x1e: {  	(pc) =	sbr.rel @p1 .LBB2_4-.Ltmp1, $2  }
0x1f: {  	_ =	sdelay $0x2  }
0x20: {  	s16 =	sshra.s32 s16, $0x2  }
0x21: {  	[tilespmem:s16+$0xA800] =	vst v1;
	s7 =	simm.s32 $0xA800  }
0x22: {  	[spmem:s18] =	stream.linear.scatter [tilespmem:s7], [sflag:$0x1F], $0x2780, $0x38;
	[tilespmem:$0x14600] =	vst v63  }
0x23: {  	s18 =	stileid.u32;
	_ =	swait.ge [sflag:s24], $0x2780  }
0x24: {  	s14 =	sshll.u32 s18, $0x6;
	[sflag:s24] =	ssyncset.done $0x0  }
0x25: {  	s0 =	sor.u32 $0x1C1F, s14;
	[sflag:s24] =	ssyncadd.s32 $0xFFFFD880  }
0x26: {  	[spmem:s23] =	stream.linear.scatter [tilespmem:s7], [sflag:$0x1F], $0x2780, $0x38;
	[tilespmem:$0x14600] =	vst v63  }
0x27: {  	_ =	swait.ge [sflag:s24], $0x2780;
	[dreg:$0x13] =	wrdreg s0  }
0x28: {  	[sflag:s24] =	ssyncset.done $0x0;
	s20 =	rddreg [dreg:$0xb]  }
0x29: {  	s8 =	rddreg [dreg:$0x10];
	[sflag:s24] =	ssyncadd.s32 $0xFFFFD880  }
0x2a: {  	[spmem:s8], [sflag:s0] =	dma.local [hbm:s20], $0x4F0  }
0x2b: {  	_ =	swait.ge [sflag:s24], $0x4F0  }
0x2c: {  	s16 =	simm.s32 @p0 $0x1F;
	[sflag:s24] =	ssyncset.done $0x0  }
0x2d: {  	s14 =	simm.s32 @p0 $0x0;
	s7 =	rddreg [dreg:$0xe];
	[sflag:s24] =	ssyncadd.s32 $0xFFFFFB10  }
0x2e: {  	[tilespmem:s14], [sflag:$0x1F] =	stream.linear.gather @p0 [hbm4b:s7+s14], $0xA00, $0x38;
	[tilespmem:$0x14600] =	vst v63  }
0x2f: {  	_ =	swait.ge @p0 [sflag:s16], $0xA00  }
0x30: {  	[sflag:s16] =	ssyncset.done @p0 $0x0;
	s8 =	rddreg [dreg:$0xd]  }
0x31: {  	s23 =	simm.s32 @p0 $0x2800;
	[sflag:s16] =	ssyncadd.s32 @p0 $0xFFFFF600;
	s18 =	sadd.s32 @p0 $0x9B00, s8  }
0x32: {  	[tilespmem:s23], [sflag:$0x1F] =	stream.linear.gather @p0 [hbm4b:s18+s14], $0xA00, $0x38;
	[tilespmem:$0x14600] =	vst v63  }
0x33: {  	_ =	swait.ge @p0 [sflag:s16], $0xA00  }
0x34: {  	s14 =	simm.s32 @!p0 $0x0;
	[sflag:s16] =	ssyncset.done @p0 $0x0  }
0x35: {  	s7 =	rddreg [dreg:$0xc];
	[sflag:s16] =	ssyncadd.s32 @p0 $0xFFFFF600;
	s16 =	simm.s32 @!p0 $0x1F  }
0x36: {  	[tilespmem:s14], [sflag:$0x1F] =	stream.linear.gather @!p0 [hbm4b:s7+s14], $0x2800, $0x38;
	[tilespmem:$0x14600] =	vst v63  }
0x37: {  	_ =	swait.ge @!p0 [sflag:s16], $0x2800  }
0x38: {  	[sflag:s16] =	ssyncset.done @!p0 $0x0;
	s7 =	rddreg [dreg:$0x8]  }
0x39: {  	s23 =	simm.s32 @!p0 $0x2800;
	[sflag:s16] =	ssyncadd.s32 @!p0 $0xFFFFD800;
	s18 =	sadd.s32 @!p0 s7, s8  }
0x3a: {  	[tilespmem:s23], [sflag:$0x1F] =	stream.linear.gather @!p0 [hbm4b:s18+s14], $0x2800, $0x38;
	[tilespmem:$0x14600] =	vst v63  }
0x3b: {  	_ =	swait.ge @!p0 [sflag:s16], $0x2800  }
0x3c: {  	[sflag:s16] =	ssyncset.done @!p0 $0x0  }
0x3d: {  	[sflag:s16] =	ssyncadd.s32 @!p0 $0xFFFFD800  }
0x3e: {  	s21 =	simm.s32 $0x0;
	s8 =	simm.s32 $0x5000;
	[bflag:$0x0] =	sbarrier.arrive $0xFFFF  }
0x3f: {  	[tilespmem:s8], [sflag:$0x1] =	stream.indirect.gather [spmem:s4], $0x10, s21, s19, $0xb8;
	[tilespmem:$0x14600] =	vst v63  }
0x40: {  	s30 =	simm.s32 $0x5800  }
0x41: {  	[tilespmem:s30], [sflag:$0x2] =	stream.indirect.gather [spmem:s4], $0x10, s19, s19, $0xb8;
	[tilespmem:$0x14600] =	vst v63  }
0x42: {  	s24 =	simm.s32 $0x6000;
	s23 =	simm.s32 $0x100  }
0x43: {  	[tilespmem:s24], [sflag:$0x3] =	stream.indirect.gather [spmem:s4], $0x10, s23, s19, $0xb8;
	[tilespmem:$0x14600] =	vst v63  }
0x44: {  	s5 =	simm.s32 $0x6800;
	s0 =	simm.s32 $0x180  }
0x45: {  	[tilespmem:s5], [sflag:$0x4] =	stream.indirect.gather [spmem:s4], $0x10, s0, s19, $0xb8;
	[tilespmem:$0x14600] =	vst v63  }
0x46: {  	s6 =	simm.s32 $0x200;
	s10 =	simm.s32 $0x7000  }
0x47: {  	[tilespmem:s10], [sflag:$0x5] =	stream.indirect.gather [spmem:s4], $0x10, s6, s19, $0xb8;
	[tilespmem:$0x14600] =	vst v63  }
0x48: {  	s12 =	simm.s32 $0x280;
	s15 =	simm.s32 $0x7800;
	s21 =	simm.s32 $0x1  }
0x49: {  	[tilespmem:s15], [sflag:$0x6] =	stream.indirect.gather [spmem:s4], $0x10, s12, s19, $0xb8;
	[tilespmem:$0x14600] =	vst v63  }
0x4a: {  	_ =	swait.ge [sflag:s21], $0x800  }
0x4b: {  	[sflag:s21] =	ssyncset.done $0x0  }
0x4c: {  	s16 =	simm.s32 $0x2800;
	[sflag:s21] =	ssyncadd.s32 $0xFFFFF800  }
0x4d: {  	[spmem:s1] =	stream.indirect.scatter.add.f32 [tilespmem:s8], [sflag:$0xB], $0x10, s16, s19, $0xb8;
	[tilespmem:$0x14600] =	vst v63  }
0x4e: {  	_ = 	snop  }
0x4f: {  	[spmem:s3] =	stream.indirect.scatter.add.f32 [tilespmem:s29], [sflag:$0x15], $0x10, s16, s19, $0xb8;
	[tilespmem:$0x14600] =	vst v63  }
0x50: {  	s17 =	simm.s32 $0x300;
	s28 =	simm.s32 $0x2;
	s18 =	simm.s32 $0x8000  }
0x51: {  	[tilespmem:s18], [sflag:$0x7] =	stream.indirect.gather [spmem:s4], $0x10, s17, s19, $0xb8;
	[tilespmem:$0x14600] =	vst v63  }
0x52: {  	_ =	swait.ge [sflag:s28], $0x800  }
0x53: {  	[sflag:s28] =	ssyncset.done $0x0  }
0x54: {  	s20 =	simm.s32 $0x2880;
	[sflag:s28] =	ssyncadd.s32 $0xFFFFF800  }
0x55: {  	[spmem:s1] =	stream.indirect.scatter.add.f32 [tilespmem:s30], [sflag:$0xC], $0x10, s20, s19, $0xb8;
	[tilespmem:$0x14600] =	vst v63  }
0x56: {  	_ = 	snop  }
0x57: {  	[spmem:s3] =	stream.indirect.scatter.add.f32 [tilespmem:s29], [sflag:$0x16], $0x10, s20, s19, $0xb8;
	[tilespmem:$0x14600] =	vst v63  }
0x58: {  	s31 =	simm.s32 $0x3;
	s23 =	simm.s32 $0x380;
	s24 =	simm.s32 $0x8800  }
0x59: {  	[tilespmem:s24], [sflag:$0x8] =	stream.indirect.gather [spmem:s4], $0x10, s23, s19, $0xb8;
	[tilespmem:$0x14600] =	vst v63  }
0x5a: {  	_ =	swait.ge [sflag:s31], $0x800  }
0x5b: {  	[sflag:s31] =	ssyncset.done $0x0  }
0x5c: {  	s2 =	simm.s32 $0x6000;
	s0 =	simm.s32 $0x2900;
	[sflag:s31] =	ssyncadd.s32 $0xFFFFF800  }
0x5d: {  	[spmem:s1] =	stream.indirect.scatter.add.f32 [tilespmem:s2], [sflag:$0xD], $0x10, s0, s19, $0xb8;
	[tilespmem:$0x14600] =	vst v63  }
0x5e: {  	_ = 	snop  }
0x5f: {  	[spmem:s3] =	stream.indirect.scatter.add.f32 [tilespmem:s29], [sflag:$0x17], $0x10, s0, s19, $0xb8;
	[tilespmem:$0x14600] =	vst v63  }
0x60: {  	s10 =	simm.s32 $0x9000;
	s2 =	simm.s32 $0x400  }
0x61: {  	[tilespmem:s10], [sflag:$0x9] =	stream.indirect.gather [spmem:s4], $0x10, s2, s19, $0xb8;
	[tilespmem:$0x14600] =	vst v63  }
0x62: {  	s10 =	simm.s32 $0x4  }
0x63: {  	_ =	swait.ge [sflag:s10], $0x800  }
0x64: {  	[sflag:s10] =	ssyncset.done $0x0  }
0x65: {  	s13 =	simm.s32 $0x6800;
	s15 =	simm.s32 $0x2980;
	[sflag:s10] =	ssyncadd.s32 $0xFFFFF800  }
0x66: {  	[spmem:s1] =	stream.indirect.scatter.add.f32 [tilespmem:s13], [sflag:$0xE], $0x10, s15, s19, $0xb8;
	[tilespmem:$0x14600] =	vst v63  }
0x67: {  	_ = 	snop  }
0x68: {  	[spmem:s3] =	stream.indirect.scatter.add.f32 [tilespmem:s29], [sflag:$0x18], $0x10, s15, s19, $0xb8;
	[tilespmem:$0x14600] =	vst v63  }
0x69: {  	s16 =	simm.s32 $0x480;
	s17 =	simm.s32 $0x9800;
	s13 =	simm.s32 $0x5  }
0x6a: {  	[tilespmem:s17], [sflag:$0xA] =	stream.indirect.gather [spmem:s4], $0x10, s16, s19, $0xb8;
	[tilespmem:$0x14600] =	vst v63  }
0x6b: {  	_ =	swait.ge [sflag:s13], $0x800  }
0x6c: {  	[sflag:s13] =	ssyncset.done $0x0  }
0x6d: {  	s14 =	simm.s32 $0x7000;
	s23 =	simm.s32 $0x2A00;
	[sflag:s13] =	ssyncadd.s32 $0xFFFFF800  }
0x6e: {  	[spmem:s1] =	stream.indirect.scatter.add.f32 [tilespmem:s14], [sflag:$0xF], $0x10, s23, s19, $0xb8;
	[tilespmem:$0x14600] =	vst v63  }
0x6f: {  	s15 =	simm.s32 $0xB  }
0x70: {  	[spmem:s3] =	stream.indirect.scatter.add.f32 [tilespmem:s29], [sflag:$0x19], $0x10, s23, s19, $0xb8;
	[tilespmem:$0x14600] =	vst v63  }
0x71: {  	_ =	swait.ge [sflag:s15], $0x800  }
0x72: {  	[sflag:s15] =	ssyncset.done $0x0  }
0x73: {  	s23 =	simm.s32 $0x15;
	[sflag:s15] =	ssyncadd.s32 $0xFFFFF800  }
0x74: {  	_ =	swait.ge [sflag:s23], $0x800  }
0x75: {  	[sflag:s23] =	ssyncset.done $0x0  }
0x76: {  	s24 =	simm.s32 $0x500;
	[sflag:s23] =	ssyncadd.s32 $0xFFFFF800  }
0x77: {  	[tilespmem:s8], [sflag:$0x1] =	stream.indirect.gather [spmem:s4], $0x10, s24, s19, $0xb8;
	[tilespmem:$0x14600] =	vst v63  }
0x78: {  	s24 =	simm.s32 $0x6  }
0x79: {  	_ =	swait.ge [sflag:s24], $0x800  }
0x7a: {  	[sflag:s24] =	ssyncset.done $0x0  }
0x7b: {  	s12 =	simm.s32 $0x7800;
	s0 =	simm.s32 $0x2A80;
	[sflag:s24] =	ssyncadd.s32 $0xFFFFF800  }
0x7c: {  	[spmem:s1] =	stream.indirect.scatter.add.f32 [tilespmem:s12], [sflag:$0x10], $0x10, s0, s19, $0xb8;
	[tilespmem:$0x14600] =	vst v63  }
0x7d: {  	s12 =	simm.s32 $0xC  }
0x7e: {  	[spmem:s3] =	stream.indirect.scatter.add.f32 [tilespmem:s29], [sflag:$0x1A], $0x10, s0, s19, $0xb8;
	[tilespmem:$0x14600] =	vst v63  }
0x7f: {  	_ =	swait.ge [sflag:s12], $0x800  }
0x80: {  	[sflag:s12] =	ssyncset.done $0x0  }
0x81: {  	s14 =	simm.s32 $0x16;
	[sflag:s12] =	ssyncadd.s32 $0xFFFFF800  }
0x82: {  	_ =	swait.ge [sflag:s14], $0x800  }
0x83: {  	[sflag:s14] =	ssyncset.done $0x0  }
0x84: {  	s0 =	simm.s32 $0x580;
	s12 =	simm.s32 $0x7;
	[sflag:s14] =	ssyncadd.s32 $0xFFFFF800  }
0x85: {  	[tilespmem:s30], [sflag:$0x2] =	stream.indirect.gather [spmem:s4], $0x10, s0, s19, $0xb8;
	[tilespmem:$0x14600] =	vst v63  }
0x86: {  	_ =	swait.ge [sflag:s12], $0x800  }
0x87: {  	[sflag:s12] =	ssyncset.done $0x0  }
0x88: {  	s6 =	simm.s32 $0x8000;
	s14 =	simm.s32 $0x2B00;
	[sflag:s12] =	ssyncadd.s32 $0xFFFFF800  }
0x89: {  	[spmem:s1] =	stream.indirect.scatter.add.f32 [tilespmem:s6], [sflag:$0x11], $0x10, s14, s19, $0xb8;
	[tilespmem:$0x14600] =	vst v63  }
0x8a: {  	_ = 	snop  }
0x8b: {  	[spmem:s3] =	stream.indirect.scatter.add.f32 [tilespmem:s29], [sflag:$0x1B], $0x10, s14, s19, $0xb8;
	[tilespmem:$0x14600] =	vst v63  }
0x8c: {  	_ =	swait.ge [sflag:s11], $0x800  }
0x8d: {  	[sflag:s11] =	ssyncset.done $0x0  }
0x8e: {  	[sflag:s11] =	ssyncadd.s32 $0xFFFFF800  }
0x8f: {  	_ =	swait.ge [sflag:s26], $0x800  }
0x90: {  	[sflag:s26] =	ssyncset.done $0x0  }
0x91: {  	s20 =	simm.s32 $0x6000;
	s0 =	simm.s32 $0x600;
	[sflag:s26] =	ssyncadd.s32 $0xFFFFF800  }
0x92: {  	[tilespmem:s20], [sflag:$0x3] =	stream.indirect.gather [spmem:s4], $0x10, s0, s19, $0xb8;
	[tilespmem:$0x14600] =	vst v63  }
0x93: {  	_ =	swait.ge [sflag:s22], $0x800  }
0x94: {  	[sflag:s22] =	ssyncset.done $0x0  }
0x95: {  	s5 =	simm.s32 $0x8800;
	s6 =	simm.s32 $0x2B80;
	[sflag:s22] =	ssyncadd.s32 $0xFFFFF800  }
0x96: {  	[spmem:s1] =	stream.indirect.scatter.add.f32 [tilespmem:s5], [sflag:$0x12], $0x10, s6, s19, $0xb8;
	[tilespmem:$0x14600] =	vst v63  }
0x97: {  	s0 =	simm.s32 $0xE  }
0x98: {  	[spmem:s3] =	stream.indirect.scatter.add.f32 [tilespmem:s29], [sflag:$0x1C], $0x10, s6, s19, $0xb8;
	[tilespmem:$0x14600] =	vst v63  }
0x99: {  	_ =	swait.ge [sflag:s0], $0x800  }
0x9a: {  	[sflag:s0] =	ssyncset.done $0x0  }
0x9b: {  	s7 =	simm.s32 $0x18;
	[sflag:s0] =	ssyncadd.s32 $0xFFFFF800  }
0x9c: {  	_ =	swait.ge [sflag:s7], $0x800  }
0x9d: {  	[sflag:s7] =	ssyncset.done $0x0  }
0x9e: {  	s18 =	simm.s32 $0x6800;
	s12 =	simm.s32 $0x680;
	[sflag:s7] =	ssyncadd.s32 $0xFFFFF800  }
0x9f: {  	[tilespmem:s18], [sflag:$0x4] =	stream.indirect.gather [spmem:s4], $0x10, s12, s19, $0xb8;
	[tilespmem:$0x14600] =	vst v63  }
0xa0: {  	s12 =	simm.s32 $0x9  }
0xa1: {  	_ =	swait.ge [sflag:s12], $0x800  }
0xa2: {  	[sflag:s12] =	ssyncset.done $0x0  }
0xa3: {  	s2 =	simm.s32 $0x9000;
	s14 =	simm.s32 $0x2C00;
	[sflag:s12] =	ssyncadd.s32 $0xFFFFF800  }
0xa4: {  	[spmem:s1] =	stream.indirect.scatter.add.f32 [tilespmem:s2], [sflag:$0x13], $0x10, s14, s19, $0xb8;
	[tilespmem:$0x14600] =	vst v63  }
0xa5: {  	s6 =	simm.s32 $0xF  }
0xa6: {  	[spmem:s3] =	stream.indirect.scatter.add.f32 [tilespmem:s29], [sflag:$0x1D], $0x10, s14, s19, $0xb8;
	[tilespmem:$0x14600] =	vst v63  }
0xa7: {  	_ =	swait.ge [sflag:s6], $0x800  }
0xa8: {  	[sflag:s6] =	ssyncset.done $0x0  }
0xa9: {  	s5 =	simm.s32 $0x19;
	[sflag:s6] =	ssyncadd.s32 $0xFFFFF800  }
0xaa: {  	_ =	swait.ge [sflag:s5], $0x800  }
0xab: {  	[sflag:s5] =	ssyncset.done $0x0  }
0xac: {  	s17 =	simm.s32 $0x7000;
	s18 =	simm.s32 $0x700;
	[sflag:s5] =	ssyncadd.s32 $0xFFFFF800  }
0xad: {  	[tilespmem:s17], [sflag:$0x5] =	stream.indirect.gather [spmem:s4], $0x10, s18, s19, $0xb8;
	[tilespmem:$0x14600] =	vst v63  }
0xae: {  	s17 =	simm.s32 $0xA  }
0xaf: {  	s14 =	simm.s32 @!p0 $0x7;
	_ =	swait.ge [sflag:s17], $0x800  }
0xb0: {  	s16 =	simm.s32 $0x9800;
	s14 =	simm.s32 @p0 $0x1;
	[sflag:s17] =	ssyncset.done $0x0  }
0xb1: {  	s20 =	simm.s32 $0x2C80;
	s14 =	smul.u32 $0x1400, s14;
	[sflag:s17] =	ssyncadd.s32 $0xFFFFF800  }
0xb2: {  	[spmem:s1] =	stream.indirect.scatter.add.f32 [tilespmem:s16], [sflag:$0x14], $0x10, s20, s19, $0xb8;
	[tilespmem:$0x14600] =	vst v63  }
0xb3: {  	s7 =	simm.s32 $0x10;
	[dreg:$0x6] =	wrdreg s14  }
0xb4: {  	[spmem:s3] =	stream.indirect.scatter.add.f32 [tilespmem:s29], [sflag:$0x1E], $0x10, s20, s19, $0xb8;
	[tilespmem:$0x14600] =	vst v63  }
0xb5: {  	_ =	swait.ge [sflag:s7], $0x800  }
0xb6: {  	[sflag:s7] =	ssyncset.done $0x0  }
0xb7: {  	s20 =	simm.s32 $0x1A;
	[sflag:s7] =	ssyncadd.s32 $0xFFFFF800  }
0xb8: {  	p1 =	sle.u32 s9, $0xF;
	_ =	swait.ge [sflag:s20], $0x800  }
0xb9: {  	s18 =	simm.s32 @!p1 $0x80;
	[sflag:s20] =	ssyncset.done $0x0  }
0xba: {  	s14 =	simm.s32 @!p1 $0x7800;
	s16 =	simm.s32 @!p1 $0x780;
	[sflag:s20] =	ssyncadd.s32 $0xFFFFF800  }
0xbb: {  	[tilespmem:s14], [sflag:$0x6] =	stream.indirect.gather @!p1 [spmem:s4], $0x10, s16, s18, $0xb8;
	[tilespmem:$0x14600] =	vst v63  }
0xbc: {  	_ =	swait.ge [sflag:s21], $0x800  }
0xbd: {  	[sflag:s21] =	ssyncset.done $0x0  }
0xbe: {  	[sflag:s21] =	ssyncadd.s32 $0xFFFFF800;
	s21 =	simm.s32 $0x2D00  }
0xbf: {  	[spmem:s1] =	stream.indirect.scatter.add.f32 [tilespmem:s8], [sflag:$0xB], $0x10, s21, s19, $0xb8;
	[tilespmem:$0x14600] =	vst v63  }
0xc0: {  	_ = 	snop  }
0xc1: {  	[spmem:s3] =	stream.indirect.scatter.add.f32 [tilespmem:s29], [sflag:$0x15], $0x10, s21, s19, $0xb8;
	[tilespmem:$0x14600] =	vst v63  }
0xc2: {  	s21 =	simm.s32 $0x11  }
0xc3: {  	_ =	swait.ge [sflag:s21], $0x800  }
0xc4: {  	[sflag:s21] =	ssyncset.done $0x0  }
0xc5: {  	[sflag:s21] =	ssyncadd.s32 $0xFFFFF800  }
0xc6: {  	p1 =	sle.u32 s9, $0x10;
	_ =	swait.ge [sflag:s25], $0x800  }
0xc7: {  	s14 =	simm.s32 @!p1 $0x8000;
	[sflag:s25] =	ssyncset.done $0x0  }
0xc8: {  	s16 =	simm.s32 @!p1 $0x800;
	s18 =	simm.s32 @!p1 $0x80;
	[sflag:s25] =	ssyncadd.s32 $0xFFFFF800  }
0xc9: {  	[tilespmem:s14], [sflag:$0x7] =	stream.indirect.gather @!p1 [spmem:s4], $0x10, s16, s18, $0xb8;
	[tilespmem:$0x14600] =	vst v63  }
0xca: {  	_ =	swait.ge [sflag:s28], $0x800  }
0xcb: {  	[sflag:s28] =	ssyncset.done $0x0  }
0xcc: {  	s2 =	simm.s32 $0x2D80;
	[sflag:s28] =	ssyncadd.s32 $0xFFFFF800  }
0xcd: {  	[spmem:s1] =	stream.indirect.scatter.add.f32 [tilespmem:s30], [sflag:$0xC], $0x10, s2, s19, $0xb8;
	[tilespmem:$0x14600] =	vst v63  }
0xce: {  	s28 =	simm.s32 $0x12  }
0xcf: {  	[spmem:s3] =	stream.indirect.scatter.add.f32 [tilespmem:s29], [sflag:$0x16], $0x10, s2, s19, $0xb8;
	[tilespmem:$0x14600] =	vst v63  }
0xd0: {  	_ =	swait.ge [sflag:s28], $0x800  }
0xd1: {  	[sflag:s28] =	ssyncset.done $0x0  }
0xd2: {  	s30 =	simm.s32 $0x1C;
	[sflag:s28] =	ssyncadd.s32 $0xFFFFF800  }
0xd3: {  	p1 =	sle.u32 s9, $0x11;
	_ =	swait.ge [sflag:s30], $0x800  }
0xd4: {  	s14 =	simm.s32 @!p1 $0x8800;
	[sflag:s30] =	ssyncset.done $0x0  }
0xd5: {  	s16 =	simm.s32 @!p1 $0x880;
	s18 =	simm.s32 @!p1 $0x80;
	[sflag:s30] =	ssyncadd.s32 $0xFFFFF800  }
0xd6: {  	[tilespmem:s14], [sflag:$0x8] =	stream.indirect.gather @!p1 [spmem:s4], $0x10, s16, s18, $0xb8;
	[tilespmem:$0x14600] =	vst v63  }
0xd7: {  	_ =	swait.ge [sflag:s31], $0x800  }
0xd8: {  	[sflag:s31] =	ssyncset.done $0x0  }
0xd9: {  	s16 =	simm.s32 $0x2E00;
	s18 =	simm.s32 $0x6000;
	[sflag:s31] =	ssyncadd.s32 $0xFFFFF800  }
0xda: {  	[spmem:s1] =	stream.indirect.scatter.add.f32 [tilespmem:s18], [sflag:$0xD], $0x10, s16, s19, $0xb8;
	[tilespmem:$0x14600] =	vst v63  }
0xdb: {  	s2 =	simm.s32 $0x13  }
0xdc: {  	[spmem:s3] =	stream.indirect.scatter.add.f32 [tilespmem:s29], [sflag:$0x17], $0x10, s16, s19, $0xb8;
	[tilespmem:$0x14600] =	vst v63  }
0xdd: {  	_ =	swait.ge [sflag:s2], $0x800  }
0xde: {  	[sflag:s2] =	ssyncset.done $0x0  }
0xdf: {  	s31 =	simm.s32 $0x1D;
	[sflag:s2] =	ssyncadd.s32 $0xFFFFF800  }
0xe0: {  	p1 =	sle.u32 s9, $0x12;
	_ =	swait.ge [sflag:s31], $0x800  }
0xe1: {  	s14 =	simm.s32 @!p1 $0x9000;
	[sflag:s31] =	ssyncset.done $0x0  }
0xe2: {  	s18 =	simm.s32 @!p1 $0x80;
	s16 =	simm.s32 @!p1 $0x900;
	[sflag:s31] =	ssyncadd.s32 $0xFFFFF800  }
0xe3: {  	[tilespmem:s14], [sflag:$0x9] =	stream.indirect.gather @!p1 [spmem:s4], $0x10, s16, s18, $0xb8;
	[tilespmem:$0x14600] =	vst v63  }
0xe4: {  	_ =	swait.ge [sflag:s10], $0x800  }
0xe5: {  	[sflag:s10] =	ssyncset.done $0x0  }
0xe6: {  	s16 =	simm.s32 $0x2E80;
	s18 =	simm.s32 $0x6800;
	[sflag:s10] =	ssyncadd.s32 $0xFFFFF800  }
0xe7: {  	[spmem:s1] =	stream.indirect.scatter.add.f32 [tilespmem:s18], [sflag:$0xE], $0x10, s16, s19, $0xb8;
	[tilespmem:$0x14600] =	vst v63  }
0xe8: {  	_ = 	snop  }
0xe9: {  	[spmem:s3] =	stream.indirect.scatter.add.f32 [tilespmem:s29], [sflag:$0x18], $0x10, s16, s19, $0xb8;
	[tilespmem:$0x14600] =	vst v63  }
0xea: {  	s16 =	simm.s32 $0x14  }
0xeb: {  	_ =	swait.ge [sflag:s16], $0x800  }
0xec: {  	[sflag:s16] =	ssyncset.done $0x0  }
0xed: {  	s10 =	simm.s32 $0x1E;
	[sflag:s16] =	ssyncadd.s32 $0xFFFFF800  }
0xee: {  	p1 =	sle.u32 s9, $0x13;
	_ =	swait.ge [sflag:s10], $0x800  }
0xef: {  	s14 =	simm.s32 @!p1 $0x9800;
	[sflag:s10] =	ssyncset.done $0x0  }
0xf0: {  	s18 =	simm.s32 @!p1 $0x80;
	s16 =	simm.s32 @!p1 $0x980;
	[sflag:s10] =	ssyncadd.s32 $0xFFFFF800  }
0xf1: {  	[tilespmem:s14], [sflag:$0xA] =	stream.indirect.gather @!p1 [spmem:s4], $0x10, s16, s18, $0xb8;
	[tilespmem:$0x14600] =	vst v63  }
0xf2: {  	_ =	swait.ge [sflag:s13], $0x800  }
0xf3: {  	[sflag:s13] =	ssyncset.done $0x0  }
0xf4: {  	s18 =	simm.s32 $0x2F00;
	s16 =	simm.s32 $0x7000;
	[sflag:s13] =	ssyncadd.s32 $0xFFFFF800  }
0xf5: {  	[spmem:s1] =	stream.indirect.scatter.add.f32 [tilespmem:s16], [sflag:$0xF], $0x10, s18, s19, $0xb8;
	[tilespmem:$0x14600] =	vst v63  }
0xf6: {  	_ = 	snop  }
0xf7: {  	[spmem:s3] =	stream.indirect.scatter.add.f32 [tilespmem:s29], [sflag:$0x19], $0x10, s18, s19, $0xb8;
	[tilespmem:$0x14600] =	vst v63  }
0xf8: {  	_ =	swait.ge [sflag:s15], $0x800  }
0xf9: {  	[sflag:s15] =	ssyncset.done $0x0  }
0xfa: {  	[sflag:s15] =	ssyncadd.s32 $0xFFFFF800  }
0xfb: {  	p1 =	sle.u32 s9, $0x14;
	_ =	swait.ge [sflag:s23], $0x800  }
0xfc: {  	s14 =	simm.s32 @!p1 $0x5000;
	[sflag:s23] =	ssyncset.done $0x0  }
0xfd: {  	s16 =	simm.s32 @!p1 $0xA00;
	s18 =	simm.s32 @!p1 $0x80;
	[sflag:s23] =	ssyncadd.s32 $0xFFFFF800  }
0xfe: {  	[tilespmem:s14], [sflag:$0x1] =	stream.indirect.gather @!p1 [spmem:s4], $0x10, s16, s18, $0xb8;
	[tilespmem:$0x14600] =	vst v63  }
0xff: {  	_ =	swait.ge [sflag:s24], $0x800  }
0x100: {  	[sflag:s24] =	ssyncset.done $0x0  }
0x101: {  	s23 =	simm.s32 $0x7800;
	s18 =	simm.s32 $0x2F80;
	[sflag:s24] =	ssyncadd.s32 $0xFFFFF800  }
0x102: {  	[spmem:s1] =	stream.indirect.scatter.add.f32 [tilespmem:s23], [sflag:$0x10], $0x10, s18, s19, $0xb8;
	[tilespmem:$0x14600] =	vst v63  }
0x103: {  	s24 =	simm.s32 $0xC  }
0x104: {  	[spmem:s3] =	stream.indirect.scatter.add.f32 [tilespmem:s29], [sflag:$0x1A], $0x10, s18, s19, $0xb8;
	[tilespmem:$0x14600] =	vst v63  }
0x105: {  	_ =	swait.ge [sflag:s24], $0x800  }
0x106: {  	[sflag:s24] =	ssyncset.done $0x0  }
0x107: {  	s14 =	simm.s32 $0x16;
	[sflag:s24] =	ssyncadd.s32 $0xFFFFF800  }
0x108: {  	p1 =	sle.u32 s9, $0x15;
	_ =	swait.ge [sflag:s14], $0x800  }
0x109: {  	s15 =	simm.s32 $0x16;
	s16 =	simm.s32 @!p1 $0xA80;
	[sflag:s14] =	ssyncset.done $0x0  }
0x10a: {  	s18 =	simm.s32 @!p1 $0x80;
	s14 =	simm.s32 @!p1 $0x5800;
	[sflag:s15] =	ssyncadd.s32 $0xFFFFF800  }
0x10b: {  	[tilespmem:s14], [sflag:$0x2] =	stream.indirect.gather @!p1 [spmem:s4], $0x10, s16, s18, $0xb8;
	[tilespmem:$0x14600] =	vst v63  }
0x10c: {  	s16 =	simm.s32 $0x7  }
0x10d: {  	_ =	swait.ge [sflag:s16], $0x800  }
0x10e: {  	[sflag:s16] =	ssyncset.done $0x0  }
0x10f: {  	s23 =	simm.s32 $0x8000;
	s18 =	simm.s32 $0x3000;
	[sflag:s16] =	ssyncadd.s32 $0xFFFFF800  }
0x110: {  	[spmem:s1] =	stream.indirect.scatter.add.f32 [tilespmem:s23], [sflag:$0x11], $0x10, s18, s19, $0xb8;
	[tilespmem:$0x14600] =	vst v63  }
0x111: {  	s11 =	simm.s32 $0xD  }
0x112: {  	[spmem:s3] =	stream.indirect.scatter.add.f32 [tilespmem:s29], [sflag:$0x1B], $0x10, s18, s19, $0xb8;
	[tilespmem:$0x14600] =	vst v63  }
0x113: {  	_ =	swait.ge [sflag:s11], $0x800  }
0x114: {  	[sflag:s11] =	ssyncset.done $0x0  }
0x115: {  	[sflag:s11] =	ssyncadd.s32 $0xFFFFF800  }
0x116: {  	p1 =	sle.u32 s9, $0x16;
	_ =	swait.ge [sflag:s26], $0x800  }
0x117: {  	s14 =	simm.s32 @!p1 $0x6000;
	[sflag:s26] =	ssyncset.done $0x0  }
0x118: {  	s16 =	simm.s32 @!p1 $0xB00;
	s18 =	simm.s32 @!p1 $0x80;
	[sflag:s26] =	ssyncadd.s32 $0xFFFFF800  }
0x119: {  	[tilespmem:s14], [sflag:$0x3] =	stream.indirect.gather @!p1 [spmem:s4], $0x10, s16, s18, $0xb8;
	[tilespmem:$0x14600] =	vst v63  }
0x11a: {  	_ =	swait.ge [sflag:s22], $0x800  }
0x11b: {  	[sflag:s22] =	ssyncset.done $0x0  }
0x11c: {  	s24 =	simm.s32 $0x3080;
	s15 =	simm.s32 $0x8800;
	[sflag:s22] =	ssyncadd.s32 $0xFFFFF800  }
0x11d: {  	[spmem:s1] =	stream.indirect.scatter.add.f32 [tilespmem:s15], [sflag:$0x12], $0x10, s24, s19, $0xb8;
	[tilespmem:$0x14600] =	vst v63  }
0x11e: {  	_ = 	snop  }
0x11f: {  	[spmem:s3] =	stream.indirect.scatter.add.f32 [tilespmem:s29], [sflag:$0x1C], $0x10, s24, s19, $0xb8;
	[tilespmem:$0x14600] =	vst v63  }
0x120: {  	_ =	swait.ge [sflag:s0], $0x800  }
0x121: {  	[sflag:s0] =	ssyncset.done $0x0  }
0x122: {  	s15 =	simm.s32 $0x18;
	[sflag:s0] =	ssyncadd.s32 $0xFFFFF800  }
0x123: {  	p1 =	sle.u32 s9, $0x17;
	_ =	swait.ge [sflag:s15], $0x800  }
0x124: {  	s14 =	simm.s32 @!p1 $0x6800;
	[sflag:s15] =	ssyncset.done $0x0  }
0x125: {  	s16 =	simm.s32 @!p1 $0xB80;
	s18 =	simm.s32 @!p1 $0x80;
	[sflag:s15] =	ssyncadd.s32 $0xFFFFF800  }
0x126: {  	[tilespmem:s14], [sflag:$0x4] =	stream.indirect.gather @!p1 [spmem:s4], $0x10, s16, s18, $0xb8;
	[tilespmem:$0x14600] =	vst v63  }
0x127: {  	_ =	swait.ge [sflag:s12], $0x800  }
0x128: {  	[sflag:s12] =	ssyncset.done $0x0  }
0x129: {  	s16 =	simm.s32 $0x3100;
	s18 =	simm.s32 $0x9000;
	[sflag:s12] =	ssyncadd.s32 $0xFFFFF800  }
0x12a: {  	[spmem:s1] =	stream.indirect.scatter.add.f32 [tilespmem:s18], [sflag:$0x13], $0x10, s16, s19, $0xb8;
	[tilespmem:$0x14600] =	vst v63  }
0x12b: {  	_ = 	snop  }
0x12c: {  	[spmem:s3] =	stream.indirect.scatter.add.f32 [tilespmem:s29], [sflag:$0x1D], $0x10, s16, s19, $0xb8;
	[tilespmem:$0x14600] =	vst v63  }
0x12d: {  	_ =	swait.ge [sflag:s6], $0x800  }
0x12e: {  	[sflag:s6] =	ssyncset.done $0x0  }
0x12f: {  	[sflag:s6] =	ssyncadd.s32 $0xFFFFF800  }
0x130: {  	p1 =	sle.u32 s9, $0x18;
	_ =	swait.ge [sflag:s5], $0x800  }
0x131: {  	s14 =	simm.s32 @!p1 $0x7000;
	[sflag:s5] =	ssyncset.done $0x0  }
0x132: {  	s18 =	simm.s32 @!p1 $0x80;
	s16 =	simm.s32 @!p1 $0xC00;
	[sflag:s5] =	ssyncadd.s32 $0xFFFFF800  }
0x133: {  	[tilespmem:s14], [sflag:$0x5] =	stream.indirect.gather @!p1 [spmem:s4], $0x10, s16, s18, $0xb8;
	[tilespmem:$0x14600] =	vst v63  }
0x134: {  	_ =	swait.ge [sflag:s17], $0x800  }
0x135: {  	s23 =	rddreg [dreg:$0x6]  }
0x136: {  	p1 =	sne.s32 s23, $0x1400  }
.Ltmp2:
0x137: {  	_ = 	snop;
	(pc) =	sbr.rel @!p1 .LBB2_7-.Ltmp2, $4  }
0x138: {  	s13 =	simm.s32 $0x14  }
0x139: {  	s24 =	simm.s32 $0x9800;
	s14 =	simm.s32 $0x3180;
	[sflag:s17] =	ssyncset.done $0x0  }
0x13a: {  	s16 =	simm.s32 $0x22;
	[sflag:s17] =	ssyncadd.s32 $0xFFFFF800;
	s23 =	simm.s32 $0x1400  }
0x13b: {  	[spmem:s1] =	stream.indirect.scatter.add.f32 [tilespmem:s24], [sflag:$0x14], $0x10, s14, s19, $0xb8;
	[tilespmem:$0x14600] =	vst v63  }
.LBB2_6:
0x13c: {  	[spmem:s3] =	stream.indirect.scatter.add.f32 [tilespmem:s29], [sflag:$0x1E], $0x10, s14, s19, $0xb8;
	[tilespmem:$0x14600] =	vst v63  }
0x13d: {  	_ =	swait.ge [sflag:s7], $0x800  }
0x13e: {  	[sflag:s7] =	ssyncset.done $0x0  }
0x13f: {  	s18 =	sadd.s32 $0xFFFFFFF7, s16;
	[sflag:s7] =	ssyncadd.s32 $0xFFFFF800  }
0x140: {  	s14 =	smov.u32 s23;
	p1 =	sge.u32 s18, s9;
	_ =	swait.ge [sflag:s20], $0x800  }
0x141: {  	s18 =	sshra.s32 @!p1 s14, $0x2;
	s24 =	simm.s32 @!p1 $0x7800;
	[sflag:s20] =	ssyncset.done $0x0  }
0x142: {  	s18 =	sadd.s32 @!p1 $0x780, s18;
	s7 =	simm.s32 @!p1 $0x80;
	[sflag:s20] =	ssyncadd.s32 $0xFFFFF800  }
0x143: {  	[tilespmem:s24], [sflag:$0x6] =	stream.indirect.gather @!p1 [spmem:s4], $0x10, s18, s7, $0xb8;
	[tilespmem:$0x14600] =	vst v63  }
0x144: {  	s24 =	simm.s32 $0x1  }
0x145: {  	_ =	swait.ge [sflag:s24], $0x800  }
0x146: {  	s18 =	sshra.s32 s14, $0x2;
	[sflag:s24] =	ssyncset.done $0x0  }
0x147: {  	[sflag:s24] =	ssyncadd.s32 $0xFFFFF800;
	s24 =	sadd.s32 $0x2D00, s18  }
0x148: {  	[spmem:s1] =	stream.indirect.scatter.add.f32 [tilespmem:s8], [sflag:$0xB], $0x10, s24, s19, $0xb8;
	[tilespmem:$0x14600] =	vst v63  }
0x149: {  	_ = 	snop  }
0x14a: {  	[spmem:s3] =	stream.indirect.scatter.add.f32 [tilespmem:s29], [sflag:$0x15], $0x10, s24, s19, $0xb8;
	[tilespmem:$0x14600] =	vst v63  }
0x14b: {  	_ =	swait.ge [sflag:s21], $0x800  }
0x14c: {  	[sflag:s21] =	ssyncset.done $0x0  }
0x14d: {  	s24 =	sadd.s32 $0xFFFFFFF8, s16;
	[sflag:s21] =	ssyncadd.s32 $0xFFFFF800  }
0x14e: {  	p1 =	sge.u32 s24, s9;
	_ =	swait.ge [sflag:s25], $0x800  }
0x14f: {  	s7 =	sshra.s32 @!p1 s14, $0x2;
	s24 =	simm.s32 @!p1 $0x8000;
	[sflag:s25] =	ssyncset.done $0x0  }
0x150: {  	s8 =	simm.s32 @!p1 $0x80;
	s7 =	sadd.s32 @!p1 $0x800, s7;
	[sflag:s25] =	ssyncadd.s32 $0xFFFFF800  }
0x151: {  	[tilespmem:s24], [sflag:$0x7] =	stream.indirect.gather @!p1 [spmem:s4], $0x10, s7, s8, $0xb8;
	[tilespmem:$0x14600] =	vst v63  }
0x152: {  	s8 =	simm.s32 $0x2  }
0x153: {  	_ =	swait.ge [sflag:s8], $0x800  }
0x154: {  	[sflag:s8] =	ssyncset.done $0x0  }
0x155: {  	s7 =	sadd.s32 $0x2D80, s18;
	s24 =	simm.s32 $0x5800;
	[sflag:s8] =	ssyncadd.s32 $0xFFFFF800  }
0x156: {  	[spmem:s1] =	stream.indirect.scatter.add.f32 [tilespmem:s24], [sflag:$0xC], $0x10, s7, s19, $0xb8;
	[tilespmem:$0x14600] =	vst v63  }
0x157: {  	_ = 	snop  }
0x158: {  	[spmem:s3] =	stream.indirect.scatter.add.f32 [tilespmem:s29], [sflag:$0x16], $0x10, s7, s19, $0xb8;
	[tilespmem:$0x14600] =	vst v63  }
0x159: {  	_ =	swait.ge [sflag:s28], $0x800  }
0x15a: {  	[sflag:s28] =	ssyncset.done $0x0  }
0x15b: {  	s24 =	sadd.s32 $0xFFFFFFF9, s16;
	[sflag:s28] =	ssyncadd.s32 $0xFFFFF800  }
0x15c: {  	p1 =	sge.u32 s24, s9;
	_ =	swait.ge [sflag:s30], $0x800  }
0x15d: {  	s7 =	sshra.s32 @!p1 s14, $0x2;
	s8 =	simm.s32 @!p1 $0x8800;
	[sflag:s30] =	ssyncset.done $0x0  }
0x15e: {  	s24 =	simm.s32 @!p1 $0x80;
	s7 =	sadd.s32 @!p1 $0x880, s7;
	[sflag:s30] =	ssyncadd.s32 $0xFFFFF800  }
0x15f: {  	[tilespmem:s8], [sflag:$0x8] =	stream.indirect.gather @!p1 [spmem:s4], $0x10, s7, s24, $0xb8;
	[tilespmem:$0x14600] =	vst v63  }
0x160: {  	s8 =	simm.s32 $0x3  }
0x161: {  	_ =	swait.ge [sflag:s8], $0x800  }
0x162: {  	[sflag:s8] =	ssyncset.done $0x0  }
0x163: {  	s7 =	sadd.s32 $0x2E00, s18;
	s24 =	simm.s32 $0x6000;
	[sflag:s8] =	ssyncadd.s32 $0xFFFFF800  }
0x164: {  	[spmem:s1] =	stream.indirect.scatter.add.f32 [tilespmem:s24], [sflag:$0xD], $0x10, s7, s19, $0xb8;
	[tilespmem:$0x14600] =	vst v63  }
0x165: {  	_ = 	snop  }
0x166: {  	[spmem:s3] =	stream.indirect.scatter.add.f32 [tilespmem:s29], [sflag:$0x17], $0x10, s7, s19, $0xb8;
	[tilespmem:$0x14600] =	vst v63  }
0x167: {  	_ =	swait.ge [sflag:s2], $0x800  }
0x168: {  	[sflag:s2] =	ssyncset.done $0x0  }
0x169: {  	s24 =	sadd.s32 $0xFFFFFFFA, s16;
	[sflag:s2] =	ssyncadd.s32 $0xFFFFF800  }
0x16a: {  	p1 =	sge.u32 s24, s9;
	_ =	swait.ge [sflag:s31], $0x800  }
0x16b: {  	s7 =	sshra.s32 @!p1 s14, $0x2;
	s8 =	simm.s32 @!p1 $0x9000;
	[sflag:s31] =	ssyncset.done $0x0  }
0x16c: {  	s24 =	simm.s32 @!p1 $0x80;
	s7 =	sadd.s32 @!p1 $0x900, s7;
	[sflag:s31] =	ssyncadd.s32 $0xFFFFF800  }
0x16d: {  	[tilespmem:s8], [sflag:$0x9] =	stream.indirect.gather @!p1 [spmem:s4], $0x10, s7, s24, $0xb8;
	[tilespmem:$0x14600] =	vst v63  }
0x16e: {  	s8 =	simm.s32 $0x4  }
0x16f: {  	_ =	swait.ge [sflag:s8], $0x800  }
0x170: {  	[sflag:s8] =	ssyncset.done $0x0  }
0x171: {  	s7 =	sadd.s32 $0x2E80, s18;
	s24 =	simm.s32 $0x6800;
	[sflag:s8] =	ssyncadd.s32 $0xFFFFF800  }
0x172: {  	[spmem:s1] =	stream.indirect.scatter.add.f32 [tilespmem:s24], [sflag:$0xE], $0x10, s7, s19, $0xb8;
	[tilespmem:$0x14600] =	vst v63  }
0x173: {  	_ = 	snop  }
0x174: {  	[spmem:s3] =	stream.indirect.scatter.add.f32 [tilespmem:s29], [sflag:$0x18], $0x10, s7, s19, $0xb8;
	[tilespmem:$0x14600] =	vst v63  }
0x175: {  	_ =	swait.ge [sflag:s13], $0x800  }
0x176: {  	[sflag:s13] =	ssyncset.done $0x0  }
0x177: {  	s24 =	sadd.s32 $0xFFFFFFFB, s16;
	[sflag:s13] =	ssyncadd.s32 $0xFFFFF800  }
0x178: {  	p1 =	sge.u32 s24, s9;
	_ =	swait.ge [sflag:s10], $0x800  }
0x179: {  	s7 =	sshra.s32 @!p1 s14, $0x2;
	s8 =	simm.s32 @!p1 $0x9800;
	[sflag:s10] =	ssyncset.done $0x0  }
0x17a: {  	s24 =	simm.s32 @!p1 $0x80;
	s7 =	sadd.s32 @!p1 $0x980, s7;
	[sflag:s10] =	ssyncadd.s32 $0xFFFFF800  }
0x17b: {  	[tilespmem:s8], [sflag:$0xA] =	stream.indirect.gather @!p1 [spmem:s4], $0x10, s7, s24, $0xb8;
	[tilespmem:$0x14600] =	vst v63  }
0x17c: {  	s8 =	simm.s32 $0x5  }
0x17d: {  	_ =	swait.ge [sflag:s8], $0x800  }
0x17e: {  	[sflag:s8] =	ssyncset.done $0x0  }
0x17f: {  	s7 =	sadd.s32 $0x2F00, s18;
	s24 =	simm.s32 $0x7000;
	[sflag:s8] =	ssyncadd.s32 $0xFFFFF800  }
0x180: {  	[spmem:s1] =	stream.indirect.scatter.add.f32 [tilespmem:s24], [sflag:$0xF], $0x10, s7, s19, $0xb8;
	[tilespmem:$0x14600] =	vst v63  }
0x181: {  	s24 =	simm.s32 $0xB  }
0x182: {  	[spmem:s3] =	stream.indirect.scatter.add.f32 [tilespmem:s29], [sflag:$0x19], $0x10, s7, s19, $0xb8;
	[tilespmem:$0x14600] =	vst v63  }
0x183: {  	_ =	swait.ge [sflag:s24], $0x800  }
0x184: {  	[sflag:s24] =	ssyncset.done $0x0  }
0x185: {  	s8 =	sadd.s32 $0xFFFFFFFC, s16;
	[sflag:s24] =	ssyncadd.s32 $0xFFFFF800;
	s24 =	simm.s32 $0x15  }
0x186: {  	p1 =	sge.u32 s8, s9;
	_ =	swait.ge [sflag:s24], $0x800  }
0x187: {  	s8 =	simm.s32 @!p1 $0x5000;
	s7 =	sshra.s32 @!p1 s14, $0x2;
	[sflag:s24] =	ssyncset.done $0x0  }
0x188: {  	s7 =	sadd.s32 @!p1 $0xA00, s7;
	[sflag:s24] =	ssyncadd.s32 $0xFFFFF800;
	s24 =	simm.s32 @!p1 $0x80  }
0x189: {  	[tilespmem:s8], [sflag:$0x1] =	stream.indirect.gather @!p1 [spmem:s4], $0x10, s7, s24, $0xb8;
	[tilespmem:$0x14600] =	vst v63  }
0x18a: {  	s8 =	simm.s32 $0x6  }
0x18b: {  	_ =	swait.ge [sflag:s8], $0x800  }
0x18c: {  	[sflag:s8] =	ssyncset.done $0x0  }
0x18d: {  	s7 =	sadd.s32 $0x2F80, s18;
	s24 =	simm.s32 $0x7800;
	[sflag:s8] =	ssyncadd.s32 $0xFFFFF800  }
0x18e: {  	[spmem:s1] =	stream.indirect.scatter.add.f32 [tilespmem:s24], [sflag:$0x10], $0x10, s7, s19, $0xb8;
	[tilespmem:$0x14600] =	vst v63  }
0x18f: {  	s24 =	simm.s32 $0xC  }
0x190: {  	[spmem:s3] =	stream.indirect.scatter.add.f32 [tilespmem:s29], [sflag:$0x1A], $0x10, s7, s19, $0xb8;
	[tilespmem:$0x14600] =	vst v63  }
0x191: {  	_ =	swait.ge [sflag:s24], $0x800  }
0x192: {  	[sflag:s24] =	ssyncset.done $0x0  }
0x193: {  	s8 =	sadd.s32 $0xFFFFFFFD, s16;
	[sflag:s24] =	ssyncadd.s32 $0xFFFFF800;
	s24 =	simm.s32 $0x16  }
0x194: {  	p1 =	sge.u32 s8, s9;
	_ =	swait.ge [sflag:s24], $0x800  }
0x195: {  	s8 =	simm.s32 @!p1 $0x5800;
	s7 =	sshra.s32 @!p1 s14, $0x2;
	[sflag:s24] =	ssyncset.done $0x0  }
0x196: {  	s7 =	sadd.s32 @!p1 $0xA80, s7;
	[sflag:s24] =	ssyncadd.s32 $0xFFFFF800;
	s24 =	simm.s32 @!p1 $0x80  }
0x197: {  	[tilespmem:s8], [sflag:$0x2] =	stream.indirect.gather @!p1 [spmem:s4], $0x10, s7, s24, $0xb8;
	[tilespmem:$0x14600] =	vst v63  }
0x198: {  	s8 =	simm.s32 $0x7  }
0x199: {  	_ =	swait.ge [sflag:s8], $0x800  }
0x19a: {  	[sflag:s8] =	ssyncset.done $0x0  }
0x19b: {  	s7 =	sadd.s32 $0x3000, s18;
	s24 =	simm.s32 $0x8000;
	[sflag:s8] =	ssyncadd.s32 $0xFFFFF800  }
0x19c: {  	[spmem:s1] =	stream.indirect.scatter.add.f32 [tilespmem:s24], [sflag:$0x11], $0x10, s7, s19, $0xb8;
	[tilespmem:$0x14600] =	vst v63  }
0x19d: {  	_ = 	snop  }
0x19e: {  	[spmem:s3] =	stream.indirect.scatter.add.f32 [tilespmem:s29], [sflag:$0x1B], $0x10, s7, s19, $0xb8;
	[tilespmem:$0x14600] =	vst v63  }
0x19f: {  	_ =	swait.ge [sflag:s11], $0x800  }
0x1a0: {  	[sflag:s11] =	ssyncset.done $0x0  }
0x1a1: {  	s8 =	sadd.s32 $0xFFFFFFFE, s16;
	[sflag:s11] =	ssyncadd.s32 $0xFFFFF800  }
0x1a2: {  	p1 =	sge.u32 s8, s9;
	_ =	swait.ge [sflag:s26], $0x800  }
0x1a3: {  	s8 =	simm.s32 @!p1 $0x6000;
	s7 =	sshra.s32 @!p1 s14, $0x2;
	[sflag:s26] =	ssyncset.done $0x0  }
0x1a4: {  	s24 =	simm.s32 @!p1 $0x80;
	s7 =	sadd.s32 @!p1 $0xB00, s7;
	[sflag:s26] =	ssyncadd.s32 $0xFFFFF800  }
0x1a5: {  	[tilespmem:s8], [sflag:$0x3] =	stream.indirect.gather @!p1 [spmem:s4], $0x10, s7, s24, $0xb8;
	[tilespmem:$0x14600] =	vst v63  }
0x1a6: {  	_ =	swait.ge [sflag:s22], $0x800  }
0x1a7: {  	[sflag:s22] =	ssyncset.done $0x0  }
0x1a8: {  	s7 =	sadd.s32 $0x3080, s18;
	s24 =	simm.s32 $0x8800;
	[sflag:s22] =	ssyncadd.s32 $0xFFFFF800  }
0x1a9: {  	[spmem:s1] =	stream.indirect.scatter.add.f32 [tilespmem:s24], [sflag:$0x12], $0x10, s7, s19, $0xb8;
	[tilespmem:$0x14600] =	vst v63  }
0x1aa: {  	_ = 	snop  }
0x1ab: {  	[spmem:s3] =	stream.indirect.scatter.add.f32 [tilespmem:s29], [sflag:$0x1C], $0x10, s7, s19, $0xb8;
	[tilespmem:$0x14600] =	vst v63  }
0x1ac: {  	_ =	swait.ge [sflag:s0], $0x800  }
0x1ad: {  	[sflag:s0] =	ssyncset.done $0x0  }
0x1ae: {  	s8 =	sadd.s32 $0xFFFFFFFF, s16;
	[sflag:s0] =	ssyncadd.s32 $0xFFFFF800  }
0x1af: {  	p1 =	sge.u32 s8, s9;
	_ =	swait.ge [sflag:s15], $0x800  }
0x1b0: {  	s8 =	simm.s32 @!p1 $0x6800;
	s7 =	sshra.s32 @!p1 s14, $0x2;
	[sflag:s15] =	ssyncset.done $0x0  }
0x1b1: {  	s24 =	simm.s32 @!p1 $0x80;
	s7 =	sadd.s32 @!p1 $0xB80, s7;
	[sflag:s15] =	ssyncadd.s32 $0xFFFFF800  }
0x1b2: {  	[tilespmem:s8], [sflag:$0x4] =	stream.indirect.gather @!p1 [spmem:s4], $0x10, s7, s24, $0xb8;
	[tilespmem:$0x14600] =	vst v63  }
0x1b3: {  	_ =	swait.ge [sflag:s12], $0x800  }
0x1b4: {  	[sflag:s12] =	ssyncset.done $0x0  }
0x1b5: {  	s7 =	sadd.s32 $0x3100, s18;
	s24 =	simm.s32 $0x9000;
	[sflag:s12] =	ssyncadd.s32 $0xFFFFF800  }
0x1b6: {  	[spmem:s1] =	stream.indirect.scatter.add.f32 [tilespmem:s24], [sflag:$0x13], $0x10, s7, s19, $0xb8;
	[tilespmem:$0x14600] =	vst v63  }
0x1b7: {  	_ = 	snop  }
0x1b8: {  	[spmem:s3] =	stream.indirect.scatter.add.f32 [tilespmem:s29], [sflag:$0x1D], $0x10, s7, s19, $0xb8;
	[tilespmem:$0x14600] =	vst v63  }
0x1b9: {  	_ =	swait.ge [sflag:s6], $0x800  }
0x1ba: {  	[sflag:s6] =	ssyncset.done $0x0  }
0x1bb: {  	[sflag:s6] =	ssyncadd.s32 $0xFFFFF800  }
0x1bc: {  	p1 =	sge.u32 s16, s9;
	_ =	swait.ge [sflag:s5], $0x800  }
0x1bd: {  	s8 =	simm.s32 @!p1 $0x7000;
	s7 =	sshra.s32 @!p1 s14, $0x2;
	[sflag:s5] =	ssyncset.done $0x0  }
0x1be: {  	s14 =	simm.s32 @!p1 $0x80;
	s7 =	sadd.s32 @!p1 $0xC00, s7;
	[sflag:s5] =	ssyncadd.s32 $0xFFFFF800  }
0x1bf: {  	[tilespmem:s8], [sflag:$0x5] =	stream.indirect.gather @!p1 [spmem:s4], $0x10, s7, s14, $0xb8;
	[tilespmem:$0x14600] =	vst v63  }
0x1c0: {  	_ =	swait.ge [sflag:s17], $0x800  }
0x1c1: {  	s23 =	sadd.s32 $0x1400, s23;
	s7 =	rddreg [dreg:$0x6]  }
0x1c2: {  	p1 =	sne.s32 s7, s23  }
.Ltmp3:
0x1c3: {  	_ = 	snop;
	(pc) =	sbr.rel @p1 .LBB2_6-.Ltmp3, $4  }
0x1c4: {  	s16 =	sadd.s32 $0xA, s16  }
0x1c5: {  	s24 =	simm.s32 $0x9800;
	s8 =	simm.s32 $0x5000;
	[sflag:s17] =	ssyncset.done $0x0  }
0x1c6: {  	s14 =	sadd.s32 $0x3180, s18;
	[sflag:s17] =	ssyncadd.s32 $0xFFFFF800;
	s7 =	simm.s32 $0x10  }
0x1c7: {  	[spmem:s1] =	stream.indirect.scatter.add.f32 [tilespmem:s24], [sflag:$0x14], $0x10, s14, s19, $0xb8;
	[tilespmem:$0x14600] =	vst v63  }
.LBB2_7:
0x1c8: {  	[spmem:s3] =	stream.indirect.scatter.add.f32 [tilespmem:s29], [sflag:$0x1E], $0x10, s14, s19, $0xb8;
	[tilespmem:$0x14600] =	vst v63  }
0x1c9: {  	_ =	swait.ge [sflag:s7], $0x800  }
0x1ca: {  	[sflag:s7] =	ssyncset.done $0x0  }
0x1cb: {  	[sflag:s7] =	ssyncadd.s32 $0xFFFFF800  }
0x1cc: {  	_ =	swait.ge [sflag:s20], $0x800  }
0x1cd: {  	[sflag:s20] =	ssyncset.done $0x0  }
0x1ce: {  	[sflag:s20] =	ssyncadd.s32 $0xFFFFF800  }
0x1cf: {  	_ =	swait.ge [sflag:s21], $0x800  }
0x1d0: {  	[sflag:s21] =	ssyncset.done $0x0  }
0x1d1: {  	[sflag:s21] =	ssyncadd.s32 $0xFFFFF800  }
0x1d2: {  	_ =	swait.ge [sflag:s25], $0x800  }
0x1d3: {  	[sflag:s25] =	ssyncset.done $0x0  }
0x1d4: {  	[sflag:s25] =	ssyncadd.s32 $0xFFFFF800  }
0x1d5: {  	_ =	swait.ge [sflag:s28], $0x800  }
0x1d6: {  	[sflag:s28] =	ssyncset.done $0x0  }
0x1d7: {  	[sflag:s28] =	ssyncadd.s32 $0xFFFFF800  }
0x1d8: {  	_ =	swait.ge [sflag:s30], $0x800  }
0x1d9: {  	[sflag:s30] =	ssyncset.done $0x0  }
0x1da: {  	[sflag:s30] =	ssyncadd.s32 $0xFFFFF800  }
0x1db: {  	_ =	swait.ge [sflag:s2], $0x800  }
0x1dc: {  	[sflag:s2] =	ssyncset.done $0x0  }
0x1dd: {  	[sflag:s2] =	ssyncadd.s32 $0xFFFFF800  }
0x1de: {  	_ =	swait.ge [sflag:s31], $0x800  }
0x1df: {  	[sflag:s31] =	ssyncset.done $0x0  }
0x1e0: {  	[sflag:s31] =	ssyncadd.s32 $0xFFFFF800  }
0x1e1: {  	_ =	swait.ge [sflag:s13], $0x800  }
0x1e2: {  	[sflag:s13] =	ssyncset.done $0x0  }
0x1e3: {  	[sflag:s13] =	ssyncadd.s32 $0xFFFFF800  }
0x1e4: {  	_ =	swait.ge [sflag:s10], $0x800  }
0x1e5: {  	[sflag:s10] =	ssyncset.done $0x0  }
0x1e6: {  	[sflag:s10] =	ssyncadd.s32 $0xFFFFF800  }
0x1e7: {  	[bflag:$0x0] =	sbarrier.arrive $0xFFFF  }
0x1e8: {  	s18 =	rddreg [dreg:$0x9]  }
0x1e9: {  	s8 =	rddreg [dreg:$0x11]  }
0x1ea: {  	s24 =	simm.s32 $0x1F;
	s0 =	rddreg [dreg:$0x13];
	s20 =	sshrl.u32 s18, $0x3  }
0x1eb: {  	[hbm:s8], [sflag:s0] =	dma.local [spmem:s20], $0x4F0  }
0x1ec: {  	_ =	swait.ge [sflag:s24], $0x4F0  }
0x1ed: {  	[sflag:s24] =	ssyncset.done $0x0;
	s23 =	rddreg [dreg:$0xa]  }
0x1ee: {  	s28 =	rddreg [dreg:$0x12];
	[sflag:s24] =	ssyncadd.s32 $0xFFFFFB10;
	s21 =	sshrl.u32 s23, $0x3  }
0x1ef: {  	[hbm:s28], [sflag:s0] =	dma.local [spmem:s21], $0x4F0  }
0x1f0: {  	_ =	swait.ge [sflag:s24], $0x4F0  }
0x1f1: {  	s30 =	rddreg [dreg:$0x7]  }
0x1f2: {  	s31 =	rddreg [dreg:$0xf];
	s14 =	sadd.s32 $0x1, s30  }
0x1f3: {  	p1 =	sne.s32 s14, s31  }
.Ltmp4:
0x1f4: {  	_ = 	snop;
	(pc) =	sbr.rel @p1 .LBB2_1-.Ltmp4, $3  }
0x1f5: {  	_ =	sdelay $0x1  }
0x1f6: {  	[sflag:s24] =	ssyncset.done $0x0  }
0x1f7: {  	s11 =	simm.s32 $0xD;
	[sflag:s24] =	ssyncadd.s32 $0xFFFFFB10  }
0x1f8: {  	_ =	sfence.sel $0x180000  }
0x1f9: {  	[bflag:$0x0] =	sbarrier.arrive $0xFFFF  }
0x1fa: {  	_ =	strace $0x90000047  }
0x1fb: {  	s0 =	stileid.u32;
	[bflag:$0x2] =	sbarrier.arrive $0xFFFF  }
0x1fc: {  	p0 =	sne.s32 s0, $0x0;
	s0 =	rddreg [dreg:$0x5]  }
0x1fd: {  	s0 =	sadd.s32 @!p0 $0x100000, s0  }
0x1fe: {  	[sflag:s0] =	ssyncadd.tile.s32 @!p0 $0x1;
	_ =	shalt  }
.Lfunc_end2:
_tile_overlayer_lowered:
.L_overlay_start_2:
0x1ff: {  	(tag) =	ssettag $0x2  }
0x200: {  	s0 =	rddreg [dreg:$0x0];
	s2 =	stileid.u32  }
0x201: {  	s1 =	rddreg [dreg:$0x1];
	p0 =	sne.s32 s2, $0x0  }
0x202: {  	s3 =	rddreg [dreg:$0x2];
	[bflag:$0x3] =	sbarrier.arrive $0xFFFF;
	s2 =	simm.s32 @!p0 $0x1C1F  }
0x203: {  	[timem:s3], [sflag:s2] =	dma.local @!p0 [hbm:s0], s1  }
0x204: {  	s0 =	simm.s32 @!p0 $0x1F  }
0x205: {  	_ =	swait.ge @!p0 [sflag:s0], s1  }
0x206: {  	s1 =	ssub.s32 @!p0 $0x0, s1;
	[sflag:s0] =	ssyncset.done @!p0 $0x0  }
0x207: {  	[sflag:s0] =	ssyncadd.s32 @!p0 s1  }
0x208: {  	[bflag:$0x3] =	sbarrier.arrive $0xFFFF  }
0x209: {  	_ =	shalt  }

</sc_bundles>
